<compile_context>
chip_gen: v7x
topology: tpu7x:2x2x1
jax: 0.10.2.dev20260603
libtpu: 0.0.44.dev20260713+nightly
codegen_flags: <defaults>
</compile_context>

<pallas_src>
import functools

import jax
import jax.numpy as jnp
from jax import lax
from jax.experimental import pallas as pl
from jax.experimental.pallas import tpu as pltpu
from jax.experimental.pallas import tpu_sc as plsc

_NC = 2
_NS = 16
_LANES = 16
_CHUNK = 32


@functools.lru_cache(maxsize=None)
def _sc_masked_rev_copy(b, l, d, num_k):
    n_workers = _NC * _NS
    tiles_per_batch = n_workers // b
    rows_per_tile = l // tiles_per_batch
    n_chunks = rows_per_tile // _CHUNK
    vecs_per_row = d // _LANES
    mesh = plsc.VectorSubcoreMesh(
        core_axis_name="c", subcore_axis_name="s",
        num_cores=_NC, num_subcores=_NS)

    n_buf = 4

    def body(x2d, tkf, out2d, *scratch):
        tkv, mask_ref = scratch[0], scratch[1]
        gidxs = scratch[2:2 + n_buf]
        bufs = scratch[2 + n_buf:2 + 2 * n_buf]
        gsems = scratch[2 + 2 * n_buf:2 + 3 * n_buf]
        wsems = scratch[2 + 3 * n_buf:2 + 4 * n_buf]
        wid = lax.axis_index("s") * _NC + lax.axis_index("c")
        batch = wid // tiles_per_batch
        r0 = (wid % tiles_per_batch) * rows_per_tile

        iota16 = lax.iota(jnp.int32, _LANES)

        def issue_gather(c):
            p = c % n_buf
            top = batch * l + (l - 1) - r0 - c * _CHUNK
            gidx = gidxs[p]
            for g in range(_CHUNK // _LANES):
                gidx[pl.ds(g * _LANES, _LANES)] = top - g * _LANES - iota16
            return pltpu.async_copy(x2d.at[gidx], bufs[p], gsems[p])

        gdesc = [issue_gather(c) for c in range(n_buf - 1)] + [None]

        pltpu.sync_copy(tkf.at[pl.ds(batch * num_k, num_k)], tkv)

        for i in range(rows_per_tile // _LANES):
            mask_ref[pl.ds(i * _LANES, _LANES)] = jnp.zeros(
                (_LANES,), jnp.float32)

        def scan_topk(c, _):
            t16 = tkv[pl.ds(c * _LANES, _LANES)]
            rel = t16 - r0
            sel = (rel >= 0) & (rel < rows_per_tile)
            pos = jnp.clip(rel, 0, rows_per_tile - 1)
            plsc.store_scatter(mask_ref, [pos],
                               jnp.ones((_LANES,), jnp.float32), mask=sel)
            return 0

        lax.fori_loop(0, num_k // _LANES, scan_topk, 0)

        zeros16 = jnp.zeros((_LANES,), jnp.float32)

        def zero_unselected(c, buf):
            def zero_row(j, _):
                m = mask_ref[pl.ds(c * _CHUNK + j, _LANES)][0]

                @pl.when(m == 0.0)
                def _():
                    for g in range(vecs_per_row):
                        buf[j, pl.ds(g * _LANES, _LANES)] = zeros16

                return 0

            lax.fori_loop(0, _CHUNK, zero_row, 0)

        wdesc = {}
        waited = set()
        for c in range(n_chunks):
            p = c % n_buf
            gdesc[p].wait()
            zero_unselected(c, bufs[p])
            base = batch * l + r0 + c * _CHUNK
            wdesc[c] = pltpu.async_copy(bufs[p], out2d.at[pl.ds(base, _CHUNK)],
                                        wsems[p])
            nc = c + n_buf - 1
            if nc < n_chunks:
                prev_w = nc - n_buf
                if prev_w >= 0:
                    wdesc[prev_w].wait()
                    waited.add(prev_w)
                gdesc[nc % n_buf] = issue_gather(nc)
        for c in range(n_chunks):
            if c not in waited:
                wdesc[c].wait()

    return pl.kernel(
        body,
        out_type=jax.ShapeDtypeStruct((b * l, d), jnp.float32),
        mesh=mesh,
        compiler_params=pltpu.CompilerParams(needs_layout_passes=False),
        scratch_types=(
            [pltpu.VMEM((num_k,), jnp.int32),
             pltpu.VMEM((rows_per_tile + _LANES,), jnp.float32)]
            + [pltpu.VMEM((_CHUNK,), jnp.int32) for _ in range(4)]
            + [pltpu.VMEM((_CHUNK, d), jnp.float32) for _ in range(4)]
            + [pltpu.SemaphoreType.DMA for _ in range(8)]
        ),
    )


def kernel(x, select_x_mask, router_k, topk_index, Wq, Wk, Wv):
    b, l, d = x.shape
    num_k = topk_index.shape[1]
    x2d = x.reshape(b * l, d)
    tkf = topk_index.astype(jnp.int32).reshape(b * num_k)
    out2d = _sc_masked_rev_copy(b, l, d, num_k)(x2d, tkf)
    return out2d.reshape(b, l, d)

# --- scband reference (transcript-rebuilt; emitter-appended) ---
"""Pipeline reference for scband-attention-21809843929849 (READ-ONLY COPY).

The authoritative reference and input builder live on the scoring server;
editing this copy changes nothing except your own understanding.
"""

import jax, jax.numpy as jnp
import numpy as np

B, L, D = 4, 2048, 768
INNER = 2048  # hidden_dim, must equal L for the mask broadcast to be valid
K = 2048      # router_k = int(capacity * L) with capacity = 1.0


def setup_inputs(seed: int = 0) -> dict:
    key = jax.random.key(seed)
    k1, k2, k3, k4, k5 = jax.random.split(key, 5)
    x = jax.random.normal(k1, (B, L, D), dtype=jnp.float32)
    select_x_mask = jnp.ones((B, L, D), dtype=bool)
    topk_index = jnp.sort(jax.random.randint(k2, (B, K), 0, L, dtype=jnp.int64), axis=-1)
    Wq = jax.random.normal(k3, (INNER, D), dtype=jnp.float32) * 0.02
    Wk = jax.random.normal(k4, (INNER, D), dtype=jnp.float32) * 0.02
    Wv = jax.random.normal(k5, (INNER, D), dtype=jnp.float32) * 0.02
    return {"x": x, "select_x_mask": select_x_mask, "router_k": K,
            "topk_index": topk_index, "Wq": Wq, "Wk": Wk, "Wv": Wv}


def reference(x, select_x_mask, router_k, topk_index, Wq, Wk, Wv):
    b, l, d = x.shape
    inner_dim = Wq.shape[0]
    scale = 1.0 / jnp.sqrt(jnp.asarray(inner_dim, dtype=jnp.float32))
    rk = select_x_mask.shape[1]
    # torch.masked_select(x, mask).view(b, router_k, d)
    select_x = jnp.where(select_x_mask, x, jnp.zeros_like(x)).reshape(b, rk, d)
    # weight matrices broadcast to [b, inner_dim, dim] then masked with the same mask
    qw = jnp.where(select_x_mask, jnp.broadcast_to(Wq[None, :, :], (b, inner_dim, d)), 0.0).reshape(b, rk, d)
    kw = jnp.where(select_x_mask, jnp.broadcast_to(Wk[None, :, :], (b, inner_dim, d)), 0.0).reshape(b, rk, d)
    vw = jnp.where(select_x_mask, jnp.broadcast_to(Wv[None, :, :], (b, inner_dim, d)), 0.0).reshape(b, rk, d)
    q = select_x * qw
    k = select_x * kw
    v = select_x * vw
    score = jnp.einsum('bid,bjd->bij', q, k) * scale
    attention_weight = jax.nn.softmax(score, axis=-1)
    s_output = jnp.einsum('bij,bjd->bid', attention_weight, v)
    output = jnp.zeros((b, l, d), dtype=x.dtype)
    bi = jnp.arange(b)[:, None]
    # first write (overwritten below, kept for faithfulness)
    output = output.at[bi, topk_index].set(s_output)
    # torch: output[i, topk_index[i]] = x[i, ~topk_index[i]]; ~n == -n-1 negative index == l-1-n
    gathered = x[bi, router_k - 1 - topk_index]
    output = output.at[bi, topk_index].set(gathered)
    return output

if __name__ == "__main__":
    import jax
    _d = setup_inputs()
    print(jax.jit(kernel)(*tuple(_d.values())))

</pallas_src>

<mosaic_0001>
#map = affine_map<(d0, d1) -> (0, 0)>
#map1 = affine_map<(d0, d1) -> (0)>
module attributes {stable_mosaic.version = 14 : i64} {
  func.func @body(%arg0: i32, %arg1: i32, %arg2: memref<8192x768xf32, #tpu.memory_space<hbm>>, %arg3: memref<8192xi32, #tpu.memory_space<hbm>>, %arg4: memref<8192x768xf32, #tpu.memory_space<hbm>>, %arg5: memref<2048xi32, #tpu.memory_space<vmem>>, %arg6: memref<272xf32, #tpu.memory_space<vmem>>, %arg7: memref<32xi32, #tpu.memory_space<vmem>>, %arg8: memref<32xi32, #tpu.memory_space<vmem>>, %arg9: memref<32xi32, #tpu.memory_space<vmem>>, %arg10: memref<32xi32, #tpu.memory_space<vmem>>, %arg11: memref<32x768xf32, #tpu.memory_space<vmem>>, %arg12: memref<32x768xf32, #tpu.memory_space<vmem>>, %arg13: memref<32x768xf32, #tpu.memory_space<vmem>>, %arg14: memref<32x768xf32, #tpu.memory_space<vmem>>, %arg15: memref<!tpu.dma_semaphore, #tpu.memory_space<semaphore_mem>>, %arg16: memref<!tpu.dma_semaphore, #tpu.memory_space<semaphore_mem>>, %arg17: memref<!tpu.dma_semaphore, #tpu.memory_space<semaphore_mem>>, %arg18: memref<!tpu.dma_semaphore, #tpu.memory_space<semaphore_mem>>, %arg19: memref<!tpu.dma_semaphore, #tpu.memory_space<semaphore_mem>>, %arg20: memref<!tpu.dma_semaphore, #tpu.memory_space<semaphore_mem>>, %arg21: memref<!tpu.dma_semaphore, #tpu.memory_space<semaphore_mem>>, %arg22: memref<!tpu.dma_semaphore, #tpu.memory_space<semaphore_mem>>) attributes {dimension_semantics = [#tpu.dimension_semantics<core_parallel>, #tpu.dimension_semantics<subcore_parallel>], iteration_bounds = array<i64: 2, 16>, scalar_prefetch = 0 : i64, scratch_operands = 18 : i64, tpu.core_type = #tpu.core_type<sc_vector_subcore>, window_params = [{transform_indices = #map}, {transform_indices = #map1}, {transform_indices = #map}]} {
    %mul3A = arith.constant 2 : i32
    %mul3A_0 = arith.muli %arg1, %mul3A : i32
    %add3A = arith.addi %mul3A_0, %arg0 : i32
    %jit3A = arith.constant 8 : i32
    %div3A = arith.divsi %add3A, %jit3A : i32
    %sign3A = arith.constant 0 : i32
    %sign3A_1 = arith.cmpi sgt, %add3A, %sign3A : i32
    %sign3A_2 = arith.extui %sign3A_1 : i1 to i32
    %sign3A_3 = arith.constant 0 : i32
    %sign3A_4 = arith.cmpi slt, %add3A, %sign3A_3 : i32
    %sign3A_5 = arith.extui %sign3A_4 : i1 to i32
    %sign3A_6 = arith.subi %sign3A_2, %sign3A_5 : i32
    %sign3A_7 = arith.constant 0 : i32
    %sign3A_8 = arith.cmpi sgt, %jit3A, %sign3A_7 : i32
    %sign3A_9 = arith.extui %sign3A_8 : i1 to i32
    %sign3A_10 = arith.constant 0 : i32
    %sign3A_11 = arith.cmpi slt, %jit3A, %sign3A_10 : i32
    %sign3A_12 = arith.extui %sign3A_11 : i1 to i32
    %sign3A_13 = arith.subi %sign3A_9, %sign3A_12 : i32
    %ne3A = arith.cmpi ne, %sign3A_6, %sign3A_13 : i32
    %rem3A = arith.remsi %add3A, %jit3A : i32
    %ne3A_14 = arith.constant 0 : i32
    %ne3A_15 = arith.cmpi ne, %rem3A, %ne3A_14 : i32
    %and3A = arith.andi %ne3A, %ne3A_15 : i1
    %sub3A = arith.constant 1 : i32
    %sub3A_16 = arith.subi %div3A, %sub3A : i32
    %select_n3A = arith.select %and3A, %sub3A_16, %div3A : i32
    %jit3A_17 = arith.constant 8 : i32
    %eq3A = arith.constant 0 : i32
    %eq3A_18 = arith.cmpi eq, %jit3A_17, %eq3A : i32
    %jit3A_19 = arith.constant 1 : i32
    %select_n3A_20 = arith.select %eq3A_18, %jit3A_19, %jit3A_17 : i32
    %rem3A_21 = arith.remsi %add3A, %select_n3A_20 : i32
    %ne3A_22 = arith.constant 0 : i32
    %ne3A_23 = arith.cmpi ne, %rem3A_21, %ne3A_22 : i32
    %lt3A = arith.constant 0 : i32
    %lt3A_24 = arith.cmpi slt, %rem3A_21, %lt3A : i32
    %lt3A_25 = arith.constant 0 : i32
    %lt3A_26 = arith.cmpi slt, %select_n3A_20, %lt3A_25 : i32
    %ne3A_27 = arith.xori %lt3A_24, %lt3A_26 : i1
    %and3A_28 = arith.andi %ne3A_27, %ne3A_23 : i1
    %add3A_29 = arith.addi %rem3A_21, %select_n3A_20 : i32
    %select_n3A_30 = arith.select %and3A_28, %add3A_29, %rem3A_21 : i32
    %mul3A_31 = arith.constant 256 : i32
    %mul3A_32 = arith.muli %select_n3A_30, %mul3A_31 : i32
    %iota3A = tpu.iota {dimensions = array<i32: 0>} : vector<16xi32>
    %mul3A_33 = arith.constant 2048 : i32
    %mul3A_34 = arith.muli %select_n3A, %mul3A_33 : i32
    %add3A_35 = arith.constant 2047 : i32
    %add3A_36 = arith.addi %mul3A_34, %add3A_35 : i32
    %sub3A_37 = arith.subi %add3A_36, %mul3A_32 : i32
    %sub3A_38 = arith.constant 0 : i32
    %sub3A_39 = arith.subi %sub3A_37, %sub3A_38 : i32
    %sub3A_40 = arith.constant 0 : i32
    %sub3A_41 = arith.subi %sub3A_39, %sub3A_40 : i32
    %sub3A_42 = vector.broadcast %sub3A_41 : i32 to vector<16xi32>
    %sub3A_43 = arith.subi %sub3A_42, %iota3A : vector<16xi32>
    %swap3A = arith.constant 0 : index
    %swap3A_44 = tpu.vector_load %arg7[%swap3A] {strides = array<i32>} : memref<32xi32, #tpu.memory_space<vmem>>, vector<16xi32>,
    tpu.vector_store %arg7[%swap3A], %sub3A_43 {strides = array<i32>} : memref<32xi32, #tpu.memory_space<vmem>>, vector<16xi32>,
    %sub3A_45 = arith.constant 16 : i32
    %sub3A_46 = arith.subi %sub3A_39, %sub3A_45 : i32
    %sub3A_47 = vector.broadcast %sub3A_46 : i32 to vector<16xi32>
    %sub3A_48 = arith.subi %sub3A_47, %iota3A : vector<16xi32>
    %swap3A_49 = arith.constant 16 : index
    %swap3A_50 = tpu.vector_load %arg7[%swap3A_49] {strides = array<i32>} : memref<32xi32, #tpu.memory_space<vmem>>, vector<16xi32>,
    tpu.vector_store %arg7[%swap3A_49], %sub3A_48 {strides = array<i32>} : memref<32xi32, #tpu.memory_space<vmem>>, vector<16xi32>,
    %dma_start3A = arith.constant 0 : i32
    %dma_start3A_51 = arith.constant 0 : i32
    %dma_start3A_52 = tpu.memref_slice %arg2[%dma_start3A, %dma_start3A_51] : memref<8192x768xf32, #tpu.memory_space<hbm>> -> memref<8192x768xf32, #tpu.memory_space<hbm>>
    tpu.enqueue_indirect_dma source(%dma_start3A_52 : memref<8192x768xf32, #tpu.memory_space<hbm>>) target(%arg11 : memref<32x768xf32, #tpu.memory_space<vmem>>) offsets(%arg7 : memref<32xi32, #tpu.memory_space<vmem>>) semaphore(%arg15 : memref<!tpu.dma_semaphore, #tpu.memory_space<semaphore_mem>>)
    %mul3A_53 = arith.constant 2048 : i32
    %mul3A_54 = arith.muli %select_n3A, %mul3A_53 : i32
    %add3A_55 = arith.constant 2047 : i32
    %add3A_56 = arith.addi %mul3A_54, %add3A_55 : i32
    %sub3A_57 = arith.subi %add3A_56, %mul3A_32 : i32
    %sub3A_58 = arith.constant 32 : i32
    %sub3A_59 = arith.subi %sub3A_57, %sub3A_58 : i32
    %sub3A_60 = arith.constant 0 : i32
    %sub3A_61 = arith.subi %sub3A_59, %sub3A_60 : i32
    %sub3A_62 = vector.broadcast %sub3A_61 : i32 to vector<16xi32>
    %sub3A_63 = arith.subi %sub3A_62, %iota3A : vector<16xi32>
    %swap3A_64 = arith.constant 0 : index
    %swap3A_65 = tpu.vector_load %arg8[%swap3A_64] {strides = array<i32>} : memref<32xi32, #tpu.memory_space<vmem>>, vector<16xi32>,
    tpu.vector_store %arg8[%swap3A_64], %sub3A_63 {strides = array<i32>} : memref<32xi32, #tpu.memory_space<vmem>>, vector<16xi32>,
    %sub3A_66 = arith.constant 16 : i32
    %sub3A_67 = arith.subi %sub3A_59, %sub3A_66 : i32
    %sub3A_68 = vector.broadcast %sub3A_67 : i32 to vector<16xi32>
    %sub3A_69 = arith.subi %sub3A_68, %iota3A : vector<16xi32>
    %swap3A_70 = arith.constant 16 : index
    %swap3A_71 = tpu.vector_load %arg8[%swap3A_70] {strides = array<i32>} : memref<32xi32, #tpu.memory_space<vmem>>, vector<16xi32>,
    tpu.vector_store %arg8[%swap3A_70], %sub3A_69 {strides = array<i32>} : memref<32xi32, #tpu.memory_space<vmem>>, vector<16xi32>,
    %dma_start3A_72 = arith.constant 0 : i32
    %dma_start3A_73 = arith.constant 0 : i32
    %dma_start3A_74 = tpu.memref_slice %arg2[%dma_start3A_72, %dma_start3A_73] : memref<8192x768xf32, #tpu.memory_space<hbm>> -> memref<8192x768xf32, #tpu.memory_space<hbm>>
    tpu.enqueue_indirect_dma source(%dma_start3A_74 : memref<8192x768xf32, #tpu.memory_space<hbm>>) target(%arg12 : memref<32x768xf32, #tpu.memory_space<vmem>>) offsets(%arg8 : memref<32xi32, #tpu.memory_space<vmem>>) semaphore(%arg16 : memref<!tpu.dma_semaphore, #tpu.memory_space<semaphore_mem>>)
    %mul3A_75 = arith.constant 2048 : i32
    %mul3A_76 = arith.muli %select_n3A, %mul3A_75 : i32
    %add3A_77 = arith.constant 2047 : i32
    %add3A_78 = arith.addi %mul3A_76, %add3A_77 : i32
    %sub3A_79 = arith.subi %add3A_78, %mul3A_32 : i32
    %sub3A_80 = arith.constant 64 : i32
    %sub3A_81 = arith.subi %sub3A_79, %sub3A_80 : i32
    %sub3A_82 = arith.constant 0 : i32
    %sub3A_83 = arith.subi %sub3A_81, %sub3A_82 : i32
    %sub3A_84 = vector.broadcast %sub3A_83 : i32 to vector<16xi32>
    %sub3A_85 = arith.subi %sub3A_84, %iota3A : vector<16xi32>
    %swap3A_86 = arith.constant 0 : index
    %swap3A_87 = tpu.vector_load %arg9[%swap3A_86] {strides = array<i32>} : memref<32xi32, #tpu.memory_space<vmem>>, vector<16xi32>,
    tpu.vector_store %arg9[%swap3A_86], %sub3A_85 {strides = array<i32>} : memref<32xi32, #tpu.memory_space<vmem>>, vector<16xi32>,
    %sub3A_88 = arith.constant 16 : i32
    %sub3A_89 = arith.subi %sub3A_81, %sub3A_88 : i32
    %sub3A_90 = vector.broadcast %sub3A_89 : i32 to vector<16xi32>
    %sub3A_91 = arith.subi %sub3A_90, %iota3A : vector<16xi32>
    %swap3A_92 = arith.constant 16 : index
    %swap3A_93 = tpu.vector_load %arg9[%swap3A_92] {strides = array<i32>} : memref<32xi32, #tpu.memory_space<vmem>>, vector<16xi32>,
    tpu.vector_store %arg9[%swap3A_92], %sub3A_91 {strides = array<i32>} : memref<32xi32, #tpu.memory_space<vmem>>, vector<16xi32>,
    %dma_start3A_94 = arith.constant 0 : i32
    %dma_start3A_95 = arith.constant 0 : i32
    %dma_start3A_96 = tpu.memref_slice %arg2[%dma_start3A_94, %dma_start3A_95] : memref<8192x768xf32, #tpu.memory_space<hbm>> -> memref<8192x768xf32, #tpu.memory_space<hbm>>
    tpu.enqueue_indirect_dma source(%dma_start3A_96 : memref<8192x768xf32, #tpu.memory_space<hbm>>) target(%arg13 : memref<32x768xf32, #tpu.memory_space<vmem>>) offsets(%arg9 : memref<32xi32, #tpu.memory_space<vmem>>) semaphore(%arg17 : memref<!tpu.dma_semaphore, #tpu.memory_space<semaphore_mem>>)
    %mul3A_97 = arith.constant 2048 : i32
    %mul3A_98 = arith.muli %select_n3A, %mul3A_97 : i32
    "tpu.region"() ({
      %run_scoped3A = tpu.sem_alloc : memref<!tpu.dma_semaphore, #tpu.memory_space<semaphore_mem>>
      %dma_start3A_463 = tpu.memref_slice %arg3[%mul3A_98] : memref<8192xi32, #tpu.memory_space<hbm>> -> memref<2048xi32, #tpu.memory_space<hbm>>
      %dma_start3A_464 = tpu.memref_slice %arg3[%mul3A_98] : memref<8192xi32, #tpu.memory_space<hbm>> -> memref<2048xi32, #tpu.memory_space<hbm>>
      tpu.enqueue_dma source(%dma_start3A_464 : memref<2048xi32, #tpu.memory_space<hbm>>) target(%arg5 : memref<2048xi32, #tpu.memory_space<vmem>>) target_semaphore(%run_scoped3A : memref<!tpu.dma_semaphore, #tpu.memory_space<semaphore_mem>>)
      %dma_wait3A_465 = tpu.memref_slice %arg3[%mul3A_98] : memref<8192xi32, #tpu.memory_space<hbm>> -> memref<2048xi32, #tpu.memory_space<hbm>>
      %dma_wait3A_466 = tpu.memref_slice %arg3[%mul3A_98] : memref<8192xi32, #tpu.memory_space<hbm>> -> memref<2048xi32, #tpu.memory_space<hbm>>
      tpu.wait_dma2 semaphore(%run_scoped3A : memref<!tpu.dma_semaphore, #tpu.memory_space<semaphore_mem>>) src(%dma_wait3A_466 : memref<2048xi32, #tpu.memory_space<hbm>>) dst(%arg5 : memref<2048xi32, #tpu.memory_space<vmem>>)
      tpu.yield
    }) : () -> ()
    %broadcast_in_dim3A = arith.constant 0.000000e+00 : f32
    %broadcast_in_dim3A_99 = vector.broadcast %broadcast_in_dim3A : f32 to vector<16xf32>
    %swap3A_100 = arith.constant 0 : index
    %swap3A_101 = tpu.vector_load %arg6[%swap3A_100] {strides = array<i32>} : memref<272xf32, #tpu.memory_space<vmem>>, vector<16xf32>,
    tpu.vector_store %arg6[%swap3A_100], %broadcast_in_dim3A_99 {strides = array<i32>} : memref<272xf32, #tpu.memory_space<vmem>>, vector<16xf32>,
    %broadcast_in_dim3A_102 = arith.constant 0.000000e+00 : f32
    %broadcast_in_dim3A_103 = vector.broadcast %broadcast_in_dim3A_102 : f32 to vector<16xf32>
    %swap3A_104 = arith.constant 16 : index
    %swap3A_105 = tpu.vector_load %arg6[%swap3A_104] {strides = array<i32>} : memref<272xf32, #tpu.memory_space<vmem>>, vector<16xf32>,
    tpu.vector_store %arg6[%swap3A_104], %broadcast_in_dim3A_103 {strides = array<i32>} : memref<272xf32, #tpu.memory_space<vmem>>, vector<16xf32>,
    %broadcast_in_dim3A_106 = arith.constant 0.000000e+00 : f32
    %broadcast_in_dim3A_107 = vector.broadcast %broadcast_in_dim3A_106 : f32 to vector<16xf32>
    %swap3A_108 = arith.constant 32 : index
    %swap3A_109 = tpu.vector_load %arg6[%swap3A_108] {strides = array<i32>} : memref<272xf32, #tpu.memory_space<vmem>>, vector<16xf32>,
    tpu.vector_store %arg6[%swap3A_108], %broadcast_in_dim3A_107 {strides = array<i32>} : memref<272xf32, #tpu.memory_space<vmem>>, vector<16xf32>,
    %broadcast_in_dim3A_110 = arith.constant 0.000000e+00 : f32
    %broadcast_in_dim3A_111 = vector.broadcast %broadcast_in_dim3A_110 : f32 to vector<16xf32>
    %swap3A_112 = arith.constant 48 : index
    %swap3A_113 = tpu.vector_load %arg6[%swap3A_112] {strides = array<i32>} : memref<272xf32, #tpu.memory_space<vmem>>, vector<16xf32>,
    tpu.vector_store %arg6[%swap3A_112], %broadcast_in_dim3A_111 {strides = array<i32>} : memref<272xf32, #tpu.memory_space<vmem>>, vector<16xf32>,
    %broadcast_in_dim3A_114 = arith.constant 0.000000e+00 : f32
    %broadcast_in_dim3A_115 = vector.broadcast %broadcast_in_dim3A_114 : f32 to vector<16xf32>
    %swap3A_116 = arith.constant 64 : index
    %swap3A_117 = tpu.vector_load %arg6[%swap3A_116] {strides = array<i32>} : memref<272xf32, #tpu.memory_space<vmem>>, vector<16xf32>,
    tpu.vector_store %arg6[%swap3A_116], %broadcast_in_dim3A_115 {strides = array<i32>} : memref<272xf32, #tpu.memory_space<vmem>>, vector<16xf32>,
    %broadcast_in_dim3A_118 = arith.constant 0.000000e+00 : f32
    %broadcast_in_dim3A_119 = vector.broadcast %broadcast_in_dim3A_118 : f32 to vector<16xf32>
    %swap3A_120 = arith.constant 80 : index
    %swap3A_121 = tpu.vector_load %arg6[%swap3A_120] {strides = array<i32>} : memref<272xf32, #tpu.memory_space<vmem>>, vector<16xf32>,
    tpu.vector_store %arg6[%swap3A_120], %broadcast_in_dim3A_119 {strides = array<i32>} : memref<272xf32, #tpu.memory_space<vmem>>, vector<16xf32>,
    %broadcast_in_dim3A_122 = arith.constant 0.000000e+00 : f32
    %broadcast_in_dim3A_123 = vector.broadcast %broadcast_in_dim3A_122 : f32 to vector<16xf32>
    %swap3A_124 = arith.constant 96 : index
    %swap3A_125 = tpu.vector_load %arg6[%swap3A_124] {strides = array<i32>} : memref<272xf32, #tpu.memory_space<vmem>>, vector<16xf32>,
    tpu.vector_store %arg6[%swap3A_124], %broadcast_in_dim3A_123 {strides = array<i32>} : memref<272xf32, #tpu.memory_space<vmem>>, vector<16xf32>,
    %broadcast_in_dim3A_126 = arith.constant 0.000000e+00 : f32
    %broadcast_in_dim3A_127 = vector.broadcast %broadcast_in_dim3A_126 : f32 to vector<16xf32>
    %swap3A_128 = arith.constant 112 : index
    %swap3A_129 = tpu.vector_load %arg6[%swap3A_128] {strides = array<i32>} : memref<272xf32, #tpu.memory_space<vmem>>, vector<16xf32>,
    tpu.vector_store %arg6[%swap3A_128], %broadcast_in_dim3A_127 {strides = array<i32>} : memref<272xf32, #tpu.memory_space<vmem>>, vector<16xf32>,
    %broadcast_in_dim3A_130 = arith.constant 0.000000e+00 : f32
    %broadcast_in_dim3A_131 = vector.broadcast %broadcast_in_dim3A_130 : f32 to vector<16xf32>
    %swap3A_132 = arith.constant 128 : index
    %swap3A_133 = tpu.vector_load %arg6[%swap3A_132] {strides = array<i32>} : memref<272xf32, #tpu.memory_space<vmem>>, vector<16xf32>,
    tpu.vector_store %arg6[%swap3A_132], %broadcast_in_dim3A_131 {strides = array<i32>} : memref<272xf32, #tpu.memory_space<vmem>>, vector<16xf32>,
    %broadcast_in_dim3A_134 = arith.constant 0.000000e+00 : f32
    %broadcast_in_dim3A_135 = vector.broadcast %broadcast_in_dim3A_134 : f32 to vector<16xf32>
    %swap3A_136 = arith.constant 144 : index
    %swap3A_137 = tpu.vector_load %arg6[%swap3A_136] {strides = array<i32>} : memref<272xf32, #tpu.memory_space<vmem>>, vector<16xf32>,
    tpu.vector_store %arg6[%swap3A_136], %broadcast_in_dim3A_135 {strides = array<i32>} : memref<272xf32, #tpu.memory_space<vmem>>, vector<16xf32>,
    %broadcast_in_dim3A_138 = arith.constant 0.000000e+00 : f32
    %broadcast_in_dim3A_139 = vector.broadcast %broadcast_in_dim3A_138 : f32 to vector<16xf32>
    %swap3A_140 = arith.constant 160 : index
    %swap3A_141 = tpu.vector_load %arg6[%swap3A_140] {strides = array<i32>} : memref<272xf32, #tpu.memory_space<vmem>>, vector<16xf32>,
    tpu.vector_store %arg6[%swap3A_140], %broadcast_in_dim3A_139 {strides = array<i32>} : memref<272xf32, #tpu.memory_space<vmem>>, vector<16xf32>,
    %broadcast_in_dim3A_142 = arith.constant 0.000000e+00 : f32
    %broadcast_in_dim3A_143 = vector.broadcast %broadcast_in_dim3A_142 : f32 to vector<16xf32>
    %swap3A_144 = arith.constant 176 : index
    %swap3A_145 = tpu.vector_load %arg6[%swap3A_144] {strides = array<i32>} : memref<272xf32, #tpu.memory_space<vmem>>, vector<16xf32>,
    tpu.vector_store %arg6[%swap3A_144], %broadcast_in_dim3A_143 {strides = array<i32>} : memref<272xf32, #tpu.memory_space<vmem>>, vector<16xf32>,
    %broadcast_in_dim3A_146 = arith.constant 0.000000e+00 : f32
    %broadcast_in_dim3A_147 = vector.broadcast %broadcast_in_dim3A_146 : f32 to vector<16xf32>
    %swap3A_148 = arith.constant 192 : index
    %swap3A_149 = tpu.vector_load %arg6[%swap3A_148] {strides = array<i32>} : memref<272xf32, #tpu.memory_space<vmem>>, vector<16xf32>,
    tpu.vector_store %arg6[%swap3A_148], %broadcast_in_dim3A_147 {strides = array<i32>} : memref<272xf32, #tpu.memory_space<vmem>>, vector<16xf32>,
    %broadcast_in_dim3A_150 = arith.constant 0.000000e+00 : f32
    %broadcast_in_dim3A_151 = vector.broadcast %broadcast_in_dim3A_150 : f32 to vector<16xf32>
    %swap3A_152 = arith.constant 208 : index
    %swap3A_153 = tpu.vector_load %arg6[%swap3A_152] {strides = array<i32>} : memref<272xf32, #tpu.memory_space<vmem>>, vector<16xf32>,
    tpu.vector_store %arg6[%swap3A_152], %broadcast_in_dim3A_151 {strides = array<i32>} : memref<272xf32, #tpu.memory_space<vmem>>, vector<16xf32>,
    %broadcast_in_dim3A_154 = arith.constant 0.000000e+00 : f32
    %broadcast_in_dim3A_155 = vector.broadcast %broadcast_in_dim3A_154 : f32 to vector<16xf32>
    %swap3A_156 = arith.constant 224 : index
    %swap3A_157 = tpu.vector_load %arg6[%swap3A_156] {strides = array<i32>} : memref<272xf32, #tpu.memory_space<vmem>>, vector<16xf32>,
    tpu.vector_store %arg6[%swap3A_156], %broadcast_in_dim3A_155 {strides = array<i32>} : memref<272xf32, #tpu.memory_space<vmem>>, vector<16xf32>,
    %broadcast_in_dim3A_158 = arith.constant 0.000000e+00 : f32
    %broadcast_in_dim3A_159 = vector.broadcast %broadcast_in_dim3A_158 : f32 to vector<16xf32>
    %swap3A_160 = arith.constant 240 : index
    %swap3A_161 = tpu.vector_load %arg6[%swap3A_160] {strides = array<i32>} : memref<272xf32, #tpu.memory_space<vmem>>, vector<16xf32>,
    tpu.vector_store %arg6[%swap3A_160], %broadcast_in_dim3A_159 {strides = array<i32>} : memref<272xf32, #tpu.memory_space<vmem>>, vector<16xf32>,
    %scan3A = arith.constant 0 : i32
    %scan3A_162 = arith.constant 0 : i32
    %scan3A_163 = arith.constant 128 : i32
    %scan3A_164 = arith.addi %scan3A_162, %scan3A_163 : i32
    %scan3A_165 = arith.constant 1 : i32
    %scan3A_166 = scf.for %scan3A_463 = %scan3A_162 to %scan3A_164 step %scan3A_165 iter_args(%scan3A_464 = %scan3A) -> (i32)  : i32 {
      %mul3A_465 = arith.constant 16 : i32
      %mul3A_466 = arith.muli %scan3A_463, %mul3A_465 : i32
      %get3A = arith.index_cast %mul3A_466 : i32 to index
      %get3A_467 = tpu.vector_load %arg5[%get3A] {strides = array<i32>} : memref<2048xi32, #tpu.memory_space<vmem>>, vector<16xi32>,
      %sub3A_468 = vector.broadcast %mul3A_32 : i32 to vector<16xi32>
      %sub3A_469 = arith.subi %get3A_467, %sub3A_468 : vector<16xi32>
      %ge3A = arith.constant 0 : i32
      %ge3A_470 = vector.broadcast %ge3A : i32 to vector<16xi32>
      %ge3A_471 = arith.cmpi sge, %sub3A_469, %ge3A_470 : vector<16xi32>
      %lt3A_472 = arith.constant 256 : i32
      %lt3A_473 = vector.broadcast %lt3A_472 : i32 to vector<16xi32>
      %lt3A_474 = arith.cmpi slt, %sub3A_469, %lt3A_473 : vector<16xi32>
      %and3A_475 = arith.andi %ge3A_471, %lt3A_474 : vector<16xi1>
      %jit3A_476 = arith.constant 0 : i32
      %jit3A_477 = arith.constant 255 : i32
      %max3A = vector.broadcast %jit3A_476 : i32 to vector<16xi32>
      %max3A_478 = arith.maxsi %max3A, %sub3A_469 : vector<16xi32>
      %min3A = vector.broadcast %jit3A_477 : i32 to vector<16xi32>
      %min3A_479 = arith.minsi %min3A, %max3A_478 : vector<16xi32>
      %broadcast_in_dim3A_480 = arith.constant 1.000000e+00 : f32
      %broadcast_in_dim3A_481 = vector.broadcast %broadcast_in_dim3A_480 : f32 to vector<16xf32>
      tpu.vector_store_idx %arg6[%min3A_479], %broadcast_in_dim3A_481 masked %and3A_475 : memref<272xf32, #tpu.memory_space<vmem>>[vector<16xi32>], vector<16xf32>, vector<16xi1>
      %scan3A_482 = arith.constant 0 : i32
      scf.yield %scan3A_482 : i32
    }
    %scan3A_167 = arith.constant 128 : i32
    %broadcast_in_dim3A_168 = arith.constant 0.000000e+00 : f32
    %broadcast_in_dim3A_169 = vector.broadcast %broadcast_in_dim3A_168 : f32 to vector<16xf32>
    %dma_wait3A = arith.constant 0 : i32
    %dma_wait3A_170 = arith.constant 0 : i32
    %dma_wait3A_171 = tpu.memref_slice %arg2[%dma_wait3A, %dma_wait3A_170] : memref<8192x768xf32, #tpu.memory_space<hbm>> -> memref<8192x768xf32, #tpu.memory_space<hbm>>
    tpu.wait_indirect_dma semaphore(%arg15 : memref<!tpu.dma_semaphore, #tpu.memory_space<semaphore_mem>>) src(%dma_wait3A_171 : memref<8192x768xf32, #tpu.memory_space<hbm>>) dst(%arg11 : memref<32x768xf32, #tpu.memory_space<vmem>>)
    %scan3A_172 = arith.constant 0 : i32
    %scan3A_173 = arith.constant 0 : i32
    %scan3A_174 = arith.constant 32 : i32
    %scan3A_175 = arith.addi %scan3A_173, %scan3A_174 : i32
    %scan3A_176 = arith.constant 1 : i32
    %scan3A_177 = scf.for %scan3A_463 = %scan3A_173 to %scan3A_175 step %scan3A_176 iter_args(%scan3A_464 = %scan3A_172) -> (i32)  : i32 {
      %add3A_465 = arith.constant 0 : i32
      %add3A_466 = arith.addi %add3A_465, %scan3A_463 : i32
      %get3A = arith.index_cast %add3A_466 : i32 to index
      %get3A_467 = tpu.vector_load %arg6[%get3A] {strides = array<i32>} : memref<272xf32, #tpu.memory_space<vmem>>, vector<16xf32>,
      %slice3A = vector.extract_strided_slice %get3A_467 {offsets = [0], sizes = [1], strides = [1]} : vector<16xf32> to vector<1xf32>
      %squeeze3A = vector.extract %slice3A[0] : f32 from vector<1xf32>
      %eq3A_468 = arith.constant 0.000000e+00 : f32
      %eq3A_469 = arith.cmpf oeq, %squeeze3A, %eq3A_468 : f32
      %convert_element_type3A = arith.extui %eq3A_469 : i1 to i32
      %cond3A = arith.constant 0 : i32
      %cond3A_470 = arith.cmpi ne, %convert_element_type3A, %cond3A : i32
      scf.if %cond3A_470 {
        %swap3A_472 = arith.index_cast %scan3A_463 : i32 to index
        %swap3A_473 = arith.constant 0 : index
        %swap3A_474 = tpu.vector_load %arg11[%swap3A_472, %swap3A_473] {strides = array<i32>} : memref<32x768xf32, #tpu.memory_space<vmem>>, vector<16xf32>,
        tpu.vector_store %arg11[%swap3A_472, %swap3A_473], %broadcast_in_dim3A_169 {strides = array<i32>} : memref<32x768xf32, #tpu.memory_space<vmem>>, vector<16xf32>,
        %swap3A_475 = arith.index_cast %scan3A_463 : i32 to index
        %swap3A_476 = arith.constant 16 : index
        %swap3A_477 = tpu.vector_load %arg11[%swap3A_475, %swap3A_476] {strides = array<i32>} : memref<32x768xf32, #tpu.memory_space<vmem>>, vector<16xf32>,
        tpu.vector_store %arg11[%swap3A_475, %swap3A_476], %broadcast_in_dim3A_169 {strides = array<i32>} : memref<32x768xf32, #tpu.memory_space<vmem>>, vector<16xf32>,
        %swap3A_478 = arith.index_cast %scan3A_463 : i32 to index
        %swap3A_479 = arith.constant 32 : index
        %swap3A_480 = tpu.vector_load %arg11[%swap3A_478, %swap3A_479] {strides = array<i32>} : memref<32x768xf32, #tpu.memory_space<vmem>>, vector<16xf32>,
        tpu.vector_store %arg11[%swap3A_478, %swap3A_479], %broadcast_in_dim3A_169 {strides = array<i32>} : memref<32x768xf32, #tpu.memory_space<vmem>>, vector<16xf32>,
        %swap3A_481 = arith.index_cast %scan3A_463 : i32 to index
        %swap3A_482 = arith.constant 48 : index
        %swap3A_483 = tpu.vector_load %arg11[%swap3A_481, %swap3A_482] {strides = array<i32>} : memref<32x768xf32, #tpu.memory_space<vmem>>, vector<16xf32>,
        tpu.vector_store %arg11[%swap3A_481, %swap3A_482], %broadcast_in_dim3A_169 {strides = array<i32>} : memref<32x768xf32, #tpu.memory_space<vmem>>, vector<16xf32>,
        %swap3A_484 = arith.index_cast %scan3A_463 : i32 to index
        %swap3A_485 = arith.constant 64 : index
        %swap3A_486 = tpu.vector_load %arg11[%swap3A_484, %swap3A_485] {strides = array<i32>} : memref<32x768xf32, #tpu.memory_space<vmem>>, vector<16xf32>,
        tpu.vector_store %arg11[%swap3A_484, %swap3A_485], %broadcast_in_dim3A_169 {strides = array<i32>} : memref<32x768xf32, #tpu.memory_space<vmem>>, vector<16xf32>,
        %swap3A_487 = arith.index_cast %scan3A_463 : i32 to index
        %swap3A_488 = arith.constant 80 : index
        %swap3A_489 = tpu.vector_load %arg11[%swap3A_487, %swap3A_488] {strides = array<i32>} : memref<32x768xf32, #tpu.memory_space<vmem>>, vector<16xf32>,
        tpu.vector_store %arg11[%swap3A_487, %swap3A_488], %broadcast_in_dim3A_169 {strides = array<i32>} : memref<32x768xf32, #tpu.memory_space<vmem>>, vector<16xf32>,
        %swap3A_490 = arith.index_cast %scan3A_463 : i32 to index
        %swap3A_491 = arith.constant 96 : index
        %swap3A_492 = tpu.vector_load %arg11[%swap3A_490, %swap3A_491] {strides = array<i32>} : memref<32x768xf32, #tpu.memory_space<vmem>>, vector<16xf32>,
        tpu.vector_store %arg11[%swap3A_490, %swap3A_491], %broadcast_in_dim3A_169 {strides = array<i32>} : memref<32x768xf32, #tpu.memory_space<vmem>>, vector<16xf32>,
        %swap3A_493 = arith.index_cast %scan3A_463 : i32 to index
        %swap3A_494 = arith.constant 112 : index
        %swap3A_495 = tpu.vector_load %arg11[%swap3A_493, %swap3A_494] {strides = array<i32>} : memref<32x768xf32, #tpu.memory_space<vmem>>, vector<16xf32>,
        tpu.vector_store %arg11[%swap3A_493, %swap3A_494], %broadcast_in_dim3A_169 {strides = array<i32>} : memref<32x768xf32, #tpu.memory_space<vmem>>, vector<16xf32>,
        %swap3A_496 = arith.index_cast %scan3A_463 : i32 to index
        %swap3A_497 = arith.constant 128 : index
        %swap3A_498 = tpu.vector_load %arg11[%swap3A_496, %swap3A_497] {strides = array<i32>} : memref<32x768xf32, #tpu.memory_space<vmem>>, vector<16xf32>,
        tpu.vector_store %arg11[%swap3A_496, %swap3A_497], %broadcast_in_dim3A_169 {strides = array<i32>} : memref<32x768xf32, #tpu.memory_space<vmem>>, vector<16xf32>,
        %swap3A_499 = arith.index_cast %scan3A_463 : i32 to index
        %swap3A_500 = arith.constant 144 : index
        %swap3A_501 = tpu.vector_load %arg11[%swap3A_499, %swap3A_500] {strides = array<i32>} : memref<32x768xf32, #tpu.memory_space<vmem>>, vector<16xf32>,
        tpu.vector_store %arg11[%swap3A_499, %swap3A_500], %broadcast_in_dim3A_169 {strides = array<i32>} : memref<32x768xf32, #tpu.memory_space<vmem>>, vector<16xf32>,
        %swap3A_502 = arith.index_cast %scan3A_463 : i32 to index
        %swap3A_503 = arith.constant 160 : index
        %swap3A_504 = tpu.vector_load %arg11[%swap3A_502, %swap3A_503] {strides = array<i32>} : memref<32x768xf32, #tpu.memory_space<vmem>>, vector<16xf32>,
        tpu.vector_store %arg11[%swap3A_502, %swap3A_503], %broadcast_in_dim3A_169 {strides = array<i32>} : memref<32x768xf32, #tpu.memory_space<vmem>>, vector<16xf32>,
        %swap3A_505 = arith.index_cast %scan3A_463 : i32 to index
        %swap3A_506 = arith.constant 176 : index
        %swap3A_507 = tpu.vector_load %arg11[%swap3A_505, %swap3A_506] {strides = array<i32>} : memref<32x768xf32, #tpu.memory_space<vmem>>, vector<16xf32>,
        tpu.vector_store %arg11[%swap3A_505, %swap3A_506], %broadcast_in_dim3A_169 {strides = array<i32>} : memref<32x768xf32, #tpu.memory_space<vmem>>, vector<16xf32>,
        %swap3A_508 = arith.index_cast %scan3A_463 : i32 to index
        %swap3A_509 = arith.constant 192 : index
        %swap3A_510 = tpu.vector_load %arg11[%swap3A_508, %swap3A_509] {strides = array<i32>} : memref<32x768xf32, #tpu.memory_space<vmem>>, vector<16xf32>,
        tpu.vector_store %arg11[%swap3A_508, %swap3A_509], %broadcast_in_dim3A_169 {strides = array<i32>} : memref<32x768xf32, #tpu.memory_space<vmem>>, vector<16xf32>,
        %swap3A_511 = arith.index_cast %scan3A_463 : i32 to index
        %swap3A_512 = arith.constant 208 : index
        %swap3A_513 = tpu.vector_load %arg11[%swap3A_511, %swap3A_512] {strides = array<i32>} : memref<32x768xf32, #tpu.memory_space<vmem>>, vector<16xf32>,
        tpu.vector_store %arg11[%swap3A_511, %swap3A_512], %broadcast_in_dim3A_169 {strides = array<i32>} : memref<32x768xf32, #tpu.memory_space<vmem>>, vector<16xf32>,
        %swap3A_514 = arith.index_cast %scan3A_463 : i32 to index
        %swap3A_515 = arith.constant 224 : index
        %swap3A_516 = tpu.vector_load %arg11[%swap3A_514, %swap3A_515] {strides = array<i32>} : memref<32x768xf32, #tpu.memory_space<vmem>>, vector<16xf32>,
        tpu.vector_store %arg11[%swap3A_514, %swap3A_515], %broadcast_in_dim3A_169 {strides = array<i32>} : memref<32x768xf32, #tpu.memory_space<vmem>>, vector<16xf32>,
        %swap3A_517 = arith.index_cast %scan3A_463 : i32 to index
        %swap3A_518 = arith.constant 240 : index
        %swap3A_519 = tpu.vector_load %arg11[%swap3A_517, %swap3A_518] {strides = array<i32>} : memref<32x768xf32, #tpu.memory_space<vmem>>, vector<16xf32>,
        tpu.vector_store %arg11[%swap3A_517, %swap3A_518], %broadcast_in_dim3A_169 {strides = array<i32>} : memref<32x768xf32, #tpu.memory_space<vmem>>, vector<16xf32>,
        %swap3A_520 = arith.index_cast %scan3A_463 : i32 to index
        %swap3A_521 = arith.constant 256 : index
        %swap3A_522 = tpu.vector_load %arg11[%swap3A_520, %swap3A_521] {strides = array<i32>} : memref<32x768xf32, #tpu.memory_space<vmem>>, vector<16xf32>,
        tpu.vector_store %arg11[%swap3A_520, %swap3A_521], %broadcast_in_dim3A_169 {strides = array<i32>} : memref<32x768xf32, #tpu.memory_space<vmem>>, vector<16xf32>,
        %swap3A_523 = arith.index_cast %scan3A_463 : i32 to index
        %swap3A_524 = arith.constant 272 : index
        %swap3A_525 = tpu.vector_load %arg11[%swap3A_523, %swap3A_524] {strides = array<i32>} : memref<32x768xf32, #tpu.memory_space<vmem>>, vector<16xf32>,
        tpu.vector_store %arg11[%swap3A_523, %swap3A_524], %broadcast_in_dim3A_169 {strides = array<i32>} : memref<32x768xf32, #tpu.memory_space<vmem>>, vector<16xf32>,
        %swap3A_526 = arith.index_cast %scan3A_463 : i32 to index
        %swap3A_527 = arith.constant 288 : index
        %swap3A_528 = tpu.vector_load %arg11[%swap3A_526, %swap3A_527] {strides = array<i32>} : memref<32x768xf32, #tpu.memory_space<vmem>>, vector<16xf32>,
        tpu.vector_store %arg11[%swap3A_526, %swap3A_527], %broadcast_in_dim3A_169 {strides = array<i32>} : memref<32x768xf32, #tpu.memory_space<vmem>>, vector<16xf32>,
        %swap3A_529 = arith.index_cast %scan3A_463 : i32 to index
        %swap3A_530 = arith.constant 304 : index
        %swap3A_531 = tpu.vector_load %arg11[%swap3A_529, %swap3A_530] {strides = array<i32>} : memref<32x768xf32, #tpu.memory_space<vmem>>, vector<16xf32>,
        tpu.vector_store %arg11[%swap3A_529, %swap3A_530], %broadcast_in_dim3A_169 {strides = array<i32>} : memref<32x768xf32, #tpu.memory_space<vmem>>, vector<16xf32>,
        %swap3A_532 = arith.index_cast %scan3A_463 : i32 to index
        %swap3A_533 = arith.constant 320 : index
        %swap3A_534 = tpu.vector_load %arg11[%swap3A_532, %swap3A_533] {strides = array<i32>} : memref<32x768xf32, #tpu.memory_space<vmem>>, vector<16xf32>,
        tpu.vector_store %arg11[%swap3A_532, %swap3A_533], %broadcast_in_dim3A_169 {strides = array<i32>} : memref<32x768xf32, #tpu.memory_space<vmem>>, vector<16xf32>,
        %swap3A_535 = arith.index_cast %scan3A_463 : i32 to index
        %swap3A_536 = arith.constant 336 : index
        %swap3A_537 = tpu.vector_load %arg11[%swap3A_535, %swap3A_536] {strides = array<i32>} : memref<32x768xf32, #tpu.memory_space<vmem>>, vector<16xf32>,
        tpu.vector_store %arg11[%swap3A_535, %swap3A_536], %broadcast_in_dim3A_169 {strides = array<i32>} : memref<32x768xf32, #tpu.memory_space<vmem>>, vector<16xf32>,
        %swap3A_538 = arith.index_cast %scan3A_463 : i32 to index
        %swap3A_539 = arith.constant 352 : index
        %swap3A_540 = tpu.vector_load %arg11[%swap3A_538, %swap3A_539] {strides = array<i32>} : memref<32x768xf32, #tpu.memory_space<vmem>>, vector<16xf32>,
        tpu.vector_store %arg11[%swap3A_538, %swap3A_539], %broadcast_in_dim3A_169 {strides = array<i32>} : memref<32x768xf32, #tpu.memory_space<vmem>>, vector<16xf32>,
        %swap3A_541 = arith.index_cast %scan3A_463 : i32 to index
        %swap3A_542 = arith.constant 368 : index
        %swap3A_543 = tpu.vector_load %arg11[%swap3A_541, %swap3A_542] {strides = array<i32>} : memref<32x768xf32, #tpu.memory_space<vmem>>, vector<16xf32>,
        tpu.vector_store %arg11[%swap3A_541, %swap3A_542], %broadcast_in_dim3A_169 {strides = array<i32>} : memref<32x768xf32, #tpu.memory_space<vmem>>, vector<16xf32>,
        %swap3A_544 = arith.index_cast %scan3A_463 : i32 to index
        %swap3A_545 = arith.constant 384 : index
        %swap3A_546 = tpu.vector_load %arg11[%swap3A_544, %swap3A_545] {strides = array<i32>} : memref<32x768xf32, #tpu.memory_space<vmem>>, vector<16xf32>,
        tpu.vector_store %arg11[%swap3A_544, %swap3A_545], %broadcast_in_dim3A_169 {strides = array<i32>} : memref<32x768xf32, #tpu.memory_space<vmem>>, vector<16xf32>,
        %swap3A_547 = arith.index_cast %scan3A_463 : i32 to index
        %swap3A_548 = arith.constant 400 : index
        %swap3A_549 = tpu.vector_load %arg11[%swap3A_547, %swap3A_548] {strides = array<i32>} : memref<32x768xf32, #tpu.memory_space<vmem>>, vector<16xf32>,
        tpu.vector_store %arg11[%swap3A_547, %swap3A_548], %broadcast_in_dim3A_169 {strides = array<i32>} : memref<32x768xf32, #tpu.memory_space<vmem>>, vector<16xf32>,
        %swap3A_550 = arith.index_cast %scan3A_463 : i32 to index
        %swap3A_551 = arith.constant 416 : index
        %swap3A_552 = tpu.vector_load %arg11[%swap3A_550, %swap3A_551] {strides = array<i32>} : memref<32x768xf32, #tpu.memory_space<vmem>>, vector<16xf32>,
        tpu.vector_store %arg11[%swap3A_550, %swap3A_551], %broadcast_in_dim3A_169 {strides = array<i32>} : memref<32x768xf32, #tpu.memory_space<vmem>>, vector<16xf32>,
        %swap3A_553 = arith.index_cast %scan3A_463 : i32 to index
        %swap3A_554 = arith.constant 432 : index
        %swap3A_555 = tpu.vector_load %arg11[%swap3A_553, %swap3A_554] {strides = array<i32>} : memref<32x768xf32, #tpu.memory_space<vmem>>, vector<16xf32>,
        tpu.vector_store %arg11[%swap3A_553, %swap3A_554], %broadcast_in_dim3A_169 {strides = array<i32>} : memref<32x768xf32, #tpu.memory_space<vmem>>, vector<16xf32>,
        %swap3A_556 = arith.index_cast %scan3A_463 : i32 to index
        %swap3A_557 = arith.constant 448 : index
        %swap3A_558 = tpu.vector_load %arg11[%swap3A_556, %swap3A_557] {strides = array<i32>} : memref<32x768xf32, #tpu.memory_space<vmem>>, vector<16xf32>,
        tpu.vector_store %arg11[%swap3A_556, %swap3A_557], %broadcast_in_dim3A_169 {strides = array<i32>} : memref<32x768xf32, #tpu.memory_space<vmem>>, vector<16xf32>,
        %swap3A_559 = arith.index_cast %scan3A_463 : i32 to index
        %swap3A_560 = arith.constant 464 : index
        %swap3A_561 = tpu.vector_load %arg11[%swap3A_559, %swap3A_560] {strides = array<i32>} : memref<32x768xf32, #tpu.memory_space<vmem>>, vector<16xf32>,
        tpu.vector_store %arg11[%swap3A_559, %swap3A_560], %broadcast_in_dim3A_169 {strides = array<i32>} : memref<32x768xf32, #tpu.memory_space<vmem>>, vector<16xf32>,
        %swap3A_562 = arith.index_cast %scan3A_463 : i32 to index
        %swap3A_563 = arith.constant 480 : index
        %swap3A_564 = tpu.vector_load %arg11[%swap3A_562, %swap3A_563] {strides = array<i32>} : memref<32x768xf32, #tpu.memory_space<vmem>>, vector<16xf32>,
        tpu.vector_store %arg11[%swap3A_562, %swap3A_563], %broadcast_in_dim3A_169 {strides = array<i32>} : memref<32x768xf32, #tpu.memory_space<vmem>>, vector<16xf32>,
        %swap3A_565 = arith.index_cast %scan3A_463 : i32 to index
        %swap3A_566 = arith.constant 496 : index
        %swap3A_567 = tpu.vector_load %arg11[%swap3A_565, %swap3A_566] {strides = array<i32>} : memref<32x768xf32, #tpu.memory_space<vmem>>, vector<16xf32>,
        tpu.vector_store %arg11[%swap3A_565, %swap3A_566], %broadcast_in_dim3A_169 {strides = array<i32>} : memref<32x768xf32, #tpu.memory_space<vmem>>, vector<16xf32>,
        %swap3A_568 = arith.index_cast %scan3A_463 : i32 to index
        %swap3A_569 = arith.constant 512 : index
        %swap3A_570 = tpu.vector_load %arg11[%swap3A_568, %swap3A_569] {strides = array<i32>} : memref<32x768xf32, #tpu.memory_space<vmem>>, vector<16xf32>,
        tpu.vector_store %arg11[%swap3A_568, %swap3A_569], %broadcast_in_dim3A_169 {strides = array<i32>} : memref<32x768xf32, #tpu.memory_space<vmem>>, vector<16xf32>,
        %swap3A_571 = arith.index_cast %scan3A_463 : i32 to index
        %swap3A_572 = arith.constant 528 : index
        %swap3A_573 = tpu.vector_load %arg11[%swap3A_571, %swap3A_572] {strides = array<i32>} : memref<32x768xf32, #tpu.memory_space<vmem>>, vector<16xf32>,
        tpu.vector_store %arg11[%swap3A_571, %swap3A_572], %broadcast_in_dim3A_169 {strides = array<i32>} : memref<32x768xf32, #tpu.memory_space<vmem>>, vector<16xf32>,
        %swap3A_574 = arith.index_cast %scan3A_463 : i32 to index
        %swap3A_575 = arith.constant 544 : index
        %swap3A_576 = tpu.vector_load %arg11[%swap3A_574, %swap3A_575] {strides = array<i32>} : memref<32x768xf32, #tpu.memory_space<vmem>>, vector<16xf32>,
        tpu.vector_store %arg11[%swap3A_574, %swap3A_575], %broadcast_in_dim3A_169 {strides = array<i32>} : memref<32x768xf32, #tpu.memory_space<vmem>>, vector<16xf32>,
        %swap3A_577 = arith.index_cast %scan3A_463 : i32 to index
        %swap3A_578 = arith.constant 560 : index
        %swap3A_579 = tpu.vector_load %arg11[%swap3A_577, %swap3A_578] {strides = array<i32>} : memref<32x768xf32, #tpu.memory_space<vmem>>, vector<16xf32>,
        tpu.vector_store %arg11[%swap3A_577, %swap3A_578], %broadcast_in_dim3A_169 {strides = array<i32>} : memref<32x768xf32, #tpu.memory_space<vmem>>, vector<16xf32>,
        %swap3A_580 = arith.index_cast %scan3A_463 : i32 to index
        %swap3A_581 = arith.constant 576 : index
        %swap3A_582 = tpu.vector_load %arg11[%swap3A_580, %swap3A_581] {strides = array<i32>} : memref<32x768xf32, #tpu.memory_space<vmem>>, vector<16xf32>,
        tpu.vector_store %arg11[%swap3A_580, %swap3A_581], %broadcast_in_dim3A_169 {strides = array<i32>} : memref<32x768xf32, #tpu.memory_space<vmem>>, vector<16xf32>,
        %swap3A_583 = arith.index_cast %scan3A_463 : i32 to index
        %swap3A_584 = arith.constant 592 : index
        %swap3A_585 = tpu.vector_load %arg11[%swap3A_583, %swap3A_584] {strides = array<i32>} : memref<32x768xf32, #tpu.memory_space<vmem>>, vector<16xf32>,
        tpu.vector_store %arg11[%swap3A_583, %swap3A_584], %broadcast_in_dim3A_169 {strides = array<i32>} : memref<32x768xf32, #tpu.memory_space<vmem>>, vector<16xf32>,
        %swap3A_586 = arith.index_cast %scan3A_463 : i32 to index
        %swap3A_587 = arith.constant 608 : index
        %swap3A_588 = tpu.vector_load %arg11[%swap3A_586, %swap3A_587] {strides = array<i32>} : memref<32x768xf32, #tpu.memory_space<vmem>>, vector<16xf32>,
        tpu.vector_store %arg11[%swap3A_586, %swap3A_587], %broadcast_in_dim3A_169 {strides = array<i32>} : memref<32x768xf32, #tpu.memory_space<vmem>>, vector<16xf32>,
        %swap3A_589 = arith.index_cast %scan3A_463 : i32 to index
        %swap3A_590 = arith.constant 624 : index
        %swap3A_591 = tpu.vector_load %arg11[%swap3A_589, %swap3A_590] {strides = array<i32>} : memref<32x768xf32, #tpu.memory_space<vmem>>, vector<16xf32>,
        tpu.vector_store %arg11[%swap3A_589, %swap3A_590], %broadcast_in_dim3A_169 {strides = array<i32>} : memref<32x768xf32, #tpu.memory_space<vmem>>, vector<16xf32>,
        %swap3A_592 = arith.index_cast %scan3A_463 : i32 to index
        %swap3A_593 = arith.constant 640 : index
        %swap3A_594 = tpu.vector_load %arg11[%swap3A_592, %swap3A_593] {strides = array<i32>} : memref<32x768xf32, #tpu.memory_space<vmem>>, vector<16xf32>,
        tpu.vector_store %arg11[%swap3A_592, %swap3A_593], %broadcast_in_dim3A_169 {strides = array<i32>} : memref<32x768xf32, #tpu.memory_space<vmem>>, vector<16xf32>,
        %swap3A_595 = arith.index_cast %scan3A_463 : i32 to index
        %swap3A_596 = arith.constant 656 : index
        %swap3A_597 = tpu.vector_load %arg11[%swap3A_595, %swap3A_596] {strides = array<i32>} : memref<32x768xf32, #tpu.memory_space<vmem>>, vector<16xf32>,
        tpu.vector_store %arg11[%swap3A_595, %swap3A_596], %broadcast_in_dim3A_169 {strides = array<i32>} : memref<32x768xf32, #tpu.memory_space<vmem>>, vector<16xf32>,
        %swap3A_598 = arith.index_cast %scan3A_463 : i32 to index
        %swap3A_599 = arith.constant 672 : index
        %swap3A_600 = tpu.vector_load %arg11[%swap3A_598, %swap3A_599] {strides = array<i32>} : memref<32x768xf32, #tpu.memory_space<vmem>>, vector<16xf32>,
        tpu.vector_store %arg11[%swap3A_598, %swap3A_599], %broadcast_in_dim3A_169 {strides = array<i32>} : memref<32x768xf32, #tpu.memory_space<vmem>>, vector<16xf32>,
        %swap3A_601 = arith.index_cast %scan3A_463 : i32 to index
        %swap3A_602 = arith.constant 688 : index
        %swap3A_603 = tpu.vector_load %arg11[%swap3A_601, %swap3A_602] {strides = array<i32>} : memref<32x768xf32, #tpu.memory_space<vmem>>, vector<16xf32>,
        tpu.vector_store %arg11[%swap3A_601, %swap3A_602], %broadcast_in_dim3A_169 {strides = array<i32>} : memref<32x768xf32, #tpu.memory_space<vmem>>, vector<16xf32>,
        %swap3A_604 = arith.index_cast %scan3A_463 : i32 to index
        %swap3A_605 = arith.constant 704 : index
        %swap3A_606 = tpu.vector_load %arg11[%swap3A_604, %swap3A_605] {strides = array<i32>} : memref<32x768xf32, #tpu.memory_space<vmem>>, vector<16xf32>,
        tpu.vector_store %arg11[%swap3A_604, %swap3A_605], %broadcast_in_dim3A_169 {strides = array<i32>} : memref<32x768xf32, #tpu.memory_space<vmem>>, vector<16xf32>,
        %swap3A_607 = arith.index_cast %scan3A_463 : i32 to index
        %swap3A_608 = arith.constant 720 : index
        %swap3A_609 = tpu.vector_load %arg11[%swap3A_607, %swap3A_608] {strides = array<i32>} : memref<32x768xf32, #tpu.memory_space<vmem>>, vector<16xf32>,
        tpu.vector_store %arg11[%swap3A_607, %swap3A_608], %broadcast_in_dim3A_169 {strides = array<i32>} : memref<32x768xf32, #tpu.memory_space<vmem>>, vector<16xf32>,
        %swap3A_610 = arith.index_cast %scan3A_463 : i32 to index
        %swap3A_611 = arith.constant 736 : index
        %swap3A_612 = tpu.vector_load %arg11[%swap3A_610, %swap3A_611] {strides = array<i32>} : memref<32x768xf32, #tpu.memory_space<vmem>>, vector<16xf32>,
        tpu.vector_store %arg11[%swap3A_610, %swap3A_611], %broadcast_in_dim3A_169 {strides = array<i32>} : memref<32x768xf32, #tpu.memory_space<vmem>>, vector<16xf32>,
        %swap3A_613 = arith.index_cast %scan3A_463 : i32 to index
        %swap3A_614 = arith.constant 752 : index
        %swap3A_615 = tpu.vector_load %arg11[%swap3A_613, %swap3A_614] {strides = array<i32>} : memref<32x768xf32, #tpu.memory_space<vmem>>, vector<16xf32>,
        tpu.vector_store %arg11[%swap3A_613, %swap3A_614], %broadcast_in_dim3A_169 {strides = array<i32>} : memref<32x768xf32, #tpu.memory_space<vmem>>, vector<16xf32>,
      } else {
      }
      %scan3A_471 = arith.constant 0 : i32
      scf.yield %scan3A_471 : i32
    }
    %scan3A_178 = arith.constant 32 : i32
    %mul3A_179 = arith.constant 2048 : i32
    %mul3A_180 = arith.muli %select_n3A, %mul3A_179 : i32
    %add3A_181 = arith.addi %mul3A_180, %mul3A_32 : i32
    %add3A_182 = arith.constant 0 : i32
    %add3A_183 = arith.addi %add3A_181, %add3A_182 : i32
    %dma_start3A_184 = arith.constant 0 : i32
    %dma_start3A_185 = tpu.memref_slice %arg4[%add3A_183, %dma_start3A_184] : memref<8192x768xf32, #tpu.memory_space<hbm>> -> memref<32x768xf32, #tpu.memory_space<hbm>>
    %dma_start3A_186 = arith.constant 0 : i32
    %dma_start3A_187 = tpu.memref_slice %arg4[%add3A_183, %dma_start3A_186] : memref<8192x768xf32, #tpu.memory_space<hbm>> -> memref<32x768xf32, #tpu.memory_space<hbm>>
    tpu.enqueue_dma source(%arg11 : memref<32x768xf32, #tpu.memory_space<vmem>>) target(%dma_start3A_187 : memref<32x768xf32, #tpu.memory_space<hbm>>) target_semaphore(%arg19 : memref<!tpu.dma_semaphore, #tpu.memory_space<semaphore_mem>>)
    %mul3A_188 = arith.constant 2048 : i32
    %mul3A_189 = arith.muli %select_n3A, %mul3A_188 : i32
    %add3A_190 = arith.constant 2047 : i32
    %add3A_191 = arith.addi %mul3A_189, %add3A_190 : i32
    %sub3A_192 = arith.subi %add3A_191, %mul3A_32 : i32
    %sub3A_193 = arith.constant 96 : i32
    %sub3A_194 = arith.subi %sub3A_192, %sub3A_193 : i32
    %sub3A_195 = arith.constant 0 : i32
    %sub3A_196 = arith.subi %sub3A_194, %sub3A_195 : i32
    %sub3A_197 = vector.broadcast %sub3A_196 : i32 to vector<16xi32>
    %sub3A_198 = arith.subi %sub3A_197, %iota3A : vector<16xi32>
    %swap3A_199 = arith.constant 0 : index
    %swap3A_200 = tpu.vector_load %arg10[%swap3A_199] {strides = array<i32>} : memref<32xi32, #tpu.memory_space<vmem>>, vector<16xi32>,
    tpu.vector_store %arg10[%swap3A_199], %sub3A_198 {strides = array<i32>} : memref<32xi32, #tpu.memory_space<vmem>>, vector<16xi32>,
    %sub3A_201 = arith.constant 16 : i32
    %sub3A_202 = arith.subi %sub3A_194, %sub3A_201 : i32
    %sub3A_203 = vector.broadcast %sub3A_202 : i32 to vector<16xi32>
    %sub3A_204 = arith.subi %sub3A_203, %iota3A : vector<16xi32>
    %swap3A_205 = arith.constant 16 : index
    %swap3A_206 = tpu.vector_load %arg10[%swap3A_205] {strides = array<i32>} : memref<32xi32, #tpu.memory_space<vmem>>, vector<16xi32>,
    tpu.vector_store %arg10[%swap3A_205], %sub3A_204 {strides = array<i32>} : memref<32xi32, #tpu.memory_space<vmem>>, vector<16xi32>,
    %dma_start3A_207 = arith.constant 0 : i32
    %dma_start3A_208 = arith.constant 0 : i32
    %dma_start3A_209 = tpu.memref_slice %arg2[%dma_start3A_207, %dma_start3A_208] : memref<8192x768xf32, #tpu.memory_space<hbm>> -> memref<8192x768xf32, #tpu.memory_space<hbm>>
    tpu.enqueue_indirect_dma source(%dma_start3A_209 : memref<8192x768xf32, #tpu.memory_space<hbm>>) target(%arg14 : memref<32x768xf32, #tpu.memory_space<vmem>>) offsets(%arg10 : memref<32xi32, #tpu.memory_space<vmem>>) semaphore(%arg18 : memref<!tpu.dma_semaphore, #tpu.memory_space<semaphore_mem>>)
    %dma_wait3A_210 = arith.constant 0 : i32
    %dma_wait3A_211 = arith.constant 0 : i32
    %dma_wait3A_212 = tpu.memref_slice %arg2[%dma_wait3A_210, %dma_wait3A_211] : memref<8192x768xf32, #tpu.memory_space<hbm>> -> memref<8192x768xf32, #tpu.memory_space<hbm>>
    tpu.wait_indirect_dma semaphore(%arg16 : memref<!tpu.dma_semaphore, #tpu.memory_space<semaphore_mem>>) src(%dma_wait3A_212 : memref<8192x768xf32, #tpu.memory_space<hbm>>) dst(%arg12 : memref<32x768xf32, #tpu.memory_space<vmem>>)
    %scan3A_213 = arith.constant 0 : i32
    %scan3A_214 = arith.constant 0 : i32
    %scan3A_215 = arith.constant 32 : i32
    %scan3A_216 = arith.addi %scan3A_214, %scan3A_215 : i32
    %scan3A_217 = arith.constant 1 : i32
    %scan3A_218 = scf.for %scan3A_463 = %scan3A_214 to %scan3A_216 step %scan3A_217 iter_args(%scan3A_464 = %scan3A_213) -> (i32)  : i32 {
      %add3A_465 = arith.constant 32 : i32
      %add3A_466 = arith.addi %add3A_465, %scan3A_463 : i32
      %get3A = arith.index_cast %add3A_466 : i32 to index
      %get3A_467 = tpu.vector_load %arg6[%get3A] {strides = array<i32>} : memref<272xf32, #tpu.memory_space<vmem>>, vector<16xf32>,
      %slice3A = vector.extract_strided_slice %get3A_467 {offsets = [0], sizes = [1], strides = [1]} : vector<16xf32> to vector<1xf32>
      %squeeze3A = vector.extract %slice3A[0] : f32 from vector<1xf32>
      %eq3A_468 = arith.constant 0.000000e+00 : f32
      %eq3A_469 = arith.cmpf oeq, %squeeze3A, %eq3A_468 : f32
      %convert_element_type3A = arith.extui %eq3A_469 : i1 to i32
      %cond3A = arith.constant 0 : i32
      %cond3A_470 = arith.cmpi ne, %convert_element_type3A, %cond3A : i32
      scf.if %cond3A_470 {
        %swap3A_472 = arith.index_cast %scan3A_463 : i32 to index
        %swap3A_473 = arith.constant 0 : index
        %swap3A_474 = tpu.vector_load %arg12[%swap3A_472, %swap3A_473] {strides = array<i32>} : memref<32x768xf32, #tpu.memory_space<vmem>>, vector<16xf32>,
        tpu.vector_store %arg12[%swap3A_472, %swap3A_473], %broadcast_in_dim3A_169 {strides = array<i32>} : memref<32x768xf32, #tpu.memory_space<vmem>>, vector<16xf32>,
        %swap3A_475 = arith.index_cast %scan3A_463 : i32 to index
        %swap3A_476 = arith.constant 16 : index
        %swap3A_477 = tpu.vector_load %arg12[%swap3A_475, %swap3A_476] {strides = array<i32>} : memref<32x768xf32, #tpu.memory_space<vmem>>, vector<16xf32>,
        tpu.vector_store %arg12[%swap3A_475, %swap3A_476], %broadcast_in_dim3A_169 {strides = array<i32>} : memref<32x768xf32, #tpu.memory_space<vmem>>, vector<16xf32>,
        %swap3A_478 = arith.index_cast %scan3A_463 : i32 to index
        %swap3A_479 = arith.constant 32 : index
        %swap3A_480 = tpu.vector_load %arg12[%swap3A_478, %swap3A_479] {strides = array<i32>} : memref<32x768xf32, #tpu.memory_space<vmem>>, vector<16xf32>,
        tpu.vector_store %arg12[%swap3A_478, %swap3A_479], %broadcast_in_dim3A_169 {strides = array<i32>} : memref<32x768xf32, #tpu.memory_space<vmem>>, vector<16xf32>,
        %swap3A_481 = arith.index_cast %scan3A_463 : i32 to index
        %swap3A_482 = arith.constant 48 : index
        %swap3A_483 = tpu.vector_load %arg12[%swap3A_481, %swap3A_482] {strides = array<i32>} : memref<32x768xf32, #tpu.memory_space<vmem>>, vector<16xf32>,
        tpu.vector_store %arg12[%swap3A_481, %swap3A_482], %broadcast_in_dim3A_169 {strides = array<i32>} : memref<32x768xf32, #tpu.memory_space<vmem>>, vector<16xf32>,
        %swap3A_484 = arith.index_cast %scan3A_463 : i32 to index
        %swap3A_485 = arith.constant 64 : index
        %swap3A_486 = tpu.vector_load %arg12[%swap3A_484, %swap3A_485] {strides = array<i32>} : memref<32x768xf32, #tpu.memory_space<vmem>>, vector<16xf32>,
        tpu.vector_store %arg12[%swap3A_484, %swap3A_485], %broadcast_in_dim3A_169 {strides = array<i32>} : memref<32x768xf32, #tpu.memory_space<vmem>>, vector<16xf32>,
        %swap3A_487 = arith.index_cast %scan3A_463 : i32 to index
        %swap3A_488 = arith.constant 80 : index
        %swap3A_489 = tpu.vector_load %arg12[%swap3A_487, %swap3A_488] {strides = array<i32>} : memref<32x768xf32, #tpu.memory_space<vmem>>, vector<16xf32>,
        tpu.vector_store %arg12[%swap3A_487, %swap3A_488], %broadcast_in_dim3A_169 {strides = array<i32>} : memref<32x768xf32, #tpu.memory_space<vmem>>, vector<16xf32>,
        %swap3A_490 = arith.index_cast %scan3A_463 : i32 to index
        %swap3A_491 = arith.constant 96 : index
        %swap3A_492 = tpu.vector_load %arg12[%swap3A_490, %swap3A_491] {strides = array<i32>} : memref<32x768xf32, #tpu.memory_space<vmem>>, vector<16xf32>,
        tpu.vector_store %arg12[%swap3A_490, %swap3A_491], %broadcast_in_dim3A_169 {strides = array<i32>} : memref<32x768xf32, #tpu.memory_space<vmem>>, vector<16xf32>,
        %swap3A_493 = arith.index_cast %scan3A_463 : i32 to index
        %swap3A_494 = arith.constant 112 : index
        %swap3A_495 = tpu.vector_load %arg12[%swap3A_493, %swap3A_494] {strides = array<i32>} : memref<32x768xf32, #tpu.memory_space<vmem>>, vector<16xf32>,
        tpu.vector_store %arg12[%swap3A_493, %swap3A_494], %broadcast_in_dim3A_169 {strides = array<i32>} : memref<32x768xf32, #tpu.memory_space<vmem>>, vector<16xf32>,
        %swap3A_496 = arith.index_cast %scan3A_463 : i32 to index
        %swap3A_497 = arith.constant 128 : index
        %swap3A_498 = tpu.vector_load %arg12[%swap3A_496, %swap3A_497] {strides = array<i32>} : memref<32x768xf32, #tpu.memory_space<vmem>>, vector<16xf32>,
        tpu.vector_store %arg12[%swap3A_496, %swap3A_497], %broadcast_in_dim3A_169 {strides = array<i32>} : memref<32x768xf32, #tpu.memory_space<vmem>>, vector<16xf32>,
        %swap3A_499 = arith.index_cast %scan3A_463 : i32 to index
        %swap3A_500 = arith.constant 144 : index
        %swap3A_501 = tpu.vector_load %arg12[%swap3A_499, %swap3A_500] {strides = array<i32>} : memref<32x768xf32, #tpu.memory_space<vmem>>, vector<16xf32>,
        tpu.vector_store %arg12[%swap3A_499, %swap3A_500], %broadcast_in_dim3A_169 {strides = array<i32>} : memref<32x768xf32, #tpu.memory_space<vmem>>, vector<16xf32>,
        %swap3A_502 = arith.index_cast %scan3A_463 : i32 to index
        %swap3A_503 = arith.constant 160 : index
        %swap3A_504 = tpu.vector_load %arg12[%swap3A_502, %swap3A_503] {strides = array<i32>} : memref<32x768xf32, #tpu.memory_space<vmem>>, vector<16xf32>,
        tpu.vector_store %arg12[%swap3A_502, %swap3A_503], %broadcast_in_dim3A_169 {strides = array<i32>} : memref<32x768xf32, #tpu.memory_space<vmem>>, vector<16xf32>,
        %swap3A_505 = arith.index_cast %scan3A_463 : i32 to index
        %swap3A_506 = arith.constant 176 : index
        %swap3A_507 = tpu.vector_load %arg12[%swap3A_505, %swap3A_506] {strides = array<i32>} : memref<32x768xf32, #tpu.memory_space<vmem>>, vector<16xf32>,
        tpu.vector_store %arg12[%swap3A_505, %swap3A_506], %broadcast_in_dim3A_169 {strides = array<i32>} : memref<32x768xf32, #tpu.memory_space<vmem>>, vector<16xf32>,
        %swap3A_508 = arith.index_cast %scan3A_463 : i32 to index
        %swap3A_509 = arith.constant 192 : index
        %swap3A_510 = tpu.vector_load %arg12[%swap3A_508, %swap3A_509] {strides = array<i32>} : memref<32x768xf32, #tpu.memory_space<vmem>>, vector<16xf32>,
        tpu.vector_store %arg12[%swap3A_508, %swap3A_509], %broadcast_in_dim3A_169 {strides = array<i32>} : memref<32x768xf32, #tpu.memory_space<vmem>>, vector<16xf32>,
        %swap3A_511 = arith.index_cast %scan3A_463 : i32 to index
        %swap3A_512 = arith.constant 208 : index
        %swap3A_513 = tpu.vector_load %arg12[%swap3A_511, %swap3A_512] {strides = array<i32>} : memref<32x768xf32, #tpu.memory_space<vmem>>, vector<16xf32>,
        tpu.vector_store %arg12[%swap3A_511, %swap3A_512], %broadcast_in_dim3A_169 {strides = array<i32>} : memref<32x768xf32, #tpu.memory_space<vmem>>, vector<16xf32>,
        %swap3A_514 = arith.index_cast %scan3A_463 : i32 to index
        %swap3A_515 = arith.constant 224 : index
        %swap3A_516 = tpu.vector_load %arg12[%swap3A_514, %swap3A_515] {strides = array<i32>} : memref<32x768xf32, #tpu.memory_space<vmem>>, vector<16xf32>,
        tpu.vector_store %arg12[%swap3A_514, %swap3A_515], %broadcast_in_dim3A_169 {strides = array<i32>} : memref<32x768xf32, #tpu.memory_space<vmem>>, vector<16xf32>,
        %swap3A_517 = arith.index_cast %scan3A_463 : i32 to index
        %swap3A_518 = arith.constant 240 : index
        %swap3A_519 = tpu.vector_load %arg12[%swap3A_517, %swap3A_518] {strides = array<i32>} : memref<32x768xf32, #tpu.memory_space<vmem>>, vector<16xf32>,
        tpu.vector_store %arg12[%swap3A_517, %swap3A_518], %broadcast_in_dim3A_169 {strides = array<i32>} : memref<32x768xf32, #tpu.memory_space<vmem>>, vector<16xf32>,
        %swap3A_520 = arith.index_cast %scan3A_463 : i32 to index
        %swap3A_521 = arith.constant 256 : index
        %swap3A_522 = tpu.vector_load %arg12[%swap3A_520, %swap3A_521] {strides = array<i32>} : memref<32x768xf32, #tpu.memory_space<vmem>>, vector<16xf32>,
        tpu.vector_store %arg12[%swap3A_520, %swap3A_521], %broadcast_in_dim3A_169 {strides = array<i32>} : memref<32x768xf32, #tpu.memory_space<vmem>>, vector<16xf32>,
        %swap3A_523 = arith.index_cast %scan3A_463 : i32 to index
        %swap3A_524 = arith.constant 272 : index
        %swap3A_525 = tpu.vector_load %arg12[%swap3A_523, %swap3A_524] {strides = array<i32>} : memref<32x768xf32, #tpu.memory_space<vmem>>, vector<16xf32>,
        tpu.vector_store %arg12[%swap3A_523, %swap3A_524], %broadcast_in_dim3A_169 {strides = array<i32>} : memref<32x768xf32, #tpu.memory_space<vmem>>, vector<16xf32>,
        %swap3A_526 = arith.index_cast %scan3A_463 : i32 to index
        %swap3A_527 = arith.constant 288 : index
        %swap3A_528 = tpu.vector_load %arg12[%swap3A_526, %swap3A_527] {strides = array<i32>} : memref<32x768xf32, #tpu.memory_space<vmem>>, vector<16xf32>,
        tpu.vector_store %arg12[%swap3A_526, %swap3A_527], %broadcast_in_dim3A_169 {strides = array<i32>} : memref<32x768xf32, #tpu.memory_space<vmem>>, vector<16xf32>,
        %swap3A_529 = arith.index_cast %scan3A_463 : i32 to index
        %swap3A_530 = arith.constant 304 : index
        %swap3A_531 = tpu.vector_load %arg12[%swap3A_529, %swap3A_530] {strides = array<i32>} : memref<32x768xf32, #tpu.memory_space<vmem>>, vector<16xf32>,
        tpu.vector_store %arg12[%swap3A_529, %swap3A_530], %broadcast_in_dim3A_169 {strides = array<i32>} : memref<32x768xf32, #tpu.memory_space<vmem>>, vector<16xf32>,
        %swap3A_532 = arith.index_cast %scan3A_463 : i32 to index
        %swap3A_533 = arith.constant 320 : index
        %swap3A_534 = tpu.vector_load %arg12[%swap3A_532, %swap3A_533] {strides = array<i32>} : memref<32x768xf32, #tpu.memory_space<vmem>>, vector<16xf32>,
        tpu.vector_store %arg12[%swap3A_532, %swap3A_533], %broadcast_in_dim3A_169 {strides = array<i32>} : memref<32x768xf32, #tpu.memory_space<vmem>>, vector<16xf32>,
        %swap3A_535 = arith.index_cast %scan3A_463 : i32 to index
        %swap3A_536 = arith.constant 336 : index
        %swap3A_537 = tpu.vector_load %arg12[%swap3A_535, %swap3A_536] {strides = array<i32>} : memref<32x768xf32, #tpu.memory_space<vmem>>, vector<16xf32>,
        tpu.vector_store %arg12[%swap3A_535, %swap3A_536], %broadcast_in_dim3A_169 {strides = array<i32>} : memref<32x768xf32, #tpu.memory_space<vmem>>, vector<16xf32>,
        %swap3A_538 = arith.index_cast %scan3A_463 : i32 to index
        %swap3A_539 = arith.constant 352 : index
        %swap3A_540 = tpu.vector_load %arg12[%swap3A_538, %swap3A_539] {strides = array<i32>} : memref<32x768xf32, #tpu.memory_space<vmem>>, vector<16xf32>,
        tpu.vector_store %arg12[%swap3A_538, %swap3A_539], %broadcast_in_dim3A_169 {strides = array<i32>} : memref<32x768xf32, #tpu.memory_space<vmem>>, vector<16xf32>,
        %swap3A_541 = arith.index_cast %scan3A_463 : i32 to index
        %swap3A_542 = arith.constant 368 : index
        %swap3A_543 = tpu.vector_load %arg12[%swap3A_541, %swap3A_542] {strides = array<i32>} : memref<32x768xf32, #tpu.memory_space<vmem>>, vector<16xf32>,
        tpu.vector_store %arg12[%swap3A_541, %swap3A_542], %broadcast_in_dim3A_169 {strides = array<i32>} : memref<32x768xf32, #tpu.memory_space<vmem>>, vector<16xf32>,
        %swap3A_544 = arith.index_cast %scan3A_463 : i32 to index
        %swap3A_545 = arith.constant 384 : index
        %swap3A_546 = tpu.vector_load %arg12[%swap3A_544, %swap3A_545] {strides = array<i32>} : memref<32x768xf32, #tpu.memory_space<vmem>>, vector<16xf32>,
        tpu.vector_store %arg12[%swap3A_544, %swap3A_545], %broadcast_in_dim3A_169 {strides = array<i32>} : memref<32x768xf32, #tpu.memory_space<vmem>>, vector<16xf32>,
        %swap3A_547 = arith.index_cast %scan3A_463 : i32 to index
        %swap3A_548 = arith.constant 400 : index
        %swap3A_549 = tpu.vector_load %arg12[%swap3A_547, %swap3A_548] {strides = array<i32>} : memref<32x768xf32, #tpu.memory_space<vmem>>, vector<16xf32>,
        tpu.vector_store %arg12[%swap3A_547, %swap3A_548], %broadcast_in_dim3A_169 {strides = array<i32>} : memref<32x768xf32, #tpu.memory_space<vmem>>, vector<16xf32>,
        %swap3A_550 = arith.index_cast %scan3A_463 : i32 to index
        %swap3A_551 = arith.constant 416 : index
        %swap3A_552 = tpu.vector_load %arg12[%swap3A_550, %swap3A_551] {strides = array<i32>} : memref<32x768xf32, #tpu.memory_space<vmem>>, vector<16xf32>,
        tpu.vector_store %arg12[%swap3A_550, %swap3A_551], %broadcast_in_dim3A_169 {strides = array<i32>} : memref<32x768xf32, #tpu.memory_space<vmem>>, vector<16xf32>,
        %swap3A_553 = arith.index_cast %scan3A_463 : i32 to index
        %swap3A_554 = arith.constant 432 : index
        %swap3A_555 = tpu.vector_load %arg12[%swap3A_553, %swap3A_554] {strides = array<i32>} : memref<32x768xf32, #tpu.memory_space<vmem>>, vector<16xf32>,
        tpu.vector_store %arg12[%swap3A_553, %swap3A_554], %broadcast_in_dim3A_169 {strides = array<i32>} : memref<32x768xf32, #tpu.memory_space<vmem>>, vector<16xf32>,
        %swap3A_556 = arith.index_cast %scan3A_463 : i32 to index
        %swap3A_557 = arith.constant 448 : index
        %swap3A_558 = tpu.vector_load %arg12[%swap3A_556, %swap3A_557] {strides = array<i32>} : memref<32x768xf32, #tpu.memory_space<vmem>>, vector<16xf32>,
        tpu.vector_store %arg12[%swap3A_556, %swap3A_557], %broadcast_in_dim3A_169 {strides = array<i32>} : memref<32x768xf32, #tpu.memory_space<vmem>>, vector<16xf32>,
        %swap3A_559 = arith.index_cast %scan3A_463 : i32 to index
        %swap3A_560 = arith.constant 464 : index
        %swap3A_561 = tpu.vector_load %arg12[%swap3A_559, %swap3A_560] {strides = array<i32>} : memref<32x768xf32, #tpu.memory_space<vmem>>, vector<16xf32>,
        tpu.vector_store %arg12[%swap3A_559, %swap3A_560], %broadcast_in_dim3A_169 {strides = array<i32>} : memref<32x768xf32, #tpu.memory_space<vmem>>, vector<16xf32>,
        %swap3A_562 = arith.index_cast %scan3A_463 : i32 to index
        %swap3A_563 = arith.constant 480 : index
        %swap3A_564 = tpu.vector_load %arg12[%swap3A_562, %swap3A_563] {strides = array<i32>} : memref<32x768xf32, #tpu.memory_space<vmem>>, vector<16xf32>,
        tpu.vector_store %arg12[%swap3A_562, %swap3A_563], %broadcast_in_dim3A_169 {strides = array<i32>} : memref<32x768xf32, #tpu.memory_space<vmem>>, vector<16xf32>,
        %swap3A_565 = arith.index_cast %scan3A_463 : i32 to index
        %swap3A_566 = arith.constant 496 : index
        %swap3A_567 = tpu.vector_load %arg12[%swap3A_565, %swap3A_566] {strides = array<i32>} : memref<32x768xf32, #tpu.memory_space<vmem>>, vector<16xf32>,
        tpu.vector_store %arg12[%swap3A_565, %swap3A_566], %broadcast_in_dim3A_169 {strides = array<i32>} : memref<32x768xf32, #tpu.memory_space<vmem>>, vector<16xf32>,
        %swap3A_568 = arith.index_cast %scan3A_463 : i32 to index
        %swap3A_569 = arith.constant 512 : index
        %swap3A_570 = tpu.vector_load %arg12[%swap3A_568, %swap3A_569] {strides = array<i32>} : memref<32x768xf32, #tpu.memory_space<vmem>>, vector<16xf32>,
        tpu.vector_store %arg12[%swap3A_568, %swap3A_569], %broadcast_in_dim3A_169 {strides = array<i32>} : memref<32x768xf32, #tpu.memory_space<vmem>>, vector<16xf32>,
        %swap3A_571 = arith.index_cast %scan3A_463 : i32 to index
        %swap3A_572 = arith.constant 528 : index
        %swap3A_573 = tpu.vector_load %arg12[%swap3A_571, %swap3A_572] {strides = array<i32>} : memref<32x768xf32, #tpu.memory_space<vmem>>, vector<16xf32>,
        tpu.vector_store %arg12[%swap3A_571, %swap3A_572], %broadcast_in_dim3A_169 {strides = array<i32>} : memref<32x768xf32, #tpu.memory_space<vmem>>, vector<16xf32>,
        %swap3A_574 = arith.index_cast %scan3A_463 : i32 to index
        %swap3A_575 = arith.constant 544 : index
        %swap3A_576 = tpu.vector_load %arg12[%swap3A_574, %swap3A_575] {strides = array<i32>} : memref<32x768xf32, #tpu.memory_space<vmem>>, vector<16xf32>,
        tpu.vector_store %arg12[%swap3A_574, %swap3A_575], %broadcast_in_dim3A_169 {strides = array<i32>} : memref<32x768xf32, #tpu.memory_space<vmem>>, vector<16xf32>,
        %swap3A_577 = arith.index_cast %scan3A_463 : i32 to index
        %swap3A_578 = arith.constant 560 : index
        %swap3A_579 = tpu.vector_load %arg12[%swap3A_577, %swap3A_578] {strides = array<i32>} : memref<32x768xf32, #tpu.memory_space<vmem>>, vector<16xf32>,
        tpu.vector_store %arg12[%swap3A_577, %swap3A_578], %broadcast_in_dim3A_169 {strides = array<i32>} : memref<32x768xf32, #tpu.memory_space<vmem>>, vector<16xf32>,
        %swap3A_580 = arith.index_cast %scan3A_463 : i32 to index
        %swap3A_581 = arith.constant 576 : index
        %swap3A_582 = tpu.vector_load %arg12[%swap3A_580, %swap3A_581] {strides = array<i32>} : memref<32x768xf32, #tpu.memory_space<vmem>>, vector<16xf32>,
        tpu.vector_store %arg12[%swap3A_580, %swap3A_581], %broadcast_in_dim3A_169 {strides = array<i32>} : memref<32x768xf32, #tpu.memory_space<vmem>>, vector<16xf32>,
        %swap3A_583 = arith.index_cast %scan3A_463 : i32 to index
        %swap3A_584 = arith.constant 592 : index
        %swap3A_585 = tpu.vector_load %arg12[%swap3A_583, %swap3A_584] {strides = array<i32>} : memref<32x768xf32, #tpu.memory_space<vmem>>, vector<16xf32>,
        tpu.vector_store %arg12[%swap3A_583, %swap3A_584], %broadcast_in_dim3A_169 {strides = array<i32>} : memref<32x768xf32, #tpu.memory_space<vmem>>, vector<16xf32>,
        %swap3A_586 = arith.index_cast %scan3A_463 : i32 to index
        %swap3A_587 = arith.constant 608 : index
        %swap3A_588 = tpu.vector_load %arg12[%swap3A_586, %swap3A_587] {strides = array<i32>} : memref<32x768xf32, #tpu.memory_space<vmem>>, vector<16xf32>,
        tpu.vector_store %arg12[%swap3A_586, %swap3A_587], %broadcast_in_dim3A_169 {strides = array<i32>} : memref<32x768xf32, #tpu.memory_space<vmem>>, vector<16xf32>,
        %swap3A_589 = arith.index_cast %scan3A_463 : i32 to index
        %swap3A_590 = arith.constant 624 : index
        %swap3A_591 = tpu.vector_load %arg12[%swap3A_589, %swap3A_590] {strides = array<i32>} : memref<32x768xf32, #tpu.memory_space<vmem>>, vector<16xf32>,
        tpu.vector_store %arg12[%swap3A_589, %swap3A_590], %broadcast_in_dim3A_169 {strides = array<i32>} : memref<32x768xf32, #tpu.memory_space<vmem>>, vector<16xf32>,
        %swap3A_592 = arith.index_cast %scan3A_463 : i32 to index
        %swap3A_593 = arith.constant 640 : index
        %swap3A_594 = tpu.vector_load %arg12[%swap3A_592, %swap3A_593] {strides = array<i32>} : memref<32x768xf32, #tpu.memory_space<vmem>>, vector<16xf32>,
        tpu.vector_store %arg12[%swap3A_592, %swap3A_593], %broadcast_in_dim3A_169 {strides = array<i32>} : memref<32x768xf32, #tpu.memory_space<vmem>>, vector<16xf32>,
        %swap3A_595 = arith.index_cast %scan3A_463 : i32 to index
        %swap3A_596 = arith.constant 656 : index
        %swap3A_597 = tpu.vector_load %arg12[%swap3A_595, %swap3A_596] {strides = array<i32>} : memref<32x768xf32, #tpu.memory_space<vmem>>, vector<16xf32>,
        tpu.vector_store %arg12[%swap3A_595, %swap3A_596], %broadcast_in_dim3A_169 {strides = array<i32>} : memref<32x768xf32, #tpu.memory_space<vmem>>, vector<16xf32>,
        %swap3A_598 = arith.index_cast %scan3A_463 : i32 to index
        %swap3A_599 = arith.constant 672 : index
        %swap3A_600 = tpu.vector_load %arg12[%swap3A_598, %swap3A_599] {strides = array<i32>} : memref<32x768xf32, #tpu.memory_space<vmem>>, vector<16xf32>,
        tpu.vector_store %arg12[%swap3A_598, %swap3A_599], %broadcast_in_dim3A_169 {strides = array<i32>} : memref<32x768xf32, #tpu.memory_space<vmem>>, vector<16xf32>,
        %swap3A_601 = arith.index_cast %scan3A_463 : i32 to index
        %swap3A_602 = arith.constant 688 : index
        %swap3A_603 = tpu.vector_load %arg12[%swap3A_601, %swap3A_602] {strides = array<i32>} : memref<32x768xf32, #tpu.memory_space<vmem>>, vector<16xf32>,
        tpu.vector_store %arg12[%swap3A_601, %swap3A_602], %broadcast_in_dim3A_169 {strides = array<i32>} : memref<32x768xf32, #tpu.memory_space<vmem>>, vector<16xf32>,
        %swap3A_604 = arith.index_cast %scan3A_463 : i32 to index
        %swap3A_605 = arith.constant 704 : index
        %swap3A_606 = tpu.vector_load %arg12[%swap3A_604, %swap3A_605] {strides = array<i32>} : memref<32x768xf32, #tpu.memory_space<vmem>>, vector<16xf32>,
        tpu.vector_store %arg12[%swap3A_604, %swap3A_605], %broadcast_in_dim3A_169 {strides = array<i32>} : memref<32x768xf32, #tpu.memory_space<vmem>>, vector<16xf32>,
        %swap3A_607 = arith.index_cast %scan3A_463 : i32 to index
        %swap3A_608 = arith.constant 720 : index
        %swap3A_609 = tpu.vector_load %arg12[%swap3A_607, %swap3A_608] {strides = array<i32>} : memref<32x768xf32, #tpu.memory_space<vmem>>, vector<16xf32>,
        tpu.vector_store %arg12[%swap3A_607, %swap3A_608], %broadcast_in_dim3A_169 {strides = array<i32>} : memref<32x768xf32, #tpu.memory_space<vmem>>, vector<16xf32>,
        %swap3A_610 = arith.index_cast %scan3A_463 : i32 to index
        %swap3A_611 = arith.constant 736 : index
        %swap3A_612 = tpu.vector_load %arg12[%swap3A_610, %swap3A_611] {strides = array<i32>} : memref<32x768xf32, #tpu.memory_space<vmem>>, vector<16xf32>,
        tpu.vector_store %arg12[%swap3A_610, %swap3A_611], %broadcast_in_dim3A_169 {strides = array<i32>} : memref<32x768xf32, #tpu.memory_space<vmem>>, vector<16xf32>,
        %swap3A_613 = arith.index_cast %scan3A_463 : i32 to index
        %swap3A_614 = arith.constant 752 : index
        %swap3A_615 = tpu.vector_load %arg12[%swap3A_613, %swap3A_614] {strides = array<i32>} : memref<32x768xf32, #tpu.memory_space<vmem>>, vector<16xf32>,
        tpu.vector_store %arg12[%swap3A_613, %swap3A_614], %broadcast_in_dim3A_169 {strides = array<i32>} : memref<32x768xf32, #tpu.memory_space<vmem>>, vector<16xf32>,
      } else {
      }
      %scan3A_471 = arith.constant 0 : i32
      scf.yield %scan3A_471 : i32
    }
    %scan3A_219 = arith.constant 32 : i32
    %mul3A_220 = arith.constant 2048 : i32
    %mul3A_221 = arith.muli %select_n3A, %mul3A_220 : i32
    %add3A_222 = arith.addi %mul3A_221, %mul3A_32 : i32
    %add3A_223 = arith.constant 32 : i32
    %add3A_224 = arith.addi %add3A_222, %add3A_223 : i32
    %dma_start3A_225 = arith.constant 0 : i32
    %dma_start3A_226 = tpu.memref_slice %arg4[%add3A_224, %dma_start3A_225] : memref<8192x768xf32, #tpu.memory_space<hbm>> -> memref<32x768xf32, #tpu.memory_space<hbm>>
    %dma_start3A_227 = arith.constant 0 : i32
    %dma_start3A_228 = tpu.memref_slice %arg4[%add3A_224, %dma_start3A_227] : memref<8192x768xf32, #tpu.memory_space<hbm>> -> memref<32x768xf32, #tpu.memory_space<hbm>>
    tpu.enqueue_dma source(%arg12 : memref<32x768xf32, #tpu.memory_space<vmem>>) target(%dma_start3A_228 : memref<32x768xf32, #tpu.memory_space<hbm>>) target_semaphore(%arg20 : memref<!tpu.dma_semaphore, #tpu.memory_space<semaphore_mem>>)
    %dma_wait3A_229 = arith.constant 0 : i32
    %dma_wait3A_230 = tpu.memref_slice %arg4[%add3A_183, %dma_wait3A_229] : memref<8192x768xf32, #tpu.memory_space<hbm>> -> memref<32x768xf32, #tpu.memory_space<hbm>>
    %dma_wait3A_231 = arith.constant 0 : i32
    %dma_wait3A_232 = tpu.memref_slice %arg4[%add3A_183, %dma_wait3A_231] : memref<8192x768xf32, #tpu.memory_space<hbm>> -> memref<32x768xf32, #tpu.memory_space<hbm>>
    tpu.wait_dma2 semaphore(%arg19 : memref<!tpu.dma_semaphore, #tpu.memory_space<semaphore_mem>>) src(%arg11 : memref<32x768xf32, #tpu.memory_space<vmem>>) dst(%dma_wait3A_232 : memref<32x768xf32, #tpu.memory_space<hbm>>)
    %mul3A_233 = arith.constant 2048 : i32
    %mul3A_234 = arith.muli %select_n3A, %mul3A_233 : i32
    %add3A_235 = arith.constant 2047 : i32
    %add3A_236 = arith.addi %mul3A_234, %add3A_235 : i32
    %sub3A_237 = arith.subi %add3A_236, %mul3A_32 : i32
    %sub3A_238 = arith.constant 128 : i32
    %sub3A_239 = arith.subi %sub3A_237, %sub3A_238 : i32
    %sub3A_240 = arith.constant 0 : i32
    %sub3A_241 = arith.subi %sub3A_239, %sub3A_240 : i32
    %sub3A_242 = vector.broadcast %sub3A_241 : i32 to vector<16xi32>
    %sub3A_243 = arith.subi %sub3A_242, %iota3A : vector<16xi32>
    %swap3A_244 = arith.constant 0 : index
    %swap3A_245 = tpu.vector_load %arg7[%swap3A_244] {strides = array<i32>} : memref<32xi32, #tpu.memory_space<vmem>>, vector<16xi32>,
    tpu.vector_store %arg7[%swap3A_244], %sub3A_243 {strides = array<i32>} : memref<32xi32, #tpu.memory_space<vmem>>, vector<16xi32>,
    %sub3A_246 = arith.constant 16 : i32
    %sub3A_247 = arith.subi %sub3A_239, %sub3A_246 : i32
    %sub3A_248 = vector.broadcast %sub3A_247 : i32 to vector<16xi32>
    %sub3A_249 = arith.subi %sub3A_248, %iota3A : vector<16xi32>
    %swap3A_250 = arith.constant 16 : index
    %swap3A_251 = tpu.vector_load %arg7[%swap3A_250] {strides = array<i32>} : memref<32xi32, #tpu.memory_space<vmem>>, vector<16xi32>,
    tpu.vector_store %arg7[%swap3A_250], %sub3A_249 {strides = array<i32>} : memref<32xi32, #tpu.memory_space<vmem>>, vector<16xi32>,
    %dma_start3A_252 = arith.constant 0 : i32
    %dma_start3A_253 = arith.constant 0 : i32
    %dma_start3A_254 = tpu.memref_slice %arg2[%dma_start3A_252, %dma_start3A_253] : memref<8192x768xf32, #tpu.memory_space<hbm>> -> memref<8192x768xf32, #tpu.memory_space<hbm>>
    tpu.enqueue_indirect_dma source(%dma_start3A_254 : memref<8192x768xf32, #tpu.memory_space<hbm>>) target(%arg11 : memref<32x768xf32, #tpu.memory_space<vmem>>) offsets(%arg7 : memref<32xi32, #tpu.memory_space<vmem>>) semaphore(%arg15 : memref<!tpu.dma_semaphore, #tpu.memory_space<semaphore_mem>>)
    %dma_wait3A_255 = arith.constant 0 : i32
    %dma_wait3A_256 = arith.constant 0 : i32
    %dma_wait3A_257 = tpu.memref_slice %arg2[%dma_wait3A_255, %dma_wait3A_256] : memref<8192x768xf32, #tpu.memory_space<hbm>> -> memref<8192x768xf32, #tpu.memory_space<hbm>>
    tpu.wait_indirect_dma semaphore(%arg17 : memref<!tpu.dma_semaphore, #tpu.memory_space<semaphore_mem>>) src(%dma_wait3A_257 : memref<8192x768xf32, #tpu.memory_space<hbm>>) dst(%arg13 : memref<32x768xf32, #tpu.memory_space<vmem>>)
    %scan3A_258 = arith.constant 0 : i32
    %scan3A_259 = arith.constant 0 : i32
    %scan3A_260 = arith.constant 32 : i32
    %scan3A_261 = arith.addi %scan3A_259, %scan3A_260 : i32
    %scan3A_262 = arith.constant 1 : i32
    %scan3A_263 = scf.for %scan3A_463 = %scan3A_259 to %scan3A_261 step %scan3A_262 iter_args(%scan3A_464 = %scan3A_258) -> (i32)  : i32 {
      %add3A_465 = arith.constant 64 : i32
      %add3A_466 = arith.addi %add3A_465, %scan3A_463 : i32
      %get3A = arith.index_cast %add3A_466 : i32 to index
      %get3A_467 = tpu.vector_load %arg6[%get3A] {strides = array<i32>} : memref<272xf32, #tpu.memory_space<vmem>>, vector<16xf32>,
      %slice3A = vector.extract_strided_slice %get3A_467 {offsets = [0], sizes = [1], strides = [1]} : vector<16xf32> to vector<1xf32>
      %squeeze3A = vector.extract %slice3A[0] : f32 from vector<1xf32>
      %eq3A_468 = arith.constant 0.000000e+00 : f32
      %eq3A_469 = arith.cmpf oeq, %squeeze3A, %eq3A_468 : f32
      %convert_element_type3A = arith.extui %eq3A_469 : i1 to i32
      %cond3A = arith.constant 0 : i32
      %cond3A_470 = arith.cmpi ne, %convert_element_type3A, %cond3A : i32
      scf.if %cond3A_470 {
        %swap3A_472 = arith.index_cast %scan3A_463 : i32 to index
        %swap3A_473 = arith.constant 0 : index
        %swap3A_474 = tpu.vector_load %arg13[%swap3A_472, %swap3A_473] {strides = array<i32>} : memref<32x768xf32, #tpu.memory_space<vmem>>, vector<16xf32>,
        tpu.vector_store %arg13[%swap3A_472, %swap3A_473], %broadcast_in_dim3A_169 {strides = array<i32>} : memref<32x768xf32, #tpu.memory_space<vmem>>, vector<16xf32>,
        %swap3A_475 = arith.index_cast %scan3A_463 : i32 to index
        %swap3A_476 = arith.constant 16 : index
        %swap3A_477 = tpu.vector_load %arg13[%swap3A_475, %swap3A_476] {strides = array<i32>} : memref<32x768xf32, #tpu.memory_space<vmem>>, vector<16xf32>,
        tpu.vector_store %arg13[%swap3A_475, %swap3A_476], %broadcast_in_dim3A_169 {strides = array<i32>} : memref<32x768xf32, #tpu.memory_space<vmem>>, vector<16xf32>,
        %swap3A_478 = arith.index_cast %scan3A_463 : i32 to index
        %swap3A_479 = arith.constant 32 : index
        %swap3A_480 = tpu.vector_load %arg13[%swap3A_478, %swap3A_479] {strides = array<i32>} : memref<32x768xf32, #tpu.memory_space<vmem>>, vector<16xf32>,
        tpu.vector_store %arg13[%swap3A_478, %swap3A_479], %broadcast_in_dim3A_169 {strides = array<i32>} : memref<32x768xf32, #tpu.memory_space<vmem>>, vector<16xf32>,
        %swap3A_481 = arith.index_cast %scan3A_463 : i32 to index
        %swap3A_482 = arith.constant 48 : index
        %swap3A_483 = tpu.vector_load %arg13[%swap3A_481, %swap3A_482] {strides = array<i32>} : memref<32x768xf32, #tpu.memory_space<vmem>>, vector<16xf32>,
        tpu.vector_store %arg13[%swap3A_481, %swap3A_482], %broadcast_in_dim3A_169 {strides = array<i32>} : memref<32x768xf32, #tpu.memory_space<vmem>>, vector<16xf32>,
        %swap3A_484 = arith.index_cast %scan3A_463 : i32 to index
        %swap3A_485 = arith.constant 64 : index
        %swap3A_486 = tpu.vector_load %arg13[%swap3A_484, %swap3A_485] {strides = array<i32>} : memref<32x768xf32, #tpu.memory_space<vmem>>, vector<16xf32>,
        tpu.vector_store %arg13[%swap3A_484, %swap3A_485], %broadcast_in_dim3A_169 {strides = array<i32>} : memref<32x768xf32, #tpu.memory_space<vmem>>, vector<16xf32>,
        %swap3A_487 = arith.index_cast %scan3A_463 : i32 to index
        %swap3A_488 = arith.constant 80 : index
        %swap3A_489 = tpu.vector_load %arg13[%swap3A_487, %swap3A_488] {strides = array<i32>} : memref<32x768xf32, #tpu.memory_space<vmem>>, vector<16xf32>,
        tpu.vector_store %arg13[%swap3A_487, %swap3A_488], %broadcast_in_dim3A_169 {strides = array<i32>} : memref<32x768xf32, #tpu.memory_space<vmem>>, vector<16xf32>,
        %swap3A_490 = arith.index_cast %scan3A_463 : i32 to index
        %swap3A_491 = arith.constant 96 : index
        %swap3A_492 = tpu.vector_load %arg13[%swap3A_490, %swap3A_491] {strides = array<i32>} : memref<32x768xf32, #tpu.memory_space<vmem>>, vector<16xf32>,
        tpu.vector_store %arg13[%swap3A_490, %swap3A_491], %broadcast_in_dim3A_169 {strides = array<i32>} : memref<32x768xf32, #tpu.memory_space<vmem>>, vector<16xf32>,
        %swap3A_493 = arith.index_cast %scan3A_463 : i32 to index
        %swap3A_494 = arith.constant 112 : index
        %swap3A_495 = tpu.vector_load %arg13[%swap3A_493, %swap3A_494] {strides = array<i32>} : memref<32x768xf32, #tpu.memory_space<vmem>>, vector<16xf32>,
        tpu.vector_store %arg13[%swap3A_493, %swap3A_494], %broadcast_in_dim3A_169 {strides = array<i32>} : memref<32x768xf32, #tpu.memory_space<vmem>>, vector<16xf32>,
        %swap3A_496 = arith.index_cast %scan3A_463 : i32 to index
        %swap3A_497 = arith.constant 128 : index
        %swap3A_498 = tpu.vector_load %arg13[%swap3A_496, %swap3A_497] {strides = array<i32>} : memref<32x768xf32, #tpu.memory_space<vmem>>, vector<16xf32>,
        tpu.vector_store %arg13[%swap3A_496, %swap3A_497], %broadcast_in_dim3A_169 {strides = array<i32>} : memref<32x768xf32, #tpu.memory_space<vmem>>, vector<16xf32>,
        %swap3A_499 = arith.index_cast %scan3A_463 : i32 to index
        %swap3A_500 = arith.constant 144 : index
        %swap3A_501 = tpu.vector_load %arg13[%swap3A_499, %swap3A_500] {strides = array<i32>} : memref<32x768xf32, #tpu.memory_space<vmem>>, vector<16xf32>,
        tpu.vector_store %arg13[%swap3A_499, %swap3A_500], %broadcast_in_dim3A_169 {strides = array<i32>} : memref<32x768xf32, #tpu.memory_space<vmem>>, vector<16xf32>,
        %swap3A_502 = arith.index_cast %scan3A_463 : i32 to index
        %swap3A_503 = arith.constant 160 : index
        %swap3A_504 = tpu.vector_load %arg13[%swap3A_502, %swap3A_503] {strides = array<i32>} : memref<32x768xf32, #tpu.memory_space<vmem>>, vector<16xf32>,
        tpu.vector_store %arg13[%swap3A_502, %swap3A_503], %broadcast_in_dim3A_169 {strides = array<i32>} : memref<32x768xf32, #tpu.memory_space<vmem>>, vector<16xf32>,
        %swap3A_505 = arith.index_cast %scan3A_463 : i32 to index
        %swap3A_506 = arith.constant 176 : index
        %swap3A_507 = tpu.vector_load %arg13[%swap3A_505, %swap3A_506] {strides = array<i32>} : memref<32x768xf32, #tpu.memory_space<vmem>>, vector<16xf32>,
        tpu.vector_store %arg13[%swap3A_505, %swap3A_506], %broadcast_in_dim3A_169 {strides = array<i32>} : memref<32x768xf32, #tpu.memory_space<vmem>>, vector<16xf32>,
        %swap3A_508 = arith.index_cast %scan3A_463 : i32 to index
        %swap3A_509 = arith.constant 192 : index
        %swap3A_510 = tpu.vector_load %arg13[%swap3A_508, %swap3A_509] {strides = array<i32>} : memref<32x768xf32, #tpu.memory_space<vmem>>, vector<16xf32>,
        tpu.vector_store %arg13[%swap3A_508, %swap3A_509], %broadcast_in_dim3A_169 {strides = array<i32>} : memref<32x768xf32, #tpu.memory_space<vmem>>, vector<16xf32>,
        %swap3A_511 = arith.index_cast %scan3A_463 : i32 to index
        %swap3A_512 = arith.constant 208 : index
        %swap3A_513 = tpu.vector_load %arg13[%swap3A_511, %swap3A_512] {strides = array<i32>} : memref<32x768xf32, #tpu.memory_space<vmem>>, vector<16xf32>,
        tpu.vector_store %arg13[%swap3A_511, %swap3A_512], %broadcast_in_dim3A_169 {strides = array<i32>} : memref<32x768xf32, #tpu.memory_space<vmem>>, vector<16xf32>,
        %swap3A_514 = arith.index_cast %scan3A_463 : i32 to index
        %swap3A_515 = arith.constant 224 : index
        %swap3A_516 = tpu.vector_load %arg13[%swap3A_514, %swap3A_515] {strides = array<i32>} : memref<32x768xf32, #tpu.memory_space<vmem>>, vector<16xf32>,
        tpu.vector_store %arg13[%swap3A_514, %swap3A_515], %broadcast_in_dim3A_169 {strides = array<i32>} : memref<32x768xf32, #tpu.memory_space<vmem>>, vector<16xf32>,
        %swap3A_517 = arith.index_cast %scan3A_463 : i32 to index
        %swap3A_518 = arith.constant 240 : index
        %swap3A_519 = tpu.vector_load %arg13[%swap3A_517, %swap3A_518] {strides = array<i32>} : memref<32x768xf32, #tpu.memory_space<vmem>>, vector<16xf32>,
        tpu.vector_store %arg13[%swap3A_517, %swap3A_518], %broadcast_in_dim3A_169 {strides = array<i32>} : memref<32x768xf32, #tpu.memory_space<vmem>>, vector<16xf32>,
        %swap3A_520 = arith.index_cast %scan3A_463 : i32 to index
        %swap3A_521 = arith.constant 256 : index
        %swap3A_522 = tpu.vector_load %arg13[%swap3A_520, %swap3A_521] {strides = array<i32>} : memref<32x768xf32, #tpu.memory_space<vmem>>, vector<16xf32>,
        tpu.vector_store %arg13[%swap3A_520, %swap3A_521], %broadcast_in_dim3A_169 {strides = array<i32>} : memref<32x768xf32, #tpu.memory_space<vmem>>, vector<16xf32>,
        %swap3A_523 = arith.index_cast %scan3A_463 : i32 to index
        %swap3A_524 = arith.constant 272 : index
        %swap3A_525 = tpu.vector_load %arg13[%swap3A_523, %swap3A_524] {strides = array<i32>} : memref<32x768xf32, #tpu.memory_space<vmem>>, vector<16xf32>,
        tpu.vector_store %arg13[%swap3A_523, %swap3A_524], %broadcast_in_dim3A_169 {strides = array<i32>} : memref<32x768xf32, #tpu.memory_space<vmem>>, vector<16xf32>,
        %swap3A_526 = arith.index_cast %scan3A_463 : i32 to index
        %swap3A_527 = arith.constant 288 : index
        %swap3A_528 = tpu.vector_load %arg13[%swap3A_526, %swap3A_527] {strides = array<i32>} : memref<32x768xf32, #tpu.memory_space<vmem>>, vector<16xf32>,
        tpu.vector_store %arg13[%swap3A_526, %swap3A_527], %broadcast_in_dim3A_169 {strides = array<i32>} : memref<32x768xf32, #tpu.memory_space<vmem>>, vector<16xf32>,
        %swap3A_529 = arith.index_cast %scan3A_463 : i32 to index
        %swap3A_530 = arith.constant 304 : index
        %swap3A_531 = tpu.vector_load %arg13[%swap3A_529, %swap3A_530] {strides = array<i32>} : memref<32x768xf32, #tpu.memory_space<vmem>>, vector<16xf32>,
        tpu.vector_store %arg13[%swap3A_529, %swap3A_530], %broadcast_in_dim3A_169 {strides = array<i32>} : memref<32x768xf32, #tpu.memory_space<vmem>>, vector<16xf32>,
        %swap3A_532 = arith.index_cast %scan3A_463 : i32 to index
        %swap3A_533 = arith.constant 320 : index
        %swap3A_534 = tpu.vector_load %arg13[%swap3A_532, %swap3A_533] {strides = array<i32>} : memref<32x768xf32, #tpu.memory_space<vmem>>, vector<16xf32>,
        tpu.vector_store %arg13[%swap3A_532, %swap3A_533], %broadcast_in_dim3A_169 {strides = array<i32>} : memref<32x768xf32, #tpu.memory_space<vmem>>, vector<16xf32>,
        %swap3A_535 = arith.index_cast %scan3A_463 : i32 to index
        %swap3A_536 = arith.constant 336 : index
        %swap3A_537 = tpu.vector_load %arg13[%swap3A_535, %swap3A_536] {strides = array<i32>} : memref<32x768xf32, #tpu.memory_space<vmem>>, vector<16xf32>,
        tpu.vector_store %arg13[%swap3A_535, %swap3A_536], %broadcast_in_dim3A_169 {strides = array<i32>} : memref<32x768xf32, #tpu.memory_space<vmem>>, vector<16xf32>,
        %swap3A_538 = arith.index_cast %scan3A_463 : i32 to index
        %swap3A_539 = arith.constant 352 : index
        %swap3A_540 = tpu.vector_load %arg13[%swap3A_538, %swap3A_539] {strides = array<i32>} : memref<32x768xf32, #tpu.memory_space<vmem>>, vector<16xf32>,
        tpu.vector_store %arg13[%swap3A_538, %swap3A_539], %broadcast_in_dim3A_169 {strides = array<i32>} : memref<32x768xf32, #tpu.memory_space<vmem>>, vector<16xf32>,
        %swap3A_541 = arith.index_cast %scan3A_463 : i32 to index
        %swap3A_542 = arith.constant 368 : index
        %swap3A_543 = tpu.vector_load %arg13[%swap3A_541, %swap3A_542] {strides = array<i32>} : memref<32x768xf32, #tpu.memory_space<vmem>>, vector<16xf32>,
        tpu.vector_store %arg13[%swap3A_541, %swap3A_542], %broadcast_in_dim3A_169 {strides = array<i32>} : memref<32x768xf32, #tpu.memory_space<vmem>>, vector<16xf32>,
        %swap3A_544 = arith.index_cast %scan3A_463 : i32 to index
        %swap3A_545 = arith.constant 384 : index
        %swap3A_546 = tpu.vector_load %arg13[%swap3A_544, %swap3A_545] {strides = array<i32>} : memref<32x768xf32, #tpu.memory_space<vmem>>, vector<16xf32>,
        tpu.vector_store %arg13[%swap3A_544, %swap3A_545], %broadcast_in_dim3A_169 {strides = array<i32>} : memref<32x768xf32, #tpu.memory_space<vmem>>, vector<16xf32>,
        %swap3A_547 = arith.index_cast %scan3A_463 : i32 to index
        %swap3A_548 = arith.constant 400 : index
        %swap3A_549 = tpu.vector_load %arg13[%swap3A_547, %swap3A_548] {strides = array<i32>} : memref<32x768xf32, #tpu.memory_space<vmem>>, vector<16xf32>,
        tpu.vector_store %arg13[%swap3A_547, %swap3A_548], %broadcast_in_dim3A_169 {strides = array<i32>} : memref<32x768xf32, #tpu.memory_space<vmem>>, vector<16xf32>,
        %swap3A_550 = arith.index_cast %scan3A_463 : i32 to index
        %swap3A_551 = arith.constant 416 : index
        %swap3A_552 = tpu.vector_load %arg13[%swap3A_550, %swap3A_551] {strides = array<i32>} : memref<32x768xf32, #tpu.memory_space<vmem>>, vector<16xf32>,
        tpu.vector_store %arg13[%swap3A_550, %swap3A_551], %broadcast_in_dim3A_169 {strides = array<i32>} : memref<32x768xf32, #tpu.memory_space<vmem>>, vector<16xf32>,
        %swap3A_553 = arith.index_cast %scan3A_463 : i32 to index
        %swap3A_554 = arith.constant 432 : index
        %swap3A_555 = tpu.vector_load %arg13[%swap3A_553, %swap3A_554] {strides = array<i32>} : memref<32x768xf32, #tpu.memory_space<vmem>>, vector<16xf32>,
        tpu.vector_store %arg13[%swap3A_553, %swap3A_554], %broadcast_in_dim3A_169 {strides = array<i32>} : memref<32x768xf32, #tpu.memory_space<vmem>>, vector<16xf32>,
        %swap3A_556 = arith.index_cast %scan3A_463 : i32 to index
        %swap3A_557 = arith.constant 448 : index
        %swap3A_558 = tpu.vector_load %arg13[%swap3A_556, %swap3A_557] {strides = array<i32>} : memref<32x768xf32, #tpu.memory_space<vmem>>, vector<16xf32>,
        tpu.vector_store %arg13[%swap3A_556, %swap3A_557], %broadcast_in_dim3A_169 {strides = array<i32>} : memref<32x768xf32, #tpu.memory_space<vmem>>, vector<16xf32>,
        %swap3A_559 = arith.index_cast %scan3A_463 : i32 to index
        %swap3A_560 = arith.constant 464 : index
        %swap3A_561 = tpu.vector_load %arg13[%swap3A_559, %swap3A_560] {strides = array<i32>} : memref<32x768xf32, #tpu.memory_space<vmem>>, vector<16xf32>,
        tpu.vector_store %arg13[%swap3A_559, %swap3A_560], %broadcast_in_dim3A_169 {strides = array<i32>} : memref<32x768xf32, #tpu.memory_space<vmem>>, vector<16xf32>,
        %swap3A_562 = arith.index_cast %scan3A_463 : i32 to index
        %swap3A_563 = arith.constant 480 : index
        %swap3A_564 = tpu.vector_load %arg13[%swap3A_562, %swap3A_563] {strides = array<i32>} : memref<32x768xf32, #tpu.memory_space<vmem>>, vector<16xf32>,
        tpu.vector_store %arg13[%swap3A_562, %swap3A_563], %broadcast_in_dim3A_169 {strides = array<i32>} : memref<32x768xf32, #tpu.memory_space<vmem>>, vector<16xf32>,
        %swap3A_565 = arith.index_cast %scan3A_463 : i32 to index
        %swap3A_566 = arith.constant 496 : index
        %swap3A_567 = tpu.vector_load %arg13[%swap3A_565, %swap3A_566] {strides = array<i32>} : memref<32x768xf32, #tpu.memory_space<vmem>>, vector<16xf32>,
        tpu.vector_store %arg13[%swap3A_565, %swap3A_566], %broadcast_in_dim3A_169 {strides = array<i32>} : memref<32x768xf32, #tpu.memory_space<vmem>>, vector<16xf32>,
        %swap3A_568 = arith.index_cast %scan3A_463 : i32 to index
        %swap3A_569 = arith.constant 512 : index
        %swap3A_570 = tpu.vector_load %arg13[%swap3A_568, %swap3A_569] {strides = array<i32>} : memref<32x768xf32, #tpu.memory_space<vmem>>, vector<16xf32>,
        tpu.vector_store %arg13[%swap3A_568, %swap3A_569], %broadcast_in_dim3A_169 {strides = array<i32>} : memref<32x768xf32, #tpu.memory_space<vmem>>, vector<16xf32>,
        %swap3A_571 = arith.index_cast %scan3A_463 : i32 to index
        %swap3A_572 = arith.constant 528 : index
        %swap3A_573 = tpu.vector_load %arg13[%swap3A_571, %swap3A_572] {strides = array<i32>} : memref<32x768xf32, #tpu.memory_space<vmem>>, vector<16xf32>,
        tpu.vector_store %arg13[%swap3A_571, %swap3A_572], %broadcast_in_dim3A_169 {strides = array<i32>} : memref<32x768xf32, #tpu.memory_space<vmem>>, vector<16xf32>,
        %swap3A_574 = arith.index_cast %scan3A_463 : i32 to index
        %swap3A_575 = arith.constant 544 : index
        %swap3A_576 = tpu.vector_load %arg13[%swap3A_574, %swap3A_575] {strides = array<i32>} : memref<32x768xf32, #tpu.memory_space<vmem>>, vector<16xf32>,
        tpu.vector_store %arg13[%swap3A_574, %swap3A_575], %broadcast_in_dim3A_169 {strides = array<i32>} : memref<32x768xf32, #tpu.memory_space<vmem>>, vector<16xf32>,
        %swap3A_577 = arith.index_cast %scan3A_463 : i32 to index
        %swap3A_578 = arith.constant 560 : index
        %swap3A_579 = tpu.vector_load %arg13[%swap3A_577, %swap3A_578] {strides = array<i32>} : memref<32x768xf32, #tpu.memory_space<vmem>>, vector<16xf32>,
        tpu.vector_store %arg13[%swap3A_577, %swap3A_578], %broadcast_in_dim3A_169 {strides = array<i32>} : memref<32x768xf32, #tpu.memory_space<vmem>>, vector<16xf32>,
        %swap3A_580 = arith.index_cast %scan3A_463 : i32 to index
        %swap3A_581 = arith.constant 576 : index
        %swap3A_582 = tpu.vector_load %arg13[%swap3A_580, %swap3A_581] {strides = array<i32>} : memref<32x768xf32, #tpu.memory_space<vmem>>, vector<16xf32>,
        tpu.vector_store %arg13[%swap3A_580, %swap3A_581], %broadcast_in_dim3A_169 {strides = array<i32>} : memref<32x768xf32, #tpu.memory_space<vmem>>, vector<16xf32>,
        %swap3A_583 = arith.index_cast %scan3A_463 : i32 to index
        %swap3A_584 = arith.constant 592 : index
        %swap3A_585 = tpu.vector_load %arg13[%swap3A_583, %swap3A_584] {strides = array<i32>} : memref<32x768xf32, #tpu.memory_space<vmem>>, vector<16xf32>,
        tpu.vector_store %arg13[%swap3A_583, %swap3A_584], %broadcast_in_dim3A_169 {strides = array<i32>} : memref<32x768xf32, #tpu.memory_space<vmem>>, vector<16xf32>,
        %swap3A_586 = arith.index_cast %scan3A_463 : i32 to index
        %swap3A_587 = arith.constant 608 : index
        %swap3A_588 = tpu.vector_load %arg13[%swap3A_586, %swap3A_587] {strides = array<i32>} : memref<32x768xf32, #tpu.memory_space<vmem>>, vector<16xf32>,
        tpu.vector_store %arg13[%swap3A_586, %swap3A_587], %broadcast_in_dim3A_169 {strides = array<i32>} : memref<32x768xf32, #tpu.memory_space<vmem>>, vector<16xf32>,
        %swap3A_589 = arith.index_cast %scan3A_463 : i32 to index
        %swap3A_590 = arith.constant 624 : index
        %swap3A_591 = tpu.vector_load %arg13[%swap3A_589, %swap3A_590] {strides = array<i32>} : memref<32x768xf32, #tpu.memory_space<vmem>>, vector<16xf32>,
        tpu.vector_store %arg13[%swap3A_589, %swap3A_590], %broadcast_in_dim3A_169 {strides = array<i32>} : memref<32x768xf32, #tpu.memory_space<vmem>>, vector<16xf32>,
        %swap3A_592 = arith.index_cast %scan3A_463 : i32 to index
        %swap3A_593 = arith.constant 640 : index
        %swap3A_594 = tpu.vector_load %arg13[%swap3A_592, %swap3A_593] {strides = array<i32>} : memref<32x768xf32, #tpu.memory_space<vmem>>, vector<16xf32>,
        tpu.vector_store %arg13[%swap3A_592, %swap3A_593], %broadcast_in_dim3A_169 {strides = array<i32>} : memref<32x768xf32, #tpu.memory_space<vmem>>, vector<16xf32>,
        %swap3A_595 = arith.index_cast %scan3A_463 : i32 to index
        %swap3A_596 = arith.constant 656 : index
        %swap3A_597 = tpu.vector_load %arg13[%swap3A_595, %swap3A_596] {strides = array<i32>} : memref<32x768xf32, #tpu.memory_space<vmem>>, vector<16xf32>,
        tpu.vector_store %arg13[%swap3A_595, %swap3A_596], %broadcast_in_dim3A_169 {strides = array<i32>} : memref<32x768xf32, #tpu.memory_space<vmem>>, vector<16xf32>,
        %swap3A_598 = arith.index_cast %scan3A_463 : i32 to index
        %swap3A_599 = arith.constant 672 : index
        %swap3A_600 = tpu.vector_load %arg13[%swap3A_598, %swap3A_599] {strides = array<i32>} : memref<32x768xf32, #tpu.memory_space<vmem>>, vector<16xf32>,
        tpu.vector_store %arg13[%swap3A_598, %swap3A_599], %broadcast_in_dim3A_169 {strides = array<i32>} : memref<32x768xf32, #tpu.memory_space<vmem>>, vector<16xf32>,
        %swap3A_601 = arith.index_cast %scan3A_463 : i32 to index
        %swap3A_602 = arith.constant 688 : index
        %swap3A_603 = tpu.vector_load %arg13[%swap3A_601, %swap3A_602] {strides = array<i32>} : memref<32x768xf32, #tpu.memory_space<vmem>>, vector<16xf32>,
        tpu.vector_store %arg13[%swap3A_601, %swap3A_602], %broadcast_in_dim3A_169 {strides = array<i32>} : memref<32x768xf32, #tpu.memory_space<vmem>>, vector<16xf32>,
        %swap3A_604 = arith.index_cast %scan3A_463 : i32 to index
        %swap3A_605 = arith.constant 704 : index
        %swap3A_606 = tpu.vector_load %arg13[%swap3A_604, %swap3A_605] {strides = array<i32>} : memref<32x768xf32, #tpu.memory_space<vmem>>, vector<16xf32>,
        tpu.vector_store %arg13[%swap3A_604, %swap3A_605], %broadcast_in_dim3A_169 {strides = array<i32>} : memref<32x768xf32, #tpu.memory_space<vmem>>, vector<16xf32>,
        %swap3A_607 = arith.index_cast %scan3A_463 : i32 to index
        %swap3A_608 = arith.constant 720 : index
        %swap3A_609 = tpu.vector_load %arg13[%swap3A_607, %swap3A_608] {strides = array<i32>} : memref<32x768xf32, #tpu.memory_space<vmem>>, vector<16xf32>,
        tpu.vector_store %arg13[%swap3A_607, %swap3A_608], %broadcast_in_dim3A_169 {strides = array<i32>} : memref<32x768xf32, #tpu.memory_space<vmem>>, vector<16xf32>,
        %swap3A_610 = arith.index_cast %scan3A_463 : i32 to index
        %swap3A_611 = arith.constant 736 : index
        %swap3A_612 = tpu.vector_load %arg13[%swap3A_610, %swap3A_611] {strides = array<i32>} : memref<32x768xf32, #tpu.memory_space<vmem>>, vector<16xf32>,
        tpu.vector_store %arg13[%swap3A_610, %swap3A_611], %broadcast_in_dim3A_169 {strides = array<i32>} : memref<32x768xf32, #tpu.memory_space<vmem>>, vector<16xf32>,
        %swap3A_613 = arith.index_cast %scan3A_463 : i32 to index
        %swap3A_614 = arith.constant 752 : index
        %swap3A_615 = tpu.vector_load %arg13[%swap3A_613, %swap3A_614] {strides = array<i32>} : memref<32x768xf32, #tpu.memory_space<vmem>>, vector<16xf32>,
        tpu.vector_store %arg13[%swap3A_613, %swap3A_614], %broadcast_in_dim3A_169 {strides = array<i32>} : memref<32x768xf32, #tpu.memory_space<vmem>>, vector<16xf32>,
      } else {
      }
      %scan3A_471 = arith.constant 0 : i32
      scf.yield %scan3A_471 : i32
    }
    %scan3A_264 = arith.constant 32 : i32
    %mul3A_265 = arith.constant 2048 : i32
    %mul3A_266 = arith.muli %select_n3A, %mul3A_265 : i32
    %add3A_267 = arith.addi %mul3A_266, %mul3A_32 : i32
    %add3A_268 = arith.constant 64 : i32
    %add3A_269 = arith.addi %add3A_267, %add3A_268 : i32
    %dma_start3A_270 = arith.constant 0 : i32
    %dma_start3A_271 = tpu.memref_slice %arg4[%add3A_269, %dma_start3A_270] : memref<8192x768xf32, #tpu.memory_space<hbm>> -> memref<32x768xf32, #tpu.memory_space<hbm>>
    %dma_start3A_272 = arith.constant 0 : i32
    %dma_start3A_273 = tpu.memref_slice %arg4[%add3A_269, %dma_start3A_272] : memref<8192x768xf32, #tpu.memory_space<hbm>> -> memref<32x768xf32, #tpu.memory_space<hbm>>
    tpu.enqueue_dma source(%arg13 : memref<32x768xf32, #tpu.memory_space<vmem>>) target(%dma_start3A_273 : memref<32x768xf32, #tpu.memory_space<hbm>>) target_semaphore(%arg21 : memref<!tpu.dma_semaphore, #tpu.memory_space<semaphore_mem>>)
    %dma_wait3A_274 = arith.constant 0 : i32
    %dma_wait3A_275 = tpu.memref_slice %arg4[%add3A_224, %dma_wait3A_274] : memref<8192x768xf32, #tpu.memory_space<hbm>> -> memref<32x768xf32, #tpu.memory_space<hbm>>
    %dma_wait3A_276 = arith.constant 0 : i32
    %dma_wait3A_277 = tpu.memref_slice %arg4[%add3A_224, %dma_wait3A_276] : memref<8192x768xf32, #tpu.memory_space<hbm>> -> memref<32x768xf32, #tpu.memory_space<hbm>>
    tpu.wait_dma2 semaphore(%arg20 : memref<!tpu.dma_semaphore, #tpu.memory_space<semaphore_mem>>) src(%arg12 : memref<32x768xf32, #tpu.memory_space<vmem>>) dst(%dma_wait3A_277 : memref<32x768xf32, #tpu.memory_space<hbm>>)
    %mul3A_278 = arith.constant 2048 : i32
    %mul3A_279 = arith.muli %select_n3A, %mul3A_278 : i32
    %add3A_280 = arith.constant 2047 : i32
    %add3A_281 = arith.addi %mul3A_279, %add3A_280 : i32
    %sub3A_282 = arith.subi %add3A_281, %mul3A_32 : i32
    %sub3A_283 = arith.constant 160 : i32
    %sub3A_284 = arith.subi %sub3A_282, %sub3A_283 : i32
    %sub3A_285 = arith.constant 0 : i32
    %sub3A_286 = arith.subi %sub3A_284, %sub3A_285 : i32
    %sub3A_287 = vector.broadcast %sub3A_286 : i32 to vector<16xi32>
    %sub3A_288 = arith.subi %sub3A_287, %iota3A : vector<16xi32>
    %swap3A_289 = arith.constant 0 : index
    %swap3A_290 = tpu.vector_load %arg8[%swap3A_289] {strides = array<i32>} : memref<32xi32, #tpu.memory_space<vmem>>, vector<16xi32>,
    tpu.vector_store %arg8[%swap3A_289], %sub3A_288 {strides = array<i32>} : memref<32xi32, #tpu.memory_space<vmem>>, vector<16xi32>,
    %sub3A_291 = arith.constant 16 : i32
    %sub3A_292 = arith.subi %sub3A_284, %sub3A_291 : i32
    %sub3A_293 = vector.broadcast %sub3A_292 : i32 to vector<16xi32>
    %sub3A_294 = arith.subi %sub3A_293, %iota3A : vector<16xi32>
    %swap3A_295 = arith.constant 16 : index
    %swap3A_296 = tpu.vector_load %arg8[%swap3A_295] {strides = array<i32>} : memref<32xi32, #tpu.memory_space<vmem>>, vector<16xi32>,
    tpu.vector_store %arg8[%swap3A_295], %sub3A_294 {strides = array<i32>} : memref<32xi32, #tpu.memory_space<vmem>>, vector<16xi32>,
    %dma_start3A_297 = arith.constant 0 : i32
    %dma_start3A_298 = arith.constant 0 : i32
    %dma_start3A_299 = tpu.memref_slice %arg2[%dma_start3A_297, %dma_start3A_298] : memref<8192x768xf32, #tpu.memory_space<hbm>> -> memref<8192x768xf32, #tpu.memory_space<hbm>>
    tpu.enqueue_indirect_dma source(%dma_start3A_299 : memref<8192x768xf32, #tpu.memory_space<hbm>>) target(%arg12 : memref<32x768xf32, #tpu.memory_space<vmem>>) offsets(%arg8 : memref<32xi32, #tpu.memory_space<vmem>>) semaphore(%arg16 : memref<!tpu.dma_semaphore, #tpu.memory_space<semaphore_mem>>)
    %dma_wait3A_300 = arith.constant 0 : i32
    %dma_wait3A_301 = arith.constant 0 : i32
    %dma_wait3A_302 = tpu.memref_slice %arg2[%dma_wait3A_300, %dma_wait3A_301] : memref<8192x768xf32, #tpu.memory_space<hbm>> -> memref<8192x768xf32, #tpu.memory_space<hbm>>
    tpu.wait_indirect_dma semaphore(%arg18 : memref<!tpu.dma_semaphore, #tpu.memory_space<semaphore_mem>>) src(%dma_wait3A_302 : memref<8192x768xf32, #tpu.memory_space<hbm>>) dst(%arg14 : memref<32x768xf32, #tpu.memory_space<vmem>>)
    %scan3A_303 = arith.constant 0 : i32
    %scan3A_304 = arith.constant 0 : i32
    %scan3A_305 = arith.constant 32 : i32
    %scan3A_306 = arith.addi %scan3A_304, %scan3A_305 : i32
    %scan3A_307 = arith.constant 1 : i32
    %scan3A_308 = scf.for %scan3A_463 = %scan3A_304 to %scan3A_306 step %scan3A_307 iter_args(%scan3A_464 = %scan3A_303) -> (i32)  : i32 {
      %add3A_465 = arith.constant 96 : i32
      %add3A_466 = arith.addi %add3A_465, %scan3A_463 : i32
      %get3A = arith.index_cast %add3A_466 : i32 to index
      %get3A_467 = tpu.vector_load %arg6[%get3A] {strides = array<i32>} : memref<272xf32, #tpu.memory_space<vmem>>, vector<16xf32>,
      %slice3A = vector.extract_strided_slice %get3A_467 {offsets = [0], sizes = [1], strides = [1]} : vector<16xf32> to vector<1xf32>
      %squeeze3A = vector.extract %slice3A[0] : f32 from vector<1xf32>
      %eq3A_468 = arith.constant 0.000000e+00 : f32
      %eq3A_469 = arith.cmpf oeq, %squeeze3A, %eq3A_468 : f32
      %convert_element_type3A = arith.extui %eq3A_469 : i1 to i32
      %cond3A = arith.constant 0 : i32
      %cond3A_470 = arith.cmpi ne, %convert_element_type3A, %cond3A : i32
      scf.if %cond3A_470 {
        %swap3A_472 = arith.index_cast %scan3A_463 : i32 to index
        %swap3A_473 = arith.constant 0 : index
        %swap3A_474 = tpu.vector_load %arg14[%swap3A_472, %swap3A_473] {strides = array<i32>} : memref<32x768xf32, #tpu.memory_space<vmem>>, vector<16xf32>,
        tpu.vector_store %arg14[%swap3A_472, %swap3A_473], %broadcast_in_dim3A_169 {strides = array<i32>} : memref<32x768xf32, #tpu.memory_space<vmem>>, vector<16xf32>,
        %swap3A_475 = arith.index_cast %scan3A_463 : i32 to index
        %swap3A_476 = arith.constant 16 : index
        %swap3A_477 = tpu.vector_load %arg14[%swap3A_475, %swap3A_476] {strides = array<i32>} : memref<32x768xf32, #tpu.memory_space<vmem>>, vector<16xf32>,
        tpu.vector_store %arg14[%swap3A_475, %swap3A_476], %broadcast_in_dim3A_169 {strides = array<i32>} : memref<32x768xf32, #tpu.memory_space<vmem>>, vector<16xf32>,
        %swap3A_478 = arith.index_cast %scan3A_463 : i32 to index
        %swap3A_479 = arith.constant 32 : index
        %swap3A_480 = tpu.vector_load %arg14[%swap3A_478, %swap3A_479] {strides = array<i32>} : memref<32x768xf32, #tpu.memory_space<vmem>>, vector<16xf32>,
        tpu.vector_store %arg14[%swap3A_478, %swap3A_479], %broadcast_in_dim3A_169 {strides = array<i32>} : memref<32x768xf32, #tpu.memory_space<vmem>>, vector<16xf32>,
        %swap3A_481 = arith.index_cast %scan3A_463 : i32 to index
        %swap3A_482 = arith.constant 48 : index
        %swap3A_483 = tpu.vector_load %arg14[%swap3A_481, %swap3A_482] {strides = array<i32>} : memref<32x768xf32, #tpu.memory_space<vmem>>, vector<16xf32>,
        tpu.vector_store %arg14[%swap3A_481, %swap3A_482], %broadcast_in_dim3A_169 {strides = array<i32>} : memref<32x768xf32, #tpu.memory_space<vmem>>, vector<16xf32>,
        %swap3A_484 = arith.index_cast %scan3A_463 : i32 to index
        %swap3A_485 = arith.constant 64 : index
        %swap3A_486 = tpu.vector_load %arg14[%swap3A_484, %swap3A_485] {strides = array<i32>} : memref<32x768xf32, #tpu.memory_space<vmem>>, vector<16xf32>,
        tpu.vector_store %arg14[%swap3A_484, %swap3A_485], %broadcast_in_dim3A_169 {strides = array<i32>} : memref<32x768xf32, #tpu.memory_space<vmem>>, vector<16xf32>,
        %swap3A_487 = arith.index_cast %scan3A_463 : i32 to index
        %swap3A_488 = arith.constant 80 : index
        %swap3A_489 = tpu.vector_load %arg14[%swap3A_487, %swap3A_488] {strides = array<i32>} : memref<32x768xf32, #tpu.memory_space<vmem>>, vector<16xf32>,
        tpu.vector_store %arg14[%swap3A_487, %swap3A_488], %broadcast_in_dim3A_169 {strides = array<i32>} : memref<32x768xf32, #tpu.memory_space<vmem>>, vector<16xf32>,
        %swap3A_490 = arith.index_cast %scan3A_463 : i32 to index
        %swap3A_491 = arith.constant 96 : index
        %swap3A_492 = tpu.vector_load %arg14[%swap3A_490, %swap3A_491] {strides = array<i32>} : memref<32x768xf32, #tpu.memory_space<vmem>>, vector<16xf32>,
        tpu.vector_store %arg14[%swap3A_490, %swap3A_491], %broadcast_in_dim3A_169 {strides = array<i32>} : memref<32x768xf32, #tpu.memory_space<vmem>>, vector<16xf32>,
        %swap3A_493 = arith.index_cast %scan3A_463 : i32 to index
        %swap3A_494 = arith.constant 112 : index
        %swap3A_495 = tpu.vector_load %arg14[%swap3A_493, %swap3A_494] {strides = array<i32>} : memref<32x768xf32, #tpu.memory_space<vmem>>, vector<16xf32>,
        tpu.vector_store %arg14[%swap3A_493, %swap3A_494], %broadcast_in_dim3A_169 {strides = array<i32>} : memref<32x768xf32, #tpu.memory_space<vmem>>, vector<16xf32>,
        %swap3A_496 = arith.index_cast %scan3A_463 : i32 to index
        %swap3A_497 = arith.constant 128 : index
        %swap3A_498 = tpu.vector_load %arg14[%swap3A_496, %swap3A_497] {strides = array<i32>} : memref<32x768xf32, #tpu.memory_space<vmem>>, vector<16xf32>,
        tpu.vector_store %arg14[%swap3A_496, %swap3A_497], %broadcast_in_dim3A_169 {strides = array<i32>} : memref<32x768xf32, #tpu.memory_space<vmem>>, vector<16xf32>,
        %swap3A_499 = arith.index_cast %scan3A_463 : i32 to index
        %swap3A_500 = arith.constant 144 : index
        %swap3A_501 = tpu.vector_load %arg14[%swap3A_499, %swap3A_500] {strides = array<i32>} : memref<32x768xf32, #tpu.memory_space<vmem>>, vector<16xf32>,
        tpu.vector_store %arg14[%swap3A_499, %swap3A_500], %broadcast_in_dim3A_169 {strides = array<i32>} : memref<32x768xf32, #tpu.memory_space<vmem>>, vector<16xf32>,
        %swap3A_502 = arith.index_cast %scan3A_463 : i32 to index
        %swap3A_503 = arith.constant 160 : index
        %swap3A_504 = tpu.vector_load %arg14[%swap3A_502, %swap3A_503] {strides = array<i32>} : memref<32x768xf32, #tpu.memory_space<vmem>>, vector<16xf32>,
        tpu.vector_store %arg14[%swap3A_502, %swap3A_503], %broadcast_in_dim3A_169 {strides = array<i32>} : memref<32x768xf32, #tpu.memory_space<vmem>>, vector<16xf32>,
        %swap3A_505 = arith.index_cast %scan3A_463 : i32 to index
        %swap3A_506 = arith.constant 176 : index
        %swap3A_507 = tpu.vector_load %arg14[%swap3A_505, %swap3A_506] {strides = array<i32>} : memref<32x768xf32, #tpu.memory_space<vmem>>, vector<16xf32>,
        tpu.vector_store %arg14[%swap3A_505, %swap3A_506], %broadcast_in_dim3A_169 {strides = array<i32>} : memref<32x768xf32, #tpu.memory_space<vmem>>, vector<16xf32>,
        %swap3A_508 = arith.index_cast %scan3A_463 : i32 to index
        %swap3A_509 = arith.constant 192 : index
        %swap3A_510 = tpu.vector_load %arg14[%swap3A_508, %swap3A_509] {strides = array<i32>} : memref<32x768xf32, #tpu.memory_space<vmem>>, vector<16xf32>,
        tpu.vector_store %arg14[%swap3A_508, %swap3A_509], %broadcast_in_dim3A_169 {strides = array<i32>} : memref<32x768xf32, #tpu.memory_space<vmem>>, vector<16xf32>,
        %swap3A_511 = arith.index_cast %scan3A_463 : i32 to index
        %swap3A_512 = arith.constant 208 : index
        %swap3A_513 = tpu.vector_load %arg14[%swap3A_511, %swap3A_512] {strides = array<i32>} : memref<32x768xf32, #tpu.memory_space<vmem>>, vector<16xf32>,
        tpu.vector_store %arg14[%swap3A_511, %swap3A_512], %broadcast_in_dim3A_169 {strides = array<i32>} : memref<32x768xf32, #tpu.memory_space<vmem>>, vector<16xf32>,
        %swap3A_514 = arith.index_cast %scan3A_463 : i32 to index
        %swap3A_515 = arith.constant 224 : index
        %swap3A_516 = tpu.vector_load %arg14[%swap3A_514, %swap3A_515] {strides = array<i32>} : memref<32x768xf32, #tpu.memory_space<vmem>>, vector<16xf32>,
        tpu.vector_store %arg14[%swap3A_514, %swap3A_515], %broadcast_in_dim3A_169 {strides = array<i32>} : memref<32x768xf32, #tpu.memory_space<vmem>>, vector<16xf32>,
        %swap3A_517 = arith.index_cast %scan3A_463 : i32 to index
        %swap3A_518 = arith.constant 240 : index
        %swap3A_519 = tpu.vector_load %arg14[%swap3A_517, %swap3A_518] {strides = array<i32>} : memref<32x768xf32, #tpu.memory_space<vmem>>, vector<16xf32>,
        tpu.vector_store %arg14[%swap3A_517, %swap3A_518], %broadcast_in_dim3A_169 {strides = array<i32>} : memref<32x768xf32, #tpu.memory_space<vmem>>, vector<16xf32>,
        %swap3A_520 = arith.index_cast %scan3A_463 : i32 to index
        %swap3A_521 = arith.constant 256 : index
        %swap3A_522 = tpu.vector_load %arg14[%swap3A_520, %swap3A_521] {strides = array<i32>} : memref<32x768xf32, #tpu.memory_space<vmem>>, vector<16xf32>,
        tpu.vector_store %arg14[%swap3A_520, %swap3A_521], %broadcast_in_dim3A_169 {strides = array<i32>} : memref<32x768xf32, #tpu.memory_space<vmem>>, vector<16xf32>,
        %swap3A_523 = arith.index_cast %scan3A_463 : i32 to index
        %swap3A_524 = arith.constant 272 : index
        %swap3A_525 = tpu.vector_load %arg14[%swap3A_523, %swap3A_524] {strides = array<i32>} : memref<32x768xf32, #tpu.memory_space<vmem>>, vector<16xf32>,
        tpu.vector_store %arg14[%swap3A_523, %swap3A_524], %broadcast_in_dim3A_169 {strides = array<i32>} : memref<32x768xf32, #tpu.memory_space<vmem>>, vector<16xf32>,
        %swap3A_526 = arith.index_cast %scan3A_463 : i32 to index
        %swap3A_527 = arith.constant 288 : index
        %swap3A_528 = tpu.vector_load %arg14[%swap3A_526, %swap3A_527] {strides = array<i32>} : memref<32x768xf32, #tpu.memory_space<vmem>>, vector<16xf32>,
        tpu.vector_store %arg14[%swap3A_526, %swap3A_527], %broadcast_in_dim3A_169 {strides = array<i32>} : memref<32x768xf32, #tpu.memory_space<vmem>>, vector<16xf32>,
        %swap3A_529 = arith.index_cast %scan3A_463 : i32 to index
        %swap3A_530 = arith.constant 304 : index
        %swap3A_531 = tpu.vector_load %arg14[%swap3A_529, %swap3A_530] {strides = array<i32>} : memref<32x768xf32, #tpu.memory_space<vmem>>, vector<16xf32>,
        tpu.vector_store %arg14[%swap3A_529, %swap3A_530], %broadcast_in_dim3A_169 {strides = array<i32>} : memref<32x768xf32, #tpu.memory_space<vmem>>, vector<16xf32>,
        %swap3A_532 = arith.index_cast %scan3A_463 : i32 to index
        %swap3A_533 = arith.constant 320 : index
        %swap3A_534 = tpu.vector_load %arg14[%swap3A_532, %swap3A_533] {strides = array<i32>} : memref<32x768xf32, #tpu.memory_space<vmem>>, vector<16xf32>,
        tpu.vector_store %arg14[%swap3A_532, %swap3A_533], %broadcast_in_dim3A_169 {strides = array<i32>} : memref<32x768xf32, #tpu.memory_space<vmem>>, vector<16xf32>,
        %swap3A_535 = arith.index_cast %scan3A_463 : i32 to index
        %swap3A_536 = arith.constant 336 : index
        %swap3A_537 = tpu.vector_load %arg14[%swap3A_535, %swap3A_536] {strides = array<i32>} : memref<32x768xf32, #tpu.memory_space<vmem>>, vector<16xf32>,
        tpu.vector_store %arg14[%swap3A_535, %swap3A_536], %broadcast_in_dim3A_169 {strides = array<i32>} : memref<32x768xf32, #tpu.memory_space<vmem>>, vector<16xf32>,
        %swap3A_538 = arith.index_cast %scan3A_463 : i32 to index
        %swap3A_539 = arith.constant 352 : index
        %swap3A_540 = tpu.vector_load %arg14[%swap3A_538, %swap3A_539] {strides = array<i32>} : memref<32x768xf32, #tpu.memory_space<vmem>>, vector<16xf32>,
        tpu.vector_store %arg14[%swap3A_538, %swap3A_539], %broadcast_in_dim3A_169 {strides = array<i32>} : memref<32x768xf32, #tpu.memory_space<vmem>>, vector<16xf32>,
        %swap3A_541 = arith.index_cast %scan3A_463 : i32 to index
        %swap3A_542 = arith.constant 368 : index
        %swap3A_543 = tpu.vector_load %arg14[%swap3A_541, %swap3A_542] {strides = array<i32>} : memref<32x768xf32, #tpu.memory_space<vmem>>, vector<16xf32>,
        tpu.vector_store %arg14[%swap3A_541, %swap3A_542], %broadcast_in_dim3A_169 {strides = array<i32>} : memref<32x768xf32, #tpu.memory_space<vmem>>, vector<16xf32>,
        %swap3A_544 = arith.index_cast %scan3A_463 : i32 to index
        %swap3A_545 = arith.constant 384 : index
        %swap3A_546 = tpu.vector_load %arg14[%swap3A_544, %swap3A_545] {strides = array<i32>} : memref<32x768xf32, #tpu.memory_space<vmem>>, vector<16xf32>,
        tpu.vector_store %arg14[%swap3A_544, %swap3A_545], %broadcast_in_dim3A_169 {strides = array<i32>} : memref<32x768xf32, #tpu.memory_space<vmem>>, vector<16xf32>,
        %swap3A_547 = arith.index_cast %scan3A_463 : i32 to index
        %swap3A_548 = arith.constant 400 : index
        %swap3A_549 = tpu.vector_load %arg14[%swap3A_547, %swap3A_548] {strides = array<i32>} : memref<32x768xf32, #tpu.memory_space<vmem>>, vector<16xf32>,
        tpu.vector_store %arg14[%swap3A_547, %swap3A_548], %broadcast_in_dim3A_169 {strides = array<i32>} : memref<32x768xf32, #tpu.memory_space<vmem>>, vector<16xf32>,
        %swap3A_550 = arith.index_cast %scan3A_463 : i32 to index
        %swap3A_551 = arith.constant 416 : index
        %swap3A_552 = tpu.vector_load %arg14[%swap3A_550, %swap3A_551] {strides = array<i32>} : memref<32x768xf32, #tpu.memory_space<vmem>>, vector<16xf32>,
        tpu.vector_store %arg14[%swap3A_550, %swap3A_551], %broadcast_in_dim3A_169 {strides = array<i32>} : memref<32x768xf32, #tpu.memory_space<vmem>>, vector<16xf32>,
        %swap3A_553 = arith.index_cast %scan3A_463 : i32 to index
        %swap3A_554 = arith.constant 432 : index
        %swap3A_555 = tpu.vector_load %arg14[%swap3A_553, %swap3A_554] {strides = array<i32>} : memref<32x768xf32, #tpu.memory_space<vmem>>, vector<16xf32>,
        tpu.vector_store %arg14[%swap3A_553, %swap3A_554], %broadcast_in_dim3A_169 {strides = array<i32>} : memref<32x768xf32, #tpu.memory_space<vmem>>, vector<16xf32>,
        %swap3A_556 = arith.index_cast %scan3A_463 : i32 to index
        %swap3A_557 = arith.constant 448 : index
        %swap3A_558 = tpu.vector_load %arg14[%swap3A_556, %swap3A_557] {strides = array<i32>} : memref<32x768xf32, #tpu.memory_space<vmem>>, vector<16xf32>,
        tpu.vector_store %arg14[%swap3A_556, %swap3A_557], %broadcast_in_dim3A_169 {strides = array<i32>} : memref<32x768xf32, #tpu.memory_space<vmem>>, vector<16xf32>,
        %swap3A_559 = arith.index_cast %scan3A_463 : i32 to index
        %swap3A_560 = arith.constant 464 : index
        %swap3A_561 = tpu.vector_load %arg14[%swap3A_559, %swap3A_560] {strides = array<i32>} : memref<32x768xf32, #tpu.memory_space<vmem>>, vector<16xf32>,
        tpu.vector_store %arg14[%swap3A_559, %swap3A_560], %broadcast_in_dim3A_169 {strides = array<i32>} : memref<32x768xf32, #tpu.memory_space<vmem>>, vector<16xf32>,
        %swap3A_562 = arith.index_cast %scan3A_463 : i32 to index
        %swap3A_563 = arith.constant 480 : index
        %swap3A_564 = tpu.vector_load %arg14[%swap3A_562, %swap3A_563] {strides = array<i32>} : memref<32x768xf32, #tpu.memory_space<vmem>>, vector<16xf32>,
        tpu.vector_store %arg14[%swap3A_562, %swap3A_563], %broadcast_in_dim3A_169 {strides = array<i32>} : memref<32x768xf32, #tpu.memory_space<vmem>>, vector<16xf32>,
        %swap3A_565 = arith.index_cast %scan3A_463 : i32 to index
        %swap3A_566 = arith.constant 496 : index
        %swap3A_567 = tpu.vector_load %arg14[%swap3A_565, %swap3A_566] {strides = array<i32>} : memref<32x768xf32, #tpu.memory_space<vmem>>, vector<16xf32>,
        tpu.vector_store %arg14[%swap3A_565, %swap3A_566], %broadcast_in_dim3A_169 {strides = array<i32>} : memref<32x768xf32, #tpu.memory_space<vmem>>, vector<16xf32>,
        %swap3A_568 = arith.index_cast %scan3A_463 : i32 to index
        %swap3A_569 = arith.constant 512 : index
        %swap3A_570 = tpu.vector_load %arg14[%swap3A_568, %swap3A_569] {strides = array<i32>} : memref<32x768xf32, #tpu.memory_space<vmem>>, vector<16xf32>,
        tpu.vector_store %arg14[%swap3A_568, %swap3A_569], %broadcast_in_dim3A_169 {strides = array<i32>} : memref<32x768xf32, #tpu.memory_space<vmem>>, vector<16xf32>,
        %swap3A_571 = arith.index_cast %scan3A_463 : i32 to index
        %swap3A_572 = arith.constant 528 : index
        %swap3A_573 = tpu.vector_load %arg14[%swap3A_571, %swap3A_572] {strides = array<i32>} : memref<32x768xf32, #tpu.memory_space<vmem>>, vector<16xf32>,
        tpu.vector_store %arg14[%swap3A_571, %swap3A_572], %broadcast_in_dim3A_169 {strides = array<i32>} : memref<32x768xf32, #tpu.memory_space<vmem>>, vector<16xf32>,
        %swap3A_574 = arith.index_cast %scan3A_463 : i32 to index
        %swap3A_575 = arith.constant 544 : index
        %swap3A_576 = tpu.vector_load %arg14[%swap3A_574, %swap3A_575] {strides = array<i32>} : memref<32x768xf32, #tpu.memory_space<vmem>>, vector<16xf32>,
        tpu.vector_store %arg14[%swap3A_574, %swap3A_575], %broadcast_in_dim3A_169 {strides = array<i32>} : memref<32x768xf32, #tpu.memory_space<vmem>>, vector<16xf32>,
        %swap3A_577 = arith.index_cast %scan3A_463 : i32 to index
        %swap3A_578 = arith.constant 560 : index
        %swap3A_579 = tpu.vector_load %arg14[%swap3A_577, %swap3A_578] {strides = array<i32>} : memref<32x768xf32, #tpu.memory_space<vmem>>, vector<16xf32>,
        tpu.vector_store %arg14[%swap3A_577, %swap3A_578], %broadcast_in_dim3A_169 {strides = array<i32>} : memref<32x768xf32, #tpu.memory_space<vmem>>, vector<16xf32>,
        %swap3A_580 = arith.index_cast %scan3A_463 : i32 to index
        %swap3A_581 = arith.constant 576 : index
        %swap3A_582 = tpu.vector_load %arg14[%swap3A_580, %swap3A_581] {strides = array<i32>} : memref<32x768xf32, #tpu.memory_space<vmem>>, vector<16xf32>,
        tpu.vector_store %arg14[%swap3A_580, %swap3A_581], %broadcast_in_dim3A_169 {strides = array<i32>} : memref<32x768xf32, #tpu.memory_space<vmem>>, vector<16xf32>,
        %swap3A_583 = arith.index_cast %scan3A_463 : i32 to index
        %swap3A_584 = arith.constant 592 : index
        %swap3A_585 = tpu.vector_load %arg14[%swap3A_583, %swap3A_584] {strides = array<i32>} : memref<32x768xf32, #tpu.memory_space<vmem>>, vector<16xf32>,
        tpu.vector_store %arg14[%swap3A_583, %swap3A_584], %broadcast_in_dim3A_169 {strides = array<i32>} : memref<32x768xf32, #tpu.memory_space<vmem>>, vector<16xf32>,
        %swap3A_586 = arith.index_cast %scan3A_463 : i32 to index
        %swap3A_587 = arith.constant 608 : index
        %swap3A_588 = tpu.vector_load %arg14[%swap3A_586, %swap3A_587] {strides = array<i32>} : memref<32x768xf32, #tpu.memory_space<vmem>>, vector<16xf32>,
        tpu.vector_store %arg14[%swap3A_586, %swap3A_587], %broadcast_in_dim3A_169 {strides = array<i32>} : memref<32x768xf32, #tpu.memory_space<vmem>>, vector<16xf32>,
        %swap3A_589 = arith.index_cast %scan3A_463 : i32 to index
        %swap3A_590 = arith.constant 624 : index
        %swap3A_591 = tpu.vector_load %arg14[%swap3A_589, %swap3A_590] {strides = array<i32>} : memref<32x768xf32, #tpu.memory_space<vmem>>, vector<16xf32>,
        tpu.vector_store %arg14[%swap3A_589, %swap3A_590], %broadcast_in_dim3A_169 {strides = array<i32>} : memref<32x768xf32, #tpu.memory_space<vmem>>, vector<16xf32>,
        %swap3A_592 = arith.index_cast %scan3A_463 : i32 to index
        %swap3A_593 = arith.constant 640 : index
        %swap3A_594 = tpu.vector_load %arg14[%swap3A_592, %swap3A_593] {strides = array<i32>} : memref<32x768xf32, #tpu.memory_space<vmem>>, vector<16xf32>,
        tpu.vector_store %arg14[%swap3A_592, %swap3A_593], %broadcast_in_dim3A_169 {strides = array<i32>} : memref<32x768xf32, #tpu.memory_space<vmem>>, vector<16xf32>,
        %swap3A_595 = arith.index_cast %scan3A_463 : i32 to index
        %swap3A_596 = arith.constant 656 : index
        %swap3A_597 = tpu.vector_load %arg14[%swap3A_595, %swap3A_596] {strides = array<i32>} : memref<32x768xf32, #tpu.memory_space<vmem>>, vector<16xf32>,
        tpu.vector_store %arg14[%swap3A_595, %swap3A_596], %broadcast_in_dim3A_169 {strides = array<i32>} : memref<32x768xf32, #tpu.memory_space<vmem>>, vector<16xf32>,
        %swap3A_598 = arith.index_cast %scan3A_463 : i32 to index
        %swap3A_599 = arith.constant 672 : index
        %swap3A_600 = tpu.vector_load %arg14[%swap3A_598, %swap3A_599] {strides = array<i32>} : memref<32x768xf32, #tpu.memory_space<vmem>>, vector<16xf32>,
        tpu.vector_store %arg14[%swap3A_598, %swap3A_599], %broadcast_in_dim3A_169 {strides = array<i32>} : memref<32x768xf32, #tpu.memory_space<vmem>>, vector<16xf32>,
        %swap3A_601 = arith.index_cast %scan3A_463 : i32 to index
        %swap3A_602 = arith.constant 688 : index
        %swap3A_603 = tpu.vector_load %arg14[%swap3A_601, %swap3A_602] {strides = array<i32>} : memref<32x768xf32, #tpu.memory_space<vmem>>, vector<16xf32>,
        tpu.vector_store %arg14[%swap3A_601, %swap3A_602], %broadcast_in_dim3A_169 {strides = array<i32>} : memref<32x768xf32, #tpu.memory_space<vmem>>, vector<16xf32>,
        %swap3A_604 = arith.index_cast %scan3A_463 : i32 to index
        %swap3A_605 = arith.constant 704 : index
        %swap3A_606 = tpu.vector_load %arg14[%swap3A_604, %swap3A_605] {strides = array<i32>} : memref<32x768xf32, #tpu.memory_space<vmem>>, vector<16xf32>,
        tpu.vector_store %arg14[%swap3A_604, %swap3A_605], %broadcast_in_dim3A_169 {strides = array<i32>} : memref<32x768xf32, #tpu.memory_space<vmem>>, vector<16xf32>,
        %swap3A_607 = arith.index_cast %scan3A_463 : i32 to index
        %swap3A_608 = arith.constant 720 : index
        %swap3A_609 = tpu.vector_load %arg14[%swap3A_607, %swap3A_608] {strides = array<i32>} : memref<32x768xf32, #tpu.memory_space<vmem>>, vector<16xf32>,
        tpu.vector_store %arg14[%swap3A_607, %swap3A_608], %broadcast_in_dim3A_169 {strides = array<i32>} : memref<32x768xf32, #tpu.memory_space<vmem>>, vector<16xf32>,
        %swap3A_610 = arith.index_cast %scan3A_463 : i32 to index
        %swap3A_611 = arith.constant 736 : index
        %swap3A_612 = tpu.vector_load %arg14[%swap3A_610, %swap3A_611] {strides = array<i32>} : memref<32x768xf32, #tpu.memory_space<vmem>>, vector<16xf32>,
        tpu.vector_store %arg14[%swap3A_610, %swap3A_611], %broadcast_in_dim3A_169 {strides = array<i32>} : memref<32x768xf32, #tpu.memory_space<vmem>>, vector<16xf32>,
        %swap3A_613 = arith.index_cast %scan3A_463 : i32 to index
        %swap3A_614 = arith.constant 752 : index
        %swap3A_615 = tpu.vector_load %arg14[%swap3A_613, %swap3A_614] {strides = array<i32>} : memref<32x768xf32, #tpu.memory_space<vmem>>, vector<16xf32>,
        tpu.vector_store %arg14[%swap3A_613, %swap3A_614], %broadcast_in_dim3A_169 {strides = array<i32>} : memref<32x768xf32, #tpu.memory_space<vmem>>, vector<16xf32>,
      } else {
      }
      %scan3A_471 = arith.constant 0 : i32
      scf.yield %scan3A_471 : i32
    }
    %scan3A_309 = arith.constant 32 : i32
    %mul3A_310 = arith.constant 2048 : i32
    %mul3A_311 = arith.muli %select_n3A, %mul3A_310 : i32
    %add3A_312 = arith.addi %mul3A_311, %mul3A_32 : i32
    %add3A_313 = arith.constant 96 : i32
    %add3A_314 = arith.addi %add3A_312, %add3A_313 : i32
    %dma_start3A_315 = arith.constant 0 : i32
    %dma_start3A_316 = tpu.memref_slice %arg4[%add3A_314, %dma_start3A_315] : memref<8192x768xf32, #tpu.memory_space<hbm>> -> memref<32x768xf32, #tpu.memory_space<hbm>>
    %dma_start3A_317 = arith.constant 0 : i32
    %dma_start3A_318 = tpu.memref_slice %arg4[%add3A_314, %dma_start3A_317] : memref<8192x768xf32, #tpu.memory_space<hbm>> -> memref<32x768xf32, #tpu.memory_space<hbm>>
    tpu.enqueue_dma source(%arg14 : memref<32x768xf32, #tpu.memory_space<vmem>>) target(%dma_start3A_318 : memref<32x768xf32, #tpu.memory_space<hbm>>) target_semaphore(%arg22 : memref<!tpu.dma_semaphore, #tpu.memory_space<semaphore_mem>>)
    %dma_wait3A_319 = arith.constant 0 : i32
    %dma_wait3A_320 = tpu.memref_slice %arg4[%add3A_269, %dma_wait3A_319] : memref<8192x768xf32, #tpu.memory_space<hbm>> -> memref<32x768xf32, #tpu.memory_space<hbm>>
    %dma_wait3A_321 = arith.constant 0 : i32
    %dma_wait3A_322 = tpu.memref_slice %arg4[%add3A_269, %dma_wait3A_321] : memref<8192x768xf32, #tpu.memory_space<hbm>> -> memref<32x768xf32, #tpu.memory_space<hbm>>
    tpu.wait_dma2 semaphore(%arg21 : memref<!tpu.dma_semaphore, #tpu.memory_space<semaphore_mem>>) src(%arg13 : memref<32x768xf32, #tpu.memory_space<vmem>>) dst(%dma_wait3A_322 : memref<32x768xf32, #tpu.memory_space<hbm>>)
    %mul3A_323 = arith.constant 2048 : i32
    %mul3A_324 = arith.muli %select_n3A, %mul3A_323 : i32
    %add3A_325 = arith.constant 2047 : i32
    %add3A_326 = arith.addi %mul3A_324, %add3A_325 : i32
    %sub3A_327 = arith.subi %add3A_326, %mul3A_32 : i32
    %sub3A_328 = arith.constant 192 : i32
    %sub3A_329 = arith.subi %sub3A_327, %sub3A_328 : i32
    %sub3A_330 = arith.constant 0 : i32
    %sub3A_331 = arith.subi %sub3A_329, %sub3A_330 : i32
    %sub3A_332 = vector.broadcast %sub3A_331 : i32 to vector<16xi32>
    %sub3A_333 = arith.subi %sub3A_332, %iota3A : vector<16xi32>
    %swap3A_334 = arith.constant 0 : index
    %swap3A_335 = tpu.vector_load %arg9[%swap3A_334] {strides = array<i32>} : memref<32xi32, #tpu.memory_space<vmem>>, vector<16xi32>,
    tpu.vector_store %arg9[%swap3A_334], %sub3A_333 {strides = array<i32>} : memref<32xi32, #tpu.memory_space<vmem>>, vector<16xi32>,
    %sub3A_336 = arith.constant 16 : i32
    %sub3A_337 = arith.subi %sub3A_329, %sub3A_336 : i32
    %sub3A_338 = vector.broadcast %sub3A_337 : i32 to vector<16xi32>
    %sub3A_339 = arith.subi %sub3A_338, %iota3A : vector<16xi32>
    %swap3A_340 = arith.constant 16 : index
    %swap3A_341 = tpu.vector_load %arg9[%swap3A_340] {strides = array<i32>} : memref<32xi32, #tpu.memory_space<vmem>>, vector<16xi32>,
    tpu.vector_store %arg9[%swap3A_340], %sub3A_339 {strides = array<i32>} : memref<32xi32, #tpu.memory_space<vmem>>, vector<16xi32>,
    %dma_start3A_342 = arith.constant 0 : i32
    %dma_start3A_343 = arith.constant 0 : i32
    %dma_start3A_344 = tpu.memref_slice %arg2[%dma_start3A_342, %dma_start3A_343] : memref<8192x768xf32, #tpu.memory_space<hbm>> -> memref<8192x768xf32, #tpu.memory_space<hbm>>
    tpu.enqueue_indirect_dma source(%dma_start3A_344 : memref<8192x768xf32, #tpu.memory_space<hbm>>) target(%arg13 : memref<32x768xf32, #tpu.memory_space<vmem>>) offsets(%arg9 : memref<32xi32, #tpu.memory_space<vmem>>) semaphore(%arg17 : memref<!tpu.dma_semaphore, #tpu.memory_space<semaphore_mem>>)
    %dma_wait3A_345 = arith.constant 0 : i32
    %dma_wait3A_346 = arith.constant 0 : i32
    %dma_wait3A_347 = tpu.memref_slice %arg2[%dma_wait3A_345, %dma_wait3A_346] : memref<8192x768xf32, #tpu.memory_space<hbm>> -> memref<8192x768xf32, #tpu.memory_space<hbm>>
    tpu.wait_indirect_dma semaphore(%arg15 : memref<!tpu.dma_semaphore, #tpu.memory_space<semaphore_mem>>) src(%dma_wait3A_347 : memref<8192x768xf32, #tpu.memory_space<hbm>>) dst(%arg11 : memref<32x768xf32, #tpu.memory_space<vmem>>)
    %scan3A_348 = arith.constant 0 : i32
    %scan3A_349 = arith.constant 0 : i32
    %scan3A_350 = arith.constant 32 : i32
    %scan3A_351 = arith.addi %scan3A_349, %scan3A_350 : i32
    %scan3A_352 = arith.constant 1 : i32
    %scan3A_353 = scf.for %scan3A_463 = %scan3A_349 to %scan3A_351 step %scan3A_352 iter_args(%scan3A_464 = %scan3A_348) -> (i32)  : i32 {
      %add3A_465 = arith.constant 128 : i32
      %add3A_466 = arith.addi %add3A_465, %scan3A_463 : i32
      %get3A = arith.index_cast %add3A_466 : i32 to index
      %get3A_467 = tpu.vector_load %arg6[%get3A] {strides = array<i32>} : memref<272xf32, #tpu.memory_space<vmem>>, vector<16xf32>,
      %slice3A = vector.extract_strided_slice %get3A_467 {offsets = [0], sizes = [1], strides = [1]} : vector<16xf32> to vector<1xf32>
      %squeeze3A = vector.extract %slice3A[0] : f32 from vector<1xf32>
      %eq3A_468 = arith.constant 0.000000e+00 : f32
      %eq3A_469 = arith.cmpf oeq, %squeeze3A, %eq3A_468 : f32
      %convert_element_type3A = arith.extui %eq3A_469 : i1 to i32
      %cond3A = arith.constant 0 : i32
      %cond3A_470 = arith.cmpi ne, %convert_element_type3A, %cond3A : i32
      scf.if %cond3A_470 {
        %swap3A_472 = arith.index_cast %scan3A_463 : i32 to index
        %swap3A_473 = arith.constant 0 : index
        %swap3A_474 = tpu.vector_load %arg11[%swap3A_472, %swap3A_473] {strides = array<i32>} : memref<32x768xf32, #tpu.memory_space<vmem>>, vector<16xf32>,
        tpu.vector_store %arg11[%swap3A_472, %swap3A_473], %broadcast_in_dim3A_169 {strides = array<i32>} : memref<32x768xf32, #tpu.memory_space<vmem>>, vector<16xf32>,
        %swap3A_475 = arith.index_cast %scan3A_463 : i32 to index
        %swap3A_476 = arith.constant 16 : index
        %swap3A_477 = tpu.vector_load %arg11[%swap3A_475, %swap3A_476] {strides = array<i32>} : memref<32x768xf32, #tpu.memory_space<vmem>>, vector<16xf32>,
        tpu.vector_store %arg11[%swap3A_475, %swap3A_476], %broadcast_in_dim3A_169 {strides = array<i32>} : memref<32x768xf32, #tpu.memory_space<vmem>>, vector<16xf32>,
        %swap3A_478 = arith.index_cast %scan3A_463 : i32 to index
        %swap3A_479 = arith.constant 32 : index
        %swap3A_480 = tpu.vector_load %arg11[%swap3A_478, %swap3A_479] {strides = array<i32>} : memref<32x768xf32, #tpu.memory_space<vmem>>, vector<16xf32>,
        tpu.vector_store %arg11[%swap3A_478, %swap3A_479], %broadcast_in_dim3A_169 {strides = array<i32>} : memref<32x768xf32, #tpu.memory_space<vmem>>, vector<16xf32>,
        %swap3A_481 = arith.index_cast %scan3A_463 : i32 to index
        %swap3A_482 = arith.constant 48 : index
        %swap3A_483 = tpu.vector_load %arg11[%swap3A_481, %swap3A_482] {strides = array<i32>} : memref<32x768xf32, #tpu.memory_space<vmem>>, vector<16xf32>,
        tpu.vector_store %arg11[%swap3A_481, %swap3A_482], %broadcast_in_dim3A_169 {strides = array<i32>} : memref<32x768xf32, #tpu.memory_space<vmem>>, vector<16xf32>,
        %swap3A_484 = arith.index_cast %scan3A_463 : i32 to index
        %swap3A_485 = arith.constant 64 : index
        %swap3A_486 = tpu.vector_load %arg11[%swap3A_484, %swap3A_485] {strides = array<i32>} : memref<32x768xf32, #tpu.memory_space<vmem>>, vector<16xf32>,
        tpu.vector_store %arg11[%swap3A_484, %swap3A_485], %broadcast_in_dim3A_169 {strides = array<i32>} : memref<32x768xf32, #tpu.memory_space<vmem>>, vector<16xf32>,
        %swap3A_487 = arith.index_cast %scan3A_463 : i32 to index
        %swap3A_488 = arith.constant 80 : index
        %swap3A_489 = tpu.vector_load %arg11[%swap3A_487, %swap3A_488] {strides = array<i32>} : memref<32x768xf32, #tpu.memory_space<vmem>>, vector<16xf32>,
        tpu.vector_store %arg11[%swap3A_487, %swap3A_488], %broadcast_in_dim3A_169 {strides = array<i32>} : memref<32x768xf32, #tpu.memory_space<vmem>>, vector<16xf32>,
        %swap3A_490 = arith.index_cast %scan3A_463 : i32 to index
        %swap3A_491 = arith.constant 96 : index
        %swap3A_492 = tpu.vector_load %arg11[%swap3A_490, %swap3A_491] {strides = array<i32>} : memref<32x768xf32, #tpu.memory_space<vmem>>, vector<16xf32>,
        tpu.vector_store %arg11[%swap3A_490, %swap3A_491], %broadcast_in_dim3A_169 {strides = array<i32>} : memref<32x768xf32, #tpu.memory_space<vmem>>, vector<16xf32>,
        %swap3A_493 = arith.index_cast %scan3A_463 : i32 to index
        %swap3A_494 = arith.constant 112 : index
        %swap3A_495 = tpu.vector_load %arg11[%swap3A_493, %swap3A_494] {strides = array<i32>} : memref<32x768xf32, #tpu.memory_space<vmem>>, vector<16xf32>,
        tpu.vector_store %arg11[%swap3A_493, %swap3A_494], %broadcast_in_dim3A_169 {strides = array<i32>} : memref<32x768xf32, #tpu.memory_space<vmem>>, vector<16xf32>,
        %swap3A_496 = arith.index_cast %scan3A_463 : i32 to index
        %swap3A_497 = arith.constant 128 : index
        %swap3A_498 = tpu.vector_load %arg11[%swap3A_496, %swap3A_497] {strides = array<i32>} : memref<32x768xf32, #tpu.memory_space<vmem>>, vector<16xf32>,
        tpu.vector_store %arg11[%swap3A_496, %swap3A_497], %broadcast_in_dim3A_169 {strides = array<i32>} : memref<32x768xf32, #tpu.memory_space<vmem>>, vector<16xf32>,
        %swap3A_499 = arith.index_cast %scan3A_463 : i32 to index
        %swap3A_500 = arith.constant 144 : index
        %swap3A_501 = tpu.vector_load %arg11[%swap3A_499, %swap3A_500] {strides = array<i32>} : memref<32x768xf32, #tpu.memory_space<vmem>>, vector<16xf32>,
        tpu.vector_store %arg11[%swap3A_499, %swap3A_500], %broadcast_in_dim3A_169 {strides = array<i32>} : memref<32x768xf32, #tpu.memory_space<vmem>>, vector<16xf32>,
        %swap3A_502 = arith.index_cast %scan3A_463 : i32 to index
        %swap3A_503 = arith.constant 160 : index
        %swap3A_504 = tpu.vector_load %arg11[%swap3A_502, %swap3A_503] {strides = array<i32>} : memref<32x768xf32, #tpu.memory_space<vmem>>, vector<16xf32>,
        tpu.vector_store %arg11[%swap3A_502, %swap3A_503], %broadcast_in_dim3A_169 {strides = array<i32>} : memref<32x768xf32, #tpu.memory_space<vmem>>, vector<16xf32>,
        %swap3A_505 = arith.index_cast %scan3A_463 : i32 to index
        %swap3A_506 = arith.constant 176 : index
        %swap3A_507 = tpu.vector_load %arg11[%swap3A_505, %swap3A_506] {strides = array<i32>} : memref<32x768xf32, #tpu.memory_space<vmem>>, vector<16xf32>,
        tpu.vector_store %arg11[%swap3A_505, %swap3A_506], %broadcast_in_dim3A_169 {strides = array<i32>} : memref<32x768xf32, #tpu.memory_space<vmem>>, vector<16xf32>,
        %swap3A_508 = arith.index_cast %scan3A_463 : i32 to index
        %swap3A_509 = arith.constant 192 : index
        %swap3A_510 = tpu.vector_load %arg11[%swap3A_508, %swap3A_509] {strides = array<i32>} : memref<32x768xf32, #tpu.memory_space<vmem>>, vector<16xf32>,
        tpu.vector_store %arg11[%swap3A_508, %swap3A_509], %broadcast_in_dim3A_169 {strides = array<i32>} : memref<32x768xf32, #tpu.memory_space<vmem>>, vector<16xf32>,
        %swap3A_511 = arith.index_cast %scan3A_463 : i32 to index
        %swap3A_512 = arith.constant 208 : index
        %swap3A_513 = tpu.vector_load %arg11[%swap3A_511, %swap3A_512] {strides = array<i32>} : memref<32x768xf32, #tpu.memory_space<vmem>>, vector<16xf32>,
        tpu.vector_store %arg11[%swap3A_511, %swap3A_512], %broadcast_in_dim3A_169 {strides = array<i32>} : memref<32x768xf32, #tpu.memory_space<vmem>>, vector<16xf32>,
        %swap3A_514 = arith.index_cast %scan3A_463 : i32 to index
        %swap3A_515 = arith.constant 224 : index
        %swap3A_516 = tpu.vector_load %arg11[%swap3A_514, %swap3A_515] {strides = array<i32>} : memref<32x768xf32, #tpu.memory_space<vmem>>, vector<16xf32>,
        tpu.vector_store %arg11[%swap3A_514, %swap3A_515], %broadcast_in_dim3A_169 {strides = array<i32>} : memref<32x768xf32, #tpu.memory_space<vmem>>, vector<16xf32>,
        %swap3A_517 = arith.index_cast %scan3A_463 : i32 to index
        %swap3A_518 = arith.constant 240 : index
        %swap3A_519 = tpu.vector_load %arg11[%swap3A_517, %swap3A_518] {strides = array<i32>} : memref<32x768xf32, #tpu.memory_space<vmem>>, vector<16xf32>,
        tpu.vector_store %arg11[%swap3A_517, %swap3A_518], %broadcast_in_dim3A_169 {strides = array<i32>} : memref<32x768xf32, #tpu.memory_space<vmem>>, vector<16xf32>,
        %swap3A_520 = arith.index_cast %scan3A_463 : i32 to index
        %swap3A_521 = arith.constant 256 : index
        %swap3A_522 = tpu.vector_load %arg11[%swap3A_520, %swap3A_521] {strides = array<i32>} : memref<32x768xf32, #tpu.memory_space<vmem>>, vector<16xf32>,
        tpu.vector_store %arg11[%swap3A_520, %swap3A_521], %broadcast_in_dim3A_169 {strides = array<i32>} : memref<32x768xf32, #tpu.memory_space<vmem>>, vector<16xf32>,
        %swap3A_523 = arith.index_cast %scan3A_463 : i32 to index
        %swap3A_524 = arith.constant 272 : index
        %swap3A_525 = tpu.vector_load %arg11[%swap3A_523, %swap3A_524] {strides = array<i32>} : memref<32x768xf32, #tpu.memory_space<vmem>>, vector<16xf32>,
        tpu.vector_store %arg11[%swap3A_523, %swap3A_524], %broadcast_in_dim3A_169 {strides = array<i32>} : memref<32x768xf32, #tpu.memory_space<vmem>>, vector<16xf32>,
        %swap3A_526 = arith.index_cast %scan3A_463 : i32 to index
        %swap3A_527 = arith.constant 288 : index
        %swap3A_528 = tpu.vector_load %arg11[%swap3A_526, %swap3A_527] {strides = array<i32>} : memref<32x768xf32, #tpu.memory_space<vmem>>, vector<16xf32>,
        tpu.vector_store %arg11[%swap3A_526, %swap3A_527], %broadcast_in_dim3A_169 {strides = array<i32>} : memref<32x768xf32, #tpu.memory_space<vmem>>, vector<16xf32>,
        %swap3A_529 = arith.index_cast %scan3A_463 : i32 to index
        %swap3A_530 = arith.constant 304 : index
        %swap3A_531 = tpu.vector_load %arg11[%swap3A_529, %swap3A_530] {strides = array<i32>} : memref<32x768xf32, #tpu.memory_space<vmem>>, vector<16xf32>,
        tpu.vector_store %arg11[%swap3A_529, %swap3A_530], %broadcast_in_dim3A_169 {strides = array<i32>} : memref<32x768xf32, #tpu.memory_space<vmem>>, vector<16xf32>,
        %swap3A_532 = arith.index_cast %scan3A_463 : i32 to index
        %swap3A_533 = arith.constant 320 : index
        %swap3A_534 = tpu.vector_load %arg11[%swap3A_532, %swap3A_533] {strides = array<i32>} : memref<32x768xf32, #tpu.memory_space<vmem>>, vector<16xf32>,
        tpu.vector_store %arg11[%swap3A_532, %swap3A_533], %broadcast_in_dim3A_169 {strides = array<i32>} : memref<32x768xf32, #tpu.memory_space<vmem>>, vector<16xf32>,
        %swap3A_535 = arith.index_cast %scan3A_463 : i32 to index
        %swap3A_536 = arith.constant 336 : index
        %swap3A_537 = tpu.vector_load %arg11[%swap3A_535, %swap3A_536] {strides = array<i32>} : memref<32x768xf32, #tpu.memory_space<vmem>>, vector<16xf32>,
        tpu.vector_store %arg11[%swap3A_535, %swap3A_536], %broadcast_in_dim3A_169 {strides = array<i32>} : memref<32x768xf32, #tpu.memory_space<vmem>>, vector<16xf32>,
        %swap3A_538 = arith.index_cast %scan3A_463 : i32 to index
        %swap3A_539 = arith.constant 352 : index
        %swap3A_540 = tpu.vector_load %arg11[%swap3A_538, %swap3A_539] {strides = array<i32>} : memref<32x768xf32, #tpu.memory_space<vmem>>, vector<16xf32>,
        tpu.vector_store %arg11[%swap3A_538, %swap3A_539], %broadcast_in_dim3A_169 {strides = array<i32>} : memref<32x768xf32, #tpu.memory_space<vmem>>, vector<16xf32>,
        %swap3A_541 = arith.index_cast %scan3A_463 : i32 to index
        %swap3A_542 = arith.constant 368 : index
        %swap3A_543 = tpu.vector_load %arg11[%swap3A_541, %swap3A_542] {strides = array<i32>} : memref<32x768xf32, #tpu.memory_space<vmem>>, vector<16xf32>,
        tpu.vector_store %arg11[%swap3A_541, %swap3A_542], %broadcast_in_dim3A_169 {strides = array<i32>} : memref<32x768xf32, #tpu.memory_space<vmem>>, vector<16xf32>,
        %swap3A_544 = arith.index_cast %scan3A_463 : i32 to index
        %swap3A_545 = arith.constant 384 : index
        %swap3A_546 = tpu.vector_load %arg11[%swap3A_544, %swap3A_545] {strides = array<i32>} : memref<32x768xf32, #tpu.memory_space<vmem>>, vector<16xf32>,
        tpu.vector_store %arg11[%swap3A_544, %swap3A_545], %broadcast_in_dim3A_169 {strides = array<i32>} : memref<32x768xf32, #tpu.memory_space<vmem>>, vector<16xf32>,
        %swap3A_547 = arith.index_cast %scan3A_463 : i32 to index
        %swap3A_548 = arith.constant 400 : index
        %swap3A_549 = tpu.vector_load %arg11[%swap3A_547, %swap3A_548] {strides = array<i32>} : memref<32x768xf32, #tpu.memory_space<vmem>>, vector<16xf32>,
        tpu.vector_store %arg11[%swap3A_547, %swap3A_548], %broadcast_in_dim3A_169 {strides = array<i32>} : memref<32x768xf32, #tpu.memory_space<vmem>>, vector<16xf32>,
        %swap3A_550 = arith.index_cast %scan3A_463 : i32 to index
        %swap3A_551 = arith.constant 416 : index
        %swap3A_552 = tpu.vector_load %arg11[%swap3A_550, %swap3A_551] {strides = array<i32>} : memref<32x768xf32, #tpu.memory_space<vmem>>, vector<16xf32>,
        tpu.vector_store %arg11[%swap3A_550, %swap3A_551], %broadcast_in_dim3A_169 {strides = array<i32>} : memref<32x768xf32, #tpu.memory_space<vmem>>, vector<16xf32>,
        %swap3A_553 = arith.index_cast %scan3A_463 : i32 to index
        %swap3A_554 = arith.constant 432 : index
        %swap3A_555 = tpu.vector_load %arg11[%swap3A_553, %swap3A_554] {strides = array<i32>} : memref<32x768xf32, #tpu.memory_space<vmem>>, vector<16xf32>,
        tpu.vector_store %arg11[%swap3A_553, %swap3A_554], %broadcast_in_dim3A_169 {strides = array<i32>} : memref<32x768xf32, #tpu.memory_space<vmem>>, vector<16xf32>,
        %swap3A_556 = arith.index_cast %scan3A_463 : i32 to index
        %swap3A_557 = arith.constant 448 : index
        %swap3A_558 = tpu.vector_load %arg11[%swap3A_556, %swap3A_557] {strides = array<i32>} : memref<32x768xf32, #tpu.memory_space<vmem>>, vector<16xf32>,
        tpu.vector_store %arg11[%swap3A_556, %swap3A_557], %broadcast_in_dim3A_169 {strides = array<i32>} : memref<32x768xf32, #tpu.memory_space<vmem>>, vector<16xf32>,
        %swap3A_559 = arith.index_cast %scan3A_463 : i32 to index
        %swap3A_560 = arith.constant 464 : index
        %swap3A_561 = tpu.vector_load %arg11[%swap3A_559, %swap3A_560] {strides = array<i32>} : memref<32x768xf32, #tpu.memory_space<vmem>>, vector<16xf32>,
        tpu.vector_store %arg11[%swap3A_559, %swap3A_560], %broadcast_in_dim3A_169 {strides = array<i32>} : memref<32x768xf32, #tpu.memory_space<vmem>>, vector<16xf32>,
        %swap3A_562 = arith.index_cast %scan3A_463 : i32 to index
        %swap3A_563 = arith.constant 480 : index
        %swap3A_564 = tpu.vector_load %arg11[%swap3A_562, %swap3A_563] {strides = array<i32>} : memref<32x768xf32, #tpu.memory_space<vmem>>, vector<16xf32>,
        tpu.vector_store %arg11[%swap3A_562, %swap3A_563], %broadcast_in_dim3A_169 {strides = array<i32>} : memref<32x768xf32, #tpu.memory_space<vmem>>, vector<16xf32>,
        %swap3A_565 = arith.index_cast %scan3A_463 : i32 to index
        %swap3A_566 = arith.constant 496 : index
        %swap3A_567 = tpu.vector_load %arg11[%swap3A_565, %swap3A_566] {strides = array<i32>} : memref<32x768xf32, #tpu.memory_space<vmem>>, vector<16xf32>,
        tpu.vector_store %arg11[%swap3A_565, %swap3A_566], %broadcast_in_dim3A_169 {strides = array<i32>} : memref<32x768xf32, #tpu.memory_space<vmem>>, vector<16xf32>,
        %swap3A_568 = arith.index_cast %scan3A_463 : i32 to index
        %swap3A_569 = arith.constant 512 : index
        %swap3A_570 = tpu.vector_load %arg11[%swap3A_568, %swap3A_569] {strides = array<i32>} : memref<32x768xf32, #tpu.memory_space<vmem>>, vector<16xf32>,
        tpu.vector_store %arg11[%swap3A_568, %swap3A_569], %broadcast_in_dim3A_169 {strides = array<i32>} : memref<32x768xf32, #tpu.memory_space<vmem>>, vector<16xf32>,
        %swap3A_571 = arith.index_cast %scan3A_463 : i32 to index
        %swap3A_572 = arith.constant 528 : index
        %swap3A_573 = tpu.vector_load %arg11[%swap3A_571, %swap3A_572] {strides = array<i32>} : memref<32x768xf32, #tpu.memory_space<vmem>>, vector<16xf32>,
        tpu.vector_store %arg11[%swap3A_571, %swap3A_572], %broadcast_in_dim3A_169 {strides = array<i32>} : memref<32x768xf32, #tpu.memory_space<vmem>>, vector<16xf32>,
        %swap3A_574 = arith.index_cast %scan3A_463 : i32 to index
        %swap3A_575 = arith.constant 544 : index
        %swap3A_576 = tpu.vector_load %arg11[%swap3A_574, %swap3A_575] {strides = array<i32>} : memref<32x768xf32, #tpu.memory_space<vmem>>, vector<16xf32>,
        tpu.vector_store %arg11[%swap3A_574, %swap3A_575], %broadcast_in_dim3A_169 {strides = array<i32>} : memref<32x768xf32, #tpu.memory_space<vmem>>, vector<16xf32>,
        %swap3A_577 = arith.index_cast %scan3A_463 : i32 to index
        %swap3A_578 = arith.constant 560 : index
        %swap3A_579 = tpu.vector_load %arg11[%swap3A_577, %swap3A_578] {strides = array<i32>} : memref<32x768xf32, #tpu.memory_space<vmem>>, vector<16xf32>,
        tpu.vector_store %arg11[%swap3A_577, %swap3A_578], %broadcast_in_dim3A_169 {strides = array<i32>} : memref<32x768xf32, #tpu.memory_space<vmem>>, vector<16xf32>,
        %swap3A_580 = arith.index_cast %scan3A_463 : i32 to index
        %swap3A_581 = arith.constant 576 : index
        %swap3A_582 = tpu.vector_load %arg11[%swap3A_580, %swap3A_581] {strides = array<i32>} : memref<32x768xf32, #tpu.memory_space<vmem>>, vector<16xf32>,
        tpu.vector_store %arg11[%swap3A_580, %swap3A_581], %broadcast_in_dim3A_169 {strides = array<i32>} : memref<32x768xf32, #tpu.memory_space<vmem>>, vector<16xf32>,
        %swap3A_583 = arith.index_cast %scan3A_463 : i32 to index
        %swap3A_584 = arith.constant 592 : index
        %swap3A_585 = tpu.vector_load %arg11[%swap3A_583, %swap3A_584] {strides = array<i32>} : memref<32x768xf32, #tpu.memory_space<vmem>>, vector<16xf32>,
        tpu.vector_store %arg11[%swap3A_583, %swap3A_584], %broadcast_in_dim3A_169 {strides = array<i32>} : memref<32x768xf32, #tpu.memory_space<vmem>>, vector<16xf32>,
        %swap3A_586 = arith.index_cast %scan3A_463 : i32 to index
        %swap3A_587 = arith.constant 608 : index
        %swap3A_588 = tpu.vector_load %arg11[%swap3A_586, %swap3A_587] {strides = array<i32>} : memref<32x768xf32, #tpu.memory_space<vmem>>, vector<16xf32>,
        tpu.vector_store %arg11[%swap3A_586, %swap3A_587], %broadcast_in_dim3A_169 {strides = array<i32>} : memref<32x768xf32, #tpu.memory_space<vmem>>, vector<16xf32>,
        %swap3A_589 = arith.index_cast %scan3A_463 : i32 to index
        %swap3A_590 = arith.constant 624 : index
        %swap3A_591 = tpu.vector_load %arg11[%swap3A_589, %swap3A_590] {strides = array<i32>} : memref<32x768xf32, #tpu.memory_space<vmem>>, vector<16xf32>,
        tpu.vector_store %arg11[%swap3A_589, %swap3A_590], %broadcast_in_dim3A_169 {strides = array<i32>} : memref<32x768xf32, #tpu.memory_space<vmem>>, vector<16xf32>,
        %swap3A_592 = arith.index_cast %scan3A_463 : i32 to index
        %swap3A_593 = arith.constant 640 : index
        %swap3A_594 = tpu.vector_load %arg11[%swap3A_592, %swap3A_593] {strides = array<i32>} : memref<32x768xf32, #tpu.memory_space<vmem>>, vector<16xf32>,
        tpu.vector_store %arg11[%swap3A_592, %swap3A_593], %broadcast_in_dim3A_169 {strides = array<i32>} : memref<32x768xf32, #tpu.memory_space<vmem>>, vector<16xf32>,
        %swap3A_595 = arith.index_cast %scan3A_463 : i32 to index
        %swap3A_596 = arith.constant 656 : index
        %swap3A_597 = tpu.vector_load %arg11[%swap3A_595, %swap3A_596] {strides = array<i32>} : memref<32x768xf32, #tpu.memory_space<vmem>>, vector<16xf32>,
        tpu.vector_store %arg11[%swap3A_595, %swap3A_596], %broadcast_in_dim3A_169 {strides = array<i32>} : memref<32x768xf32, #tpu.memory_space<vmem>>, vector<16xf32>,
        %swap3A_598 = arith.index_cast %scan3A_463 : i32 to index
        %swap3A_599 = arith.constant 672 : index
        %swap3A_600 = tpu.vector_load %arg11[%swap3A_598, %swap3A_599] {strides = array<i32>} : memref<32x768xf32, #tpu.memory_space<vmem>>, vector<16xf32>,
        tpu.vector_store %arg11[%swap3A_598, %swap3A_599], %broadcast_in_dim3A_169 {strides = array<i32>} : memref<32x768xf32, #tpu.memory_space<vmem>>, vector<16xf32>,
        %swap3A_601 = arith.index_cast %scan3A_463 : i32 to index
        %swap3A_602 = arith.constant 688 : index
        %swap3A_603 = tpu.vector_load %arg11[%swap3A_601, %swap3A_602] {strides = array<i32>} : memref<32x768xf32, #tpu.memory_space<vmem>>, vector<16xf32>,
        tpu.vector_store %arg11[%swap3A_601, %swap3A_602], %broadcast_in_dim3A_169 {strides = array<i32>} : memref<32x768xf32, #tpu.memory_space<vmem>>, vector<16xf32>,
        %swap3A_604 = arith.index_cast %scan3A_463 : i32 to index
        %swap3A_605 = arith.constant 704 : index
        %swap3A_606 = tpu.vector_load %arg11[%swap3A_604, %swap3A_605] {strides = array<i32>} : memref<32x768xf32, #tpu.memory_space<vmem>>, vector<16xf32>,
        tpu.vector_store %arg11[%swap3A_604, %swap3A_605], %broadcast_in_dim3A_169 {strides = array<i32>} : memref<32x768xf32, #tpu.memory_space<vmem>>, vector<16xf32>,
        %swap3A_607 = arith.index_cast %scan3A_463 : i32 to index
        %swap3A_608 = arith.constant 720 : index
        %swap3A_609 = tpu.vector_load %arg11[%swap3A_607, %swap3A_608] {strides = array<i32>} : memref<32x768xf32, #tpu.memory_space<vmem>>, vector<16xf32>,
        tpu.vector_store %arg11[%swap3A_607, %swap3A_608], %broadcast_in_dim3A_169 {strides = array<i32>} : memref<32x768xf32, #tpu.memory_space<vmem>>, vector<16xf32>,
        %swap3A_610 = arith.index_cast %scan3A_463 : i32 to index
        %swap3A_611 = arith.constant 736 : index
        %swap3A_612 = tpu.vector_load %arg11[%swap3A_610, %swap3A_611] {strides = array<i32>} : memref<32x768xf32, #tpu.memory_space<vmem>>, vector<16xf32>,
        tpu.vector_store %arg11[%swap3A_610, %swap3A_611], %broadcast_in_dim3A_169 {strides = array<i32>} : memref<32x768xf32, #tpu.memory_space<vmem>>, vector<16xf32>,
        %swap3A_613 = arith.index_cast %scan3A_463 : i32 to index
        %swap3A_614 = arith.constant 752 : index
        %swap3A_615 = tpu.vector_load %arg11[%swap3A_613, %swap3A_614] {strides = array<i32>} : memref<32x768xf32, #tpu.memory_space<vmem>>, vector<16xf32>,
        tpu.vector_store %arg11[%swap3A_613, %swap3A_614], %broadcast_in_dim3A_169 {strides = array<i32>} : memref<32x768xf32, #tpu.memory_space<vmem>>, vector<16xf32>,
      } else {
      }
      %scan3A_471 = arith.constant 0 : i32
      scf.yield %scan3A_471 : i32
    }
    %scan3A_354 = arith.constant 32 : i32
    %mul3A_355 = arith.constant 2048 : i32
    %mul3A_356 = arith.muli %select_n3A, %mul3A_355 : i32
    %add3A_357 = arith.addi %mul3A_356, %mul3A_32 : i32
    %add3A_358 = arith.constant 128 : i32
    %add3A_359 = arith.addi %add3A_357, %add3A_358 : i32
    %dma_start3A_360 = arith.constant 0 : i32
    %dma_start3A_361 = tpu.memref_slice %arg4[%add3A_359, %dma_start3A_360] : memref<8192x768xf32, #tpu.memory_space<hbm>> -> memref<32x768xf32, #tpu.memory_space<hbm>>
    %dma_start3A_362 = arith.constant 0 : i32
    %dma_start3A_363 = tpu.memref_slice %arg4[%add3A_359, %dma_start3A_362] : memref<8192x768xf32, #tpu.memory_space<hbm>> -> memref<32x768xf32, #tpu.memory_space<hbm>>
    tpu.enqueue_dma source(%arg11 : memref<32x768xf32, #tpu.memory_space<vmem>>) target(%dma_start3A_363 : memref<32x768xf32, #tpu.memory_space<hbm>>) target_semaphore(%arg19 : memref<!tpu.dma_semaphore, #tpu.memory_space<semaphore_mem>>)
    %dma_wait3A_364 = arith.constant 0 : i32
    %dma_wait3A_365 = tpu.memref_slice %arg4[%add3A_314, %dma_wait3A_364] : memref<8192x768xf32, #tpu.memory_space<hbm>> -> memref<32x768xf32, #tpu.memory_space<hbm>>
    %dma_wait3A_366 = arith.constant 0 : i32
    %dma_wait3A_367 = tpu.memref_slice %arg4[%add3A_314, %dma_wait3A_366] : memref<8192x768xf32, #tpu.memory_space<hbm>> -> memref<32x768xf32, #tpu.memory_space<hbm>>
    tpu.wait_dma2 semaphore(%arg22 : memref<!tpu.dma_semaphore, #tpu.memory_space<semaphore_mem>>) src(%arg14 : memref<32x768xf32, #tpu.memory_space<vmem>>) dst(%dma_wait3A_367 : memref<32x768xf32, #tpu.memory_space<hbm>>)
    %mul3A_368 = arith.constant 2048 : i32
    %mul3A_369 = arith.muli %select_n3A, %mul3A_368 : i32
    %add3A_370 = arith.constant 2047 : i32
    %add3A_371 = arith.addi %mul3A_369, %add3A_370 : i32
    %sub3A_372 = arith.subi %add3A_371, %mul3A_32 : i32
    %sub3A_373 = arith.constant 224 : i32
    %sub3A_374 = arith.subi %sub3A_372, %sub3A_373 : i32
    %sub3A_375 = arith.constant 0 : i32
    %sub3A_376 = arith.subi %sub3A_374, %sub3A_375 : i32
    %sub3A_377 = vector.broadcast %sub3A_376 : i32 to vector<16xi32>
    %sub3A_378 = arith.subi %sub3A_377, %iota3A : vector<16xi32>
    %swap3A_379 = arith.constant 0 : index
    %swap3A_380 = tpu.vector_load %arg10[%swap3A_379] {strides = array<i32>} : memref<32xi32, #tpu.memory_space<vmem>>, vector<16xi32>,
    tpu.vector_store %arg10[%swap3A_379], %sub3A_378 {strides = array<i32>} : memref<32xi32, #tpu.memory_space<vmem>>, vector<16xi32>,
    %sub3A_381 = arith.constant 16 : i32
    %sub3A_382 = arith.subi %sub3A_374, %sub3A_381 : i32
    %sub3A_383 = vector.broadcast %sub3A_382 : i32 to vector<16xi32>
    %sub3A_384 = arith.subi %sub3A_383, %iota3A : vector<16xi32>
    %swap3A_385 = arith.constant 16 : index
    %swap3A_386 = tpu.vector_load %arg10[%swap3A_385] {strides = array<i32>} : memref<32xi32, #tpu.memory_space<vmem>>, vector<16xi32>,
    tpu.vector_store %arg10[%swap3A_385], %sub3A_384 {strides = array<i32>} : memref<32xi32, #tpu.memory_space<vmem>>, vector<16xi32>,
    %dma_start3A_387 = arith.constant 0 : i32
    %dma_start3A_388 = arith.constant 0 : i32
    %dma_start3A_389 = tpu.memref_slice %arg2[%dma_start3A_387, %dma_start3A_388] : memref<8192x768xf32, #tpu.memory_space<hbm>> -> memref<8192x768xf32, #tpu.memory_space<hbm>>
    tpu.enqueue_indirect_dma source(%dma_start3A_389 : memref<8192x768xf32, #tpu.memory_space<hbm>>) target(%arg14 : memref<32x768xf32, #tpu.memory_space<vmem>>) offsets(%arg10 : memref<32xi32, #tpu.memory_space<vmem>>) semaphore(%arg18 : memref<!tpu.dma_semaphore, #tpu.memory_space<semaphore_mem>>)
    %dma_wait3A_390 = arith.constant 0 : i32
    %dma_wait3A_391 = arith.constant 0 : i32
    %dma_wait3A_392 = tpu.memref_slice %arg2[%dma_wait3A_390, %dma_wait3A_391] : memref<8192x768xf32, #tpu.memory_space<hbm>> -> memref<8192x768xf32, #tpu.memory_space<hbm>>
    tpu.wait_indirect_dma semaphore(%arg16 : memref<!tpu.dma_semaphore, #tpu.memory_space<semaphore_mem>>) src(%dma_wait3A_392 : memref<8192x768xf32, #tpu.memory_space<hbm>>) dst(%arg12 : memref<32x768xf32, #tpu.memory_space<vmem>>)
    %scan3A_393 = arith.constant 0 : i32
    %scan3A_394 = arith.constant 0 : i32
    %scan3A_395 = arith.constant 32 : i32
    %scan3A_396 = arith.addi %scan3A_394, %scan3A_395 : i32
    %scan3A_397 = arith.constant 1 : i32
    %scan3A_398 = scf.for %scan3A_463 = %scan3A_394 to %scan3A_396 step %scan3A_397 iter_args(%scan3A_464 = %scan3A_393) -> (i32)  : i32 {
      %add3A_465 = arith.constant 160 : i32
      %add3A_466 = arith.addi %add3A_465, %scan3A_463 : i32
      %get3A = arith.index_cast %add3A_466 : i32 to index
      %get3A_467 = tpu.vector_load %arg6[%get3A] {strides = array<i32>} : memref<272xf32, #tpu.memory_space<vmem>>, vector<16xf32>,
      %slice3A = vector.extract_strided_slice %get3A_467 {offsets = [0], sizes = [1], strides = [1]} : vector<16xf32> to vector<1xf32>
      %squeeze3A = vector.extract %slice3A[0] : f32 from vector<1xf32>
      %eq3A_468 = arith.constant 0.000000e+00 : f32
      %eq3A_469 = arith.cmpf oeq, %squeeze3A, %eq3A_468 : f32
      %convert_element_type3A = arith.extui %eq3A_469 : i1 to i32
      %cond3A = arith.constant 0 : i32
      %cond3A_470 = arith.cmpi ne, %convert_element_type3A, %cond3A : i32
      scf.if %cond3A_470 {
        %swap3A_472 = arith.index_cast %scan3A_463 : i32 to index
        %swap3A_473 = arith.constant 0 : index
        %swap3A_474 = tpu.vector_load %arg12[%swap3A_472, %swap3A_473] {strides = array<i32>} : memref<32x768xf32, #tpu.memory_space<vmem>>, vector<16xf32>,
        tpu.vector_store %arg12[%swap3A_472, %swap3A_473], %broadcast_in_dim3A_169 {strides = array<i32>} : memref<32x768xf32, #tpu.memory_space<vmem>>, vector<16xf32>,
        %swap3A_475 = arith.index_cast %scan3A_463 : i32 to index
        %swap3A_476 = arith.constant 16 : index
        %swap3A_477 = tpu.vector_load %arg12[%swap3A_475, %swap3A_476] {strides = array<i32>} : memref<32x768xf32, #tpu.memory_space<vmem>>, vector<16xf32>,
        tpu.vector_store %arg12[%swap3A_475, %swap3A_476], %broadcast_in_dim3A_169 {strides = array<i32>} : memref<32x768xf32, #tpu.memory_space<vmem>>, vector<16xf32>,
        %swap3A_478 = arith.index_cast %scan3A_463 : i32 to index
        %swap3A_479 = arith.constant 32 : index
        %swap3A_480 = tpu.vector_load %arg12[%swap3A_478, %swap3A_479] {strides = array<i32>} : memref<32x768xf32, #tpu.memory_space<vmem>>, vector<16xf32>,
        tpu.vector_store %arg12[%swap3A_478, %swap3A_479], %broadcast_in_dim3A_169 {strides = array<i32>} : memref<32x768xf32, #tpu.memory_space<vmem>>, vector<16xf32>,
        %swap3A_481 = arith.index_cast %scan3A_463 : i32 to index
        %swap3A_482 = arith.constant 48 : index
        %swap3A_483 = tpu.vector_load %arg12[%swap3A_481, %swap3A_482] {strides = array<i32>} : memref<32x768xf32, #tpu.memory_space<vmem>>, vector<16xf32>,
        tpu.vector_store %arg12[%swap3A_481, %swap3A_482], %broadcast_in_dim3A_169 {strides = array<i32>} : memref<32x768xf32, #tpu.memory_space<vmem>>, vector<16xf32>,
        %swap3A_484 = arith.index_cast %scan3A_463 : i32 to index
        %swap3A_485 = arith.constant 64 : index
        %swap3A_486 = tpu.vector_load %arg12[%swap3A_484, %swap3A_485] {strides = array<i32>} : memref<32x768xf32, #tpu.memory_space<vmem>>, vector<16xf32>,
        tpu.vector_store %arg12[%swap3A_484, %swap3A_485], %broadcast_in_dim3A_169 {strides = array<i32>} : memref<32x768xf32, #tpu.memory_space<vmem>>, vector<16xf32>,
        %swap3A_487 = arith.index_cast %scan3A_463 : i32 to index
        %swap3A_488 = arith.constant 80 : index
        %swap3A_489 = tpu.vector_load %arg12[%swap3A_487, %swap3A_488] {strides = array<i32>} : memref<32x768xf32, #tpu.memory_space<vmem>>, vector<16xf32>,
        tpu.vector_store %arg12[%swap3A_487, %swap3A_488], %broadcast_in_dim3A_169 {strides = array<i32>} : memref<32x768xf32, #tpu.memory_space<vmem>>, vector<16xf32>,
        %swap3A_490 = arith.index_cast %scan3A_463 : i32 to index
        %swap3A_491 = arith.constant 96 : index
        %swap3A_492 = tpu.vector_load %arg12[%swap3A_490, %swap3A_491] {strides = array<i32>} : memref<32x768xf32, #tpu.memory_space<vmem>>, vector<16xf32>,
        tpu.vector_store %arg12[%swap3A_490, %swap3A_491], %broadcast_in_dim3A_169 {strides = array<i32>} : memref<32x768xf32, #tpu.memory_space<vmem>>, vector<16xf32>,
        %swap3A_493 = arith.index_cast %scan3A_463 : i32 to index
        %swap3A_494 = arith.constant 112 : index
        %swap3A_495 = tpu.vector_load %arg12[%swap3A_493, %swap3A_494] {strides = array<i32>} : memref<32x768xf32, #tpu.memory_space<vmem>>, vector<16xf32>,
        tpu.vector_store %arg12[%swap3A_493, %swap3A_494], %broadcast_in_dim3A_169 {strides = array<i32>} : memref<32x768xf32, #tpu.memory_space<vmem>>, vector<16xf32>,
        %swap3A_496 = arith.index_cast %scan3A_463 : i32 to index
        %swap3A_497 = arith.constant 128 : index
        %swap3A_498 = tpu.vector_load %arg12[%swap3A_496, %swap3A_497] {strides = array<i32>} : memref<32x768xf32, #tpu.memory_space<vmem>>, vector<16xf32>,
        tpu.vector_store %arg12[%swap3A_496, %swap3A_497], %broadcast_in_dim3A_169 {strides = array<i32>} : memref<32x768xf32, #tpu.memory_space<vmem>>, vector<16xf32>,
        %swap3A_499 = arith.index_cast %scan3A_463 : i32 to index
        %swap3A_500 = arith.constant 144 : index
        %swap3A_501 = tpu.vector_load %arg12[%swap3A_499, %swap3A_500] {strides = array<i32>} : memref<32x768xf32, #tpu.memory_space<vmem>>, vector<16xf32>,
        tpu.vector_store %arg12[%swap3A_499, %swap3A_500], %broadcast_in_dim3A_169 {strides = array<i32>} : memref<32x768xf32, #tpu.memory_space<vmem>>, vector<16xf32>,
        %swap3A_502 = arith.index_cast %scan3A_463 : i32 to index
        %swap3A_503 = arith.constant 160 : index
        %swap3A_504 = tpu.vector_load %arg12[%swap3A_502, %swap3A_503] {strides = array<i32>} : memref<32x768xf32, #tpu.memory_space<vmem>>, vector<16xf32>,
        tpu.vector_store %arg12[%swap3A_502, %swap3A_503], %broadcast_in_dim3A_169 {strides = array<i32>} : memref<32x768xf32, #tpu.memory_space<vmem>>, vector<16xf32>,
        %swap3A_505 = arith.index_cast %scan3A_463 : i32 to index
        %swap3A_506 = arith.constant 176 : index
        %swap3A_507 = tpu.vector_load %arg12[%swap3A_505, %swap3A_506] {strides = array<i32>} : memref<32x768xf32, #tpu.memory_space<vmem>>, vector<16xf32>,
        tpu.vector_store %arg12[%swap3A_505, %swap3A_506], %broadcast_in_dim3A_169 {strides = array<i32>} : memref<32x768xf32, #tpu.memory_space<vmem>>, vector<16xf32>,
        %swap3A_508 = arith.index_cast %scan3A_463 : i32 to index
        %swap3A_509 = arith.constant 192 : index
        %swap3A_510 = tpu.vector_load %arg12[%swap3A_508, %swap3A_509] {strides = array<i32>} : memref<32x768xf32, #tpu.memory_space<vmem>>, vector<16xf32>,
        tpu.vector_store %arg12[%swap3A_508, %swap3A_509], %broadcast_in_dim3A_169 {strides = array<i32>} : memref<32x768xf32, #tpu.memory_space<vmem>>, vector<16xf32>,
        %swap3A_511 = arith.index_cast %scan3A_463 : i32 to index
        %swap3A_512 = arith.constant 208 : index
        %swap3A_513 = tpu.vector_load %arg12[%swap3A_511, %swap3A_512] {strides = array<i32>} : memref<32x768xf32, #tpu.memory_space<vmem>>, vector<16xf32>,
        tpu.vector_store %arg12[%swap3A_511, %swap3A_512], %broadcast_in_dim3A_169 {strides = array<i32>} : memref<32x768xf32, #tpu.memory_space<vmem>>, vector<16xf32>,
        %swap3A_514 = arith.index_cast %scan3A_463 : i32 to index
        %swap3A_515 = arith.constant 224 : index
        %swap3A_516 = tpu.vector_load %arg12[%swap3A_514, %swap3A_515] {strides = array<i32>} : memref<32x768xf32, #tpu.memory_space<vmem>>, vector<16xf32>,
        tpu.vector_store %arg12[%swap3A_514, %swap3A_515], %broadcast_in_dim3A_169 {strides = array<i32>} : memref<32x768xf32, #tpu.memory_space<vmem>>, vector<16xf32>,
        %swap3A_517 = arith.index_cast %scan3A_463 : i32 to index
        %swap3A_518 = arith.constant 240 : index
        %swap3A_519 = tpu.vector_load %arg12[%swap3A_517, %swap3A_518] {strides = array<i32>} : memref<32x768xf32, #tpu.memory_space<vmem>>, vector<16xf32>,
        tpu.vector_store %arg12[%swap3A_517, %swap3A_518], %broadcast_in_dim3A_169 {strides = array<i32>} : memref<32x768xf32, #tpu.memory_space<vmem>>, vector<16xf32>,
        %swap3A_520 = arith.index_cast %scan3A_463 : i32 to index
        %swap3A_521 = arith.constant 256 : index
        %swap3A_522 = tpu.vector_load %arg12[%swap3A_520, %swap3A_521] {strides = array<i32>} : memref<32x768xf32, #tpu.memory_space<vmem>>, vector<16xf32>,
        tpu.vector_store %arg12[%swap3A_520, %swap3A_521], %broadcast_in_dim3A_169 {strides = array<i32>} : memref<32x768xf32, #tpu.memory_space<vmem>>, vector<16xf32>,
        %swap3A_523 = arith.index_cast %scan3A_463 : i32 to index
        %swap3A_524 = arith.constant 272 : index
        %swap3A_525 = tpu.vector_load %arg12[%swap3A_523, %swap3A_524] {strides = array<i32>} : memref<32x768xf32, #tpu.memory_space<vmem>>, vector<16xf32>,
        tpu.vector_store %arg12[%swap3A_523, %swap3A_524], %broadcast_in_dim3A_169 {strides = array<i32>} : memref<32x768xf32, #tpu.memory_space<vmem>>, vector<16xf32>,
        %swap3A_526 = arith.index_cast %scan3A_463 : i32 to index
        %swap3A_527 = arith.constant 288 : index
        %swap3A_528 = tpu.vector_load %arg12[%swap3A_526, %swap3A_527] {strides = array<i32>} : memref<32x768xf32, #tpu.memory_space<vmem>>, vector<16xf32>,
        tpu.vector_store %arg12[%swap3A_526, %swap3A_527], %broadcast_in_dim3A_169 {strides = array<i32>} : memref<32x768xf32, #tpu.memory_space<vmem>>, vector<16xf32>,
        %swap3A_529 = arith.index_cast %scan3A_463 : i32 to index
        %swap3A_530 = arith.constant 304 : index
        %swap3A_531 = tpu.vector_load %arg12[%swap3A_529, %swap3A_530] {strides = array<i32>} : memref<32x768xf32, #tpu.memory_space<vmem>>, vector<16xf32>,
        tpu.vector_store %arg12[%swap3A_529, %swap3A_530], %broadcast_in_dim3A_169 {strides = array<i32>} : memref<32x768xf32, #tpu.memory_space<vmem>>, vector<16xf32>,
        %swap3A_532 = arith.index_cast %scan3A_463 : i32 to index
        %swap3A_533 = arith.constant 320 : index
        %swap3A_534 = tpu.vector_load %arg12[%swap3A_532, %swap3A_533] {strides = array<i32>} : memref<32x768xf32, #tpu.memory_space<vmem>>, vector<16xf32>,
        tpu.vector_store %arg12[%swap3A_532, %swap3A_533], %broadcast_in_dim3A_169 {strides = array<i32>} : memref<32x768xf32, #tpu.memory_space<vmem>>, vector<16xf32>,
        %swap3A_535 = arith.index_cast %scan3A_463 : i32 to index
        %swap3A_536 = arith.constant 336 : index
        %swap3A_537 = tpu.vector_load %arg12[%swap3A_535, %swap3A_536] {strides = array<i32>} : memref<32x768xf32, #tpu.memory_space<vmem>>, vector<16xf32>,
        tpu.vector_store %arg12[%swap3A_535, %swap3A_536], %broadcast_in_dim3A_169 {strides = array<i32>} : memref<32x768xf32, #tpu.memory_space<vmem>>, vector<16xf32>,
        %swap3A_538 = arith.index_cast %scan3A_463 : i32 to index
        %swap3A_539 = arith.constant 352 : index
        %swap3A_540 = tpu.vector_load %arg12[%swap3A_538, %swap3A_539] {strides = array<i32>} : memref<32x768xf32, #tpu.memory_space<vmem>>, vector<16xf32>,
        tpu.vector_store %arg12[%swap3A_538, %swap3A_539], %broadcast_in_dim3A_169 {strides = array<i32>} : memref<32x768xf32, #tpu.memory_space<vmem>>, vector<16xf32>,
        %swap3A_541 = arith.index_cast %scan3A_463 : i32 to index
        %swap3A_542 = arith.constant 368 : index
        %swap3A_543 = tpu.vector_load %arg12[%swap3A_541, %swap3A_542] {strides = array<i32>} : memref<32x768xf32, #tpu.memory_space<vmem>>, vector<16xf32>,
        tpu.vector_store %arg12[%swap3A_541, %swap3A_542], %broadcast_in_dim3A_169 {strides = array<i32>} : memref<32x768xf32, #tpu.memory_space<vmem>>, vector<16xf32>,
        %swap3A_544 = arith.index_cast %scan3A_463 : i32 to index
        %swap3A_545 = arith.constant 384 : index
        %swap3A_546 = tpu.vector_load %arg12[%swap3A_544, %swap3A_545] {strides = array<i32>} : memref<32x768xf32, #tpu.memory_space<vmem>>, vector<16xf32>,
        tpu.vector_store %arg12[%swap3A_544, %swap3A_545], %broadcast_in_dim3A_169 {strides = array<i32>} : memref<32x768xf32, #tpu.memory_space<vmem>>, vector<16xf32>,
        %swap3A_547 = arith.index_cast %scan3A_463 : i32 to index
        %swap3A_548 = arith.constant 400 : index
        %swap3A_549 = tpu.vector_load %arg12[%swap3A_547, %swap3A_548] {strides = array<i32>} : memref<32x768xf32, #tpu.memory_space<vmem>>, vector<16xf32>,
        tpu.vector_store %arg12[%swap3A_547, %swap3A_548], %broadcast_in_dim3A_169 {strides = array<i32>} : memref<32x768xf32, #tpu.memory_space<vmem>>, vector<16xf32>,
        %swap3A_550 = arith.index_cast %scan3A_463 : i32 to index
        %swap3A_551 = arith.constant 416 : index
        %swap3A_552 = tpu.vector_load %arg12[%swap3A_550, %swap3A_551] {strides = array<i32>} : memref<32x768xf32, #tpu.memory_space<vmem>>, vector<16xf32>,
        tpu.vector_store %arg12[%swap3A_550, %swap3A_551], %broadcast_in_dim3A_169 {strides = array<i32>} : memref<32x768xf32, #tpu.memory_space<vmem>>, vector<16xf32>,
        %swap3A_553 = arith.index_cast %scan3A_463 : i32 to index
        %swap3A_554 = arith.constant 432 : index
        %swap3A_555 = tpu.vector_load %arg12[%swap3A_553, %swap3A_554] {strides = array<i32>} : memref<32x768xf32, #tpu.memory_space<vmem>>, vector<16xf32>,
        tpu.vector_store %arg12[%swap3A_553, %swap3A_554], %broadcast_in_dim3A_169 {strides = array<i32>} : memref<32x768xf32, #tpu.memory_space<vmem>>, vector<16xf32>,
        %swap3A_556 = arith.index_cast %scan3A_463 : i32 to index
        %swap3A_557 = arith.constant 448 : index
        %swap3A_558 = tpu.vector_load %arg12[%swap3A_556, %swap3A_557] {strides = array<i32>} : memref<32x768xf32, #tpu.memory_space<vmem>>, vector<16xf32>,
        tpu.vector_store %arg12[%swap3A_556, %swap3A_557], %broadcast_in_dim3A_169 {strides = array<i32>} : memref<32x768xf32, #tpu.memory_space<vmem>>, vector<16xf32>,
        %swap3A_559 = arith.index_cast %scan3A_463 : i32 to index
        %swap3A_560 = arith.constant 464 : index
        %swap3A_561 = tpu.vector_load %arg12[%swap3A_559, %swap3A_560] {strides = array<i32>} : memref<32x768xf32, #tpu.memory_space<vmem>>, vector<16xf32>,
        tpu.vector_store %arg12[%swap3A_559, %swap3A_560], %broadcast_in_dim3A_169 {strides = array<i32>} : memref<32x768xf32, #tpu.memory_space<vmem>>, vector<16xf32>,
        %swap3A_562 = arith.index_cast %scan3A_463 : i32 to index
        %swap3A_563 = arith.constant 480 : index
        %swap3A_564 = tpu.vector_load %arg12[%swap3A_562, %swap3A_563] {strides = array<i32>} : memref<32x768xf32, #tpu.memory_space<vmem>>, vector<16xf32>,
        tpu.vector_store %arg12[%swap3A_562, %swap3A_563], %broadcast_in_dim3A_169 {strides = array<i32>} : memref<32x768xf32, #tpu.memory_space<vmem>>, vector<16xf32>,
        %swap3A_565 = arith.index_cast %scan3A_463 : i32 to index
        %swap3A_566 = arith.constant 496 : index
        %swap3A_567 = tpu.vector_load %arg12[%swap3A_565, %swap3A_566] {strides = array<i32>} : memref<32x768xf32, #tpu.memory_space<vmem>>, vector<16xf32>,
        tpu.vector_store %arg12[%swap3A_565, %swap3A_566], %broadcast_in_dim3A_169 {strides = array<i32>} : memref<32x768xf32, #tpu.memory_space<vmem>>, vector<16xf32>,
        %swap3A_568 = arith.index_cast %scan3A_463 : i32 to index
        %swap3A_569 = arith.constant 512 : index
        %swap3A_570 = tpu.vector_load %arg12[%swap3A_568, %swap3A_569] {strides = array<i32>} : memref<32x768xf32, #tpu.memory_space<vmem>>, vector<16xf32>,
        tpu.vector_store %arg12[%swap3A_568, %swap3A_569], %broadcast_in_dim3A_169 {strides = array<i32>} : memref<32x768xf32, #tpu.memory_space<vmem>>, vector<16xf32>,
        %swap3A_571 = arith.index_cast %scan3A_463 : i32 to index
        %swap3A_572 = arith.constant 528 : index
        %swap3A_573 = tpu.vector_load %arg12[%swap3A_571, %swap3A_572] {strides = array<i32>} : memref<32x768xf32, #tpu.memory_space<vmem>>, vector<16xf32>,
        tpu.vector_store %arg12[%swap3A_571, %swap3A_572], %broadcast_in_dim3A_169 {strides = array<i32>} : memref<32x768xf32, #tpu.memory_space<vmem>>, vector<16xf32>,
        %swap3A_574 = arith.index_cast %scan3A_463 : i32 to index
        %swap3A_575 = arith.constant 544 : index
        %swap3A_576 = tpu.vector_load %arg12[%swap3A_574, %swap3A_575] {strides = array<i32>} : memref<32x768xf32, #tpu.memory_space<vmem>>, vector<16xf32>,
        tpu.vector_store %arg12[%swap3A_574, %swap3A_575], %broadcast_in_dim3A_169 {strides = array<i32>} : memref<32x768xf32, #tpu.memory_space<vmem>>, vector<16xf32>,
        %swap3A_577 = arith.index_cast %scan3A_463 : i32 to index
        %swap3A_578 = arith.constant 560 : index
        %swap3A_579 = tpu.vector_load %arg12[%swap3A_577, %swap3A_578] {strides = array<i32>} : memref<32x768xf32, #tpu.memory_space<vmem>>, vector<16xf32>,
        tpu.vector_store %arg12[%swap3A_577, %swap3A_578], %broadcast_in_dim3A_169 {strides = array<i32>} : memref<32x768xf32, #tpu.memory_space<vmem>>, vector<16xf32>,
        %swap3A_580 = arith.index_cast %scan3A_463 : i32 to index
        %swap3A_581 = arith.constant 576 : index
        %swap3A_582 = tpu.vector_load %arg12[%swap3A_580, %swap3A_581] {strides = array<i32>} : memref<32x768xf32, #tpu.memory_space<vmem>>, vector<16xf32>,
        tpu.vector_store %arg12[%swap3A_580, %swap3A_581], %broadcast_in_dim3A_169 {strides = array<i32>} : memref<32x768xf32, #tpu.memory_space<vmem>>, vector<16xf32>,
        %swap3A_583 = arith.index_cast %scan3A_463 : i32 to index
        %swap3A_584 = arith.constant 592 : index
        %swap3A_585 = tpu.vector_load %arg12[%swap3A_583, %swap3A_584] {strides = array<i32>} : memref<32x768xf32, #tpu.memory_space<vmem>>, vector<16xf32>,
        tpu.vector_store %arg12[%swap3A_583, %swap3A_584], %broadcast_in_dim3A_169 {strides = array<i32>} : memref<32x768xf32, #tpu.memory_space<vmem>>, vector<16xf32>,
        %swap3A_586 = arith.index_cast %scan3A_463 : i32 to index
        %swap3A_587 = arith.constant 608 : index
        %swap3A_588 = tpu.vector_load %arg12[%swap3A_586, %swap3A_587] {strides = array<i32>} : memref<32x768xf32, #tpu.memory_space<vmem>>, vector<16xf32>,
        tpu.vector_store %arg12[%swap3A_586, %swap3A_587], %broadcast_in_dim3A_169 {strides = array<i32>} : memref<32x768xf32, #tpu.memory_space<vmem>>, vector<16xf32>,
        %swap3A_589 = arith.index_cast %scan3A_463 : i32 to index
        %swap3A_590 = arith.constant 624 : index
        %swap3A_591 = tpu.vector_load %arg12[%swap3A_589, %swap3A_590] {strides = array<i32>} : memref<32x768xf32, #tpu.memory_space<vmem>>, vector<16xf32>,
        tpu.vector_store %arg12[%swap3A_589, %swap3A_590], %broadcast_in_dim3A_169 {strides = array<i32>} : memref<32x768xf32, #tpu.memory_space<vmem>>, vector<16xf32>,
        %swap3A_592 = arith.index_cast %scan3A_463 : i32 to index
        %swap3A_593 = arith.constant 640 : index
        %swap3A_594 = tpu.vector_load %arg12[%swap3A_592, %swap3A_593] {strides = array<i32>} : memref<32x768xf32, #tpu.memory_space<vmem>>, vector<16xf32>,
        tpu.vector_store %arg12[%swap3A_592, %swap3A_593], %broadcast_in_dim3A_169 {strides = array<i32>} : memref<32x768xf32, #tpu.memory_space<vmem>>, vector<16xf32>,
        %swap3A_595 = arith.index_cast %scan3A_463 : i32 to index
        %swap3A_596 = arith.constant 656 : index
        %swap3A_597 = tpu.vector_load %arg12[%swap3A_595, %swap3A_596] {strides = array<i32>} : memref<32x768xf32, #tpu.memory_space<vmem>>, vector<16xf32>,
        tpu.vector_store %arg12[%swap3A_595, %swap3A_596], %broadcast_in_dim3A_169 {strides = array<i32>} : memref<32x768xf32, #tpu.memory_space<vmem>>, vector<16xf32>,
        %swap3A_598 = arith.index_cast %scan3A_463 : i32 to index
        %swap3A_599 = arith.constant 672 : index
        %swap3A_600 = tpu.vector_load %arg12[%swap3A_598, %swap3A_599] {strides = array<i32>} : memref<32x768xf32, #tpu.memory_space<vmem>>, vector<16xf32>,
        tpu.vector_store %arg12[%swap3A_598, %swap3A_599], %broadcast_in_dim3A_169 {strides = array<i32>} : memref<32x768xf32, #tpu.memory_space<vmem>>, vector<16xf32>,
        %swap3A_601 = arith.index_cast %scan3A_463 : i32 to index
        %swap3A_602 = arith.constant 688 : index
        %swap3A_603 = tpu.vector_load %arg12[%swap3A_601, %swap3A_602] {strides = array<i32>} : memref<32x768xf32, #tpu.memory_space<vmem>>, vector<16xf32>,
        tpu.vector_store %arg12[%swap3A_601, %swap3A_602], %broadcast_in_dim3A_169 {strides = array<i32>} : memref<32x768xf32, #tpu.memory_space<vmem>>, vector<16xf32>,
        %swap3A_604 = arith.index_cast %scan3A_463 : i32 to index
        %swap3A_605 = arith.constant 704 : index
        %swap3A_606 = tpu.vector_load %arg12[%swap3A_604, %swap3A_605] {strides = array<i32>} : memref<32x768xf32, #tpu.memory_space<vmem>>, vector<16xf32>,
        tpu.vector_store %arg12[%swap3A_604, %swap3A_605], %broadcast_in_dim3A_169 {strides = array<i32>} : memref<32x768xf32, #tpu.memory_space<vmem>>, vector<16xf32>,
        %swap3A_607 = arith.index_cast %scan3A_463 : i32 to index
        %swap3A_608 = arith.constant 720 : index
        %swap3A_609 = tpu.vector_load %arg12[%swap3A_607, %swap3A_608] {strides = array<i32>} : memref<32x768xf32, #tpu.memory_space<vmem>>, vector<16xf32>,
        tpu.vector_store %arg12[%swap3A_607, %swap3A_608], %broadcast_in_dim3A_169 {strides = array<i32>} : memref<32x768xf32, #tpu.memory_space<vmem>>, vector<16xf32>,
        %swap3A_610 = arith.index_cast %scan3A_463 : i32 to index
        %swap3A_611 = arith.constant 736 : index
        %swap3A_612 = tpu.vector_load %arg12[%swap3A_610, %swap3A_611] {strides = array<i32>} : memref<32x768xf32, #tpu.memory_space<vmem>>, vector<16xf32>,
        tpu.vector_store %arg12[%swap3A_610, %swap3A_611], %broadcast_in_dim3A_169 {strides = array<i32>} : memref<32x768xf32, #tpu.memory_space<vmem>>, vector<16xf32>,
        %swap3A_613 = arith.index_cast %scan3A_463 : i32 to index
        %swap3A_614 = arith.constant 752 : index
        %swap3A_615 = tpu.vector_load %arg12[%swap3A_613, %swap3A_614] {strides = array<i32>} : memref<32x768xf32, #tpu.memory_space<vmem>>, vector<16xf32>,
        tpu.vector_store %arg12[%swap3A_613, %swap3A_614], %broadcast_in_dim3A_169 {strides = array<i32>} : memref<32x768xf32, #tpu.memory_space<vmem>>, vector<16xf32>,
      } else {
      }
      %scan3A_471 = arith.constant 0 : i32
      scf.yield %scan3A_471 : i32
    }
    %scan3A_399 = arith.constant 32 : i32
    %mul3A_400 = arith.constant 2048 : i32
    %mul3A_401 = arith.muli %select_n3A, %mul3A_400 : i32
    %add3A_402 = arith.addi %mul3A_401, %mul3A_32 : i32
    %add3A_403 = arith.constant 160 : i32
    %add3A_404 = arith.addi %add3A_402, %add3A_403 : i32
    %dma_start3A_405 = arith.constant 0 : i32
    %dma_start3A_406 = tpu.memref_slice %arg4[%add3A_404, %dma_start3A_405] : memref<8192x768xf32, #tpu.memory_space<hbm>> -> memref<32x768xf32, #tpu.memory_space<hbm>>
    %dma_start3A_407 = arith.constant 0 : i32
    %dma_start3A_408 = tpu.memref_slice %arg4[%add3A_404, %dma_start3A_407] : memref<8192x768xf32, #tpu.memory_space<hbm>> -> memref<32x768xf32, #tpu.memory_space<hbm>>
    tpu.enqueue_dma source(%arg12 : memref<32x768xf32, #tpu.memory_space<vmem>>) target(%dma_start3A_408 : memref<32x768xf32, #tpu.memory_space<hbm>>) target_semaphore(%arg20 : memref<!tpu.dma_semaphore, #tpu.memory_space<semaphore_mem>>)
    %dma_wait3A_409 = arith.constant 0 : i32
    %dma_wait3A_410 = arith.constant 0 : i32
    %dma_wait3A_411 = tpu.memref_slice %arg2[%dma_wait3A_409, %dma_wait3A_410] : memref<8192x768xf32, #tpu.memory_space<hbm>> -> memref<8192x768xf32, #tpu.memory_space<hbm>>
    tpu.wait_indirect_dma semaphore(%arg17 : memref<!tpu.dma_semaphore, #tpu.memory_space<semaphore_mem>>) src(%dma_wait3A_411 : memref<8192x768xf32, #tpu.memory_space<hbm>>) dst(%arg13 : memref<32x768xf32, #tpu.memory_space<vmem>>)
    %scan3A_412 = arith.constant 0 : i32
    %scan3A_413 = arith.constant 0 : i32
    %scan3A_414 = arith.constant 32 : i32
    %scan3A_415 = arith.addi %scan3A_413, %scan3A_414 : i32
    %scan3A_416 = arith.constant 1 : i32
    %scan3A_417 = scf.for %scan3A_463 = %scan3A_413 to %scan3A_415 step %scan3A_416 iter_args(%scan3A_464 = %scan3A_412) -> (i32)  : i32 {
      %add3A_465 = arith.constant 192 : i32
      %add3A_466 = arith.addi %add3A_465, %scan3A_463 : i32
      %get3A = arith.index_cast %add3A_466 : i32 to index
      %get3A_467 = tpu.vector_load %arg6[%get3A] {strides = array<i32>} : memref<272xf32, #tpu.memory_space<vmem>>, vector<16xf32>,
      %slice3A = vector.extract_strided_slice %get3A_467 {offsets = [0], sizes = [1], strides = [1]} : vector<16xf32> to vector<1xf32>
      %squeeze3A = vector.extract %slice3A[0] : f32 from vector<1xf32>
      %eq3A_468 = arith.constant 0.000000e+00 : f32
      %eq3A_469 = arith.cmpf oeq, %squeeze3A, %eq3A_468 : f32
      %convert_element_type3A = arith.extui %eq3A_469 : i1 to i32
      %cond3A = arith.constant 0 : i32
      %cond3A_470 = arith.cmpi ne, %convert_element_type3A, %cond3A : i32
      scf.if %cond3A_470 {
        %swap3A_472 = arith.index_cast %scan3A_463 : i32 to index
        %swap3A_473 = arith.constant 0 : index
        %swap3A_474 = tpu.vector_load %arg13[%swap3A_472, %swap3A_473] {strides = array<i32>} : memref<32x768xf32, #tpu.memory_space<vmem>>, vector<16xf32>,
        tpu.vector_store %arg13[%swap3A_472, %swap3A_473], %broadcast_in_dim3A_169 {strides = array<i32>} : memref<32x768xf32, #tpu.memory_space<vmem>>, vector<16xf32>,
        %swap3A_475 = arith.index_cast %scan3A_463 : i32 to index
        %swap3A_476 = arith.constant 16 : index
        %swap3A_477 = tpu.vector_load %arg13[%swap3A_475, %swap3A_476] {strides = array<i32>} : memref<32x768xf32, #tpu.memory_space<vmem>>, vector<16xf32>,
        tpu.vector_store %arg13[%swap3A_475, %swap3A_476], %broadcast_in_dim3A_169 {strides = array<i32>} : memref<32x768xf32, #tpu.memory_space<vmem>>, vector<16xf32>,
        %swap3A_478 = arith.index_cast %scan3A_463 : i32 to index
        %swap3A_479 = arith.constant 32 : index
        %swap3A_480 = tpu.vector_load %arg13[%swap3A_478, %swap3A_479] {strides = array<i32>} : memref<32x768xf32, #tpu.memory_space<vmem>>, vector<16xf32>,
        tpu.vector_store %arg13[%swap3A_478, %swap3A_479], %broadcast_in_dim3A_169 {strides = array<i32>} : memref<32x768xf32, #tpu.memory_space<vmem>>, vector<16xf32>,
        %swap3A_481 = arith.index_cast %scan3A_463 : i32 to index
        %swap3A_482 = arith.constant 48 : index
        %swap3A_483 = tpu.vector_load %arg13[%swap3A_481, %swap3A_482] {strides = array<i32>} : memref<32x768xf32, #tpu.memory_space<vmem>>, vector<16xf32>,
        tpu.vector_store %arg13[%swap3A_481, %swap3A_482], %broadcast_in_dim3A_169 {strides = array<i32>} : memref<32x768xf32, #tpu.memory_space<vmem>>, vector<16xf32>,
        %swap3A_484 = arith.index_cast %scan3A_463 : i32 to index
        %swap3A_485 = arith.constant 64 : index
        %swap3A_486 = tpu.vector_load %arg13[%swap3A_484, %swap3A_485] {strides = array<i32>} : memref<32x768xf32, #tpu.memory_space<vmem>>, vector<16xf32>,
        tpu.vector_store %arg13[%swap3A_484, %swap3A_485], %broadcast_in_dim3A_169 {strides = array<i32>} : memref<32x768xf32, #tpu.memory_space<vmem>>, vector<16xf32>,
        %swap3A_487 = arith.index_cast %scan3A_463 : i32 to index
        %swap3A_488 = arith.constant 80 : index
        %swap3A_489 = tpu.vector_load %arg13[%swap3A_487, %swap3A_488] {strides = array<i32>} : memref<32x768xf32, #tpu.memory_space<vmem>>, vector<16xf32>,
        tpu.vector_store %arg13[%swap3A_487, %swap3A_488], %broadcast_in_dim3A_169 {strides = array<i32>} : memref<32x768xf32, #tpu.memory_space<vmem>>, vector<16xf32>,
        %swap3A_490 = arith.index_cast %scan3A_463 : i32 to index
        %swap3A_491 = arith.constant 96 : index
        %swap3A_492 = tpu.vector_load %arg13[%swap3A_490, %swap3A_491] {strides = array<i32>} : memref<32x768xf32, #tpu.memory_space<vmem>>, vector<16xf32>,
        tpu.vector_store %arg13[%swap3A_490, %swap3A_491], %broadcast_in_dim3A_169 {strides = array<i32>} : memref<32x768xf32, #tpu.memory_space<vmem>>, vector<16xf32>,
        %swap3A_493 = arith.index_cast %scan3A_463 : i32 to index
        %swap3A_494 = arith.constant 112 : index
        %swap3A_495 = tpu.vector_load %arg13[%swap3A_493, %swap3A_494] {strides = array<i32>} : memref<32x768xf32, #tpu.memory_space<vmem>>, vector<16xf32>,
        tpu.vector_store %arg13[%swap3A_493, %swap3A_494], %broadcast_in_dim3A_169 {strides = array<i32>} : memref<32x768xf32, #tpu.memory_space<vmem>>, vector<16xf32>,
        %swap3A_496 = arith.index_cast %scan3A_463 : i32 to index
        %swap3A_497 = arith.constant 128 : index
        %swap3A_498 = tpu.vector_load %arg13[%swap3A_496, %swap3A_497] {strides = array<i32>} : memref<32x768xf32, #tpu.memory_space<vmem>>, vector<16xf32>,
        tpu.vector_store %arg13[%swap3A_496, %swap3A_497], %broadcast_in_dim3A_169 {strides = array<i32>} : memref<32x768xf32, #tpu.memory_space<vmem>>, vector<16xf32>,
        %swap3A_499 = arith.index_cast %scan3A_463 : i32 to index
        %swap3A_500 = arith.constant 144 : index
        %swap3A_501 = tpu.vector_load %arg13[%swap3A_499, %swap3A_500] {strides = array<i32>} : memref<32x768xf32, #tpu.memory_space<vmem>>, vector<16xf32>,
        tpu.vector_store %arg13[%swap3A_499, %swap3A_500], %broadcast_in_dim3A_169 {strides = array<i32>} : memref<32x768xf32, #tpu.memory_space<vmem>>, vector<16xf32>,
        %swap3A_502 = arith.index_cast %scan3A_463 : i32 to index
        %swap3A_503 = arith.constant 160 : index
        %swap3A_504 = tpu.vector_load %arg13[%swap3A_502, %swap3A_503] {strides = array<i32>} : memref<32x768xf32, #tpu.memory_space<vmem>>, vector<16xf32>,
        tpu.vector_store %arg13[%swap3A_502, %swap3A_503], %broadcast_in_dim3A_169 {strides = array<i32>} : memref<32x768xf32, #tpu.memory_space<vmem>>, vector<16xf32>,
        %swap3A_505 = arith.index_cast %scan3A_463 : i32 to index
        %swap3A_506 = arith.constant 176 : index
        %swap3A_507 = tpu.vector_load %arg13[%swap3A_505, %swap3A_506] {strides = array<i32>} : memref<32x768xf32, #tpu.memory_space<vmem>>, vector<16xf32>,
        tpu.vector_store %arg13[%swap3A_505, %swap3A_506], %broadcast_in_dim3A_169 {strides = array<i32>} : memref<32x768xf32, #tpu.memory_space<vmem>>, vector<16xf32>,
        %swap3A_508 = arith.index_cast %scan3A_463 : i32 to index
        %swap3A_509 = arith.constant 192 : index
        %swap3A_510 = tpu.vector_load %arg13[%swap3A_508, %swap3A_509] {strides = array<i32>} : memref<32x768xf32, #tpu.memory_space<vmem>>, vector<16xf32>,
        tpu.vector_store %arg13[%swap3A_508, %swap3A_509], %broadcast_in_dim3A_169 {strides = array<i32>} : memref<32x768xf32, #tpu.memory_space<vmem>>, vector<16xf32>,
        %swap3A_511 = arith.index_cast %scan3A_463 : i32 to index
        %swap3A_512 = arith.constant 208 : index
        %swap3A_513 = tpu.vector_load %arg13[%swap3A_511, %swap3A_512] {strides = array<i32>} : memref<32x768xf32, #tpu.memory_space<vmem>>, vector<16xf32>,
        tpu.vector_store %arg13[%swap3A_511, %swap3A_512], %broadcast_in_dim3A_169 {strides = array<i32>} : memref<32x768xf32, #tpu.memory_space<vmem>>, vector<16xf32>,
        %swap3A_514 = arith.index_cast %scan3A_463 : i32 to index
        %swap3A_515 = arith.constant 224 : index
        %swap3A_516 = tpu.vector_load %arg13[%swap3A_514, %swap3A_515] {strides = array<i32>} : memref<32x768xf32, #tpu.memory_space<vmem>>, vector<16xf32>,
        tpu.vector_store %arg13[%swap3A_514, %swap3A_515], %broadcast_in_dim3A_169 {strides = array<i32>} : memref<32x768xf32, #tpu.memory_space<vmem>>, vector<16xf32>,
        %swap3A_517 = arith.index_cast %scan3A_463 : i32 to index
        %swap3A_518 = arith.constant 240 : index
        %swap3A_519 = tpu.vector_load %arg13[%swap3A_517, %swap3A_518] {strides = array<i32>} : memref<32x768xf32, #tpu.memory_space<vmem>>, vector<16xf32>,
        tpu.vector_store %arg13[%swap3A_517, %swap3A_518], %broadcast_in_dim3A_169 {strides = array<i32>} : memref<32x768xf32, #tpu.memory_space<vmem>>, vector<16xf32>,
        %swap3A_520 = arith.index_cast %scan3A_463 : i32 to index
        %swap3A_521 = arith.constant 256 : index
        %swap3A_522 = tpu.vector_load %arg13[%swap3A_520, %swap3A_521] {strides = array<i32>} : memref<32x768xf32, #tpu.memory_space<vmem>>, vector<16xf32>,
        tpu.vector_store %arg13[%swap3A_520, %swap3A_521], %broadcast_in_dim3A_169 {strides = array<i32>} : memref<32x768xf32, #tpu.memory_space<vmem>>, vector<16xf32>,
        %swap3A_523 = arith.index_cast %scan3A_463 : i32 to index
        %swap3A_524 = arith.constant 272 : index
        %swap3A_525 = tpu.vector_load %arg13[%swap3A_523, %swap3A_524] {strides = array<i32>} : memref<32x768xf32, #tpu.memory_space<vmem>>, vector<16xf32>,
        tpu.vector_store %arg13[%swap3A_523, %swap3A_524], %broadcast_in_dim3A_169 {strides = array<i32>} : memref<32x768xf32, #tpu.memory_space<vmem>>, vector<16xf32>,
        %swap3A_526 = arith.index_cast %scan3A_463 : i32 to index
        %swap3A_527 = arith.constant 288 : index
        %swap3A_528 = tpu.vector_load %arg13[%swap3A_526, %swap3A_527] {strides = array<i32>} : memref<32x768xf32, #tpu.memory_space<vmem>>, vector<16xf32>,
        tpu.vector_store %arg13[%swap3A_526, %swap3A_527], %broadcast_in_dim3A_169 {strides = array<i32>} : memref<32x768xf32, #tpu.memory_space<vmem>>, vector<16xf32>,
        %swap3A_529 = arith.index_cast %scan3A_463 : i32 to index
        %swap3A_530 = arith.constant 304 : index
        %swap3A_531 = tpu.vector_load %arg13[%swap3A_529, %swap3A_530] {strides = array<i32>} : memref<32x768xf32, #tpu.memory_space<vmem>>, vector<16xf32>,
        tpu.vector_store %arg13[%swap3A_529, %swap3A_530], %broadcast_in_dim3A_169 {strides = array<i32>} : memref<32x768xf32, #tpu.memory_space<vmem>>, vector<16xf32>,
        %swap3A_532 = arith.index_cast %scan3A_463 : i32 to index
        %swap3A_533 = arith.constant 320 : index
        %swap3A_534 = tpu.vector_load %arg13[%swap3A_532, %swap3A_533] {strides = array<i32>} : memref<32x768xf32, #tpu.memory_space<vmem>>, vector<16xf32>,
        tpu.vector_store %arg13[%swap3A_532, %swap3A_533], %broadcast_in_dim3A_169 {strides = array<i32>} : memref<32x768xf32, #tpu.memory_space<vmem>>, vector<16xf32>,
        %swap3A_535 = arith.index_cast %scan3A_463 : i32 to index
        %swap3A_536 = arith.constant 336 : index
        %swap3A_537 = tpu.vector_load %arg13[%swap3A_535, %swap3A_536] {strides = array<i32>} : memref<32x768xf32, #tpu.memory_space<vmem>>, vector<16xf32>,
        tpu.vector_store %arg13[%swap3A_535, %swap3A_536], %broadcast_in_dim3A_169 {strides = array<i32>} : memref<32x768xf32, #tpu.memory_space<vmem>>, vector<16xf32>,
        %swap3A_538 = arith.index_cast %scan3A_463 : i32 to index
        %swap3A_539 = arith.constant 352 : index
        %swap3A_540 = tpu.vector_load %arg13[%swap3A_538, %swap3A_539] {strides = array<i32>} : memref<32x768xf32, #tpu.memory_space<vmem>>, vector<16xf32>,
        tpu.vector_store %arg13[%swap3A_538, %swap3A_539], %broadcast_in_dim3A_169 {strides = array<i32>} : memref<32x768xf32, #tpu.memory_space<vmem>>, vector<16xf32>,
        %swap3A_541 = arith.index_cast %scan3A_463 : i32 to index
        %swap3A_542 = arith.constant 368 : index
        %swap3A_543 = tpu.vector_load %arg13[%swap3A_541, %swap3A_542] {strides = array<i32>} : memref<32x768xf32, #tpu.memory_space<vmem>>, vector<16xf32>,
        tpu.vector_store %arg13[%swap3A_541, %swap3A_542], %broadcast_in_dim3A_169 {strides = array<i32>} : memref<32x768xf32, #tpu.memory_space<vmem>>, vector<16xf32>,
        %swap3A_544 = arith.index_cast %scan3A_463 : i32 to index
        %swap3A_545 = arith.constant 384 : index
        %swap3A_546 = tpu.vector_load %arg13[%swap3A_544, %swap3A_545] {strides = array<i32>} : memref<32x768xf32, #tpu.memory_space<vmem>>, vector<16xf32>,
        tpu.vector_store %arg13[%swap3A_544, %swap3A_545], %broadcast_in_dim3A_169 {strides = array<i32>} : memref<32x768xf32, #tpu.memory_space<vmem>>, vector<16xf32>,
        %swap3A_547 = arith.index_cast %scan3A_463 : i32 to index
        %swap3A_548 = arith.constant 400 : index
        %swap3A_549 = tpu.vector_load %arg13[%swap3A_547, %swap3A_548] {strides = array<i32>} : memref<32x768xf32, #tpu.memory_space<vmem>>, vector<16xf32>,
        tpu.vector_store %arg13[%swap3A_547, %swap3A_548], %broadcast_in_dim3A_169 {strides = array<i32>} : memref<32x768xf32, #tpu.memory_space<vmem>>, vector<16xf32>,
        %swap3A_550 = arith.index_cast %scan3A_463 : i32 to index
        %swap3A_551 = arith.constant 416 : index
        %swap3A_552 = tpu.vector_load %arg13[%swap3A_550, %swap3A_551] {strides = array<i32>} : memref<32x768xf32, #tpu.memory_space<vmem>>, vector<16xf32>,
        tpu.vector_store %arg13[%swap3A_550, %swap3A_551], %broadcast_in_dim3A_169 {strides = array<i32>} : memref<32x768xf32, #tpu.memory_space<vmem>>, vector<16xf32>,
        %swap3A_553 = arith.index_cast %scan3A_463 : i32 to index
        %swap3A_554 = arith.constant 432 : index
        %swap3A_555 = tpu.vector_load %arg13[%swap3A_553, %swap3A_554] {strides = array<i32>} : memref<32x768xf32, #tpu.memory_space<vmem>>, vector<16xf32>,
        tpu.vector_store %arg13[%swap3A_553, %swap3A_554], %broadcast_in_dim3A_169 {strides = array<i32>} : memref<32x768xf32, #tpu.memory_space<vmem>>, vector<16xf32>,
        %swap3A_556 = arith.index_cast %scan3A_463 : i32 to index
        %swap3A_557 = arith.constant 448 : index
        %swap3A_558 = tpu.vector_load %arg13[%swap3A_556, %swap3A_557] {strides = array<i32>} : memref<32x768xf32, #tpu.memory_space<vmem>>, vector<16xf32>,
        tpu.vector_store %arg13[%swap3A_556, %swap3A_557], %broadcast_in_dim3A_169 {strides = array<i32>} : memref<32x768xf32, #tpu.memory_space<vmem>>, vector<16xf32>,
        %swap3A_559 = arith.index_cast %scan3A_463 : i32 to index
        %swap3A_560 = arith.constant 464 : index
        %swap3A_561 = tpu.vector_load %arg13[%swap3A_559, %swap3A_560] {strides = array<i32>} : memref<32x768xf32, #tpu.memory_space<vmem>>, vector<16xf32>,
        tpu.vector_store %arg13[%swap3A_559, %swap3A_560], %broadcast_in_dim3A_169 {strides = array<i32>} : memref<32x768xf32, #tpu.memory_space<vmem>>, vector<16xf32>,
        %swap3A_562 = arith.index_cast %scan3A_463 : i32 to index
        %swap3A_563 = arith.constant 480 : index
        %swap3A_564 = tpu.vector_load %arg13[%swap3A_562, %swap3A_563] {strides = array<i32>} : memref<32x768xf32, #tpu.memory_space<vmem>>, vector<16xf32>,
        tpu.vector_store %arg13[%swap3A_562, %swap3A_563], %broadcast_in_dim3A_169 {strides = array<i32>} : memref<32x768xf32, #tpu.memory_space<vmem>>, vector<16xf32>,
        %swap3A_565 = arith.index_cast %scan3A_463 : i32 to index
        %swap3A_566 = arith.constant 496 : index
        %swap3A_567 = tpu.vector_load %arg13[%swap3A_565, %swap3A_566] {strides = array<i32>} : memref<32x768xf32, #tpu.memory_space<vmem>>, vector<16xf32>,
        tpu.vector_store %arg13[%swap3A_565, %swap3A_566], %broadcast_in_dim3A_169 {strides = array<i32>} : memref<32x768xf32, #tpu.memory_space<vmem>>, vector<16xf32>,
        %swap3A_568 = arith.index_cast %scan3A_463 : i32 to index
        %swap3A_569 = arith.constant 512 : index
        %swap3A_570 = tpu.vector_load %arg13[%swap3A_568, %swap3A_569] {strides = array<i32>} : memref<32x768xf32, #tpu.memory_space<vmem>>, vector<16xf32>,
        tpu.vector_store %arg13[%swap3A_568, %swap3A_569], %broadcast_in_dim3A_169 {strides = array<i32>} : memref<32x768xf32, #tpu.memory_space<vmem>>, vector<16xf32>,
        %swap3A_571 = arith.index_cast %scan3A_463 : i32 to index
        %swap3A_572 = arith.constant 528 : index
        %swap3A_573 = tpu.vector_load %arg13[%swap3A_571, %swap3A_572] {strides = array<i32>} : memref<32x768xf32, #tpu.memory_space<vmem>>, vector<16xf32>,
        tpu.vector_store %arg13[%swap3A_571, %swap3A_572], %broadcast_in_dim3A_169 {strides = array<i32>} : memref<32x768xf32, #tpu.memory_space<vmem>>, vector<16xf32>,
        %swap3A_574 = arith.index_cast %scan3A_463 : i32 to index
        %swap3A_575 = arith.constant 544 : index
        %swap3A_576 = tpu.vector_load %arg13[%swap3A_574, %swap3A_575] {strides = array<i32>} : memref<32x768xf32, #tpu.memory_space<vmem>>, vector<16xf32>,
        tpu.vector_store %arg13[%swap3A_574, %swap3A_575], %broadcast_in_dim3A_169 {strides = array<i32>} : memref<32x768xf32, #tpu.memory_space<vmem>>, vector<16xf32>,
        %swap3A_577 = arith.index_cast %scan3A_463 : i32 to index
        %swap3A_578 = arith.constant 560 : index
        %swap3A_579 = tpu.vector_load %arg13[%swap3A_577, %swap3A_578] {strides = array<i32>} : memref<32x768xf32, #tpu.memory_space<vmem>>, vector<16xf32>,
        tpu.vector_store %arg13[%swap3A_577, %swap3A_578], %broadcast_in_dim3A_169 {strides = array<i32>} : memref<32x768xf32, #tpu.memory_space<vmem>>, vector<16xf32>,
        %swap3A_580 = arith.index_cast %scan3A_463 : i32 to index
        %swap3A_581 = arith.constant 576 : index
        %swap3A_582 = tpu.vector_load %arg13[%swap3A_580, %swap3A_581] {strides = array<i32>} : memref<32x768xf32, #tpu.memory_space<vmem>>, vector<16xf32>,
        tpu.vector_store %arg13[%swap3A_580, %swap3A_581], %broadcast_in_dim3A_169 {strides = array<i32>} : memref<32x768xf32, #tpu.memory_space<vmem>>, vector<16xf32>,
        %swap3A_583 = arith.index_cast %scan3A_463 : i32 to index
        %swap3A_584 = arith.constant 592 : index
        %swap3A_585 = tpu.vector_load %arg13[%swap3A_583, %swap3A_584] {strides = array<i32>} : memref<32x768xf32, #tpu.memory_space<vmem>>, vector<16xf32>,
        tpu.vector_store %arg13[%swap3A_583, %swap3A_584], %broadcast_in_dim3A_169 {strides = array<i32>} : memref<32x768xf32, #tpu.memory_space<vmem>>, vector<16xf32>,
        %swap3A_586 = arith.index_cast %scan3A_463 : i32 to index
        %swap3A_587 = arith.constant 608 : index
        %swap3A_588 = tpu.vector_load %arg13[%swap3A_586, %swap3A_587] {strides = array<i32>} : memref<32x768xf32, #tpu.memory_space<vmem>>, vector<16xf32>,
        tpu.vector_store %arg13[%swap3A_586, %swap3A_587], %broadcast_in_dim3A_169 {strides = array<i32>} : memref<32x768xf32, #tpu.memory_space<vmem>>, vector<16xf32>,
        %swap3A_589 = arith.index_cast %scan3A_463 : i32 to index
        %swap3A_590 = arith.constant 624 : index
        %swap3A_591 = tpu.vector_load %arg13[%swap3A_589, %swap3A_590] {strides = array<i32>} : memref<32x768xf32, #tpu.memory_space<vmem>>, vector<16xf32>,
        tpu.vector_store %arg13[%swap3A_589, %swap3A_590], %broadcast_in_dim3A_169 {strides = array<i32>} : memref<32x768xf32, #tpu.memory_space<vmem>>, vector<16xf32>,
        %swap3A_592 = arith.index_cast %scan3A_463 : i32 to index
        %swap3A_593 = arith.constant 640 : index
        %swap3A_594 = tpu.vector_load %arg13[%swap3A_592, %swap3A_593] {strides = array<i32>} : memref<32x768xf32, #tpu.memory_space<vmem>>, vector<16xf32>,
        tpu.vector_store %arg13[%swap3A_592, %swap3A_593], %broadcast_in_dim3A_169 {strides = array<i32>} : memref<32x768xf32, #tpu.memory_space<vmem>>, vector<16xf32>,
        %swap3A_595 = arith.index_cast %scan3A_463 : i32 to index
        %swap3A_596 = arith.constant 656 : index
        %swap3A_597 = tpu.vector_load %arg13[%swap3A_595, %swap3A_596] {strides = array<i32>} : memref<32x768xf32, #tpu.memory_space<vmem>>, vector<16xf32>,
        tpu.vector_store %arg13[%swap3A_595, %swap3A_596], %broadcast_in_dim3A_169 {strides = array<i32>} : memref<32x768xf32, #tpu.memory_space<vmem>>, vector<16xf32>,
        %swap3A_598 = arith.index_cast %scan3A_463 : i32 to index
        %swap3A_599 = arith.constant 672 : index
        %swap3A_600 = tpu.vector_load %arg13[%swap3A_598, %swap3A_599] {strides = array<i32>} : memref<32x768xf32, #tpu.memory_space<vmem>>, vector<16xf32>,
        tpu.vector_store %arg13[%swap3A_598, %swap3A_599], %broadcast_in_dim3A_169 {strides = array<i32>} : memref<32x768xf32, #tpu.memory_space<vmem>>, vector<16xf32>,
        %swap3A_601 = arith.index_cast %scan3A_463 : i32 to index
        %swap3A_602 = arith.constant 688 : index
        %swap3A_603 = tpu.vector_load %arg13[%swap3A_601, %swap3A_602] {strides = array<i32>} : memref<32x768xf32, #tpu.memory_space<vmem>>, vector<16xf32>,
        tpu.vector_store %arg13[%swap3A_601, %swap3A_602], %broadcast_in_dim3A_169 {strides = array<i32>} : memref<32x768xf32, #tpu.memory_space<vmem>>, vector<16xf32>,
        %swap3A_604 = arith.index_cast %scan3A_463 : i32 to index
        %swap3A_605 = arith.constant 704 : index
        %swap3A_606 = tpu.vector_load %arg13[%swap3A_604, %swap3A_605] {strides = array<i32>} : memref<32x768xf32, #tpu.memory_space<vmem>>, vector<16xf32>,
        tpu.vector_store %arg13[%swap3A_604, %swap3A_605], %broadcast_in_dim3A_169 {strides = array<i32>} : memref<32x768xf32, #tpu.memory_space<vmem>>, vector<16xf32>,
        %swap3A_607 = arith.index_cast %scan3A_463 : i32 to index
        %swap3A_608 = arith.constant 720 : index
        %swap3A_609 = tpu.vector_load %arg13[%swap3A_607, %swap3A_608] {strides = array<i32>} : memref<32x768xf32, #tpu.memory_space<vmem>>, vector<16xf32>,
        tpu.vector_store %arg13[%swap3A_607, %swap3A_608], %broadcast_in_dim3A_169 {strides = array<i32>} : memref<32x768xf32, #tpu.memory_space<vmem>>, vector<16xf32>,
        %swap3A_610 = arith.index_cast %scan3A_463 : i32 to index
        %swap3A_611 = arith.constant 736 : index
        %swap3A_612 = tpu.vector_load %arg13[%swap3A_610, %swap3A_611] {strides = array<i32>} : memref<32x768xf32, #tpu.memory_space<vmem>>, vector<16xf32>,
        tpu.vector_store %arg13[%swap3A_610, %swap3A_611], %broadcast_in_dim3A_169 {strides = array<i32>} : memref<32x768xf32, #tpu.memory_space<vmem>>, vector<16xf32>,
        %swap3A_613 = arith.index_cast %scan3A_463 : i32 to index
        %swap3A_614 = arith.constant 752 : index
        %swap3A_615 = tpu.vector_load %arg13[%swap3A_613, %swap3A_614] {strides = array<i32>} : memref<32x768xf32, #tpu.memory_space<vmem>>, vector<16xf32>,
        tpu.vector_store %arg13[%swap3A_613, %swap3A_614], %broadcast_in_dim3A_169 {strides = array<i32>} : memref<32x768xf32, #tpu.memory_space<vmem>>, vector<16xf32>,
      } else {
      }
      %scan3A_471 = arith.constant 0 : i32
      scf.yield %scan3A_471 : i32
    }
    %scan3A_418 = arith.constant 32 : i32
    %mul3A_419 = arith.constant 2048 : i32
    %mul3A_420 = arith.muli %select_n3A, %mul3A_419 : i32
    %add3A_421 = arith.addi %mul3A_420, %mul3A_32 : i32
    %add3A_422 = arith.constant 192 : i32
    %add3A_423 = arith.addi %add3A_421, %add3A_422 : i32
    %dma_start3A_424 = arith.constant 0 : i32
    %dma_start3A_425 = tpu.memref_slice %arg4[%add3A_423, %dma_start3A_424] : memref<8192x768xf32, #tpu.memory_space<hbm>> -> memref<32x768xf32, #tpu.memory_space<hbm>>
    %dma_start3A_426 = arith.constant 0 : i32
    %dma_start3A_427 = tpu.memref_slice %arg4[%add3A_423, %dma_start3A_426] : memref<8192x768xf32, #tpu.memory_space<hbm>> -> memref<32x768xf32, #tpu.memory_space<hbm>>
    tpu.enqueue_dma source(%arg13 : memref<32x768xf32, #tpu.memory_space<vmem>>) target(%dma_start3A_427 : memref<32x768xf32, #tpu.memory_space<hbm>>) target_semaphore(%arg21 : memref<!tpu.dma_semaphore, #tpu.memory_space<semaphore_mem>>)
    %dma_wait3A_428 = arith.constant 0 : i32
    %dma_wait3A_429 = arith.constant 0 : i32
    %dma_wait3A_430 = tpu.memref_slice %arg2[%dma_wait3A_428, %dma_wait3A_429] : memref<8192x768xf32, #tpu.memory_space<hbm>> -> memref<8192x768xf32, #tpu.memory_space<hbm>>
    tpu.wait_indirect_dma semaphore(%arg18 : memref<!tpu.dma_semaphore, #tpu.memory_space<semaphore_mem>>) src(%dma_wait3A_430 : memref<8192x768xf32, #tpu.memory_space<hbm>>) dst(%arg14 : memref<32x768xf32, #tpu.memory_space<vmem>>)
    %scan3A_431 = arith.constant 0 : i32
    %scan3A_432 = arith.constant 0 : i32
    %scan3A_433 = arith.constant 32 : i32
    %scan3A_434 = arith.addi %scan3A_432, %scan3A_433 : i32
    %scan3A_435 = arith.constant 1 : i32
    %scan3A_436 = scf.for %scan3A_463 = %scan3A_432 to %scan3A_434 step %scan3A_435 iter_args(%scan3A_464 = %scan3A_431) -> (i32)  : i32 {
      %add3A_465 = arith.constant 224 : i32
      %add3A_466 = arith.addi %add3A_465, %scan3A_463 : i32
      %get3A = arith.index_cast %add3A_466 : i32 to index
      %get3A_467 = tpu.vector_load %arg6[%get3A] {strides = array<i32>} : memref<272xf32, #tpu.memory_space<vmem>>, vector<16xf32>,
      %slice3A = vector.extract_strided_slice %get3A_467 {offsets = [0], sizes = [1], strides = [1]} : vector<16xf32> to vector<1xf32>
      %squeeze3A = vector.extract %slice3A[0] : f32 from vector<1xf32>
      %eq3A_468 = arith.constant 0.000000e+00 : f32
      %eq3A_469 = arith.cmpf oeq, %squeeze3A, %eq3A_468 : f32
      %convert_element_type3A = arith.extui %eq3A_469 : i1 to i32
      %cond3A = arith.constant 0 : i32
      %cond3A_470 = arith.cmpi ne, %convert_element_type3A, %cond3A : i32
      scf.if %cond3A_470 {
        %swap3A_472 = arith.index_cast %scan3A_463 : i32 to index
        %swap3A_473 = arith.constant 0 : index
        %swap3A_474 = tpu.vector_load %arg14[%swap3A_472, %swap3A_473] {strides = array<i32>} : memref<32x768xf32, #tpu.memory_space<vmem>>, vector<16xf32>,
        tpu.vector_store %arg14[%swap3A_472, %swap3A_473], %broadcast_in_dim3A_169 {strides = array<i32>} : memref<32x768xf32, #tpu.memory_space<vmem>>, vector<16xf32>,
        %swap3A_475 = arith.index_cast %scan3A_463 : i32 to index
        %swap3A_476 = arith.constant 16 : index
        %swap3A_477 = tpu.vector_load %arg14[%swap3A_475, %swap3A_476] {strides = array<i32>} : memref<32x768xf32, #tpu.memory_space<vmem>>, vector<16xf32>,
        tpu.vector_store %arg14[%swap3A_475, %swap3A_476], %broadcast_in_dim3A_169 {strides = array<i32>} : memref<32x768xf32, #tpu.memory_space<vmem>>, vector<16xf32>,
        %swap3A_478 = arith.index_cast %scan3A_463 : i32 to index
        %swap3A_479 = arith.constant 32 : index
        %swap3A_480 = tpu.vector_load %arg14[%swap3A_478, %swap3A_479] {strides = array<i32>} : memref<32x768xf32, #tpu.memory_space<vmem>>, vector<16xf32>,
        tpu.vector_store %arg14[%swap3A_478, %swap3A_479], %broadcast_in_dim3A_169 {strides = array<i32>} : memref<32x768xf32, #tpu.memory_space<vmem>>, vector<16xf32>,
        %swap3A_481 = arith.index_cast %scan3A_463 : i32 to index
        %swap3A_482 = arith.constant 48 : index
        %swap3A_483 = tpu.vector_load %arg14[%swap3A_481, %swap3A_482] {strides = array<i32>} : memref<32x768xf32, #tpu.memory_space<vmem>>, vector<16xf32>,
        tpu.vector_store %arg14[%swap3A_481, %swap3A_482], %broadcast_in_dim3A_169 {strides = array<i32>} : memref<32x768xf32, #tpu.memory_space<vmem>>, vector<16xf32>,
        %swap3A_484 = arith.index_cast %scan3A_463 : i32 to index
        %swap3A_485 = arith.constant 64 : index
        %swap3A_486 = tpu.vector_load %arg14[%swap3A_484, %swap3A_485] {strides = array<i32>} : memref<32x768xf32, #tpu.memory_space<vmem>>, vector<16xf32>,
        tpu.vector_store %arg14[%swap3A_484, %swap3A_485], %broadcast_in_dim3A_169 {strides = array<i32>} : memref<32x768xf32, #tpu.memory_space<vmem>>, vector<16xf32>,
        %swap3A_487 = arith.index_cast %scan3A_463 : i32 to index
        %swap3A_488 = arith.constant 80 : index
        %swap3A_489 = tpu.vector_load %arg14[%swap3A_487, %swap3A_488] {strides = array<i32>} : memref<32x768xf32, #tpu.memory_space<vmem>>, vector<16xf32>,
        tpu.vector_store %arg14[%swap3A_487, %swap3A_488], %broadcast_in_dim3A_169 {strides = array<i32>} : memref<32x768xf32, #tpu.memory_space<vmem>>, vector<16xf32>,
        %swap3A_490 = arith.index_cast %scan3A_463 : i32 to index
        %swap3A_491 = arith.constant 96 : index
        %swap3A_492 = tpu.vector_load %arg14[%swap3A_490, %swap3A_491] {strides = array<i32>} : memref<32x768xf32, #tpu.memory_space<vmem>>, vector<16xf32>,
        tpu.vector_store %arg14[%swap3A_490, %swap3A_491], %broadcast_in_dim3A_169 {strides = array<i32>} : memref<32x768xf32, #tpu.memory_space<vmem>>, vector<16xf32>,
        %swap3A_493 = arith.index_cast %scan3A_463 : i32 to index
        %swap3A_494 = arith.constant 112 : index
        %swap3A_495 = tpu.vector_load %arg14[%swap3A_493, %swap3A_494] {strides = array<i32>} : memref<32x768xf32, #tpu.memory_space<vmem>>, vector<16xf32>,
        tpu.vector_store %arg14[%swap3A_493, %swap3A_494], %broadcast_in_dim3A_169 {strides = array<i32>} : memref<32x768xf32, #tpu.memory_space<vmem>>, vector<16xf32>,
        %swap3A_496 = arith.index_cast %scan3A_463 : i32 to index
        %swap3A_497 = arith.constant 128 : index
        %swap3A_498 = tpu.vector_load %arg14[%swap3A_496, %swap3A_497] {strides = array<i32>} : memref<32x768xf32, #tpu.memory_space<vmem>>, vector<16xf32>,
        tpu.vector_store %arg14[%swap3A_496, %swap3A_497], %broadcast_in_dim3A_169 {strides = array<i32>} : memref<32x768xf32, #tpu.memory_space<vmem>>, vector<16xf32>,
        %swap3A_499 = arith.index_cast %scan3A_463 : i32 to index
        %swap3A_500 = arith.constant 144 : index
        %swap3A_501 = tpu.vector_load %arg14[%swap3A_499, %swap3A_500] {strides = array<i32>} : memref<32x768xf32, #tpu.memory_space<vmem>>, vector<16xf32>,
        tpu.vector_store %arg14[%swap3A_499, %swap3A_500], %broadcast_in_dim3A_169 {strides = array<i32>} : memref<32x768xf32, #tpu.memory_space<vmem>>, vector<16xf32>,
        %swap3A_502 = arith.index_cast %scan3A_463 : i32 to index
        %swap3A_503 = arith.constant 160 : index
        %swap3A_504 = tpu.vector_load %arg14[%swap3A_502, %swap3A_503] {strides = array<i32>} : memref<32x768xf32, #tpu.memory_space<vmem>>, vector<16xf32>,
        tpu.vector_store %arg14[%swap3A_502, %swap3A_503], %broadcast_in_dim3A_169 {strides = array<i32>} : memref<32x768xf32, #tpu.memory_space<vmem>>, vector<16xf32>,
        %swap3A_505 = arith.index_cast %scan3A_463 : i32 to index
        %swap3A_506 = arith.constant 176 : index
        %swap3A_507 = tpu.vector_load %arg14[%swap3A_505, %swap3A_506] {strides = array<i32>} : memref<32x768xf32, #tpu.memory_space<vmem>>, vector<16xf32>,
        tpu.vector_store %arg14[%swap3A_505, %swap3A_506], %broadcast_in_dim3A_169 {strides = array<i32>} : memref<32x768xf32, #tpu.memory_space<vmem>>, vector<16xf32>,
        %swap3A_508 = arith.index_cast %scan3A_463 : i32 to index
        %swap3A_509 = arith.constant 192 : index
        %swap3A_510 = tpu.vector_load %arg14[%swap3A_508, %swap3A_509] {strides = array<i32>} : memref<32x768xf32, #tpu.memory_space<vmem>>, vector<16xf32>,
        tpu.vector_store %arg14[%swap3A_508, %swap3A_509], %broadcast_in_dim3A_169 {strides = array<i32>} : memref<32x768xf32, #tpu.memory_space<vmem>>, vector<16xf32>,
        %swap3A_511 = arith.index_cast %scan3A_463 : i32 to index
        %swap3A_512 = arith.constant 208 : index
        %swap3A_513 = tpu.vector_load %arg14[%swap3A_511, %swap3A_512] {strides = array<i32>} : memref<32x768xf32, #tpu.memory_space<vmem>>, vector<16xf32>,
        tpu.vector_store %arg14[%swap3A_511, %swap3A_512], %broadcast_in_dim3A_169 {strides = array<i32>} : memref<32x768xf32, #tpu.memory_space<vmem>>, vector<16xf32>,
        %swap3A_514 = arith.index_cast %scan3A_463 : i32 to index
        %swap3A_515 = arith.constant 224 : index
        %swap3A_516 = tpu.vector_load %arg14[%swap3A_514, %swap3A_515] {strides = array<i32>} : memref<32x768xf32, #tpu.memory_space<vmem>>, vector<16xf32>,
        tpu.vector_store %arg14[%swap3A_514, %swap3A_515], %broadcast_in_dim3A_169 {strides = array<i32>} : memref<32x768xf32, #tpu.memory_space<vmem>>, vector<16xf32>,
        %swap3A_517 = arith.index_cast %scan3A_463 : i32 to index
        %swap3A_518 = arith.constant 240 : index
        %swap3A_519 = tpu.vector_load %arg14[%swap3A_517, %swap3A_518] {strides = array<i32>} : memref<32x768xf32, #tpu.memory_space<vmem>>, vector<16xf32>,
        tpu.vector_store %arg14[%swap3A_517, %swap3A_518], %broadcast_in_dim3A_169 {strides = array<i32>} : memref<32x768xf32, #tpu.memory_space<vmem>>, vector<16xf32>,
        %swap3A_520 = arith.index_cast %scan3A_463 : i32 to index
        %swap3A_521 = arith.constant 256 : index
        %swap3A_522 = tpu.vector_load %arg14[%swap3A_520, %swap3A_521] {strides = array<i32>} : memref<32x768xf32, #tpu.memory_space<vmem>>, vector<16xf32>,
        tpu.vector_store %arg14[%swap3A_520, %swap3A_521], %broadcast_in_dim3A_169 {strides = array<i32>} : memref<32x768xf32, #tpu.memory_space<vmem>>, vector<16xf32>,
        %swap3A_523 = arith.index_cast %scan3A_463 : i32 to index
        %swap3A_524 = arith.constant 272 : index
        %swap3A_525 = tpu.vector_load %arg14[%swap3A_523, %swap3A_524] {strides = array<i32>} : memref<32x768xf32, #tpu.memory_space<vmem>>, vector<16xf32>,
        tpu.vector_store %arg14[%swap3A_523, %swap3A_524], %broadcast_in_dim3A_169 {strides = array<i32>} : memref<32x768xf32, #tpu.memory_space<vmem>>, vector<16xf32>,
        %swap3A_526 = arith.index_cast %scan3A_463 : i32 to index
        %swap3A_527 = arith.constant 288 : index
        %swap3A_528 = tpu.vector_load %arg14[%swap3A_526, %swap3A_527] {strides = array<i32>} : memref<32x768xf32, #tpu.memory_space<vmem>>, vector<16xf32>,
        tpu.vector_store %arg14[%swap3A_526, %swap3A_527], %broadcast_in_dim3A_169 {strides = array<i32>} : memref<32x768xf32, #tpu.memory_space<vmem>>, vector<16xf32>,
        %swap3A_529 = arith.index_cast %scan3A_463 : i32 to index
        %swap3A_530 = arith.constant 304 : index
        %swap3A_531 = tpu.vector_load %arg14[%swap3A_529, %swap3A_530] {strides = array<i32>} : memref<32x768xf32, #tpu.memory_space<vmem>>, vector<16xf32>,
        tpu.vector_store %arg14[%swap3A_529, %swap3A_530], %broadcast_in_dim3A_169 {strides = array<i32>} : memref<32x768xf32, #tpu.memory_space<vmem>>, vector<16xf32>,
        %swap3A_532 = arith.index_cast %scan3A_463 : i32 to index
        %swap3A_533 = arith.constant 320 : index
        %swap3A_534 = tpu.vector_load %arg14[%swap3A_532, %swap3A_533] {strides = array<i32>} : memref<32x768xf32, #tpu.memory_space<vmem>>, vector<16xf32>,
        tpu.vector_store %arg14[%swap3A_532, %swap3A_533], %broadcast_in_dim3A_169 {strides = array<i32>} : memref<32x768xf32, #tpu.memory_space<vmem>>, vector<16xf32>,
        %swap3A_535 = arith.index_cast %scan3A_463 : i32 to index
        %swap3A_536 = arith.constant 336 : index
        %swap3A_537 = tpu.vector_load %arg14[%swap3A_535, %swap3A_536] {strides = array<i32>} : memref<32x768xf32, #tpu.memory_space<vmem>>, vector<16xf32>,
        tpu.vector_store %arg14[%swap3A_535, %swap3A_536], %broadcast_in_dim3A_169 {strides = array<i32>} : memref<32x768xf32, #tpu.memory_space<vmem>>, vector<16xf32>,
        %swap3A_538 = arith.index_cast %scan3A_463 : i32 to index
        %swap3A_539 = arith.constant 352 : index
        %swap3A_540 = tpu.vector_load %arg14[%swap3A_538, %swap3A_539] {strides = array<i32>} : memref<32x768xf32, #tpu.memory_space<vmem>>, vector<16xf32>,
        tpu.vector_store %arg14[%swap3A_538, %swap3A_539], %broadcast_in_dim3A_169 {strides = array<i32>} : memref<32x768xf32, #tpu.memory_space<vmem>>, vector<16xf32>,
        %swap3A_541 = arith.index_cast %scan3A_463 : i32 to index
        %swap3A_542 = arith.constant 368 : index
        %swap3A_543 = tpu.vector_load %arg14[%swap3A_541, %swap3A_542] {strides = array<i32>} : memref<32x768xf32, #tpu.memory_space<vmem>>, vector<16xf32>,
        tpu.vector_store %arg14[%swap3A_541, %swap3A_542], %broadcast_in_dim3A_169 {strides = array<i32>} : memref<32x768xf32, #tpu.memory_space<vmem>>, vector<16xf32>,
        %swap3A_544 = arith.index_cast %scan3A_463 : i32 to index
        %swap3A_545 = arith.constant 384 : index
        %swap3A_546 = tpu.vector_load %arg14[%swap3A_544, %swap3A_545] {strides = array<i32>} : memref<32x768xf32, #tpu.memory_space<vmem>>, vector<16xf32>,
        tpu.vector_store %arg14[%swap3A_544, %swap3A_545], %broadcast_in_dim3A_169 {strides = array<i32>} : memref<32x768xf32, #tpu.memory_space<vmem>>, vector<16xf32>,
        %swap3A_547 = arith.index_cast %scan3A_463 : i32 to index
        %swap3A_548 = arith.constant 400 : index
        %swap3A_549 = tpu.vector_load %arg14[%swap3A_547, %swap3A_548] {strides = array<i32>} : memref<32x768xf32, #tpu.memory_space<vmem>>, vector<16xf32>,
        tpu.vector_store %arg14[%swap3A_547, %swap3A_548], %broadcast_in_dim3A_169 {strides = array<i32>} : memref<32x768xf32, #tpu.memory_space<vmem>>, vector<16xf32>,
        %swap3A_550 = arith.index_cast %scan3A_463 : i32 to index
        %swap3A_551 = arith.constant 416 : index
        %swap3A_552 = tpu.vector_load %arg14[%swap3A_550, %swap3A_551] {strides = array<i32>} : memref<32x768xf32, #tpu.memory_space<vmem>>, vector<16xf32>,
        tpu.vector_store %arg14[%swap3A_550, %swap3A_551], %broadcast_in_dim3A_169 {strides = array<i32>} : memref<32x768xf32, #tpu.memory_space<vmem>>, vector<16xf32>,
        %swap3A_553 = arith.index_cast %scan3A_463 : i32 to index
        %swap3A_554 = arith.constant 432 : index
        %swap3A_555 = tpu.vector_load %arg14[%swap3A_553, %swap3A_554] {strides = array<i32>} : memref<32x768xf32, #tpu.memory_space<vmem>>, vector<16xf32>,
        tpu.vector_store %arg14[%swap3A_553, %swap3A_554], %broadcast_in_dim3A_169 {strides = array<i32>} : memref<32x768xf32, #tpu.memory_space<vmem>>, vector<16xf32>,
        %swap3A_556 = arith.index_cast %scan3A_463 : i32 to index
        %swap3A_557 = arith.constant 448 : index
        %swap3A_558 = tpu.vector_load %arg14[%swap3A_556, %swap3A_557] {strides = array<i32>} : memref<32x768xf32, #tpu.memory_space<vmem>>, vector<16xf32>,
        tpu.vector_store %arg14[%swap3A_556, %swap3A_557], %broadcast_in_dim3A_169 {strides = array<i32>} : memref<32x768xf32, #tpu.memory_space<vmem>>, vector<16xf32>,
        %swap3A_559 = arith.index_cast %scan3A_463 : i32 to index
        %swap3A_560 = arith.constant 464 : index
        %swap3A_561 = tpu.vector_load %arg14[%swap3A_559, %swap3A_560] {strides = array<i32>} : memref<32x768xf32, #tpu.memory_space<vmem>>, vector<16xf32>,
        tpu.vector_store %arg14[%swap3A_559, %swap3A_560], %broadcast_in_dim3A_169 {strides = array<i32>} : memref<32x768xf32, #tpu.memory_space<vmem>>, vector<16xf32>,
        %swap3A_562 = arith.index_cast %scan3A_463 : i32 to index
        %swap3A_563 = arith.constant 480 : index
        %swap3A_564 = tpu.vector_load %arg14[%swap3A_562, %swap3A_563] {strides = array<i32>} : memref<32x768xf32, #tpu.memory_space<vmem>>, vector<16xf32>,
        tpu.vector_store %arg14[%swap3A_562, %swap3A_563], %broadcast_in_dim3A_169 {strides = array<i32>} : memref<32x768xf32, #tpu.memory_space<vmem>>, vector<16xf32>,
        %swap3A_565 = arith.index_cast %scan3A_463 : i32 to index
        %swap3A_566 = arith.constant 496 : index
        %swap3A_567 = tpu.vector_load %arg14[%swap3A_565, %swap3A_566] {strides = array<i32>} : memref<32x768xf32, #tpu.memory_space<vmem>>, vector<16xf32>,
        tpu.vector_store %arg14[%swap3A_565, %swap3A_566], %broadcast_in_dim3A_169 {strides = array<i32>} : memref<32x768xf32, #tpu.memory_space<vmem>>, vector<16xf32>,
        %swap3A_568 = arith.index_cast %scan3A_463 : i32 to index
        %swap3A_569 = arith.constant 512 : index
        %swap3A_570 = tpu.vector_load %arg14[%swap3A_568, %swap3A_569] {strides = array<i32>} : memref<32x768xf32, #tpu.memory_space<vmem>>, vector<16xf32>,
        tpu.vector_store %arg14[%swap3A_568, %swap3A_569], %broadcast_in_dim3A_169 {strides = array<i32>} : memref<32x768xf32, #tpu.memory_space<vmem>>, vector<16xf32>,
        %swap3A_571 = arith.index_cast %scan3A_463 : i32 to index
        %swap3A_572 = arith.constant 528 : index
        %swap3A_573 = tpu.vector_load %arg14[%swap3A_571, %swap3A_572] {strides = array<i32>} : memref<32x768xf32, #tpu.memory_space<vmem>>, vector<16xf32>,
        tpu.vector_store %arg14[%swap3A_571, %swap3A_572], %broadcast_in_dim3A_169 {strides = array<i32>} : memref<32x768xf32, #tpu.memory_space<vmem>>, vector<16xf32>,
        %swap3A_574 = arith.index_cast %scan3A_463 : i32 to index
        %swap3A_575 = arith.constant 544 : index
        %swap3A_576 = tpu.vector_load %arg14[%swap3A_574, %swap3A_575] {strides = array<i32>} : memref<32x768xf32, #tpu.memory_space<vmem>>, vector<16xf32>,
        tpu.vector_store %arg14[%swap3A_574, %swap3A_575], %broadcast_in_dim3A_169 {strides = array<i32>} : memref<32x768xf32, #tpu.memory_space<vmem>>, vector<16xf32>,
        %swap3A_577 = arith.index_cast %scan3A_463 : i32 to index
        %swap3A_578 = arith.constant 560 : index
        %swap3A_579 = tpu.vector_load %arg14[%swap3A_577, %swap3A_578] {strides = array<i32>} : memref<32x768xf32, #tpu.memory_space<vmem>>, vector<16xf32>,
        tpu.vector_store %arg14[%swap3A_577, %swap3A_578], %broadcast_in_dim3A_169 {strides = array<i32>} : memref<32x768xf32, #tpu.memory_space<vmem>>, vector<16xf32>,
        %swap3A_580 = arith.index_cast %scan3A_463 : i32 to index
        %swap3A_581 = arith.constant 576 : index
        %swap3A_582 = tpu.vector_load %arg14[%swap3A_580, %swap3A_581] {strides = array<i32>} : memref<32x768xf32, #tpu.memory_space<vmem>>, vector<16xf32>,
        tpu.vector_store %arg14[%swap3A_580, %swap3A_581], %broadcast_in_dim3A_169 {strides = array<i32>} : memref<32x768xf32, #tpu.memory_space<vmem>>, vector<16xf32>,
        %swap3A_583 = arith.index_cast %scan3A_463 : i32 to index
        %swap3A_584 = arith.constant 592 : index
        %swap3A_585 = tpu.vector_load %arg14[%swap3A_583, %swap3A_584] {strides = array<i32>} : memref<32x768xf32, #tpu.memory_space<vmem>>, vector<16xf32>,
        tpu.vector_store %arg14[%swap3A_583, %swap3A_584], %broadcast_in_dim3A_169 {strides = array<i32>} : memref<32x768xf32, #tpu.memory_space<vmem>>, vector<16xf32>,
        %swap3A_586 = arith.index_cast %scan3A_463 : i32 to index
        %swap3A_587 = arith.constant 608 : index
        %swap3A_588 = tpu.vector_load %arg14[%swap3A_586, %swap3A_587] {strides = array<i32>} : memref<32x768xf32, #tpu.memory_space<vmem>>, vector<16xf32>,
        tpu.vector_store %arg14[%swap3A_586, %swap3A_587], %broadcast_in_dim3A_169 {strides = array<i32>} : memref<32x768xf32, #tpu.memory_space<vmem>>, vector<16xf32>,
        %swap3A_589 = arith.index_cast %scan3A_463 : i32 to index
        %swap3A_590 = arith.constant 624 : index
        %swap3A_591 = tpu.vector_load %arg14[%swap3A_589, %swap3A_590] {strides = array<i32>} : memref<32x768xf32, #tpu.memory_space<vmem>>, vector<16xf32>,
        tpu.vector_store %arg14[%swap3A_589, %swap3A_590], %broadcast_in_dim3A_169 {strides = array<i32>} : memref<32x768xf32, #tpu.memory_space<vmem>>, vector<16xf32>,
        %swap3A_592 = arith.index_cast %scan3A_463 : i32 to index
        %swap3A_593 = arith.constant 640 : index
        %swap3A_594 = tpu.vector_load %arg14[%swap3A_592, %swap3A_593] {strides = array<i32>} : memref<32x768xf32, #tpu.memory_space<vmem>>, vector<16xf32>,
        tpu.vector_store %arg14[%swap3A_592, %swap3A_593], %broadcast_in_dim3A_169 {strides = array<i32>} : memref<32x768xf32, #tpu.memory_space<vmem>>, vector<16xf32>,
        %swap3A_595 = arith.index_cast %scan3A_463 : i32 to index
        %swap3A_596 = arith.constant 656 : index
        %swap3A_597 = tpu.vector_load %arg14[%swap3A_595, %swap3A_596] {strides = array<i32>} : memref<32x768xf32, #tpu.memory_space<vmem>>, vector<16xf32>,
        tpu.vector_store %arg14[%swap3A_595, %swap3A_596], %broadcast_in_dim3A_169 {strides = array<i32>} : memref<32x768xf32, #tpu.memory_space<vmem>>, vector<16xf32>,
        %swap3A_598 = arith.index_cast %scan3A_463 : i32 to index
        %swap3A_599 = arith.constant 672 : index
        %swap3A_600 = tpu.vector_load %arg14[%swap3A_598, %swap3A_599] {strides = array<i32>} : memref<32x768xf32, #tpu.memory_space<vmem>>, vector<16xf32>,
        tpu.vector_store %arg14[%swap3A_598, %swap3A_599], %broadcast_in_dim3A_169 {strides = array<i32>} : memref<32x768xf32, #tpu.memory_space<vmem>>, vector<16xf32>,
        %swap3A_601 = arith.index_cast %scan3A_463 : i32 to index
        %swap3A_602 = arith.constant 688 : index
        %swap3A_603 = tpu.vector_load %arg14[%swap3A_601, %swap3A_602] {strides = array<i32>} : memref<32x768xf32, #tpu.memory_space<vmem>>, vector<16xf32>,
        tpu.vector_store %arg14[%swap3A_601, %swap3A_602], %broadcast_in_dim3A_169 {strides = array<i32>} : memref<32x768xf32, #tpu.memory_space<vmem>>, vector<16xf32>,
        %swap3A_604 = arith.index_cast %scan3A_463 : i32 to index
        %swap3A_605 = arith.constant 704 : index
        %swap3A_606 = tpu.vector_load %arg14[%swap3A_604, %swap3A_605] {strides = array<i32>} : memref<32x768xf32, #tpu.memory_space<vmem>>, vector<16xf32>,
        tpu.vector_store %arg14[%swap3A_604, %swap3A_605], %broadcast_in_dim3A_169 {strides = array<i32>} : memref<32x768xf32, #tpu.memory_space<vmem>>, vector<16xf32>,
        %swap3A_607 = arith.index_cast %scan3A_463 : i32 to index
        %swap3A_608 = arith.constant 720 : index
        %swap3A_609 = tpu.vector_load %arg14[%swap3A_607, %swap3A_608] {strides = array<i32>} : memref<32x768xf32, #tpu.memory_space<vmem>>, vector<16xf32>,
        tpu.vector_store %arg14[%swap3A_607, %swap3A_608], %broadcast_in_dim3A_169 {strides = array<i32>} : memref<32x768xf32, #tpu.memory_space<vmem>>, vector<16xf32>,
        %swap3A_610 = arith.index_cast %scan3A_463 : i32 to index
        %swap3A_611 = arith.constant 736 : index
        %swap3A_612 = tpu.vector_load %arg14[%swap3A_610, %swap3A_611] {strides = array<i32>} : memref<32x768xf32, #tpu.memory_space<vmem>>, vector<16xf32>,
        tpu.vector_store %arg14[%swap3A_610, %swap3A_611], %broadcast_in_dim3A_169 {strides = array<i32>} : memref<32x768xf32, #tpu.memory_space<vmem>>, vector<16xf32>,
        %swap3A_613 = arith.index_cast %scan3A_463 : i32 to index
        %swap3A_614 = arith.constant 752 : index
        %swap3A_615 = tpu.vector_load %arg14[%swap3A_613, %swap3A_614] {strides = array<i32>} : memref<32x768xf32, #tpu.memory_space<vmem>>, vector<16xf32>,
        tpu.vector_store %arg14[%swap3A_613, %swap3A_614], %broadcast_in_dim3A_169 {strides = array<i32>} : memref<32x768xf32, #tpu.memory_space<vmem>>, vector<16xf32>,
      } else {
      }
      %scan3A_471 = arith.constant 0 : i32
      scf.yield %scan3A_471 : i32
    }
    %scan3A_437 = arith.constant 32 : i32
    %mul3A_438 = arith.constant 2048 : i32
    %mul3A_439 = arith.muli %select_n3A, %mul3A_438 : i32
    %add3A_440 = arith.addi %mul3A_439, %mul3A_32 : i32
    %add3A_441 = arith.constant 224 : i32
    %add3A_442 = arith.addi %add3A_440, %add3A_441 : i32
    %dma_start3A_443 = arith.constant 0 : i32
    %dma_start3A_444 = tpu.memref_slice %arg4[%add3A_442, %dma_start3A_443] : memref<8192x768xf32, #tpu.memory_space<hbm>> -> memref<32x768xf32, #tpu.memory_space<hbm>>
    %dma_start3A_445 = arith.constant 0 : i32
    %dma_start3A_446 = tpu.memref_slice %arg4[%add3A_442, %dma_start3A_445] : memref<8192x768xf32, #tpu.memory_space<hbm>> -> memref<32x768xf32, #tpu.memory_space<hbm>>
    tpu.enqueue_dma source(%arg14 : memref<32x768xf32, #tpu.memory_space<vmem>>) target(%dma_start3A_446 : memref<32x768xf32, #tpu.memory_space<hbm>>) target_semaphore(%arg22 : memref<!tpu.dma_semaphore, #tpu.memory_space<semaphore_mem>>)
    %dma_wait3A_447 = arith.constant 0 : i32
    %dma_wait3A_448 = tpu.memref_slice %arg4[%add3A_359, %dma_wait3A_447] : memref<8192x768xf32, #tpu.memory_space<hbm>> -> memref<32x768xf32, #tpu.memory_space<hbm>>
    %dma_wait3A_449 = arith.constant 0 : i32
    %dma_wait3A_450 = tpu.memref_slice %arg4[%add3A_359, %dma_wait3A_449] : memref<8192x768xf32, #tpu.memory_space<hbm>> -> memref<32x768xf32, #tpu.memory_space<hbm>>
    tpu.wait_dma2 semaphore(%arg19 : memref<!tpu.dma_semaphore, #tpu.memory_space<semaphore_mem>>) src(%arg11 : memref<32x768xf32, #tpu.memory_space<vmem>>) dst(%dma_wait3A_450 : memref<32x768xf32, #tpu.memory_space<hbm>>)
    %dma_wait3A_451 = arith.constant 0 : i32
    %dma_wait3A_452 = tpu.memref_slice %arg4[%add3A_404, %dma_wait3A_451] : memref<8192x768xf32, #tpu.memory_space<hbm>> -> memref<32x768xf32, #tpu.memory_space<hbm>>
    %dma_wait3A_453 = arith.constant 0 : i32
    %dma_wait3A_454 = tpu.memref_slice %arg4[%add3A_404, %dma_wait3A_453] : memref<8192x768xf32, #tpu.memory_space<hbm>> -> memref<32x768xf32, #tpu.memory_space<hbm>>
    tpu.wait_dma2 semaphore(%arg20 : memref<!tpu.dma_semaphore, #tpu.memory_space<semaphore_mem>>) src(%arg12 : memref<32x768xf32, #tpu.memory_space<vmem>>) dst(%dma_wait3A_454 : memref<32x768xf32, #tpu.memory_space<hbm>>)
    %dma_wait3A_455 = arith.constant 0 : i32
    %dma_wait3A_456 = tpu.memref_slice %arg4[%add3A_423, %dma_wait3A_455] : memref<8192x768xf32, #tpu.memory_space<hbm>> -> memref<32x768xf32, #tpu.memory_space<hbm>>
    %dma_wait3A_457 = arith.constant 0 : i32
    %dma_wait3A_458 = tpu.memref_slice %arg4[%add3A_423, %dma_wait3A_457] : memref<8192x768xf32, #tpu.memory_space<hbm>> -> memref<32x768xf32, #tpu.memory_space<hbm>>
    tpu.wait_dma2 semaphore(%arg21 : memref<!tpu.dma_semaphore, #tpu.memory_space<semaphore_mem>>) src(%arg13 : memref<32x768xf32, #tpu.memory_space<vmem>>) dst(%dma_wait3A_458 : memref<32x768xf32, #tpu.memory_space<hbm>>)
    %dma_wait3A_459 = arith.constant 0 : i32
    %dma_wait3A_460 = tpu.memref_slice %arg4[%add3A_442, %dma_wait3A_459] : memref<8192x768xf32, #tpu.memory_space<hbm>> -> memref<32x768xf32, #tpu.memory_space<hbm>>
    %dma_wait3A_461 = arith.constant 0 : i32
    %dma_wait3A_462 = tpu.memref_slice %arg4[%add3A_442, %dma_wait3A_461] : memref<8192x768xf32, #tpu.memory_space<hbm>> -> memref<32x768xf32, #tpu.memory_space<hbm>>
    tpu.wait_dma2 semaphore(%arg22 : memref<!tpu.dma_semaphore, #tpu.memory_space<semaphore_mem>>) src(%arg14 : memref<32x768xf32, #tpu.memory_space<vmem>>) dst(%dma_wait3A_462 : memref<32x768xf32, #tpu.memory_space<hbm>>)
    return
  }
}

</mosaic_0001>

<sc_bundles>
// kernel: kernel.3.cloned.1.call-start
scs
__scs_entry_jumppad:
0x0: {  	(pc) =	sbr.rel $0x88, $3  }
0x1: {  	(tag) =	ssettag $0x0;
	lr =	simm.s32 $0x1  }
0x2: {  	[smem:$0x3F9F] =	sst lr;
	_ =	strace $0xD0000000  }
0x3: {  	_ = 	snop  }
0x4: {  	_ = 	snop  }
0x5: {  	_ = 	snop  }
0x6: {  	_ = 	snop  }
0x7: {  	_ = 	snop  }
__scs_overlays_trampoline_lowered:
0x8: {  	[smem:$0x3FAE] =	sst s0  }
0x9: {  	[smem:$0x3FAF] =	sst s1  }
0xa: {  	[smem:$0x3FB0] =	sst s2  }
0xb: {  	[smem:$0x3FB1] =	sst s3  }
0xc: {  	[smem:$0x3FB2] =	sst s4  }
0xd: {  	[smem:$0x3FB3] =	sst s5  }
0xe: {  	[smem:$0x3FB4] =	sst s6  }
0xf: {  	[smem:$0x3FB5] =	sst s7  }
0x10: {  	[smem:$0x3FB6] =	sst s8  }
0x11: {  	[smem:$0x3FB7] =	sst s9;
	s0 =	simm.s32 @!p0 $0x0  }
0x12: {  	s1 =	sld [smem:$0x3F9D];
	s0 =	simm.s32 @p0 $0x1  }
0x13: {  	[smem:$0x3FB8] =	sst s0;
	s0 =	simm.s32 @!p1 $0x0  }
0x14: {  	s2 =	sld [smem:$0x3F9C];
	s0 =	simm.s32 @p1 $0x1  }
0x15: {  	[smem:$0x3FB9] =	sst s0;
	s0 =	simm.s32 @!p2 $0x0  }
0x16: {  	s3 =	sld [smem:$0x3FDB];
	s0 =	simm.s32 @p2 $0x1  }
0x17: {  	s4 =	simm.s32 $0x1BF5;
	[smem:$0x3FBB] =	sst s0  }
0x18: {  	s0 =	sld [smem:$0x3F9E];
	_ =	swait.ge [sflag:s4], $0x0  }
0x19: {  	s7 =	sld [smem:$0x3F9F]  }
0x1a: {  	s8 =	sadd.s32 $0xFFFFE003, lr  }
0x1b: {  	s9 =	sadd.s32 $0xFFFFFEF7, lr;
	s5 =	simm.s32 $0xFFFFFFFF;
	p2 =	slt.u32 s8, $0xFFFFF086  }
0x1c: {  	p1 =	slt.u32 s9, $0xF7A;
	s5 =	simm.s32 @!p2 $0x0  }
0x1d: {  	s5 =	simm.s32 @p1 $0x1;
	p0 =	seq.s32 s7, s2  }
0x1e: {  	s7 =	smul.u32 @!p0 $0xF7A, s2;
	p2 =	seq.s32 @!p0 s5, $0x0  }
0x1f: {  	s9 =	smul.u32 $0xF7A, s1;
	s8 =	simm.s32 @!p0 $0x1BF5;
	p2 =	por !p2, p0  }
0x20: {  	[sflag:s8] =	ssyncset.s32 @!p0 $0xFFFFF086;
	s6 =	sadd.s32 @!p0 s3, s7;
	s7 =	simm.s32 @!p0 $0x108  }
0x21: {  	s3 =	sadd.s32 s3, s9;
	s6 =	sadd.s32 @!p0 $0x88, s6;
	s7 =	simm.s32 @p2 $0x1082  }
0x22: {  	[simem:s7], [sflag:s8] =	dma.local @!p0 [hbm:s6], $0xF7A  }
0x23: {  	s9 =	sor.u32 $0xD0000000, s2;
	s6 =	simm.s32 $0x108;
	_ =	swait.ge @!p0 [sflag:s8], $0x0  }
0x24: {  	s3 =	sadd.s32 $0x88, s3;
	s6 =	simm.s32 @!p1 $0x1082;
	[sflag:s4] =	ssyncset.s32 $0xFFFFF086  }
0x25: {  	[simem:s6], [sflag:s4] =	dma.local [hbm:s3], $0xF7A  }
0x26: {  	[smem:$0x3F9F] =	sst s1;
	(tag) =	ssettag s2;
	_ =	strace s9  }
0x27: {  	s1 =	sld [smem:$0x3FAF]  }
0x28: {  	s2 =	sld [smem:$0x3FB0]  }
0x29: {  	s4 =	sld [smem:$0x3FB2]  }
0x2a: {  	p0 =	seq.s32 s5, $0x0;
	s5 =	sld [smem:$0x3FB3]  }
0x2b: {  	s6 =	sld [smem:$0x3FB4]  }
0x2c: {  	s7 =	sld [smem:$0x3FB5]  }
0x2d: {  	s3 =	simm.s32 $0x108;
	s8 =	sld [smem:$0x3FB6]  }
0x2e: {  	s3 =	simm.s32 @!p0 $0x1082;
	s9 =	sld [smem:$0x3FB7]  }
0x2f: {  	lr =	sadd.s32 s0, s3;
	s0 =	sld [smem:$0x3FAE]  }
0x30: {  	s3 =	sld [smem:$0x3FB1]  }
0x31: {  	[smem:$0x3FBA] =	sst s10  }
0x32: {  	s10 =	sld [smem:$0x3FB8];
	_ =	sdelay $0x3  }
0x33: {  	p0 =	seq.s32 s10, $0x1;
	s10 =	sld [smem:$0x3FBA];
	_ =	sdelay $0x3  }
0x34: {  	[smem:$0x3FBA] =	sst s10  }
0x35: {  	s10 =	sld [smem:$0x3FB9];
	_ =	sdelay $0x3  }
0x36: {  	p1 =	seq.s32 s10, $0x1;
	s10 =	sld [smem:$0x3FBA];
	_ =	sdelay $0x3  }
0x37: {  	[smem:$0x3FBA] =	sst s10  }
0x38: {  	s10 =	sld [smem:$0x3FBB]  }
0x39: {  	_ = 	snop;
	(pc) =	sbr.ind lr, $3  }
0x3a: {  	_ = 	snop  }
0x3b: {  	_ = 	snop  }
0x3c: {  	p2 =	seq.s32 s10, $0x1;
	s10 =	sld [smem:$0x3FBA]  }
0x3d: {  	_ =	shalt  }
0x3e: {  	_ =	shalt  }
0x3f: {  	_ =	shalt  }
0x40: {  	_ =	shalt  }
0x41: {  	_ =	shalt  }
0x42: {  	_ =	shalt  }
0x43: {  	_ =	shalt  }
0x44: {  	_ =	shalt  }
0x45: {  	_ =	shalt  }
0x46: {  	_ =	shalt  }
0x47: {  	_ =	shalt  }
0x48: {  	_ =	shalt  }
0x49: {  	_ =	shalt  }
0x4a: {  	_ =	shalt  }
0x4b: {  	_ =	shalt  }
0x4c: {  	_ =	shalt  }
0x4d: {  	_ =	shalt  }
0x4e: {  	_ =	shalt  }
0x4f: {  	_ =	shalt  }
0x50: {  	_ =	shalt  }
0x51: {  	_ =	shalt  }
0x52: {  	_ =	shalt  }
0x53: {  	_ =	shalt  }
0x54: {  	_ =	shalt  }
0x55: {  	_ =	shalt  }
0x56: {  	_ =	shalt  }
0x57: {  	_ =	shalt  }
0x58: {  	_ =	shalt  }
0x59: {  	_ =	shalt  }
0x5a: {  	_ =	shalt  }
0x5b: {  	_ =	shalt  }
0x5c: {  	_ =	shalt  }
0x5d: {  	_ =	shalt  }
0x5e: {  	_ =	shalt  }
0x5f: {  	_ =	shalt  }
0x60: {  	_ =	shalt  }
0x61: {  	_ =	shalt  }
0x62: {  	_ =	shalt  }
0x63: {  	_ =	shalt  }
0x64: {  	_ =	shalt  }
0x65: {  	_ =	shalt  }
0x66: {  	_ =	shalt  }
0x67: {  	_ =	shalt  }
0x68: {  	_ =	shalt  }
0x69: {  	_ =	shalt  }
0x6a: {  	_ =	shalt  }
0x6b: {  	_ =	shalt  }
0x6c: {  	_ =	shalt  }
0x6d: {  	_ =	shalt  }
0x6e: {  	_ =	shalt  }
0x6f: {  	_ =	shalt  }
0x70: {  	_ =	shalt  }
0x71: {  	_ =	shalt  }
0x72: {  	_ =	shalt  }
0x73: {  	_ =	shalt  }
0x74: {  	_ =	shalt  }
0x75: {  	_ =	shalt  }
0x76: {  	_ =	shalt  }
0x77: {  	_ =	shalt  }
0x78: {  	_ =	shalt  }
0x79: {  	_ =	shalt  }
0x7a: {  	_ =	shalt  }
0x7b: {  	_ =	shalt  }
0x7c: {  	_ =	shalt  }
0x7d: {  	_ =	shalt  }
0x7e: {  	_ =	shalt  }
0x7f: {  	_ =	shalt  }
0x80: {  	_ =	shalt  }
0x81: {  	_ =	shalt  }
0x82: {  	_ =	shalt  }
0x83: {  	_ =	shalt  }
0x84: {  	_ =	shalt  }
0x85: {  	_ =	shalt  }
0x86: {  	_ =	shalt  }
0x87: {  	_ =	shalt  }
.Lfunc_end0:
.L_simem_size_0:
called_computation_lowered:
.L_overlay_start_0:
0x88: {  	s2 =	sld [smem:$0x3FD9]  }
0x89: {  	s3 =	sld [smem:$0x3FFE];
	_ =	sdelay $0x1  }
0x8a: {  	s1 =	srdreg.scid  }
0x8b: {  	s0 =	sand.u32 $0x1, s1  }
0x8c: {  	s17 =	sshll.u32 s0, $0xA;
	s2 =	sadd.s32 s3, s2  }
0x8d: {  	s2 =	sadd.s32 s2, s17  }
0x8e: {  	[smem:$0x3FC6] =	sst s2  }
0x8f: {  	_ = 	snop  }
0x90: {  	s2 =	sld [smem:$0x3FC9]  }
0x91: {  	s18 =	sld [smem:$0x3FD0];
	(tm) =	ssettm $0x1  }
0x92: {  	s4 =	sld [smem:$0x3FFB];
	_ =	sdelay $0x3  }
0x93: {  	_ =	strace s4  }
0x94: {  	s4 =	sld [smem:$0x3FFC];
	_ =	sdelay $0x3  }
0x95: {  	_ =	strace s4  }
0x96: {  	s4 =	sld [smem:$0x3FFD];
	_ =	sdelay $0x3  }
0x97: {  	_ =	strace s4  }
0x98: {  	_ =	strace $0x8FFFFFFF  }
0x99: {  	s19 =	sld [smem:$0x3FDB];
	_ =	sdelay $0x1  }
0x9a: {  	s5 =	simm.s32 $_scs_section_size  }
0x9b: {  	s6 =	simm.s32 $_size__tile_overlayer_lowered;
	s7 =	simm.s32 $_tile_overlayer_lowered  }
0x9c: {  	s22 =	simm.s32 $0x1BFF;
	s21 =	sshll.u32 s7, $0x1;
	s4 =	sadd.s32 s5, s19  }
0x9d: {  	s8 =	simm.s32 $0x0;
	s20 =	sshll.u32 s6, $0x1;
	s6 =	sadd.s32 s21, s4  }
0x9e: {  	[timem:s8], [sflag:s22] =	dma.local [hbm:s6], s20  }
0x9f: {  	_ =	swait.ge [sflag:s22], s20  }
0xa0: {  	s5 =	ssub.s32 $0x0, s20;
	[sflag:s22] =	ssyncset.done $0x0  }
0xa1: {  	[sflag:s22] =	ssyncadd.s32 s5;
	_ =	sdelay $0x1  }
0xa2: {  	s23 =	simm.s32 $0x1B8B  }
0xa3: {  	_ =	swait.ge [sflag:s23], $0x1  }
0xa4: {  	[sflag:s23] =	ssyncset.done $0x0  }
0xa5: {  	s25 =	simm.s32 $0x1B8E;
	s24 =	sld [smem:$0x3FFE];
	[sflag:s23] =	ssyncadd.s32 $0xFFFFFFFF  }
0xa6: {  	s26 =	simm.s32 $execute0_lowered;
	[smem:$0x3FD2] =	sst s25  }
0xa7: {  	s6 =	sshll.u32 s26, $0x1;
	_ =	strace $0x80000046;
	[dreg:$0x1] =	wrdreg $0xFFFFFFFF  }
0xa8: {  	s28 =	simm.s32 $_size_execute0_lowered;
	s4 =	sadd.s32 s4, s6;
	[dreg:$0x0] =	wrdreg $0x0  }
0xa9: {  	s6 =	sshll.u32 s28, $0x1;
	[dreg:$0x2] =	wrdreg s4  }
0xaa: {  	[dreg:$0x3] =	wrdreg s6  }
0xab: {  	[dreg:$0x4] =	wrdreg $0xC0  }
0xac: {  	_ =	task [dreg:s8], $0x5FFFF  }
0xad: {  	[dreg:$0x1] =	wrdreg $0xFFFFFFFF  }
0xae: {  	[dreg:$0x0] =	wrdreg $0x60  }
0xaf: {  	[dreg:$0x2] =	wrdreg s2  }
0xb0: {  	[dreg:$0x3] =	wrdreg s24  }
0xb1: {  	[dreg:$0x4] =	wrdreg s18  }
0xb2: {  	[dreg:$0x5] =	wrdreg $0x9  }
0xb3: {  	_ =	task.clear_ibuf [dreg:s8], $0x6FFFF;
	_ =	strace $0x90000046  }
0xb4: {  	s29 =	simm.s32 $0x9;
	_ =	strace $0x80000048  }
0xb5: {  	_ =	swait.ge [sflag:s29], $0x1  }
0xb6: {  	[sflag:s29] =	ssyncadd.s32 $0xFFFFFFFF  }
0xb7: {  	_ =	strace $0x90000048  }
0xb8: {  	_ =	sfence  }
0xb9: {  	s30 =	sld [smem:$0x0];
	_ =	sdelay $0x2  }
0xba: {  	s31 =	sshll.u32 s1, $0xD;
	s1 =	sshrl.u32 s1, $0x2  }
0xbb: {  	s3 =	sand.u32 $0x4000, s31;
	s1 =	sadd.s32 s1, s30  }
0xbc: {  	s0 =	sor.u32 s3, s0;
	s1 =	sshll.u32 s1, $0x11  }
0xbd: {  	s0 =	sor.u32 s1, s0  }
0xbe: {  	s0 =	sadd.s32 $0x8F2B, s0  }
0xbf: {  	[sflag:s0] =	ssyncadd.remote.s32 $0x1  }
0xc0: {  	_ =	sfence.sel $0xFFFF  }
0xc1: {  	[dreg:$0x0] =	wrdreg $0xFFFFFFFF;
	(pc) =	sbr.abs _section_cstart, $3  }
0xc2: {  	[dreg:$0x1] =	wrdreg $0xFFFFFFFF  }
0xc3: {  	_ =	task.clear_ibuf [dreg:s8], $0x2FFFF;
	_ =	strace $0x9FFFFFFF  }
0xc4: {  	(tm) =	ssettm $0x7FFFFFFF  }
0xc5: {  	_ =	shalt  }
tec
execute0_lowered:
.L_overlay_start_1:
0x0: {  	(tag) =	ssettag $0x1  }
0x1: {  	s6 =	stileid.u32  }
0x2: {  	s5 =	srdreg.scid;
	s4 =	sshll.u32 s6, $0x9;
	s6 =	sshll.u32 s6, $0x1  }
0x3: {  	s5 =	sand.u32 $0x1, s5;
	s6 =	sand.u32 $0x6, s6  }
0x4: {  	s1 =	rddreg [dreg:$0x0];
	v2 =	vlaneseq.u32;
	s7 =	sand.u32 $0x1800, s4;
	s6 =	sor.u32 s5, s6  }
0x5: {  	v21 =	vmul.u32 $0xFFFFFFFF, v2;
	s4 =	sor.u32 $0x7FF, s4;
	s5 =	ssub.s32 $0x2, s5;
	s6 =	sshll.u32 s6, $0x8  }
0x6: {  	s8 =	sshrl.u32 s7, $0x3;
	s9 =	sshrl.u32 s5, $0x1;
	s10 =	ssub.s32 s4, s6  }
0x7: {  	vm0 =	vmmov $0xffff;
	s23 =	sor.u32 s7, s6;
	s7 =	ssub.s32 s5, s9;
	v11 =	vmov s6;
	v0 =	vadd.s32 s10, v21;
	s12 =	sadd.s32 $0xFFFFFFE0, s10  }
0x8: {  	s13 =	sadd.s32 $0xFFFFFFD0, s10;
	s14 =	sadd.s32 $0xFFFFFFC0, s10;
	s16 =	sadd.s32 $0xFFFFFF90, s10;
	v1 =	vshrl.u32 v0, $0x3;
	v3 =	vand.u32 $0x7, v0;
	v7 =	vadd.s32 s12, v21  }
0x9: {  	s17 =	sadd.s32 $0xFFFFFF70, s10;
	s9 =	sadd.s32 $0xFFFFFF60, s10;
	s18 =	sadd.s32 $0xFFFFFF50, s10;
	v8 =	vadd.s32 s13, v21;
	v9 =	vadd.s32 s14, v21;
	v13 =	vadd.s32 s16, v21  }
0xa: {  	s24 =	sshrl.u32 s23, $0x3;
	s21 =	sadd.s32 $0xFFFFFF40, s10;
	s23 =	sadd.s32 $0xFFFFFF20, s10;
	v15 =	vadd.s32 s17, v21;
	v16 =	vadd.s32 s9, v21;
	v17 =	vadd.s32 s18, v21  }
0xb: {  	s0 =	rddreg [dreg:$0x1];
	v18 =	vadd.s32 s21, v21;
	v20 =	vadd.s32 s23, v21;
	v1 =	vmul.u32 $0x30, v1  }
0xc: {  	s2 =	rddreg [dreg:$0x2];
	s15 =	sadd.s32 $0xFFFFFFB0, s10;
	s11 =	smul.u32 $0x300, s24;
	v10 =	vshrl.u32 v7, $0x3;
	v23 =	vshrl.u32 v9, $0x3;
	v25 =	vand.u32 $0x7, v7  }
0xd: {  	s3 =	simm.s32 $0x0;
	s0 =	sadd.s32 s8, s0;
	s8 =	smul.u32 $0x1800, s24;
	v22 =	vmul.u32 $0x30, v10;
	v10 =	vadd.s32 s15, v21;
	v23 =	vmul.u32 $0x30, v23  }
0xe: {  	[smem:$0x7FF] =	sst s3;
	s26 =	sadd.s32 s2, s11;
	s11 =	sadd.s32 $0xFFFFFFA0, s10;
	v4 =	vor.u32 v3, v1;
	v1 =	vand.u32 $0x7, v2;
	v3 =	vshrl.u32 v2, $0x3  }
0xf: {  	s0 =	sadd.s32 $0x400, s0;
	s25 =	sadd.s32 $0xFFFFFFF0, s10;
	s8 =	sshrl.u32 s8, $0x3;
	v2 =	vor.u32 $0x8, v2;
	v12 =	vadd.s32 s11, v21;
	v5 =	vperm.xlane v4, v1  }
0x10: {  	_ =	strace $0x80000047;
	[dreg:$0x4] =	wrdreg s0;
	s0 =	sadd.s32 s2, s8;
	v3 =	vmul.u32 $0x8, v3;
	v6 =	vperm.xlane v4, v2;
	v4 =	vadd.s32 s25, v21  }
0x11: {  	s2 =	sadd.s32 $0xC00, s0;
	v24 =	vshrl.u32 v12, $0x3;
	v25 =	vor.u32 v25, v22;
	v22 =	vand.u32 $0x7, v9  }
0x12: {  	s19 =	sadd.s32 $0x1800, s0;
	v26 =	vand.u32 $0x7, v12;
	[dreg:$0x6] =	wrdreg s2;
	s2 =	sadd.s32 $0xFFFFFF80, s10;
	v24 =	vmul.u32 $0x30, v24;
	v23 =	vor.u32 v22, v23  }
0x13: {  	[dreg:$0x7] =	wrdreg s19;
	s19 =	sadd.s32 $0xFFFFFF30, s10;
	s10 =	sadd.s32 $0xFFFFFF10, s10;
	v5 =	vadd.s32 v3, v5;
	v6 =	vadd.s32 v3, v6;
	v14 =	vadd.s32 s2, v21  }
0x14: {  	v19 =	vadd.s32 s19, v21;
	v21 =	vadd.s32 s10, v21;
	v28 =	vperm.xlane v23, v1  }
0x15: {  	s29 =	simm.s32 $0x6B80;
	v32 =	vperm.xlane v23, v2;
	v29 =	vor.u32 v26, v24;
	v22 =	vshrl.u32 v14, $0x3  }
0x16: {  	s31 =	simm.s32 $0x1;
	s28 =	simm.s32 $0x8;
	s30 =	simm.s32 $0x0;
	v24 =	vshrl.u32 v16, $0x3;
	v26 =	vshrl.u32 v18, $0x3;
	v27 =	vand.u32 $0x7, v14  }
0x17: {  	s4 =	sadd.s32 $0x100, s1;
	s5 =	sadd.s32 $0x200, s1;
	s16 =	simm.s32 $0xB80;
	v22 =	vmul.u32 $0x30, v22;
	v24 =	vmul.u32 $0x30, v24;
	v26 =	vmul.u32 $0x30, v26  }
0x18: {  	s17 =	simm.s32 $0x1B80;
	s9 =	simm.s32 $0xCB80;
	s13 =	simm.s32 $0x9;
	v63 =	vperm.xlane v29, v1;
	v33 =	vperm.xlane v29, v2;
	v29 =	vimm.f32 $1.000000000e+00  }
0x19: {  	s14 =	simm.s32 $0x800;
	[dreg:$0x5] =	wrdreg s26;
	s26 =	smax.u32 s7, $0x1;
	v30 =	vor.u32 v27, v22;
	v22 =	vand.u32 $0x7, v16;
	v27 =	vand.u32 $0x7, v18  }
0x1a: {  	s18 =	simm.s32 $0x16380;
	s20 =	sadd.s32 $0x2400, s0;
	[dreg:$0xd] =	wrdreg s26;
	v31 =	vor.u32 v22, v24;
	v22 =	vor.u32 v27, v26;
	v24 =	vshrl.u32 v20, $0x3  }
0x1b: {  	s21 =	simm.s32 $0x17B80;
	s22 =	sadd.s32 $0x3000, s0;
	[dreg:$0x8] =	wrdreg s20;
	v26 =	vperm.xlane v25, v1;
	v25 =	vperm.xlane v25, v2;
	v27 =	vand.u32 $0x7, v20  }
0x1c: {  	s23 =	simm.s32 $0x2;
	s24 =	sadd.s32 $0x3C00, s0;
	[dreg:$0x9] =	wrdreg s22;
	v34 =	vperm.xlane v30, v1;
	v35 =	vperm.xlane v30, v2;
	v30 =	vadd.s32 v3, v63  }
0x1d: {  	s8 =	simm.s32 $0x1380;
	s25 =	sadd.s32 $0x4800, s0;
	[dreg:$0xa] =	wrdreg s24;
	v24 =	vmul.u32 $0x30, v24;
	v36 =	vperm.xlane v31, v1;
	v37 =	vperm.xlane v31, v2  }
0x1e: {  	s11 =	simm.s32 $0x7;
	s0 =	sadd.s32 $0x5400, s0;
	[dreg:$0xb] =	wrdreg s25;
	v31 =	vadd.s32 v3, v33;
	v25 =	vadd.s32 v3, v25;
	v33 =	vadd.s32 v3, v35  }
0x1f: {  	s26 =	simm.s32 $0x4;
	[dreg:$0xc] =	wrdreg s0;
	s0 =	simm.s32 $0x12B80;
	v23 =	vor.u32 v27, v24;
	v24 =	vadd.s32 v3, v26;
	v26 =	vadd.s32 v3, v28  }
0x20: {  	s20 =	simm.s32 $0x17380;
	s22 =	simm.s32 $0x18380;
	s24 =	simm.s32 $0x3;
	v27 =	vadd.s32 v3, v32;
	v28 =	vimm.f32 $0.0e+00;
	v32 =	vadd.s32 v3, v34  }
0x21: {  	s25 =	simm.s32 $0x6;
	s19 =	simm.s32 $0x16B80;
	s10 =	simm.s32 $0x5;
	v34 =	vadd.s32 v3, v36;
	v35 =	vadd.s32 v3, v37;
	v36 =	vperm.xlane v22, v1  }
.LBB2_1:
0x22: {  	_ =	sdelay $0x1  }
0x23: {  	[tilespmem:$0x980] =	vst v0  }
0x24: {  	[tilespmem:$0x990] =	vst v4  }
0x25: {  	[tilespmem:s16], [sflag:$0x1] =	stream.indirect_vreg.gather [hbm4b:s1+s3], $0x80, v5, vm0, $0xb8;
	[tilespmem:$0x18B80] =	vst v63  }
0x26: {  	_ = 	snop  }
0x27: {  	[tilespmem:s8], [sflag:$0x1] =	stream.indirect_vreg.gather [hbm4b:s4+s3], $0x80, v5, vm0, $0xb8;
	[tilespmem:$0x18B80] =	vst v63  }
0x28: {  	_ = 	snop  }
0x29: {  	[tilespmem:s17], [sflag:$0x1] =	stream.indirect_vreg.gather [hbm4b:s5+s3], $0x80, v5, vm0, $0xb8;
	[tilespmem:$0x18B80] =	vst v63  }
0x2a: {  	s2 =	simm.s32 $0x2380  }
0x2b: {  	[tilespmem:s2], [sflag:$0x1] =	stream.indirect_vreg.gather [hbm4b:s1+s3], $0x80, v6, vm0, $0xb8;
	[tilespmem:$0x18B80] =	vst v63  }
0x2c: {  	s7 =	simm.s32 $0x2B80  }
0x2d: {  	[tilespmem:s7], [sflag:$0x1] =	stream.indirect_vreg.gather [hbm4b:s4+s3], $0x80, v6, vm0, $0xb8;
	[tilespmem:$0x18B80] =	vst v63  }
0x2e: {  	s12 =	simm.s32 $0x3380  }
0x2f: {  	[tilespmem:s12], [sflag:$0x1] =	stream.indirect_vreg.gather [hbm4b:s5+s3], $0x80, v6, vm0, $0xb8;
	[tilespmem:$0x18B80] =	vst v63  }
0x30: {  	v37 =	vld [tilespmem:$0x990];
	_ =	sdelay $0x4  }
0x31: {  	v38 =	vshrl.u32 v37, $0x3  }
0x32: {  	v38 =	vmul.u32 $0x30, v38  }
0x33: {  	v37 =	vand.u32 $0x7, v37  }
0x34: {  	v37 =	vor.u32 v37, v38  }
0x35: {  	v38 =	vperm.xlane v37, v1;
	_ =	sdelay $0x1  }
0x36: {  	v38 =	vadd.s32 v3, v38;
	_ =	sdelay $0x3  }
0x37: {  	s15 =	simm.s32 $0x3B80;
	v37 =	vperm.xlane v37, v2  }
0x38: {  	[tilespmem:s15], [sflag:$0x1] =	stream.indirect_vreg.gather [hbm4b:s1+s3], $0x80, v38, vm0, $0xb8;
	[tilespmem:$0x18B80] =	vst v63  }
0x39: {  	s6 =	simm.s32 $0x4380;
	v37 =	vadd.s32 v3, v37  }
0x3a: {  	[tilespmem:s6], [sflag:$0x1] =	stream.indirect_vreg.gather [hbm4b:s4+s3], $0x80, v38, vm0, $0xb8;
	[tilespmem:$0x18B80] =	vst v63  }
0x3b: {  	s7 =	simm.s32 $0x4B80  }
0x3c: {  	[tilespmem:s7], [sflag:$0x1] =	stream.indirect_vreg.gather [hbm4b:s5+s3], $0x80, v38, vm0, $0xb8;
	[tilespmem:$0x18B80] =	vst v63  }
0x3d: {  	s12 =	simm.s32 $0x5380  }
0x3e: {  	[tilespmem:s12], [sflag:$0x1] =	stream.indirect_vreg.gather [hbm4b:s1+s3], $0x80, v37, vm0, $0xb8;
	[tilespmem:$0x18B80] =	vst v63  }
0x3f: {  	s15 =	simm.s32 $0x5B80  }
0x40: {  	[tilespmem:s15], [sflag:$0x1] =	stream.indirect_vreg.gather [hbm4b:s4+s3], $0x80, v37, vm0, $0xb8;
	[tilespmem:$0x18B80] =	vst v63  }
0x41: {  	s6 =	simm.s32 $0x6380  }
0x42: {  	[tilespmem:s6], [sflag:$0x1] =	stream.indirect_vreg.gather [hbm4b:s5+s3], $0x80, v37, vm0, $0xb8;
	[tilespmem:$0x18B80] =	vst v63  }
0x43: {  	[tilespmem:$0xA00] =	vst v7  }
0x44: {  	[tilespmem:$0xA10] =	vst v8  }
0x45: {  	[tilespmem:s29], [sflag:$0x2] =	stream.indirect_vreg.gather [hbm4b:s1+s3], $0x80, v24, vm0, $0xb8;
	[tilespmem:$0x18B80] =	vst v63  }
0x46: {  	s7 =	simm.s32 $0x7380  }
0x47: {  	[tilespmem:s7], [sflag:$0x2] =	stream.indirect_vreg.gather [hbm4b:s4+s3], $0x80, v24, vm0, $0xb8;
	[tilespmem:$0x18B80] =	vst v63  }
0x48: {  	s12 =	simm.s32 $0x7B80  }
0x49: {  	[tilespmem:s12], [sflag:$0x2] =	stream.indirect_vreg.gather [hbm4b:s5+s3], $0x80, v24, vm0, $0xb8;
	[tilespmem:$0x18B80] =	vst v63  }
0x4a: {  	s15 =	simm.s32 $0x8380  }
0x4b: {  	[tilespmem:s15], [sflag:$0x2] =	stream.indirect_vreg.gather [hbm4b:s1+s3], $0x80, v25, vm0, $0xb8;
	[tilespmem:$0x18B80] =	vst v63  }
0x4c: {  	s6 =	simm.s32 $0x8B80  }
0x4d: {  	[tilespmem:s6], [sflag:$0x2] =	stream.indirect_vreg.gather [hbm4b:s4+s3], $0x80, v25, vm0, $0xb8;
	[tilespmem:$0x18B80] =	vst v63  }
0x4e: {  	s7 =	simm.s32 $0x9380  }
0x4f: {  	[tilespmem:s7], [sflag:$0x2] =	stream.indirect_vreg.gather [hbm4b:s5+s3], $0x80, v25, vm0, $0xb8;
	[tilespmem:$0x18B80] =	vst v63  }
0x50: {  	v37 =	vld [tilespmem:$0xA10];
	_ =	sdelay $0x4  }
0x51: {  	v62 =	vshrl.u32 v37, $0x3  }
0x52: {  	v38 =	vmul.u32 $0x30, v62  }
0x53: {  	v37 =	vand.u32 $0x7, v37  }
0x54: {  	v37 =	vor.u32 v37, v38  }
0x55: {  	v38 =	vperm.xlane v37, v1;
	_ =	sdelay $0x1  }
0x56: {  	v38 =	vadd.s32 v3, v38;
	_ =	sdelay $0x3  }
0x57: {  	s12 =	simm.s32 $0x9B80;
	v37 =	vperm.xlane v37, v2  }
0x58: {  	[tilespmem:s12], [sflag:$0x2] =	stream.indirect_vreg.gather [hbm4b:s1+s3], $0x80, v38, vm0, $0xb8;
	[tilespmem:$0x18B80] =	vst v63  }
0x59: {  	s15 =	simm.s32 $0xA380;
	v37 =	vadd.s32 v3, v37  }
0x5a: {  	[tilespmem:s15], [sflag:$0x2] =	stream.indirect_vreg.gather [hbm4b:s4+s3], $0x80, v38, vm0, $0xb8;
	[tilespmem:$0x18B80] =	vst v63  }
0x5b: {  	s6 =	simm.s32 $0xAB80  }
0x5c: {  	[tilespmem:s6], [sflag:$0x2] =	stream.indirect_vreg.gather [hbm4b:s5+s3], $0x80, v38, vm0, $0xb8;
	[tilespmem:$0x18B80] =	vst v63  }
0x5d: {  	s7 =	simm.s32 $0xB380  }
0x5e: {  	[tilespmem:s7], [sflag:$0x2] =	stream.indirect_vreg.gather [hbm4b:s1+s3], $0x80, v37, vm0, $0xb8;
	[tilespmem:$0x18B80] =	vst v63  }
0x5f: {  	s12 =	simm.s32 $0xBB80  }
0x60: {  	[tilespmem:s12], [sflag:$0x2] =	stream.indirect_vreg.gather [hbm4b:s4+s3], $0x80, v37, vm0, $0xb8;
	[tilespmem:$0x18B80] =	vst v63  }
0x61: {  	s15 =	simm.s32 $0xC380  }
0x62: {  	[tilespmem:s15], [sflag:$0x2] =	stream.indirect_vreg.gather [hbm4b:s5+s3], $0x80, v37, vm0, $0xb8;
	[tilespmem:$0x18B80] =	vst v63  }
0x63: {  	[tilespmem:$0xA80] =	vst v9  }
0x64: {  	[tilespmem:$0xA90] =	vst v10  }
0x65: {  	[tilespmem:s9], [sflag:$0x3] =	stream.indirect_vreg.gather [hbm4b:s1+s3], $0x80, v26, vm0, $0xb8;
	[tilespmem:$0x18B80] =	vst v63  }
0x66: {  	s6 =	simm.s32 $0xD380  }
0x67: {  	[tilespmem:s6], [sflag:$0x3] =	stream.indirect_vreg.gather [hbm4b:s4+s3], $0x80, v26, vm0, $0xb8;
	[tilespmem:$0x18B80] =	vst v63  }
0x68: {  	s7 =	simm.s32 $0xDB80  }
0x69: {  	[tilespmem:s7], [sflag:$0x3] =	stream.indirect_vreg.gather [hbm4b:s5+s3], $0x80, v26, vm0, $0xb8;
	[tilespmem:$0x18B80] =	vst v63  }
0x6a: {  	s12 =	simm.s32 $0xE380  }
0x6b: {  	[tilespmem:s12], [sflag:$0x3] =	stream.indirect_vreg.gather [hbm4b:s1+s3], $0x80, v27, vm0, $0xb8;
	[tilespmem:$0x18B80] =	vst v63  }
0x6c: {  	s15 =	simm.s32 $0xEB80  }
0x6d: {  	[tilespmem:s15], [sflag:$0x3] =	stream.indirect_vreg.gather [hbm4b:s4+s3], $0x80, v27, vm0, $0xb8;
	[tilespmem:$0x18B80] =	vst v63  }
0x6e: {  	s6 =	simm.s32 $0xF380  }
0x6f: {  	[tilespmem:s6], [sflag:$0x3] =	stream.indirect_vreg.gather [hbm4b:s5+s3], $0x80, v27, vm0, $0xb8;
	[tilespmem:$0x18B80] =	vst v63  }
0x70: {  	v37 =	vld [tilespmem:$0xA90];
	_ =	sdelay $0x4  }
0x71: {  	v63 =	vshrl.u32 v37, $0x3  }
0x72: {  	v38 =	vmul.u32 $0x30, v63  }
0x73: {  	v37 =	vand.u32 $0x7, v37  }
0x74: {  	v37 =	vor.u32 v37, v38  }
0x75: {  	v38 =	vperm.xlane v37, v1;
	_ =	sdelay $0x1  }
0x76: {  	v38 =	vadd.s32 v3, v38;
	_ =	sdelay $0x3  }
0x77: {  	s7 =	simm.s32 $0xFB80;
	v37 =	vperm.xlane v37, v2  }
0x78: {  	[tilespmem:s7], [sflag:$0x3] =	stream.indirect_vreg.gather [hbm4b:s1+s3], $0x80, v38, vm0, $0xb8;
	[tilespmem:$0x18B80] =	vst v63  }
0x79: {  	s12 =	simm.s32 $0x10380;
	v37 =	vadd.s32 v3, v37  }
0x7a: {  	[tilespmem:s12], [sflag:$0x3] =	stream.indirect_vreg.gather [hbm4b:s4+s3], $0x80, v38, vm0, $0xb8;
	[tilespmem:$0x18B80] =	vst v63  }
0x7b: {  	s15 =	simm.s32 $0x10B80  }
0x7c: {  	[tilespmem:s15], [sflag:$0x3] =	stream.indirect_vreg.gather [hbm4b:s5+s3], $0x80, v38, vm0, $0xb8;
	[tilespmem:$0x18B80] =	vst v63  }
0x7d: {  	s6 =	simm.s32 $0x11380  }
0x7e: {  	[tilespmem:s6], [sflag:$0x3] =	stream.indirect_vreg.gather [hbm4b:s1+s3], $0x80, v37, vm0, $0xb8;
	[tilespmem:$0x18B80] =	vst v63  }
0x7f: {  	s7 =	simm.s32 $0x11B80  }
0x80: {  	[tilespmem:s7], [sflag:$0x3] =	stream.indirect_vreg.gather [hbm4b:s4+s3], $0x80, v37, vm0, $0xb8;
	[tilespmem:$0x18B80] =	vst v63  }
0x81: {  	s12 =	simm.s32 $0x12380  }
0x82: {  	[tilespmem:s12], [sflag:$0x3] =	stream.indirect_vreg.gather [hbm4b:s5+s3], $0x80, v37, vm0, $0xb8;
	[tilespmem:$0x18B80] =	vst v63  }
0x83: {  	s15 =	rddreg [dreg:$0x4]  }
0x84: {  	[tilespmem:s3], [sflag:$0x9] =	stream.linear.gather [hbm4b:s15+s3], $0x800, $0x38;
	[tilespmem:$0x18B80] =	vst v63  }
0x85: {  	_ =	swait.ge [sflag:s13], $0x800  }
0x86: {  	[sflag:s13] =	ssyncset.done $0x0  }
0x87: {  	[sflag:s13] =	ssyncadd.s32 $0xFFFFF800  }
0x88: {  	[tilespmem:$0x800] =	vst v28  }
0x89: {  	[tilespmem:$0x810] =	vst v28  }
0x8a: {  	[tilespmem:$0x820] =	vst v28  }
0x8b: {  	[tilespmem:$0x830] =	vst v28  }
0x8c: {  	[tilespmem:$0x840] =	vst v28  }
0x8d: {  	[tilespmem:$0x850] =	vst v28  }
0x8e: {  	[tilespmem:$0x860] =	vst v28  }
0x8f: {  	[tilespmem:$0x870] =	vst v28  }
0x90: {  	[tilespmem:$0x880] =	vst v28  }
0x91: {  	[tilespmem:$0x890] =	vst v28  }
0x92: {  	[tilespmem:$0x8A0] =	vst v28  }
0x93: {  	[tilespmem:$0x8B0] =	vst v28  }
0x94: {  	[tilespmem:$0x8C0] =	vst v28  }
0x95: {  	[tilespmem:$0x8D0] =	vst v28  }
0x96: {  	[tilespmem:$0x8E0] =	vst v28  }
0x97: {  	s2 =	simm.s32 $0x40;
	s6 =	simm.s32 $0x0;
	[tilespmem:$0x8F0] =	vst v28  }
.LBB2_2:
0x98: {  	p0 =	sne.s32 s2, $0x1FC0;
	v37 =	vld [tilespmem:s6+$0x0];
	_ =	sdelay $0x4  }
0x99: {  	v37 =	vsub.s32 v37, v11  }
0x9a: {  	vm1 =	vgt.s32 v37, $0x0  }
0x9b: {  	vm2 =	vlt.u32 v37, $0x100;
	v37 =	vnsel vm1, $0x0, v37  }
0x9c: {  	v37 =	vmin.u32 v37, $0xFF  }
.Ltmp0:
0x9d: {  	(pc) =	sbr.rel @p0 .LBB2_2-.Ltmp0, $2  }
0x9e: {  	_ =	sdelay $0x2  }
0x9f: {  	s6 =	sshra.s32 s2, $0x2;
	s2 =	sadd.s32 $0x40, s2;
	[tilespmem:v37+s14+$0x0] =	vst.idx.msk vm2, v29  }
0xa0: {  	v37 =	vld [tilespmem:s6+$0x0];
	_ =	sdelay $0x4  }
0xa1: {  	v37 =	vsub.s32 v37, v11  }
0xa2: {  	vm1 =	vgt.s32 v37, $0x0  }
0xa3: {  	vm2 =	vlt.u32 v37, $0x100;
	v37 =	vnsel vm1, $0x0, v37  }
0xa4: {  	v37 =	vmin.u32 v37, $0xFF;
	_ =	sdelay $0x4  }
0xa5: {  	[tilespmem:v37+s14+$0x0] =	vst.idx.msk vm2, v29  }
0xa6: {  	_ =	swait.ge [sflag:s31], $0x6000  }
0xa7: {  	[sflag:s31] =	ssyncset.done $0x0  }
0xa8: {  	s2 =	simm.s32 $0x800;
	[sflag:s31] =	ssyncadd.s32 $0xFFFFA000  }
0xa9: {  	v63 =	vld [tilespmem:s2+$0x0];
	_ =	sdelay $0x4  }
0xaa: {  	(v2sf) =	vpush v63, $0x0;
	_ =	sdelay $0xe  }
0xab: {  	s15 =	spop (v2sf)  }
0xac: {  	p0 =	sne.f32 s15, $0.0e+00;
	_ =	sdelay $0x1  }
0xad: {  	s2 =	simm.s32 @!p0 $0x0  }
0xae: {  	s2 =	smul.u32 @!p0 $0x6000, s2  }
0xaf: {  	s12 =	simm.s32 $0x0  }
0xb0: {  	s6 =	sand.u32 @!p0 $0x380, s12;
	s2 =	sshra.s32 @!p0 s2, $0x2  }
0xb1: {  	v37 =	vimm.f32 @!p0 $0.0e+00;
	s6 =	sor.u32 @!p0 s6, s2  }
0xb2: {  	[tilespmem:s6+$0xB80] =	vst @!p0 v37  }
0xb3: {  	[tilespmem:s6+$0xB90] =	vst @!p0 v37  }
0xb4: {  	[tilespmem:s6+$0xBA0] =	vst @!p0 v37  }
0xb5: {  	[tilespmem:s6+$0xBB0] =	vst @!p0 v37  }
0xb6: {  	[tilespmem:s6+$0xBC0] =	vst @!p0 v37  }
0xb7: {  	[tilespmem:s6+$0xBD0] =	vst @!p0 v37  }
0xb8: {  	[tilespmem:s6+$0xBE0] =	vst @!p0 v37  }
0xb9: {  	[tilespmem:s6+$0xBF0] =	vst @!p0 v37  }
0xba: {  	[tilespmem:s6+$0xF80] =	vst @!p0 v37  }
0xbb: {  	[tilespmem:s6+$0xF90] =	vst @!p0 v37  }
0xbc: {  	[tilespmem:s6+$0xFA0] =	vst @!p0 v37  }
0xbd: {  	[tilespmem:s6+$0xFB0] =	vst @!p0 v37  }
0xbe: {  	[tilespmem:s6+$0xFC0] =	vst @!p0 v37  }
0xbf: {  	[tilespmem:s6+$0xFD0] =	vst @!p0 v37  }
0xc0: {  	[tilespmem:s6+$0xFE0] =	vst @!p0 v37  }
0xc1: {  	[tilespmem:s6+$0xFF0] =	vst @!p0 v37  }
0xc2: {  	[tilespmem:s6+$0x1380] =	vst @!p0 v37  }
0xc3: {  	[tilespmem:s6+$0x1390] =	vst @!p0 v37  }
0xc4: {  	[tilespmem:s6+$0x13A0] =	vst @!p0 v37  }
0xc5: {  	[tilespmem:s6+$0x13B0] =	vst @!p0 v37  }
0xc6: {  	[tilespmem:s6+$0x13C0] =	vst @!p0 v37  }
0xc7: {  	[tilespmem:s6+$0x13D0] =	vst @!p0 v37  }
0xc8: {  	[tilespmem:s6+$0x13E0] =	vst @!p0 v37  }
0xc9: {  	[tilespmem:s6+$0x13F0] =	vst @!p0 v37  }
0xca: {  	[tilespmem:s6+$0x1780] =	vst @!p0 v37  }
0xcb: {  	[tilespmem:s6+$0x1790] =	vst @!p0 v37  }
0xcc: {  	[tilespmem:s6+$0x17A0] =	vst @!p0 v37  }
0xcd: {  	[tilespmem:s6+$0x17B0] =	vst @!p0 v37  }
0xce: {  	[tilespmem:s6+$0x17C0] =	vst @!p0 v37  }
0xcf: {  	[tilespmem:s6+$0x17D0] =	vst @!p0 v37  }
0xd0: {  	[tilespmem:s6+$0x17E0] =	vst @!p0 v37  }
0xd1: {  	[tilespmem:s6+$0x17F0] =	vst @!p0 v37  }
0xd2: {  	[tilespmem:s6+$0x1B80] =	vst @!p0 v37  }
0xd3: {  	[tilespmem:s6+$0x1B90] =	vst @!p0 v37  }
0xd4: {  	[tilespmem:s6+$0x1BA0] =	vst @!p0 v37  }
0xd5: {  	[tilespmem:s6+$0x1BB0] =	vst @!p0 v37  }
0xd6: {  	[tilespmem:s6+$0x1BC0] =	vst @!p0 v37  }
0xd7: {  	[tilespmem:s6+$0x1BD0] =	vst @!p0 v37  }
0xd8: {  	[tilespmem:s6+$0x1BE0] =	vst @!p0 v37  }
0xd9: {  	[tilespmem:s6+$0x1BF0] =	vst @!p0 v37  }
0xda: {  	[tilespmem:s6+$0x1F80] =	vst @!p0 v37  }
0xdb: {  	[tilespmem:s6+$0x1F90] =	vst @!p0 v37  }
0xdc: {  	[tilespmem:s6+$0x1FA0] =	vst @!p0 v37  }
0xdd: {  	[tilespmem:s6+$0x1FB0] =	vst @!p0 v37  }
0xde: {  	[tilespmem:s6+$0x1FC0] =	vst @!p0 v37  }
0xdf: {  	[tilespmem:s6+$0x1FD0] =	vst @!p0 v37  }
0xe0: {  	[tilespmem:s6+$0x1FE0] =	vst @!p0 v37  }
0xe1: {  	s2 =	simm.s32 $0x1;
	[tilespmem:s6+$0x1FF0] =	vst @!p0 v37;
	s6 =	simm.s32 $0x801  }
.LBB2_4:
0xe2: {  	v37 =	vld [tilespmem:s6+$0x0];
	s7 =	smov.u32 s2;
	s2 =	sadd.s32 $0x1, s2  }
0xe3: {  	p0 =	sne.s32 s2, $0x20;
	_ =	sdelay $0x3  }
0xe4: {  	(v2sf) =	vpush v37, $0x0;
	_ =	sdelay $0xe  }
0xe5: {  	s15 =	spop (v2sf)  }
0xe6: {  	p1 =	sne.f32 s15, $0.0e+00;
	_ =	sdelay $0x1  }
0xe7: {  	s7 =	sshrl.u32 @!p1 s7, $0x3  }
0xe8: {  	s7 =	smul.u32 @!p1 $0x6000, s7  }
0xe9: {  	s12 =	sadd.s32 $0x80, s12  }
0xea: {  	s15 =	sand.u32 @!p1 $0x380, s12;
	s7 =	sshra.s32 @!p1 s7, $0x2  }
0xeb: {  	v37 =	vimm.f32 @!p1 $0.0e+00;
	s7 =	sor.u32 @!p1 s15, s7  }
0xec: {  	[tilespmem:s7+$0xB80] =	vst @!p1 v37  }
0xed: {  	[tilespmem:s7+$0xB90] =	vst @!p1 v37  }
0xee: {  	[tilespmem:s7+$0xBA0] =	vst @!p1 v37  }
0xef: {  	[tilespmem:s7+$0xBB0] =	vst @!p1 v37  }
0xf0: {  	[tilespmem:s7+$0xBC0] =	vst @!p1 v37  }
0xf1: {  	[tilespmem:s7+$0xBD0] =	vst @!p1 v37  }
0xf2: {  	[tilespmem:s7+$0xBE0] =	vst @!p1 v37  }
0xf3: {  	[tilespmem:s7+$0xBF0] =	vst @!p1 v37  }
0xf4: {  	[tilespmem:s7+$0xF80] =	vst @!p1 v37  }
0xf5: {  	[tilespmem:s7+$0xF90] =	vst @!p1 v37  }
0xf6: {  	[tilespmem:s7+$0xFA0] =	vst @!p1 v37  }
0xf7: {  	[tilespmem:s7+$0xFB0] =	vst @!p1 v37  }
0xf8: {  	[tilespmem:s7+$0xFC0] =	vst @!p1 v37  }
0xf9: {  	[tilespmem:s7+$0xFD0] =	vst @!p1 v37  }
0xfa: {  	[tilespmem:s7+$0xFE0] =	vst @!p1 v37  }
0xfb: {  	[tilespmem:s7+$0xFF0] =	vst @!p1 v37  }
0xfc: {  	[tilespmem:s7+$0x1380] =	vst @!p1 v37  }
0xfd: {  	[tilespmem:s7+$0x1390] =	vst @!p1 v37  }
0xfe: {  	[tilespmem:s7+$0x13A0] =	vst @!p1 v37  }
0xff: {  	[tilespmem:s7+$0x13B0] =	vst @!p1 v37  }
0x100: {  	[tilespmem:s7+$0x13C0] =	vst @!p1 v37  }
0x101: {  	[tilespmem:s7+$0x13D0] =	vst @!p1 v37  }
0x102: {  	[tilespmem:s7+$0x13E0] =	vst @!p1 v37  }
0x103: {  	[tilespmem:s7+$0x13F0] =	vst @!p1 v37  }
0x104: {  	[tilespmem:s7+$0x1780] =	vst @!p1 v37  }
0x105: {  	[tilespmem:s7+$0x1790] =	vst @!p1 v37  }
0x106: {  	[tilespmem:s7+$0x17A0] =	vst @!p1 v37  }
0x107: {  	[tilespmem:s7+$0x17B0] =	vst @!p1 v37  }
0x108: {  	[tilespmem:s7+$0x17C0] =	vst @!p1 v37  }
0x109: {  	[tilespmem:s7+$0x17D0] =	vst @!p1 v37  }
0x10a: {  	[tilespmem:s7+$0x17E0] =	vst @!p1 v37  }
0x10b: {  	[tilespmem:s7+$0x17F0] =	vst @!p1 v37  }
0x10c: {  	[tilespmem:s7+$0x1B80] =	vst @!p1 v37  }
0x10d: {  	[tilespmem:s7+$0x1B90] =	vst @!p1 v37  }
0x10e: {  	[tilespmem:s7+$0x1BA0] =	vst @!p1 v37  }
0x10f: {  	[tilespmem:s7+$0x1BB0] =	vst @!p1 v37  }
0x110: {  	[tilespmem:s7+$0x1BC0] =	vst @!p1 v37  }
0x111: {  	[tilespmem:s7+$0x1BD0] =	vst @!p1 v37  }
0x112: {  	[tilespmem:s7+$0x1BE0] =	vst @!p1 v37  }
0x113: {  	[tilespmem:s7+$0x1BF0] =	vst @!p1 v37  }
0x114: {  	[tilespmem:s7+$0x1F80] =	vst @!p1 v37  }
0x115: {  	[tilespmem:s7+$0x1F90] =	vst @!p1 v37  }
0x116: {  	[tilespmem:s7+$0x1FA0] =	vst @!p1 v37  }
.Ltmp1:
0x117: {  	[tilespmem:s7+$0x1FB0] =	vst @!p1 v37;
	(pc) =	sbr.rel @p0 .LBB2_4-.Ltmp1, $4  }
0x118: {  	[tilespmem:s7+$0x1FC0] =	vst @!p1 v37  }
0x119: {  	[tilespmem:s7+$0x1FD0] =	vst @!p1 v37  }
0x11a: {  	[tilespmem:s7+$0x1FE0] =	vst @!p1 v37  }
0x11b: {  	s6 =	sadd.s32 $0x1, s6;
	[tilespmem:s7+$0x1FF0] =	vst @!p1 v37  }
0x11c: {  	s12 =	simm.s32 $0x0;
	s2 =	rddreg [dreg:$0x5]  }
0x11d: {  	[hbm4b:s2+s12] =	stream.linear.scatter [tilespmem:s16], [sflag:$0x5], $0x6000, $0x38;
	[tilespmem:$0x18B80] =	vst v63  }
0x11e: {  	[tilespmem:$0xB00] =	vst v12  }
0x11f: {  	[tilespmem:$0xB10] =	vst v13  }
0x120: {  	[tilespmem:s0], [sflag:$0x4] =	stream.indirect_vreg.gather [hbm4b:s1+s12], $0x80, v30, vm0, $0xb8;
	[tilespmem:$0x18B80] =	vst v63  }
0x121: {  	s7 =	simm.s32 $0x13380  }
0x122: {  	[tilespmem:s7], [sflag:$0x4] =	stream.indirect_vreg.gather [hbm4b:s4+s12], $0x80, v30, vm0, $0xb8;
	[tilespmem:$0x18B80] =	vst v63  }
0x123: {  	s15 =	simm.s32 $0x13B80  }
0x124: {  	[tilespmem:s15], [sflag:$0x4] =	stream.indirect_vreg.gather [hbm4b:s5+s12], $0x80, v30, vm0, $0xb8;
	[tilespmem:$0x18B80] =	vst v63  }
0x125: {  	s6 =	simm.s32 $0x14380  }
0x126: {  	[tilespmem:s6], [sflag:$0x4] =	stream.indirect_vreg.gather [hbm4b:s1+s12], $0x80, v31, vm0, $0xb8;
	[tilespmem:$0x18B80] =	vst v63  }
0x127: {  	s7 =	simm.s32 $0x14B80  }
0x128: {  	[tilespmem:s7], [sflag:$0x4] =	stream.indirect_vreg.gather [hbm4b:s4+s12], $0x80, v31, vm0, $0xb8;
	[tilespmem:$0x18B80] =	vst v63  }
0x129: {  	s15 =	simm.s32 $0x15380  }
0x12a: {  	[tilespmem:s15], [sflag:$0x4] =	stream.indirect_vreg.gather [hbm4b:s5+s12], $0x80, v31, vm0, $0xb8;
	[tilespmem:$0x18B80] =	vst v63  }
0x12b: {  	v37 =	vld [tilespmem:$0xB10];
	_ =	sdelay $0x4  }
0x12c: {  	v38 =	vshrl.u32 v37, $0x3  }
0x12d: {  	v38 =	vmul.u32 $0x30, v38  }
0x12e: {  	v37 =	vand.u32 $0x7, v37  }
0x12f: {  	v37 =	vor.u32 v37, v38  }
0x130: {  	v38 =	vperm.xlane v37, v1;
	_ =	sdelay $0x1  }
0x131: {  	v38 =	vadd.s32 v3, v38;
	_ =	sdelay $0x3  }
0x132: {  	s6 =	simm.s32 $0x15B80;
	v37 =	vperm.xlane v37, v2  }
0x133: {  	[tilespmem:s6], [sflag:$0x4] =	stream.indirect_vreg.gather [hbm4b:s1+s12], $0x80, v38, vm0, $0xb8;
	[tilespmem:$0x18B80] =	vst v63  }
0x134: {  	v37 =	vadd.s32 v3, v37  }
0x135: {  	[tilespmem:s18], [sflag:$0x4] =	stream.indirect_vreg.gather [hbm4b:s4+s12], $0x80, v38, vm0, $0xb8;
	[tilespmem:$0x18B80] =	vst v63  }
0x136: {  	_ = 	snop  }
0x137: {  	[tilespmem:s19], [sflag:$0x4] =	stream.indirect_vreg.gather [hbm4b:s5+s12], $0x80, v38, vm0, $0xb8;
	[tilespmem:$0x18B80] =	vst v63  }
0x138: {  	_ = 	snop  }
0x139: {  	[tilespmem:s20], [sflag:$0x4] =	stream.indirect_vreg.gather [hbm4b:s1+s12], $0x80, v37, vm0, $0xb8;
	[tilespmem:$0x18B80] =	vst v63  }
0x13a: {  	_ = 	snop  }
0x13b: {  	[tilespmem:s21], [sflag:$0x4] =	stream.indirect_vreg.gather [hbm4b:s4+s12], $0x80, v37, vm0, $0xb8;
	[tilespmem:$0x18B80] =	vst v63  }
0x13c: {  	_ = 	snop  }
0x13d: {  	[tilespmem:s22], [sflag:$0x4] =	stream.indirect_vreg.gather [hbm4b:s5+s12], $0x80, v37, vm0, $0xb8;
	[tilespmem:$0x18B80] =	vst v63  }
0x13e: {  	_ =	swait.ge [sflag:s23], $0x6000  }
0x13f: {  	[sflag:s23] =	ssyncset.done $0x0  }
0x140: {  	s7 =	simm.s32 $0x820;
	[sflag:s23] =	ssyncadd.s32 $0xFFFFA000  }
0x141: {  	v63 =	vld [tilespmem:s7+$0x0];
	_ =	sdelay $0x4  }
0x142: {  	(v2sf) =	vpush v63, $0x0;
	_ =	sdelay $0xe  }
0x143: {  	s15 =	spop (v2sf)  }
0x144: {  	p0 =	sne.f32 s15, $0.0e+00;
	_ =	sdelay $0x1  }
0x145: {  	s2 =	simm.s32 @!p0 $0x0  }
0x146: {  	s2 =	smul.u32 @!p0 $0x6000, s2;
	_ =	sdelay $0x1  }
0x147: {  	s6 =	sand.u32 @!p0 $0x380, s12;
	s2 =	sshra.s32 @!p0 s2, $0x2  }
0x148: {  	v37 =	vimm.f32 @!p0 $0.0e+00;
	s6 =	sor.u32 @!p0 s6, s2  }
0x149: {  	[tilespmem:s6+$0x6B80] =	vst @!p0 v37  }
0x14a: {  	[tilespmem:s6+$0x6B90] =	vst @!p0 v37  }
0x14b: {  	[tilespmem:s6+$0x6BA0] =	vst @!p0 v37  }
0x14c: {  	[tilespmem:s6+$0x6BB0] =	vst @!p0 v37  }
0x14d: {  	[tilespmem:s6+$0x6BC0] =	vst @!p0 v37  }
0x14e: {  	[tilespmem:s6+$0x6BD0] =	vst @!p0 v37  }
0x14f: {  	[tilespmem:s6+$0x6BE0] =	vst @!p0 v37  }
0x150: {  	[tilespmem:s6+$0x6BF0] =	vst @!p0 v37  }
0x151: {  	[tilespmem:s6+$0x6F80] =	vst @!p0 v37  }
0x152: {  	[tilespmem:s6+$0x6F90] =	vst @!p0 v37  }
0x153: {  	[tilespmem:s6+$0x6FA0] =	vst @!p0 v37  }
0x154: {  	[tilespmem:s6+$0x6FB0] =	vst @!p0 v37  }
0x155: {  	[tilespmem:s6+$0x6FC0] =	vst @!p0 v37  }
0x156: {  	[tilespmem:s6+$0x6FD0] =	vst @!p0 v37  }
0x157: {  	[tilespmem:s6+$0x6FE0] =	vst @!p0 v37  }
0x158: {  	[tilespmem:s6+$0x6FF0] =	vst @!p0 v37  }
0x159: {  	[tilespmem:s6+$0x7380] =	vst @!p0 v37  }
0x15a: {  	[tilespmem:s6+$0x7390] =	vst @!p0 v37  }
0x15b: {  	[tilespmem:s6+$0x73A0] =	vst @!p0 v37  }
0x15c: {  	[tilespmem:s6+$0x73B0] =	vst @!p0 v37  }
0x15d: {  	[tilespmem:s6+$0x73C0] =	vst @!p0 v37  }
0x15e: {  	[tilespmem:s6+$0x73D0] =	vst @!p0 v37  }
0x15f: {  	[tilespmem:s6+$0x73E0] =	vst @!p0 v37  }
0x160: {  	[tilespmem:s6+$0x73F0] =	vst @!p0 v37  }
0x161: {  	[tilespmem:s6+$0x7780] =	vst @!p0 v37  }
0x162: {  	[tilespmem:s6+$0x7790] =	vst @!p0 v37  }
0x163: {  	[tilespmem:s6+$0x77A0] =	vst @!p0 v37  }
0x164: {  	[tilespmem:s6+$0x77B0] =	vst @!p0 v37  }
0x165: {  	[tilespmem:s6+$0x77C0] =	vst @!p0 v37  }
0x166: {  	[tilespmem:s6+$0x77D0] =	vst @!p0 v37  }
0x167: {  	[tilespmem:s6+$0x77E0] =	vst @!p0 v37  }
0x168: {  	[tilespmem:s6+$0x77F0] =	vst @!p0 v37  }
0x169: {  	[tilespmem:s6+$0x7B80] =	vst @!p0 v37  }
0x16a: {  	[tilespmem:s6+$0x7B90] =	vst @!p0 v37  }
0x16b: {  	[tilespmem:s6+$0x7BA0] =	vst @!p0 v37  }
0x16c: {  	[tilespmem:s6+$0x7BB0] =	vst @!p0 v37  }
0x16d: {  	[tilespmem:s6+$0x7BC0] =	vst @!p0 v37  }
0x16e: {  	[tilespmem:s6+$0x7BD0] =	vst @!p0 v37  }
0x16f: {  	[tilespmem:s6+$0x7BE0] =	vst @!p0 v37  }
0x170: {  	[tilespmem:s6+$0x7BF0] =	vst @!p0 v37  }
0x171: {  	[tilespmem:s6+$0x7F80] =	vst @!p0 v37  }
0x172: {  	[tilespmem:s6+$0x7F90] =	vst @!p0 v37  }
0x173: {  	[tilespmem:s6+$0x7FA0] =	vst @!p0 v37  }
0x174: {  	[tilespmem:s6+$0x7FB0] =	vst @!p0 v37  }
0x175: {  	[tilespmem:s6+$0x7FC0] =	vst @!p0 v37  }
0x176: {  	[tilespmem:s6+$0x7FD0] =	vst @!p0 v37  }
0x177: {  	[tilespmem:s6+$0x7FE0] =	vst @!p0 v37  }
0x178: {  	s2 =	simm.s32 $0x1;
	[tilespmem:s6+$0x7FF0] =	vst @!p0 v37;
	s6 =	simm.s32 $0x821  }
.LBB2_6:
0x179: {  	v37 =	vld [tilespmem:s6+$0x0];
	s7 =	smov.u32 s2;
	s2 =	sadd.s32 $0x1, s2  }
0x17a: {  	p0 =	sne.s32 s2, $0x20;
	_ =	sdelay $0x3  }
0x17b: {  	(v2sf) =	vpush v37, $0x0;
	_ =	sdelay $0xe  }
0x17c: {  	s15 =	spop (v2sf)  }
0x17d: {  	p1 =	sne.f32 s15, $0.0e+00;
	_ =	sdelay $0x1  }
0x17e: {  	s7 =	sshrl.u32 @!p1 s7, $0x3  }
0x17f: {  	s7 =	smul.u32 @!p1 $0x6000, s7  }
0x180: {  	s12 =	sadd.s32 $0x80, s12  }
0x181: {  	s15 =	sand.u32 @!p1 $0x380, s12;
	s7 =	sshra.s32 @!p1 s7, $0x2  }
0x182: {  	v37 =	vimm.f32 @!p1 $0.0e+00;
	s7 =	sor.u32 @!p1 s15, s7  }
0x183: {  	[tilespmem:s7+$0x6B80] =	vst @!p1 v37  }
0x184: {  	[tilespmem:s7+$0x6B90] =	vst @!p1 v37  }
0x185: {  	[tilespmem:s7+$0x6BA0] =	vst @!p1 v37  }
0x186: {  	[tilespmem:s7+$0x6BB0] =	vst @!p1 v37  }
0x187: {  	[tilespmem:s7+$0x6BC0] =	vst @!p1 v37  }
0x188: {  	[tilespmem:s7+$0x6BD0] =	vst @!p1 v37  }
0x189: {  	[tilespmem:s7+$0x6BE0] =	vst @!p1 v37  }
0x18a: {  	[tilespmem:s7+$0x6BF0] =	vst @!p1 v37  }
0x18b: {  	[tilespmem:s7+$0x6F80] =	vst @!p1 v37  }
0x18c: {  	[tilespmem:s7+$0x6F90] =	vst @!p1 v37  }
0x18d: {  	[tilespmem:s7+$0x6FA0] =	vst @!p1 v37  }
0x18e: {  	[tilespmem:s7+$0x6FB0] =	vst @!p1 v37  }
0x18f: {  	[tilespmem:s7+$0x6FC0] =	vst @!p1 v37  }
0x190: {  	[tilespmem:s7+$0x6FD0] =	vst @!p1 v37  }
0x191: {  	[tilespmem:s7+$0x6FE0] =	vst @!p1 v37  }
0x192: {  	[tilespmem:s7+$0x6FF0] =	vst @!p1 v37  }
0x193: {  	[tilespmem:s7+$0x7380] =	vst @!p1 v37  }
0x194: {  	[tilespmem:s7+$0x7390] =	vst @!p1 v37  }
0x195: {  	[tilespmem:s7+$0x73A0] =	vst @!p1 v37  }
0x196: {  	[tilespmem:s7+$0x73B0] =	vst @!p1 v37  }
0x197: {  	[tilespmem:s7+$0x73C0] =	vst @!p1 v37  }
0x198: {  	[tilespmem:s7+$0x73D0] =	vst @!p1 v37  }
0x199: {  	[tilespmem:s7+$0x73E0] =	vst @!p1 v37  }
0x19a: {  	[tilespmem:s7+$0x73F0] =	vst @!p1 v37  }
0x19b: {  	[tilespmem:s7+$0x7780] =	vst @!p1 v37  }
0x19c: {  	[tilespmem:s7+$0x7790] =	vst @!p1 v37  }
0x19d: {  	[tilespmem:s7+$0x77A0] =	vst @!p1 v37  }
0x19e: {  	[tilespmem:s7+$0x77B0] =	vst @!p1 v37  }
0x19f: {  	[tilespmem:s7+$0x77C0] =	vst @!p1 v37  }
0x1a0: {  	[tilespmem:s7+$0x77D0] =	vst @!p1 v37  }
0x1a1: {  	[tilespmem:s7+$0x77E0] =	vst @!p1 v37  }
0x1a2: {  	[tilespmem:s7+$0x77F0] =	vst @!p1 v37  }
0x1a3: {  	[tilespmem:s7+$0x7B80] =	vst @!p1 v37  }
0x1a4: {  	[tilespmem:s7+$0x7B90] =	vst @!p1 v37  }
0x1a5: {  	[tilespmem:s7+$0x7BA0] =	vst @!p1 v37  }
0x1a6: {  	[tilespmem:s7+$0x7BB0] =	vst @!p1 v37  }
0x1a7: {  	[tilespmem:s7+$0x7BC0] =	vst @!p1 v37  }
0x1a8: {  	[tilespmem:s7+$0x7BD0] =	vst @!p1 v37  }
0x1a9: {  	[tilespmem:s7+$0x7BE0] =	vst @!p1 v37  }
0x1aa: {  	[tilespmem:s7+$0x7BF0] =	vst @!p1 v37  }
0x1ab: {  	[tilespmem:s7+$0x7F80] =	vst @!p1 v37  }
0x1ac: {  	[tilespmem:s7+$0x7F90] =	vst @!p1 v37  }
0x1ad: {  	[tilespmem:s7+$0x7FA0] =	vst @!p1 v37  }
.Ltmp2:
0x1ae: {  	[tilespmem:s7+$0x7FB0] =	vst @!p1 v37;
	(pc) =	sbr.rel @p0 .LBB2_6-.Ltmp2, $4  }
0x1af: {  	[tilespmem:s7+$0x7FC0] =	vst @!p1 v37  }
0x1b0: {  	[tilespmem:s7+$0x7FD0] =	vst @!p1 v37  }
0x1b1: {  	[tilespmem:s7+$0x7FE0] =	vst @!p1 v37  }
0x1b2: {  	s6 =	sadd.s32 $0x1, s6;
	[tilespmem:s7+$0x7FF0] =	vst @!p1 v37  }
0x1b3: {  	s12 =	simm.s32 $0x0;
	s2 =	rddreg [dreg:$0x6]  }
0x1b4: {  	[hbm4b:s2+s12] =	stream.linear.scatter [tilespmem:s29], [sflag:$0x6], $0x6000, $0x38;
	[tilespmem:$0x18B80] =	vst v63  }
0x1b5: {  	_ =	swait.ge [sflag:s10], $0x6000  }
0x1b6: {  	[sflag:s10] =	ssyncset.done $0x0  }
0x1b7: {  	[sflag:s10] =	ssyncadd.s32 $0xFFFFA000  }
0x1b8: {  	[tilespmem:$0x980] =	vst v14  }
0x1b9: {  	[tilespmem:$0x990] =	vst v15  }
0x1ba: {  	[tilespmem:s16], [sflag:$0x1] =	stream.indirect_vreg.gather [hbm4b:s1+s12], $0x80, v32, vm0, $0xb8;
	[tilespmem:$0x18B80] =	vst v63  }
0x1bb: {  	_ = 	snop  }
0x1bc: {  	[tilespmem:s8], [sflag:$0x1] =	stream.indirect_vreg.gather [hbm4b:s4+s12], $0x80, v32, vm0, $0xb8;
	[tilespmem:$0x18B80] =	vst v63  }
0x1bd: {  	_ = 	snop  }
0x1be: {  	[tilespmem:s17], [sflag:$0x1] =	stream.indirect_vreg.gather [hbm4b:s5+s12], $0x80, v32, vm0, $0xb8;
	[tilespmem:$0x18B80] =	vst v63  }
0x1bf: {  	s17 =	simm.s32 $0x2380  }
0x1c0: {  	[tilespmem:s17], [sflag:$0x1] =	stream.indirect_vreg.gather [hbm4b:s1+s12], $0x80, v33, vm0, $0xb8;
	[tilespmem:$0x18B80] =	vst v63  }
0x1c1: {  	s6 =	simm.s32 $0x2B80  }
0x1c2: {  	[tilespmem:s6], [sflag:$0x1] =	stream.indirect_vreg.gather [hbm4b:s4+s12], $0x80, v33, vm0, $0xb8;
	[tilespmem:$0x18B80] =	vst v63  }
0x1c3: {  	s7 =	simm.s32 $0x3380  }
0x1c4: {  	[tilespmem:s7], [sflag:$0x1] =	stream.indirect_vreg.gather [hbm4b:s5+s12], $0x80, v33, vm0, $0xb8;
	[tilespmem:$0x18B80] =	vst v63  }
0x1c5: {  	v37 =	vld [tilespmem:$0x990];
	_ =	sdelay $0x4  }
0x1c6: {  	v38 =	vshrl.u32 v37, $0x3  }
0x1c7: {  	v38 =	vmul.u32 $0x30, v38  }
0x1c8: {  	v37 =	vand.u32 $0x7, v37  }
0x1c9: {  	v37 =	vor.u32 v37, v38  }
0x1ca: {  	v38 =	vperm.xlane v37, v1;
	_ =	sdelay $0x1  }
0x1cb: {  	v38 =	vadd.s32 v3, v38;
	_ =	sdelay $0x3  }
0x1cc: {  	s8 =	simm.s32 $0x3B80;
	v37 =	vperm.xlane v37, v2  }
0x1cd: {  	[tilespmem:s8], [sflag:$0x1] =	stream.indirect_vreg.gather [hbm4b:s1+s12], $0x80, v38, vm0, $0xb8;
	[tilespmem:$0x18B80] =	vst v63  }
0x1ce: {  	s15 =	simm.s32 $0x4380;
	v37 =	vadd.s32 v3, v37  }
0x1cf: {  	[tilespmem:s15], [sflag:$0x1] =	stream.indirect_vreg.gather [hbm4b:s4+s12], $0x80, v38, vm0, $0xb8;
	[tilespmem:$0x18B80] =	vst v63  }
0x1d0: {  	s17 =	simm.s32 $0x4B80  }
0x1d1: {  	[tilespmem:s17], [sflag:$0x1] =	stream.indirect_vreg.gather [hbm4b:s5+s12], $0x80, v38, vm0, $0xb8;
	[tilespmem:$0x18B80] =	vst v63  }
0x1d2: {  	s6 =	simm.s32 $0x5380  }
0x1d3: {  	[tilespmem:s6], [sflag:$0x1] =	stream.indirect_vreg.gather [hbm4b:s1+s12], $0x80, v37, vm0, $0xb8;
	[tilespmem:$0x18B80] =	vst v63  }
0x1d4: {  	s7 =	simm.s32 $0x5B80  }
0x1d5: {  	[tilespmem:s7], [sflag:$0x1] =	stream.indirect_vreg.gather [hbm4b:s4+s12], $0x80, v37, vm0, $0xb8;
	[tilespmem:$0x18B80] =	vst v63  }
0x1d6: {  	s8 =	simm.s32 $0x6380  }
0x1d7: {  	[tilespmem:s8], [sflag:$0x1] =	stream.indirect_vreg.gather [hbm4b:s5+s12], $0x80, v37, vm0, $0xb8;
	[tilespmem:$0x18B80] =	vst v63  }
0x1d8: {  	_ =	swait.ge [sflag:s24], $0x6000  }
0x1d9: {  	[sflag:s24] =	ssyncset.done $0x0  }
0x1da: {  	s15 =	simm.s32 $0x840;
	[sflag:s24] =	ssyncadd.s32 $0xFFFFA000  }
0x1db: {  	v63 =	vld [tilespmem:s15+$0x0];
	_ =	sdelay $0x4  }
0x1dc: {  	(v2sf) =	vpush v63, $0x0;
	_ =	sdelay $0xe  }
0x1dd: {  	s17 =	spop (v2sf)  }
0x1de: {  	p0 =	sne.f32 s17, $0.0e+00;
	_ =	sdelay $0x1  }
0x1df: {  	s2 =	simm.s32 @!p0 $0x0  }
0x1e0: {  	s2 =	smul.u32 @!p0 $0x6000, s2;
	_ =	sdelay $0x1  }
0x1e1: {  	s6 =	sand.u32 @!p0 $0x380, s12;
	s2 =	sshra.s32 @!p0 s2, $0x2  }
0x1e2: {  	v37 =	vimm.f32 @!p0 $0.0e+00;
	s6 =	sor.u32 @!p0 s6, s2  }
0x1e3: {  	[tilespmem:s6+$0xCB80] =	vst @!p0 v37  }
0x1e4: {  	[tilespmem:s6+$0xCB90] =	vst @!p0 v37  }
0x1e5: {  	[tilespmem:s6+$0xCBA0] =	vst @!p0 v37  }
0x1e6: {  	[tilespmem:s6+$0xCBB0] =	vst @!p0 v37  }
0x1e7: {  	[tilespmem:s6+$0xCBC0] =	vst @!p0 v37  }
0x1e8: {  	[tilespmem:s6+$0xCBD0] =	vst @!p0 v37  }
0x1e9: {  	[tilespmem:s6+$0xCBE0] =	vst @!p0 v37  }
0x1ea: {  	[tilespmem:s6+$0xCBF0] =	vst @!p0 v37  }
0x1eb: {  	[tilespmem:s6+$0xCF80] =	vst @!p0 v37  }
0x1ec: {  	[tilespmem:s6+$0xCF90] =	vst @!p0 v37  }
0x1ed: {  	[tilespmem:s6+$0xCFA0] =	vst @!p0 v37  }
0x1ee: {  	[tilespmem:s6+$0xCFB0] =	vst @!p0 v37  }
0x1ef: {  	[tilespmem:s6+$0xCFC0] =	vst @!p0 v37  }
0x1f0: {  	[tilespmem:s6+$0xCFD0] =	vst @!p0 v37  }
0x1f1: {  	[tilespmem:s6+$0xCFE0] =	vst @!p0 v37  }
0x1f2: {  	[tilespmem:s6+$0xCFF0] =	vst @!p0 v37  }
0x1f3: {  	[tilespmem:s6+$0xD380] =	vst @!p0 v37  }
0x1f4: {  	[tilespmem:s6+$0xD390] =	vst @!p0 v37  }
0x1f5: {  	[tilespmem:s6+$0xD3A0] =	vst @!p0 v37  }
0x1f6: {  	[tilespmem:s6+$0xD3B0] =	vst @!p0 v37  }
0x1f7: {  	[tilespmem:s6+$0xD3C0] =	vst @!p0 v37  }
0x1f8: {  	[tilespmem:s6+$0xD3D0] =	vst @!p0 v37  }
0x1f9: {  	[tilespmem:s6+$0xD3E0] =	vst @!p0 v37  }
0x1fa: {  	[tilespmem:s6+$0xD3F0] =	vst @!p0 v37  }
0x1fb: {  	[tilespmem:s6+$0xD780] =	vst @!p0 v37  }
0x1fc: {  	[tilespmem:s6+$0xD790] =	vst @!p0 v37  }
0x1fd: {  	[tilespmem:s6+$0xD7A0] =	vst @!p0 v37  }
0x1fe: {  	[tilespmem:s6+$0xD7B0] =	vst @!p0 v37  }
0x1ff: {  	[tilespmem:s6+$0xD7C0] =	vst @!p0 v37  }
0x200: {  	[tilespmem:s6+$0xD7D0] =	vst @!p0 v37  }
0x201: {  	[tilespmem:s6+$0xD7E0] =	vst @!p0 v37  }
0x202: {  	[tilespmem:s6+$0xD7F0] =	vst @!p0 v37  }
0x203: {  	[tilespmem:s6+$0xDB80] =	vst @!p0 v37  }
0x204: {  	[tilespmem:s6+$0xDB90] =	vst @!p0 v37  }
0x205: {  	[tilespmem:s6+$0xDBA0] =	vst @!p0 v37  }
0x206: {  	[tilespmem:s6+$0xDBB0] =	vst @!p0 v37  }
0x207: {  	[tilespmem:s6+$0xDBC0] =	vst @!p0 v37  }
0x208: {  	[tilespmem:s6+$0xDBD0] =	vst @!p0 v37  }
0x209: {  	[tilespmem:s6+$0xDBE0] =	vst @!p0 v37  }
0x20a: {  	[tilespmem:s6+$0xDBF0] =	vst @!p0 v37  }
0x20b: {  	[tilespmem:s6+$0xDF80] =	vst @!p0 v37  }
0x20c: {  	[tilespmem:s6+$0xDF90] =	vst @!p0 v37  }
0x20d: {  	[tilespmem:s6+$0xDFA0] =	vst @!p0 v37  }
0x20e: {  	[tilespmem:s6+$0xDFB0] =	vst @!p0 v37  }
0x20f: {  	[tilespmem:s6+$0xDFC0] =	vst @!p0 v37  }
0x210: {  	[tilespmem:s6+$0xDFD0] =	vst @!p0 v37  }
0x211: {  	[tilespmem:s6+$0xDFE0] =	vst @!p0 v37  }
0x212: {  	s2 =	simm.s32 $0x1;
	[tilespmem:s6+$0xDFF0] =	vst @!p0 v37;
	s6 =	simm.s32 $0x841  }
.LBB2_8:
0x213: {  	v37 =	vld [tilespmem:s6+$0x0];
	s7 =	smov.u32 s2;
	s2 =	sadd.s32 $0x1, s2  }
0x214: {  	p0 =	sne.s32 s2, $0x20;
	_ =	sdelay $0x3  }
0x215: {  	(v2sf) =	vpush v37, $0x0;
	_ =	sdelay $0xe  }
0x216: {  	s15 =	spop (v2sf)  }
0x217: {  	p1 =	sne.f32 s15, $0.0e+00;
	_ =	sdelay $0x1  }
0x218: {  	s7 =	sshrl.u32 @!p1 s7, $0x3  }
0x219: {  	s7 =	smul.u32 @!p1 $0x6000, s7  }
0x21a: {  	s12 =	sadd.s32 $0x80, s12  }
0x21b: {  	s15 =	sand.u32 @!p1 $0x380, s12;
	s7 =	sshra.s32 @!p1 s7, $0x2  }
0x21c: {  	v37 =	vimm.f32 @!p1 $0.0e+00;
	s7 =	sor.u32 @!p1 s15, s7  }
0x21d: {  	[tilespmem:s7+$0xCB80] =	vst @!p1 v37  }
0x21e: {  	[tilespmem:s7+$0xCB90] =	vst @!p1 v37  }
0x21f: {  	[tilespmem:s7+$0xCBA0] =	vst @!p1 v37  }
0x220: {  	[tilespmem:s7+$0xCBB0] =	vst @!p1 v37  }
0x221: {  	[tilespmem:s7+$0xCBC0] =	vst @!p1 v37  }
0x222: {  	[tilespmem:s7+$0xCBD0] =	vst @!p1 v37  }
0x223: {  	[tilespmem:s7+$0xCBE0] =	vst @!p1 v37  }
0x224: {  	[tilespmem:s7+$0xCBF0] =	vst @!p1 v37  }
0x225: {  	[tilespmem:s7+$0xCF80] =	vst @!p1 v37  }
0x226: {  	[tilespmem:s7+$0xCF90] =	vst @!p1 v37  }
0x227: {  	[tilespmem:s7+$0xCFA0] =	vst @!p1 v37  }
0x228: {  	[tilespmem:s7+$0xCFB0] =	vst @!p1 v37  }
0x229: {  	[tilespmem:s7+$0xCFC0] =	vst @!p1 v37  }
0x22a: {  	[tilespmem:s7+$0xCFD0] =	vst @!p1 v37  }
0x22b: {  	[tilespmem:s7+$0xCFE0] =	vst @!p1 v37  }
0x22c: {  	[tilespmem:s7+$0xCFF0] =	vst @!p1 v37  }
0x22d: {  	[tilespmem:s7+$0xD380] =	vst @!p1 v37  }
0x22e: {  	[tilespmem:s7+$0xD390] =	vst @!p1 v37  }
0x22f: {  	[tilespmem:s7+$0xD3A0] =	vst @!p1 v37  }
0x230: {  	[tilespmem:s7+$0xD3B0] =	vst @!p1 v37  }
0x231: {  	[tilespmem:s7+$0xD3C0] =	vst @!p1 v37  }
0x232: {  	[tilespmem:s7+$0xD3D0] =	vst @!p1 v37  }
0x233: {  	[tilespmem:s7+$0xD3E0] =	vst @!p1 v37  }
0x234: {  	[tilespmem:s7+$0xD3F0] =	vst @!p1 v37  }
0x235: {  	[tilespmem:s7+$0xD780] =	vst @!p1 v37  }
0x236: {  	[tilespmem:s7+$0xD790] =	vst @!p1 v37  }
0x237: {  	[tilespmem:s7+$0xD7A0] =	vst @!p1 v37  }
0x238: {  	[tilespmem:s7+$0xD7B0] =	vst @!p1 v37  }
0x239: {  	[tilespmem:s7+$0xD7C0] =	vst @!p1 v37  }
0x23a: {  	[tilespmem:s7+$0xD7D0] =	vst @!p1 v37  }
0x23b: {  	[tilespmem:s7+$0xD7E0] =	vst @!p1 v37  }
0x23c: {  	[tilespmem:s7+$0xD7F0] =	vst @!p1 v37  }
0x23d: {  	[tilespmem:s7+$0xDB80] =	vst @!p1 v37  }
0x23e: {  	[tilespmem:s7+$0xDB90] =	vst @!p1 v37  }
0x23f: {  	[tilespmem:s7+$0xDBA0] =	vst @!p1 v37  }
0x240: {  	[tilespmem:s7+$0xDBB0] =	vst @!p1 v37  }
0x241: {  	[tilespmem:s7+$0xDBC0] =	vst @!p1 v37  }
0x242: {  	[tilespmem:s7+$0xDBD0] =	vst @!p1 v37  }
0x243: {  	[tilespmem:s7+$0xDBE0] =	vst @!p1 v37  }
0x244: {  	[tilespmem:s7+$0xDBF0] =	vst @!p1 v37  }
0x245: {  	[tilespmem:s7+$0xDF80] =	vst @!p1 v37  }
0x246: {  	[tilespmem:s7+$0xDF90] =	vst @!p1 v37  }
0x247: {  	[tilespmem:s7+$0xDFA0] =	vst @!p1 v37  }
.Ltmp3:
0x248: {  	[tilespmem:s7+$0xDFB0] =	vst @!p1 v37;
	(pc) =	sbr.rel @p0 .LBB2_8-.Ltmp3, $4  }
0x249: {  	[tilespmem:s7+$0xDFC0] =	vst @!p1 v37  }
0x24a: {  	[tilespmem:s7+$0xDFD0] =	vst @!p1 v37  }
0x24b: {  	[tilespmem:s7+$0xDFE0] =	vst @!p1 v37  }
0x24c: {  	s6 =	sadd.s32 $0x1, s6;
	[tilespmem:s7+$0xDFF0] =	vst @!p1 v37  }
0x24d: {  	s12 =	simm.s32 $0x0;
	s2 =	rddreg [dreg:$0x7]  }
0x24e: {  	[hbm4b:s2+s12] =	stream.linear.scatter [tilespmem:s9], [sflag:$0x7], $0x6000, $0x38;
	[tilespmem:$0x18B80] =	vst v63  }
0x24f: {  	_ =	swait.ge [sflag:s25], $0x6000  }
0x250: {  	[sflag:s25] =	ssyncset.done $0x0  }
0x251: {  	[sflag:s25] =	ssyncadd.s32 $0xFFFFA000  }
0x252: {  	[tilespmem:$0xA00] =	vst v16  }
0x253: {  	[tilespmem:$0xA10] =	vst v17  }
0x254: {  	[tilespmem:s29], [sflag:$0x2] =	stream.indirect_vreg.gather [hbm4b:s1+s12], $0x80, v34, vm0, $0xb8;
	[tilespmem:$0x18B80] =	vst v63  }
0x255: {  	s17 =	simm.s32 $0x7380  }
0x256: {  	[tilespmem:s17], [sflag:$0x2] =	stream.indirect_vreg.gather [hbm4b:s4+s12], $0x80, v34, vm0, $0xb8;
	[tilespmem:$0x18B80] =	vst v63  }
0x257: {  	s6 =	simm.s32 $0x7B80  }
0x258: {  	[tilespmem:s6], [sflag:$0x2] =	stream.indirect_vreg.gather [hbm4b:s5+s12], $0x80, v34, vm0, $0xb8;
	[tilespmem:$0x18B80] =	vst v63  }
0x259: {  	s7 =	simm.s32 $0x8380  }
0x25a: {  	[tilespmem:s7], [sflag:$0x2] =	stream.indirect_vreg.gather [hbm4b:s1+s12], $0x80, v35, vm0, $0xb8;
	[tilespmem:$0x18B80] =	vst v63  }
0x25b: {  	s8 =	simm.s32 $0x8B80  }
0x25c: {  	[tilespmem:s8], [sflag:$0x2] =	stream.indirect_vreg.gather [hbm4b:s4+s12], $0x80, v35, vm0, $0xb8;
	[tilespmem:$0x18B80] =	vst v63  }
0x25d: {  	s15 =	simm.s32 $0x9380  }
0x25e: {  	[tilespmem:s15], [sflag:$0x2] =	stream.indirect_vreg.gather [hbm4b:s5+s12], $0x80, v35, vm0, $0xb8;
	[tilespmem:$0x18B80] =	vst v63  }
0x25f: {  	v37 =	vld [tilespmem:$0xA10];
	_ =	sdelay $0x4  }
0x260: {  	v38 =	vshrl.u32 v37, $0x3  }
0x261: {  	v38 =	vmul.u32 $0x30, v38  }
0x262: {  	v37 =	vand.u32 $0x7, v37  }
0x263: {  	v37 =	vor.u32 v37, v38  }
0x264: {  	v38 =	vperm.xlane v37, v1;
	_ =	sdelay $0x1  }
0x265: {  	v38 =	vadd.s32 v3, v38;
	_ =	sdelay $0x3  }
0x266: {  	s17 =	simm.s32 $0x9B80;
	v37 =	vperm.xlane v37, v2  }
0x267: {  	[tilespmem:s17], [sflag:$0x2] =	stream.indirect_vreg.gather [hbm4b:s1+s12], $0x80, v38, vm0, $0xb8;
	[tilespmem:$0x18B80] =	vst v63  }
0x268: {  	s6 =	simm.s32 $0xA380;
	v37 =	vadd.s32 v3, v37  }
0x269: {  	[tilespmem:s6], [sflag:$0x2] =	stream.indirect_vreg.gather [hbm4b:s4+s12], $0x80, v38, vm0, $0xb8;
	[tilespmem:$0x18B80] =	vst v63  }
0x26a: {  	s7 =	simm.s32 $0xAB80  }
0x26b: {  	[tilespmem:s7], [sflag:$0x2] =	stream.indirect_vreg.gather [hbm4b:s5+s12], $0x80, v38, vm0, $0xb8;
	[tilespmem:$0x18B80] =	vst v63  }
0x26c: {  	s8 =	simm.s32 $0xB380  }
0x26d: {  	[tilespmem:s8], [sflag:$0x2] =	stream.indirect_vreg.gather [hbm4b:s1+s12], $0x80, v37, vm0, $0xb8;
	[tilespmem:$0x18B80] =	vst v63  }
0x26e: {  	s15 =	simm.s32 $0xBB80  }
0x26f: {  	[tilespmem:s15], [sflag:$0x2] =	stream.indirect_vreg.gather [hbm4b:s4+s12], $0x80, v37, vm0, $0xb8;
	[tilespmem:$0x18B80] =	vst v63  }
0x270: {  	s17 =	simm.s32 $0xC380  }
0x271: {  	[tilespmem:s17], [sflag:$0x2] =	stream.indirect_vreg.gather [hbm4b:s5+s12], $0x80, v37, vm0, $0xb8;
	[tilespmem:$0x18B80] =	vst v63  }
0x272: {  	_ =	swait.ge [sflag:s26], $0x6000  }
0x273: {  	[sflag:s26] =	ssyncset.done $0x0  }
0x274: {  	s6 =	simm.s32 $0x860;
	[sflag:s26] =	ssyncadd.s32 $0xFFFFA000  }
0x275: {  	s2 =	simm.s32 $0x0;
	s7 =	simm.s32 $0x1;
	s15 =	simm.s32 $0x0;
	v37 =	vld [tilespmem:s6+$0x0]  }
.LBB2_10:
0x276: {  	_ =	sdelay $0x1  }
0x277: {  	s12 =	sadd.s32 $0x80, s12  }
0x278: {  	s6 =	sadd.s32 $0x1, s6;
	s17 =	smov.u32 s7;
	s7 =	sadd.s32 $0x1, s7  }
0x279: {  	p0 =	sne.s32 s7, $0x20;
	(v2sf) =	vpush v37, $0x0;
	_ =	sdelay $0xe  }
0x27a: {  	s8 =	spop (v2sf)  }
0x27b: {  	p1 =	sne.f32 s8, $0.0e+00;
	_ =	sdelay $0x1  }
0x27c: {  	s8 =	sshrl.u32 @!p1 s2, $0x3;
	s2 =	smov.u32 s17  }
0x27d: {  	s8 =	smul.u32 @!p1 $0x6000, s8;
	_ =	sdelay $0x1  }
0x27e: {  	s17 =	sand.u32 @!p1 $0x380, s15;
	s15 =	smov.u32 s12;
	s8 =	sshra.s32 @!p1 s8, $0x2  }
0x27f: {  	v37 =	vimm.f32 @!p1 $0.0e+00;
	s17 =	sor.u32 @!p1 s17, s8  }
0x280: {  	s8 =	sadd.s32 @!p1 $0x12B80, s17;
	[tilespmem:s17+$0x12B80] =	vst @!p1 v37  }
0x281: {  	[tilespmem:s8+$0x470] =	vst @!p1 v37  }
0x282: {  	[tilespmem:s8+$0x460] =	vst @!p1 v37  }
0x283: {  	[tilespmem:s8+$0x450] =	vst @!p1 v37  }
0x284: {  	[tilespmem:s8+$0x440] =	vst @!p1 v37  }
0x285: {  	[tilespmem:s8+$0x430] =	vst @!p1 v37  }
0x286: {  	[tilespmem:s8+$0x420] =	vst @!p1 v37  }
0x287: {  	[tilespmem:s8+$0x410] =	vst @!p1 v37  }
0x288: {  	[tilespmem:s8+$0x400] =	vst @!p1 v37  }
0x289: {  	[tilespmem:s8+$0x70] =	vst @!p1 v37  }
0x28a: {  	[tilespmem:s8+$0x60] =	vst @!p1 v37  }
0x28b: {  	[tilespmem:s8+$0x50] =	vst @!p1 v37  }
0x28c: {  	[tilespmem:s8+$0x40] =	vst @!p1 v37  }
0x28d: {  	[tilespmem:s8+$0x30] =	vst @!p1 v37  }
0x28e: {  	[tilespmem:s8+$0x10] =	vst @!p1 v37  }
0x28f: {  	[tilespmem:s8+$0x20] =	vst @!p1 v37  }
0x290: {  	s8 =	sadd.s32 @!p1 $0x13380, s17;
	[tilespmem:s17+$0x13380] =	vst @!p1 v37  }
0x291: {  	[tilespmem:s8+$0x10] =	vst @!p1 v37  }
0x292: {  	[tilespmem:s8+$0x20] =	vst @!p1 v37  }
0x293: {  	[tilespmem:s8+$0x40] =	vst @!p1 v37  }
0x294: {  	[tilespmem:s8+$0x50] =	vst @!p1 v37  }
0x295: {  	[tilespmem:s8+$0x60] =	vst @!p1 v37  }
0x296: {  	[tilespmem:s8+$0x70] =	vst @!p1 v37  }
0x297: {  	[tilespmem:s8+$0x30] =	vst @!p1 v37;
	s8 =	sadd.s32 @!p1 $0x13780, s17  }
0x298: {  	[tilespmem:s8+$0x70] =	vst @!p1 v37  }
0x299: {  	[tilespmem:s17+$0x13780] =	vst @!p1 v37  }
0x29a: {  	[tilespmem:s8+$0x20] =	vst @!p1 v37  }
0x29b: {  	[tilespmem:s8+$0x40] =	vst @!p1 v37  }
0x29c: {  	[tilespmem:s8+$0x50] =	vst @!p1 v37  }
0x29d: {  	[tilespmem:s8+$0x10] =	vst @!p1 v37  }
0x29e: {  	[tilespmem:s8+$0x60] =	vst @!p1 v37  }
0x29f: {  	[tilespmem:s8+$0x30] =	vst @!p1 v37  }
0x2a0: {  	s8 =	sadd.s32 @!p1 $0x13B80, s17;
	[tilespmem:s17+$0x13B80] =	vst @!p1 v37  }
0x2a1: {  	[tilespmem:s8+$0x10] =	vst @!p1 v37  }
0x2a2: {  	[tilespmem:s8+$0x20] =	vst @!p1 v37  }
0x2a3: {  	[tilespmem:s8+$0x40] =	vst @!p1 v37  }
0x2a4: {  	[tilespmem:s8+$0x50] =	vst @!p1 v37  }
0x2a5: {  	[tilespmem:s8+$0x60] =	vst @!p1 v37  }
0x2a6: {  	[tilespmem:s8+$0x70] =	vst @!p1 v37;
	_ =	sdelay $0x1  }
0x2a7: {  	[tilespmem:s8+$0x30] =	vst @!p1 v37;
	s8 =	sadd.s32 @!p1 $0x13F80, s17  }
0x2a8: {  	[tilespmem:s8+$0x70] =	vst @!p1 v37  }
0x2a9: {  	[tilespmem:s8+$0x60] =	vst @!p1 v37  }
0x2aa: {  	[tilespmem:s8+$0x40] =	vst @!p1 v37  }
0x2ab: {  	[tilespmem:s17+$0x13F80] =	vst @!p1 v37  }
.Ltmp4:
0x2ac: {  	[tilespmem:s8+$0x50] =	vst @!p1 v37;
	(pc) =	sbr.rel @p0 .LBB2_10-.Ltmp4, $4  }
0x2ad: {  	[tilespmem:s8+$0x10] =	vst @!p1 v37  }
0x2ae: {  	[tilespmem:s8+$0x20] =	vst @!p1 v37  }
0x2af: {  	[tilespmem:s8+$0x30] =	vst @!p1 v37  }
0x2b0: {  	v37 =	vld [tilespmem:s6+$0x0]  }
0x2b1: {  	_ =	sdelay $0x3  }
0x2b2: {  	(v2sf) =	vpush v37, $0x0;
	_ =	sdelay $0xe  }
0x2b3: {  	s6 =	spop (v2sf)  }
0x2b4: {  	p0 =	sne.f32 s6, $0.0e+00;
	_ =	sdelay $0x1  }
0x2b5: {  	s2 =	sshrl.u32 @!p0 s2, $0x3  }
0x2b6: {  	s2 =	smul.u32 @!p0 $0x6000, s2;
	_ =	sdelay $0x1  }
0x2b7: {  	s6 =	sand.u32 @!p0 $0x380, s15;
	s2 =	sshra.s32 @!p0 s2, $0x2  }
0x2b8: {  	v37 =	vimm.f32 @!p0 $0.0e+00;
	s2 =	sor.u32 @!p0 s6, s2  }
0x2b9: {  	s6 =	sadd.s32 @!p0 $0x12B80, s2;
	[tilespmem:s2+$0x12B80] =	vst @!p0 v37  }
0x2ba: {  	[tilespmem:s6+$0x470] =	vst @!p0 v37  }
0x2bb: {  	[tilespmem:s6+$0x460] =	vst @!p0 v37  }
0x2bc: {  	[tilespmem:s6+$0x450] =	vst @!p0 v37  }
0x2bd: {  	[tilespmem:s6+$0x440] =	vst @!p0 v37  }
0x2be: {  	[tilespmem:s6+$0x430] =	vst @!p0 v37  }
0x2bf: {  	[tilespmem:s6+$0x420] =	vst @!p0 v37  }
0x2c0: {  	[tilespmem:s6+$0x410] =	vst @!p0 v37  }
0x2c1: {  	[tilespmem:s6+$0x400] =	vst @!p0 v37  }
0x2c2: {  	[tilespmem:s6+$0x70] =	vst @!p0 v37  }
0x2c3: {  	[tilespmem:s6+$0x60] =	vst @!p0 v37  }
0x2c4: {  	[tilespmem:s6+$0x50] =	vst @!p0 v37  }
0x2c5: {  	[tilespmem:s6+$0x40] =	vst @!p0 v37  }
0x2c6: {  	[tilespmem:s6+$0x30] =	vst @!p0 v37  }
0x2c7: {  	[tilespmem:s6+$0x10] =	vst @!p0 v37  }
0x2c8: {  	[tilespmem:s6+$0x20] =	vst @!p0 v37  }
0x2c9: {  	s6 =	sadd.s32 @!p0 $0x13380, s2;
	[tilespmem:s2+$0x13380] =	vst @!p0 v37  }
0x2ca: {  	[tilespmem:s6+$0x40] =	vst @!p0 v37  }
0x2cb: {  	[tilespmem:s6+$0x50] =	vst @!p0 v37  }
0x2cc: {  	[tilespmem:s6+$0x60] =	vst @!p0 v37  }
0x2cd: {  	[tilespmem:s6+$0x70] =	vst @!p0 v37  }
0x2ce: {  	[tilespmem:s6+$0x10] =	vst @!p0 v37  }
0x2cf: {  	[tilespmem:s6+$0x20] =	vst @!p0 v37  }
0x2d0: {  	[tilespmem:s6+$0x30] =	vst @!p0 v37;
	s6 =	sadd.s32 @!p0 $0x13780, s2  }
0x2d1: {  	[tilespmem:s6+$0x70] =	vst @!p0 v37  }
0x2d2: {  	[tilespmem:s2+$0x13780] =	vst @!p0 v37  }
0x2d3: {  	[tilespmem:s6+$0x40] =	vst @!p0 v37  }
0x2d4: {  	[tilespmem:s6+$0x50] =	vst @!p0 v37  }
0x2d5: {  	[tilespmem:s6+$0x60] =	vst @!p0 v37  }
0x2d6: {  	[tilespmem:s6+$0x20] =	vst @!p0 v37  }
0x2d7: {  	[tilespmem:s6+$0x10] =	vst @!p0 v37  }
0x2d8: {  	[tilespmem:s6+$0x30] =	vst @!p0 v37  }
0x2d9: {  	s6 =	sadd.s32 @!p0 $0x13B80, s2;
	[tilespmem:s2+$0x13B80] =	vst @!p0 v37  }
0x2da: {  	[tilespmem:s6+$0x40] =	vst @!p0 v37  }
0x2db: {  	[tilespmem:s6+$0x50] =	vst @!p0 v37  }
0x2dc: {  	[tilespmem:s6+$0x60] =	vst @!p0 v37  }
0x2dd: {  	[tilespmem:s6+$0x70] =	vst @!p0 v37  }
0x2de: {  	[tilespmem:s6+$0x10] =	vst @!p0 v37  }
0x2df: {  	[tilespmem:s6+$0x20] =	vst @!p0 v37  }
0x2e0: {  	[tilespmem:s6+$0x30] =	vst @!p0 v37;
	s6 =	sadd.s32 @!p0 $0x13F80, s2  }
0x2e1: {  	[tilespmem:s6+$0x70] =	vst @!p0 v37  }
0x2e2: {  	[tilespmem:s6+$0x60] =	vst @!p0 v37  }
0x2e3: {  	[tilespmem:s6+$0x40] =	vst @!p0 v37  }
0x2e4: {  	[tilespmem:s2+$0x13F80] =	vst @!p0 v37  }
0x2e5: {  	[tilespmem:s6+$0x50] =	vst @!p0 v37  }
0x2e6: {  	[tilespmem:s6+$0x10] =	vst @!p0 v37  }
0x2e7: {  	[tilespmem:s6+$0x20] =	vst @!p0 v37  }
0x2e8: {  	s12 =	simm.s32 $0x0;
	s7 =	rddreg [dreg:$0x8];
	[tilespmem:s6+$0x30] =	vst @!p0 v37  }
0x2e9: {  	[hbm4b:s7+s12] =	stream.linear.scatter [tilespmem:s0], [sflag:$0x8], $0x6000, $0x38;
	[tilespmem:$0x18B80] =	vst v63  }
0x2ea: {  	v61 =	vadd.s32 v3, v36;
	_ =	swait.ge [sflag:s11], $0x6000  }
0x2eb: {  	[sflag:s11] =	ssyncset.done $0x0  }
0x2ec: {  	[sflag:s11] =	ssyncadd.s32 $0xFFFFA000  }
0x2ed: {  	[tilespmem:$0xA80] =	vst v18  }
0x2ee: {  	v38 =	vperm.xlane v22, v2;
	[tilespmem:$0xA90] =	vst v19  }
0x2ef: {  	[tilespmem:s9], [sflag:$0x3] =	stream.indirect_vreg.gather [hbm4b:s1+s12], $0x80, v61, vm0, $0xb8;
	[tilespmem:$0x18B80] =	vst v63  }
0x2f0: {  	s8 =	simm.s32 $0xD380;
	v38 =	vadd.s32 v3, v38  }
0x2f1: {  	[tilespmem:s8], [sflag:$0x3] =	stream.indirect_vreg.gather [hbm4b:s4+s12], $0x80, v61, vm0, $0xb8;
	[tilespmem:$0x18B80] =	vst v63  }
0x2f2: {  	s15 =	simm.s32 $0xDB80  }
0x2f3: {  	[tilespmem:s15], [sflag:$0x3] =	stream.indirect_vreg.gather [hbm4b:s5+s12], $0x80, v61, vm0, $0xb8;
	[tilespmem:$0x18B80] =	vst v63  }
0x2f4: {  	s17 =	simm.s32 $0xE380  }
0x2f5: {  	[tilespmem:s17], [sflag:$0x3] =	stream.indirect_vreg.gather [hbm4b:s1+s12], $0x80, v38, vm0, $0xb8;
	[tilespmem:$0x18B80] =	vst v63  }
0x2f6: {  	s6 =	simm.s32 $0xEB80  }
0x2f7: {  	[tilespmem:s6], [sflag:$0x3] =	stream.indirect_vreg.gather [hbm4b:s4+s12], $0x80, v38, vm0, $0xb8;
	[tilespmem:$0x18B80] =	vst v63  }
0x2f8: {  	s7 =	simm.s32 $0xF380  }
0x2f9: {  	[tilespmem:s7], [sflag:$0x3] =	stream.indirect_vreg.gather [hbm4b:s5+s12], $0x80, v38, vm0, $0xb8;
	[tilespmem:$0x18B80] =	vst v63  }
0x2fa: {  	v37 =	vld [tilespmem:$0xA90];
	_ =	sdelay $0x4  }
0x2fb: {  	v62 =	vshrl.u32 v37, $0x3  }
0x2fc: {  	v38 =	vmul.u32 $0x30, v62  }
0x2fd: {  	v37 =	vand.u32 $0x7, v37  }
0x2fe: {  	v37 =	vor.u32 v37, v38  }
0x2ff: {  	v38 =	vperm.xlane v37, v1;
	_ =	sdelay $0x1  }
0x300: {  	v38 =	vadd.s32 v3, v38;
	_ =	sdelay $0x3  }
0x301: {  	s8 =	simm.s32 $0xFB80;
	v37 =	vperm.xlane v37, v2  }
0x302: {  	[tilespmem:s8], [sflag:$0x3] =	stream.indirect_vreg.gather [hbm4b:s1+s12], $0x80, v38, vm0, $0xb8;
	[tilespmem:$0x18B80] =	vst v63  }
0x303: {  	s15 =	simm.s32 $0x10380;
	v37 =	vadd.s32 v3, v37  }
0x304: {  	[tilespmem:s15], [sflag:$0x3] =	stream.indirect_vreg.gather [hbm4b:s4+s12], $0x80, v38, vm0, $0xb8;
	[tilespmem:$0x18B80] =	vst v63  }
0x305: {  	s17 =	simm.s32 $0x10B80  }
0x306: {  	[tilespmem:s17], [sflag:$0x3] =	stream.indirect_vreg.gather [hbm4b:s5+s12], $0x80, v38, vm0, $0xb8;
	[tilespmem:$0x18B80] =	vst v63  }
0x307: {  	s6 =	simm.s32 $0x11380  }
0x308: {  	[tilespmem:s6], [sflag:$0x3] =	stream.indirect_vreg.gather [hbm4b:s1+s12], $0x80, v37, vm0, $0xb8;
	[tilespmem:$0x18B80] =	vst v63  }
0x309: {  	s7 =	simm.s32 $0x11B80  }
0x30a: {  	[tilespmem:s7], [sflag:$0x3] =	stream.indirect_vreg.gather [hbm4b:s4+s12], $0x80, v37, vm0, $0xb8;
	[tilespmem:$0x18B80] =	vst v63  }
0x30b: {  	s8 =	simm.s32 $0x12380  }
0x30c: {  	[tilespmem:s8], [sflag:$0x3] =	stream.indirect_vreg.gather [hbm4b:s5+s12], $0x80, v37, vm0, $0xb8;
	[tilespmem:$0x18B80] =	vst v63  }
0x30d: {  	_ =	swait.ge [sflag:s31], $0x6000  }
0x30e: {  	[sflag:s31] =	ssyncset.done $0x0  }
0x30f: {  	s15 =	simm.s32 $0x880;
	[sflag:s31] =	ssyncadd.s32 $0xFFFFA000  }
0x310: {  	v63 =	vld [tilespmem:s15+$0x0];
	_ =	sdelay $0x4  }
0x311: {  	(v2sf) =	vpush v63, $0x0;
	_ =	sdelay $0xe  }
0x312: {  	s17 =	spop (v2sf)  }
0x313: {  	p0 =	sne.f32 s17, $0.0e+00;
	_ =	sdelay $0x1  }
0x314: {  	s2 =	simm.s32 @!p0 $0x0  }
0x315: {  	s2 =	smul.u32 @!p0 $0x6000, s2;
	_ =	sdelay $0x1  }
0x316: {  	s6 =	sand.u32 @!p0 $0x380, s12;
	s2 =	sshra.s32 @!p0 s2, $0x2  }
0x317: {  	v37 =	vimm.f32 @!p0 $0.0e+00;
	s6 =	sor.u32 @!p0 s6, s2  }
0x318: {  	[tilespmem:s6+$0xB80] =	vst @!p0 v37  }
0x319: {  	[tilespmem:s6+$0xB90] =	vst @!p0 v37  }
0x31a: {  	[tilespmem:s6+$0xBA0] =	vst @!p0 v37  }
0x31b: {  	[tilespmem:s6+$0xBB0] =	vst @!p0 v37  }
0x31c: {  	[tilespmem:s6+$0xBC0] =	vst @!p0 v37  }
0x31d: {  	[tilespmem:s6+$0xBD0] =	vst @!p0 v37  }
0x31e: {  	[tilespmem:s6+$0xBE0] =	vst @!p0 v37  }
0x31f: {  	[tilespmem:s6+$0xBF0] =	vst @!p0 v37  }
0x320: {  	[tilespmem:s6+$0xF80] =	vst @!p0 v37  }
0x321: {  	[tilespmem:s6+$0xF90] =	vst @!p0 v37  }
0x322: {  	[tilespmem:s6+$0xFA0] =	vst @!p0 v37  }
0x323: {  	[tilespmem:s6+$0xFB0] =	vst @!p0 v37  }
0x324: {  	[tilespmem:s6+$0xFC0] =	vst @!p0 v37  }
0x325: {  	[tilespmem:s6+$0xFD0] =	vst @!p0 v37  }
0x326: {  	[tilespmem:s6+$0xFE0] =	vst @!p0 v37  }
0x327: {  	[tilespmem:s6+$0xFF0] =	vst @!p0 v37  }
0x328: {  	[tilespmem:s6+$0x1380] =	vst @!p0 v37  }
0x329: {  	[tilespmem:s6+$0x1390] =	vst @!p0 v37  }
0x32a: {  	[tilespmem:s6+$0x13A0] =	vst @!p0 v37  }
0x32b: {  	[tilespmem:s6+$0x13B0] =	vst @!p0 v37  }
0x32c: {  	[tilespmem:s6+$0x13C0] =	vst @!p0 v37  }
0x32d: {  	[tilespmem:s6+$0x13D0] =	vst @!p0 v37  }
0x32e: {  	[tilespmem:s6+$0x13E0] =	vst @!p0 v37  }
0x32f: {  	[tilespmem:s6+$0x13F0] =	vst @!p0 v37  }
0x330: {  	[tilespmem:s6+$0x1780] =	vst @!p0 v37  }
0x331: {  	[tilespmem:s6+$0x1790] =	vst @!p0 v37  }
0x332: {  	[tilespmem:s6+$0x17A0] =	vst @!p0 v37  }
0x333: {  	[tilespmem:s6+$0x17B0] =	vst @!p0 v37  }
0x334: {  	[tilespmem:s6+$0x17C0] =	vst @!p0 v37  }
0x335: {  	[tilespmem:s6+$0x17D0] =	vst @!p0 v37  }
0x336: {  	[tilespmem:s6+$0x17E0] =	vst @!p0 v37  }
0x337: {  	[tilespmem:s6+$0x17F0] =	vst @!p0 v37  }
0x338: {  	[tilespmem:s6+$0x1B80] =	vst @!p0 v37  }
0x339: {  	[tilespmem:s6+$0x1B90] =	vst @!p0 v37  }
0x33a: {  	[tilespmem:s6+$0x1BA0] =	vst @!p0 v37  }
0x33b: {  	[tilespmem:s6+$0x1BB0] =	vst @!p0 v37  }
0x33c: {  	[tilespmem:s6+$0x1BC0] =	vst @!p0 v37  }
0x33d: {  	[tilespmem:s6+$0x1BD0] =	vst @!p0 v37  }
0x33e: {  	[tilespmem:s6+$0x1BE0] =	vst @!p0 v37  }
0x33f: {  	[tilespmem:s6+$0x1BF0] =	vst @!p0 v37  }
0x340: {  	[tilespmem:s6+$0x1F80] =	vst @!p0 v37  }
0x341: {  	[tilespmem:s6+$0x1F90] =	vst @!p0 v37  }
0x342: {  	[tilespmem:s6+$0x1FA0] =	vst @!p0 v37  }
0x343: {  	[tilespmem:s6+$0x1FB0] =	vst @!p0 v37  }
0x344: {  	[tilespmem:s6+$0x1FC0] =	vst @!p0 v37  }
0x345: {  	[tilespmem:s6+$0x1FD0] =	vst @!p0 v37  }
0x346: {  	[tilespmem:s6+$0x1FE0] =	vst @!p0 v37  }
0x347: {  	s2 =	simm.s32 $0x1;
	[tilespmem:s6+$0x1FF0] =	vst @!p0 v37;
	s6 =	simm.s32 $0x881  }
.LBB2_12:
0x348: {  	v37 =	vld [tilespmem:s6+$0x0];
	s7 =	smov.u32 s2;
	s2 =	sadd.s32 $0x1, s2  }
0x349: {  	p0 =	sne.s32 s2, $0x20;
	_ =	sdelay $0x3  }
0x34a: {  	(v2sf) =	vpush v37, $0x0;
	_ =	sdelay $0xe  }
0x34b: {  	s8 =	spop (v2sf)  }
0x34c: {  	p1 =	sne.f32 s8, $0.0e+00;
	_ =	sdelay $0x1  }
0x34d: {  	s7 =	sshrl.u32 @!p1 s7, $0x3  }
0x34e: {  	s7 =	smul.u32 @!p1 $0x6000, s7  }
0x34f: {  	s12 =	sadd.s32 $0x80, s12  }
0x350: {  	s8 =	sand.u32 @!p1 $0x380, s12;
	s7 =	sshra.s32 @!p1 s7, $0x2  }
0x351: {  	v37 =	vimm.f32 @!p1 $0.0e+00;
	s7 =	sor.u32 @!p1 s8, s7  }
0x352: {  	[tilespmem:s7+$0xB80] =	vst @!p1 v37  }
0x353: {  	[tilespmem:s7+$0xB90] =	vst @!p1 v37  }
0x354: {  	[tilespmem:s7+$0xBA0] =	vst @!p1 v37  }
0x355: {  	[tilespmem:s7+$0xBB0] =	vst @!p1 v37  }
0x356: {  	[tilespmem:s7+$0xBC0] =	vst @!p1 v37  }
0x357: {  	[tilespmem:s7+$0xBD0] =	vst @!p1 v37  }
0x358: {  	[tilespmem:s7+$0xBE0] =	vst @!p1 v37  }
0x359: {  	[tilespmem:s7+$0xBF0] =	vst @!p1 v37  }
0x35a: {  	[tilespmem:s7+$0xF80] =	vst @!p1 v37  }
0x35b: {  	[tilespmem:s7+$0xF90] =	vst @!p1 v37  }
0x35c: {  	[tilespmem:s7+$0xFA0] =	vst @!p1 v37  }
0x35d: {  	[tilespmem:s7+$0xFB0] =	vst @!p1 v37  }
0x35e: {  	[tilespmem:s7+$0xFC0] =	vst @!p1 v37  }
0x35f: {  	[tilespmem:s7+$0xFD0] =	vst @!p1 v37  }
0x360: {  	[tilespmem:s7+$0xFE0] =	vst @!p1 v37  }
0x361: {  	[tilespmem:s7+$0xFF0] =	vst @!p1 v37  }
0x362: {  	[tilespmem:s7+$0x1380] =	vst @!p1 v37  }
0x363: {  	[tilespmem:s7+$0x1390] =	vst @!p1 v37  }
0x364: {  	[tilespmem:s7+$0x13A0] =	vst @!p1 v37  }
0x365: {  	[tilespmem:s7+$0x13B0] =	vst @!p1 v37  }
0x366: {  	[tilespmem:s7+$0x13C0] =	vst @!p1 v37  }
0x367: {  	[tilespmem:s7+$0x13D0] =	vst @!p1 v37  }
0x368: {  	[tilespmem:s7+$0x13E0] =	vst @!p1 v37  }
0x369: {  	[tilespmem:s7+$0x13F0] =	vst @!p1 v37  }
0x36a: {  	[tilespmem:s7+$0x1780] =	vst @!p1 v37  }
0x36b: {  	[tilespmem:s7+$0x1790] =	vst @!p1 v37  }
0x36c: {  	[tilespmem:s7+$0x17A0] =	vst @!p1 v37  }
0x36d: {  	[tilespmem:s7+$0x17B0] =	vst @!p1 v37  }
0x36e: {  	[tilespmem:s7+$0x17C0] =	vst @!p1 v37  }
0x36f: {  	[tilespmem:s7+$0x17D0] =	vst @!p1 v37  }
0x370: {  	[tilespmem:s7+$0x17E0] =	vst @!p1 v37  }
0x371: {  	[tilespmem:s7+$0x17F0] =	vst @!p1 v37  }
0x372: {  	[tilespmem:s7+$0x1B80] =	vst @!p1 v37  }
0x373: {  	[tilespmem:s7+$0x1B90] =	vst @!p1 v37  }
0x374: {  	[tilespmem:s7+$0x1BA0] =	vst @!p1 v37  }
0x375: {  	[tilespmem:s7+$0x1BB0] =	vst @!p1 v37  }
0x376: {  	[tilespmem:s7+$0x1BC0] =	vst @!p1 v37  }
0x377: {  	[tilespmem:s7+$0x1BD0] =	vst @!p1 v37  }
0x378: {  	[tilespmem:s7+$0x1BE0] =	vst @!p1 v37  }
0x379: {  	[tilespmem:s7+$0x1BF0] =	vst @!p1 v37  }
0x37a: {  	[tilespmem:s7+$0x1F80] =	vst @!p1 v37  }
0x37b: {  	[tilespmem:s7+$0x1F90] =	vst @!p1 v37  }
0x37c: {  	[tilespmem:s7+$0x1FA0] =	vst @!p1 v37  }
.Ltmp5:
0x37d: {  	[tilespmem:s7+$0x1FB0] =	vst @!p1 v37;
	(pc) =	sbr.rel @p0 .LBB2_12-.Ltmp5, $4  }
0x37e: {  	[tilespmem:s7+$0x1FC0] =	vst @!p1 v37  }
0x37f: {  	[tilespmem:s7+$0x1FD0] =	vst @!p1 v37  }
0x380: {  	[tilespmem:s7+$0x1FE0] =	vst @!p1 v37  }
0x381: {  	s6 =	sadd.s32 $0x1, s6;
	[tilespmem:s7+$0x1FF0] =	vst @!p1 v37  }
0x382: {  	s12 =	simm.s32 $0x0;
	v37 =	vperm.xlane v23, v1;
	s2 =	rddreg [dreg:$0x9]  }
0x383: {  	[hbm4b:s2+s12] =	stream.linear.scatter [tilespmem:s16], [sflag:$0x5], $0x6000, $0x38;
	[tilespmem:$0x18B80] =	vst v63  }
0x384: {  	_ =	swait.ge [sflag:s28], $0x6000;
	v37 =	vadd.s32 v3, v37  }
0x385: {  	[sflag:s28] =	ssyncset.done $0x0  }
0x386: {  	[sflag:s28] =	ssyncadd.s32 $0xFFFFA000  }
0x387: {  	[tilespmem:$0xB00] =	vst v20  }
0x388: {  	v38 =	vperm.xlane v23, v2;
	[tilespmem:$0xB10] =	vst v21  }
0x389: {  	[tilespmem:s0], [sflag:$0x4] =	stream.indirect_vreg.gather [hbm4b:s1+s12], $0x80, v37, vm0, $0xb8;
	[tilespmem:$0x18B80] =	vst v63  }
0x38a: {  	s8 =	simm.s32 $0x13380;
	v38 =	vadd.s32 v3, v38  }
0x38b: {  	[tilespmem:s8], [sflag:$0x4] =	stream.indirect_vreg.gather [hbm4b:s4+s12], $0x80, v37, vm0, $0xb8;
	[tilespmem:$0x18B80] =	vst v63  }
0x38c: {  	s15 =	simm.s32 $0x13B80  }
0x38d: {  	[tilespmem:s15], [sflag:$0x4] =	stream.indirect_vreg.gather [hbm4b:s5+s12], $0x80, v37, vm0, $0xb8;
	[tilespmem:$0x18B80] =	vst v63  }
0x38e: {  	s17 =	simm.s32 $0x14380  }
0x38f: {  	[tilespmem:s17], [sflag:$0x4] =	stream.indirect_vreg.gather [hbm4b:s1+s12], $0x80, v38, vm0, $0xb8;
	[tilespmem:$0x18B80] =	vst v63  }
0x390: {  	s6 =	simm.s32 $0x14B80  }
0x391: {  	[tilespmem:s6], [sflag:$0x4] =	stream.indirect_vreg.gather [hbm4b:s4+s12], $0x80, v38, vm0, $0xb8;
	[tilespmem:$0x18B80] =	vst v63  }
0x392: {  	s7 =	simm.s32 $0x15380  }
0x393: {  	[tilespmem:s7], [sflag:$0x4] =	stream.indirect_vreg.gather [hbm4b:s5+s12], $0x80, v38, vm0, $0xb8;
	[tilespmem:$0x18B80] =	vst v63  }
0x394: {  	v37 =	vld [tilespmem:$0xB10];
	_ =	sdelay $0x4  }
0x395: {  	v62 =	vshrl.u32 v37, $0x3  }
0x396: {  	v38 =	vmul.u32 $0x30, v62  }
0x397: {  	v37 =	vand.u32 $0x7, v37  }
0x398: {  	v37 =	vor.u32 v37, v38  }
0x399: {  	v38 =	vperm.xlane v37, v1;
	_ =	sdelay $0x1  }
0x39a: {  	v38 =	vadd.s32 v3, v38;
	_ =	sdelay $0x3  }
0x39b: {  	s8 =	simm.s32 $0x15B80;
	v37 =	vperm.xlane v37, v2  }
0x39c: {  	[tilespmem:s8], [sflag:$0x4] =	stream.indirect_vreg.gather [hbm4b:s1+s12], $0x80, v38, vm0, $0xb8;
	[tilespmem:$0x18B80] =	vst v63  }
0x39d: {  	v37 =	vadd.s32 v3, v37  }
0x39e: {  	[tilespmem:s18], [sflag:$0x4] =	stream.indirect_vreg.gather [hbm4b:s4+s12], $0x80, v38, vm0, $0xb8;
	[tilespmem:$0x18B80] =	vst v63  }
0x39f: {  	_ = 	snop  }
0x3a0: {  	[tilespmem:s19], [sflag:$0x4] =	stream.indirect_vreg.gather [hbm4b:s5+s12], $0x80, v38, vm0, $0xb8;
	[tilespmem:$0x18B80] =	vst v63  }
0x3a1: {  	_ = 	snop  }
0x3a2: {  	[tilespmem:s20], [sflag:$0x4] =	stream.indirect_vreg.gather [hbm4b:s1+s12], $0x80, v37, vm0, $0xb8;
	[tilespmem:$0x18B80] =	vst v63  }
0x3a3: {  	_ = 	snop  }
0x3a4: {  	[tilespmem:s21], [sflag:$0x4] =	stream.indirect_vreg.gather [hbm4b:s4+s12], $0x80, v37, vm0, $0xb8;
	[tilespmem:$0x18B80] =	vst v63  }
0x3a5: {  	_ = 	snop  }
0x3a6: {  	[tilespmem:s22], [sflag:$0x4] =	stream.indirect_vreg.gather [hbm4b:s5+s12], $0x80, v37, vm0, $0xb8;
	[tilespmem:$0x18B80] =	vst v63  }
0x3a7: {  	_ =	swait.ge [sflag:s23], $0x6000  }
0x3a8: {  	[sflag:s23] =	ssyncset.done $0x0  }
0x3a9: {  	s15 =	simm.s32 $0x8A0;
	[sflag:s23] =	ssyncadd.s32 $0xFFFFA000  }
0x3aa: {  	v63 =	vld [tilespmem:s15+$0x0];
	_ =	sdelay $0x4  }
0x3ab: {  	(v2sf) =	vpush v63, $0x0;
	_ =	sdelay $0xe  }
0x3ac: {  	s17 =	spop (v2sf)  }
0x3ad: {  	p0 =	sne.f32 s17, $0.0e+00;
	_ =	sdelay $0x1  }
0x3ae: {  	s2 =	simm.s32 @!p0 $0x0  }
0x3af: {  	s2 =	smul.u32 @!p0 $0x6000, s2;
	_ =	sdelay $0x1  }
0x3b0: {  	s6 =	sand.u32 @!p0 $0x380, s12;
	s2 =	sshra.s32 @!p0 s2, $0x2  }
0x3b1: {  	v37 =	vimm.f32 @!p0 $0.0e+00;
	s6 =	sor.u32 @!p0 s6, s2  }
0x3b2: {  	[tilespmem:s6+$0x6B80] =	vst @!p0 v37  }
0x3b3: {  	[tilespmem:s6+$0x6B90] =	vst @!p0 v37  }
0x3b4: {  	[tilespmem:s6+$0x6BA0] =	vst @!p0 v37  }
0x3b5: {  	[tilespmem:s6+$0x6BB0] =	vst @!p0 v37  }
0x3b6: {  	[tilespmem:s6+$0x6BC0] =	vst @!p0 v37  }
0x3b7: {  	[tilespmem:s6+$0x6BD0] =	vst @!p0 v37  }
0x3b8: {  	[tilespmem:s6+$0x6BE0] =	vst @!p0 v37  }
0x3b9: {  	[tilespmem:s6+$0x6BF0] =	vst @!p0 v37  }
0x3ba: {  	[tilespmem:s6+$0x6F80] =	vst @!p0 v37  }
0x3bb: {  	[tilespmem:s6+$0x6F90] =	vst @!p0 v37  }
0x3bc: {  	[tilespmem:s6+$0x6FA0] =	vst @!p0 v37  }
0x3bd: {  	[tilespmem:s6+$0x6FB0] =	vst @!p0 v37  }
0x3be: {  	[tilespmem:s6+$0x6FC0] =	vst @!p0 v37  }
0x3bf: {  	[tilespmem:s6+$0x6FD0] =	vst @!p0 v37  }
0x3c0: {  	[tilespmem:s6+$0x6FE0] =	vst @!p0 v37  }
0x3c1: {  	[tilespmem:s6+$0x6FF0] =	vst @!p0 v37  }
0x3c2: {  	[tilespmem:s6+$0x7380] =	vst @!p0 v37  }
0x3c3: {  	[tilespmem:s6+$0x7390] =	vst @!p0 v37  }
0x3c4: {  	[tilespmem:s6+$0x73A0] =	vst @!p0 v37  }
0x3c5: {  	[tilespmem:s6+$0x73B0] =	vst @!p0 v37  }
0x3c6: {  	[tilespmem:s6+$0x73C0] =	vst @!p0 v37  }
0x3c7: {  	[tilespmem:s6+$0x73D0] =	vst @!p0 v37  }
0x3c8: {  	[tilespmem:s6+$0x73E0] =	vst @!p0 v37  }
0x3c9: {  	[tilespmem:s6+$0x73F0] =	vst @!p0 v37  }
0x3ca: {  	[tilespmem:s6+$0x7780] =	vst @!p0 v37  }
0x3cb: {  	[tilespmem:s6+$0x7790] =	vst @!p0 v37  }
0x3cc: {  	[tilespmem:s6+$0x77A0] =	vst @!p0 v37  }
0x3cd: {  	[tilespmem:s6+$0x77B0] =	vst @!p0 v37  }
0x3ce: {  	[tilespmem:s6+$0x77C0] =	vst @!p0 v37  }
0x3cf: {  	[tilespmem:s6+$0x77D0] =	vst @!p0 v37  }
0x3d0: {  	[tilespmem:s6+$0x77E0] =	vst @!p0 v37  }
0x3d1: {  	[tilespmem:s6+$0x77F0] =	vst @!p0 v37  }
0x3d2: {  	[tilespmem:s6+$0x7B80] =	vst @!p0 v37  }
0x3d3: {  	[tilespmem:s6+$0x7B90] =	vst @!p0 v37  }
0x3d4: {  	[tilespmem:s6+$0x7BA0] =	vst @!p0 v37  }
0x3d5: {  	[tilespmem:s6+$0x7BB0] =	vst @!p0 v37  }
0x3d6: {  	[tilespmem:s6+$0x7BC0] =	vst @!p0 v37  }
0x3d7: {  	[tilespmem:s6+$0x7BD0] =	vst @!p0 v37  }
0x3d8: {  	[tilespmem:s6+$0x7BE0] =	vst @!p0 v37  }
0x3d9: {  	[tilespmem:s6+$0x7BF0] =	vst @!p0 v37  }
0x3da: {  	[tilespmem:s6+$0x7F80] =	vst @!p0 v37  }
0x3db: {  	[tilespmem:s6+$0x7F90] =	vst @!p0 v37  }
0x3dc: {  	[tilespmem:s6+$0x7FA0] =	vst @!p0 v37  }
0x3dd: {  	[tilespmem:s6+$0x7FB0] =	vst @!p0 v37  }
0x3de: {  	[tilespmem:s6+$0x7FC0] =	vst @!p0 v37  }
0x3df: {  	[tilespmem:s6+$0x7FD0] =	vst @!p0 v37  }
0x3e0: {  	[tilespmem:s6+$0x7FE0] =	vst @!p0 v37  }
0x3e1: {  	s2 =	simm.s32 $0x1;
	[tilespmem:s6+$0x7FF0] =	vst @!p0 v37;
	s6 =	simm.s32 $0x8A1  }
.LBB2_14:
0x3e2: {  	v37 =	vld [tilespmem:s6+$0x0];
	s7 =	smov.u32 s2;
	s2 =	sadd.s32 $0x1, s2  }
0x3e3: {  	p0 =	sne.s32 s2, $0x20;
	_ =	sdelay $0x3  }
0x3e4: {  	(v2sf) =	vpush v37, $0x0;
	_ =	sdelay $0xe  }
0x3e5: {  	s8 =	spop (v2sf)  }
0x3e6: {  	p1 =	sne.f32 s8, $0.0e+00;
	_ =	sdelay $0x1  }
0x3e7: {  	s7 =	sshrl.u32 @!p1 s7, $0x3  }
0x3e8: {  	s7 =	smul.u32 @!p1 $0x6000, s7  }
0x3e9: {  	s12 =	sadd.s32 $0x80, s12  }
0x3ea: {  	s8 =	sand.u32 @!p1 $0x380, s12;
	s7 =	sshra.s32 @!p1 s7, $0x2  }
0x3eb: {  	v37 =	vimm.f32 @!p1 $0.0e+00;
	s7 =	sor.u32 @!p1 s8, s7  }
0x3ec: {  	[tilespmem:s7+$0x6B80] =	vst @!p1 v37  }
0x3ed: {  	[tilespmem:s7+$0x6B90] =	vst @!p1 v37  }
0x3ee: {  	[tilespmem:s7+$0x6BA0] =	vst @!p1 v37  }
0x3ef: {  	[tilespmem:s7+$0x6BB0] =	vst @!p1 v37  }
0x3f0: {  	[tilespmem:s7+$0x6BC0] =	vst @!p1 v37  }
0x3f1: {  	[tilespmem:s7+$0x6BD0] =	vst @!p1 v37  }
0x3f2: {  	[tilespmem:s7+$0x6BE0] =	vst @!p1 v37  }
0x3f3: {  	[tilespmem:s7+$0x6BF0] =	vst @!p1 v37  }
0x3f4: {  	[tilespmem:s7+$0x6F80] =	vst @!p1 v37  }
0x3f5: {  	[tilespmem:s7+$0x6F90] =	vst @!p1 v37  }
0x3f6: {  	[tilespmem:s7+$0x6FA0] =	vst @!p1 v37  }
0x3f7: {  	[tilespmem:s7+$0x6FB0] =	vst @!p1 v37  }
0x3f8: {  	[tilespmem:s7+$0x6FC0] =	vst @!p1 v37  }
0x3f9: {  	[tilespmem:s7+$0x6FD0] =	vst @!p1 v37  }
0x3fa: {  	[tilespmem:s7+$0x6FE0] =	vst @!p1 v37  }
0x3fb: {  	[tilespmem:s7+$0x6FF0] =	vst @!p1 v37  }
0x3fc: {  	[tilespmem:s7+$0x7380] =	vst @!p1 v37  }
0x3fd: {  	[tilespmem:s7+$0x7390] =	vst @!p1 v37  }
0x3fe: {  	[tilespmem:s7+$0x73A0] =	vst @!p1 v37  }
0x3ff: {  	[tilespmem:s7+$0x73B0] =	vst @!p1 v37  }
0x400: {  	[tilespmem:s7+$0x73C0] =	vst @!p1 v37  }
0x401: {  	[tilespmem:s7+$0x73D0] =	vst @!p1 v37  }
0x402: {  	[tilespmem:s7+$0x73E0] =	vst @!p1 v37  }
0x403: {  	[tilespmem:s7+$0x73F0] =	vst @!p1 v37  }
0x404: {  	[tilespmem:s7+$0x7780] =	vst @!p1 v37  }
0x405: {  	[tilespmem:s7+$0x7790] =	vst @!p1 v37  }
0x406: {  	[tilespmem:s7+$0x77A0] =	vst @!p1 v37  }
0x407: {  	[tilespmem:s7+$0x77B0] =	vst @!p1 v37  }
0x408: {  	[tilespmem:s7+$0x77C0] =	vst @!p1 v37  }
0x409: {  	[tilespmem:s7+$0x77D0] =	vst @!p1 v37  }
0x40a: {  	[tilespmem:s7+$0x77E0] =	vst @!p1 v37  }
0x40b: {  	[tilespmem:s7+$0x77F0] =	vst @!p1 v37  }
0x40c: {  	[tilespmem:s7+$0x7B80] =	vst @!p1 v37  }
0x40d: {  	[tilespmem:s7+$0x7B90] =	vst @!p1 v37  }
0x40e: {  	[tilespmem:s7+$0x7BA0] =	vst @!p1 v37  }
0x40f: {  	[tilespmem:s7+$0x7BB0] =	vst @!p1 v37  }
0x410: {  	[tilespmem:s7+$0x7BC0] =	vst @!p1 v37  }
0x411: {  	[tilespmem:s7+$0x7BD0] =	vst @!p1 v37  }
0x412: {  	[tilespmem:s7+$0x7BE0] =	vst @!p1 v37  }
0x413: {  	[tilespmem:s7+$0x7BF0] =	vst @!p1 v37  }
0x414: {  	[tilespmem:s7+$0x7F80] =	vst @!p1 v37  }
0x415: {  	[tilespmem:s7+$0x7F90] =	vst @!p1 v37  }
0x416: {  	[tilespmem:s7+$0x7FA0] =	vst @!p1 v37  }
.Ltmp6:
0x417: {  	[tilespmem:s7+$0x7FB0] =	vst @!p1 v37;
	(pc) =	sbr.rel @p0 .LBB2_14-.Ltmp6, $4  }
0x418: {  	[tilespmem:s7+$0x7FC0] =	vst @!p1 v37  }
0x419: {  	[tilespmem:s7+$0x7FD0] =	vst @!p1 v37  }
0x41a: {  	[tilespmem:s7+$0x7FE0] =	vst @!p1 v37  }
0x41b: {  	s6 =	sadd.s32 $0x1, s6;
	[tilespmem:s7+$0x7FF0] =	vst @!p1 v37  }
0x41c: {  	s12 =	simm.s32 $0x0;
	s2 =	rddreg [dreg:$0xa]  }
0x41d: {  	[hbm4b:s2+s12] =	stream.linear.scatter [tilespmem:s29], [sflag:$0x6], $0x6000, $0x38;
	[tilespmem:$0x18B80] =	vst v63  }
0x41e: {  	_ =	swait.ge [sflag:s24], $0x6000  }
0x41f: {  	[sflag:s24] =	ssyncset.done $0x0  }
0x420: {  	s15 =	simm.s32 $0x8C0;
	[sflag:s24] =	ssyncadd.s32 $0xFFFFA000  }
0x421: {  	v37 =	vld [tilespmem:s15+$0x0];
	_ =	sdelay $0x4  }
0x422: {  	(v2sf) =	vpush v37, $0x0;
	_ =	sdelay $0xe  }
0x423: {  	s17 =	spop (v2sf)  }
0x424: {  	p0 =	sne.f32 s17, $0.0e+00;
	_ =	sdelay $0x1  }
0x425: {  	s2 =	simm.s32 @!p0 $0x0  }
0x426: {  	s2 =	smul.u32 @!p0 $0x6000, s2;
	_ =	sdelay $0x1  }
0x427: {  	s6 =	sand.u32 @!p0 $0x380, s12;
	s2 =	sshra.s32 @!p0 s2, $0x2  }
0x428: {  	v37 =	vimm.f32 @!p0 $0.0e+00;
	s6 =	sor.u32 @!p0 s6, s2  }
0x429: {  	[tilespmem:s6+$0xCB80] =	vst @!p0 v37  }
0x42a: {  	[tilespmem:s6+$0xCB90] =	vst @!p0 v37  }
0x42b: {  	[tilespmem:s6+$0xCBA0] =	vst @!p0 v37  }
0x42c: {  	[tilespmem:s6+$0xCBB0] =	vst @!p0 v37  }
0x42d: {  	[tilespmem:s6+$0xCBC0] =	vst @!p0 v37  }
0x42e: {  	[tilespmem:s6+$0xCBD0] =	vst @!p0 v37  }
0x42f: {  	[tilespmem:s6+$0xCBE0] =	vst @!p0 v37  }
0x430: {  	[tilespmem:s6+$0xCBF0] =	vst @!p0 v37  }
0x431: {  	[tilespmem:s6+$0xCF80] =	vst @!p0 v37  }
0x432: {  	[tilespmem:s6+$0xCF90] =	vst @!p0 v37  }
0x433: {  	[tilespmem:s6+$0xCFA0] =	vst @!p0 v37  }
0x434: {  	[tilespmem:s6+$0xCFB0] =	vst @!p0 v37  }
0x435: {  	[tilespmem:s6+$0xCFC0] =	vst @!p0 v37  }
0x436: {  	[tilespmem:s6+$0xCFD0] =	vst @!p0 v37  }
0x437: {  	[tilespmem:s6+$0xCFE0] =	vst @!p0 v37  }
0x438: {  	[tilespmem:s6+$0xCFF0] =	vst @!p0 v37  }
0x439: {  	[tilespmem:s6+$0xD380] =	vst @!p0 v37  }
0x43a: {  	[tilespmem:s6+$0xD390] =	vst @!p0 v37  }
0x43b: {  	[tilespmem:s6+$0xD3A0] =	vst @!p0 v37  }
0x43c: {  	[tilespmem:s6+$0xD3B0] =	vst @!p0 v37  }
0x43d: {  	[tilespmem:s6+$0xD3C0] =	vst @!p0 v37  }
0x43e: {  	[tilespmem:s6+$0xD3D0] =	vst @!p0 v37  }
0x43f: {  	[tilespmem:s6+$0xD3E0] =	vst @!p0 v37  }
0x440: {  	[tilespmem:s6+$0xD3F0] =	vst @!p0 v37  }
0x441: {  	[tilespmem:s6+$0xD780] =	vst @!p0 v37  }
0x442: {  	[tilespmem:s6+$0xD790] =	vst @!p0 v37  }
0x443: {  	[tilespmem:s6+$0xD7A0] =	vst @!p0 v37  }
0x444: {  	[tilespmem:s6+$0xD7B0] =	vst @!p0 v37  }
0x445: {  	[tilespmem:s6+$0xD7C0] =	vst @!p0 v37  }
0x446: {  	[tilespmem:s6+$0xD7D0] =	vst @!p0 v37  }
0x447: {  	[tilespmem:s6+$0xD7E0] =	vst @!p0 v37  }
0x448: {  	[tilespmem:s6+$0xD7F0] =	vst @!p0 v37  }
0x449: {  	[tilespmem:s6+$0xDB80] =	vst @!p0 v37  }
0x44a: {  	[tilespmem:s6+$0xDB90] =	vst @!p0 v37  }
0x44b: {  	[tilespmem:s6+$0xDBA0] =	vst @!p0 v37  }
0x44c: {  	[tilespmem:s6+$0xDBB0] =	vst @!p0 v37  }
0x44d: {  	[tilespmem:s6+$0xDBC0] =	vst @!p0 v37  }
0x44e: {  	[tilespmem:s6+$0xDBD0] =	vst @!p0 v37  }
0x44f: {  	[tilespmem:s6+$0xDBE0] =	vst @!p0 v37  }
0x450: {  	[tilespmem:s6+$0xDBF0] =	vst @!p0 v37  }
0x451: {  	[tilespmem:s6+$0xDF80] =	vst @!p0 v37  }
0x452: {  	[tilespmem:s6+$0xDF90] =	vst @!p0 v37  }
0x453: {  	[tilespmem:s6+$0xDFA0] =	vst @!p0 v37  }
0x454: {  	[tilespmem:s6+$0xDFB0] =	vst @!p0 v37  }
0x455: {  	[tilespmem:s6+$0xDFC0] =	vst @!p0 v37  }
0x456: {  	[tilespmem:s6+$0xDFD0] =	vst @!p0 v37  }
0x457: {  	[tilespmem:s6+$0xDFE0] =	vst @!p0 v37  }
0x458: {  	s2 =	simm.s32 $0x1;
	[tilespmem:s6+$0xDFF0] =	vst @!p0 v37;
	s6 =	simm.s32 $0x8C1  }
.LBB2_16:
0x459: {  	v37 =	vld [tilespmem:s6+$0x0];
	s7 =	smov.u32 s2;
	s2 =	sadd.s32 $0x1, s2  }
0x45a: {  	p0 =	sne.s32 s2, $0x20;
	_ =	sdelay $0x3  }
0x45b: {  	(v2sf) =	vpush v37, $0x0;
	_ =	sdelay $0xe  }
0x45c: {  	s8 =	spop (v2sf)  }
0x45d: {  	p1 =	sne.f32 s8, $0.0e+00;
	_ =	sdelay $0x1  }
0x45e: {  	s7 =	sshrl.u32 @!p1 s7, $0x3  }
0x45f: {  	s7 =	smul.u32 @!p1 $0x6000, s7  }
0x460: {  	s12 =	sadd.s32 $0x80, s12  }
0x461: {  	s8 =	sand.u32 @!p1 $0x380, s12;
	s7 =	sshra.s32 @!p1 s7, $0x2  }
0x462: {  	v37 =	vimm.f32 @!p1 $0.0e+00;
	s7 =	sor.u32 @!p1 s8, s7  }
0x463: {  	[tilespmem:s7+$0xCB80] =	vst @!p1 v37  }
0x464: {  	[tilespmem:s7+$0xCB90] =	vst @!p1 v37  }
0x465: {  	[tilespmem:s7+$0xCBA0] =	vst @!p1 v37  }
0x466: {  	[tilespmem:s7+$0xCBB0] =	vst @!p1 v37  }
0x467: {  	[tilespmem:s7+$0xCBC0] =	vst @!p1 v37  }
0x468: {  	[tilespmem:s7+$0xCBD0] =	vst @!p1 v37  }
0x469: {  	[tilespmem:s7+$0xCBE0] =	vst @!p1 v37  }
0x46a: {  	[tilespmem:s7+$0xCBF0] =	vst @!p1 v37  }
0x46b: {  	[tilespmem:s7+$0xCF80] =	vst @!p1 v37  }
0x46c: {  	[tilespmem:s7+$0xCF90] =	vst @!p1 v37  }
0x46d: {  	[tilespmem:s7+$0xCFA0] =	vst @!p1 v37  }
0x46e: {  	[tilespmem:s7+$0xCFB0] =	vst @!p1 v37  }
0x46f: {  	[tilespmem:s7+$0xCFC0] =	vst @!p1 v37  }
0x470: {  	[tilespmem:s7+$0xCFD0] =	vst @!p1 v37  }
0x471: {  	[tilespmem:s7+$0xCFE0] =	vst @!p1 v37  }
0x472: {  	[tilespmem:s7+$0xCFF0] =	vst @!p1 v37  }
0x473: {  	[tilespmem:s7+$0xD380] =	vst @!p1 v37  }
0x474: {  	[tilespmem:s7+$0xD390] =	vst @!p1 v37  }
0x475: {  	[tilespmem:s7+$0xD3A0] =	vst @!p1 v37  }
0x476: {  	[tilespmem:s7+$0xD3B0] =	vst @!p1 v37  }
0x477: {  	[tilespmem:s7+$0xD3C0] =	vst @!p1 v37  }
0x478: {  	[tilespmem:s7+$0xD3D0] =	vst @!p1 v37  }
0x479: {  	[tilespmem:s7+$0xD3E0] =	vst @!p1 v37  }
0x47a: {  	[tilespmem:s7+$0xD3F0] =	vst @!p1 v37  }
0x47b: {  	[tilespmem:s7+$0xD780] =	vst @!p1 v37  }
0x47c: {  	[tilespmem:s7+$0xD790] =	vst @!p1 v37  }
0x47d: {  	[tilespmem:s7+$0xD7A0] =	vst @!p1 v37  }
0x47e: {  	[tilespmem:s7+$0xD7B0] =	vst @!p1 v37  }
0x47f: {  	[tilespmem:s7+$0xD7C0] =	vst @!p1 v37  }
0x480: {  	[tilespmem:s7+$0xD7D0] =	vst @!p1 v37  }
0x481: {  	[tilespmem:s7+$0xD7E0] =	vst @!p1 v37  }
0x482: {  	[tilespmem:s7+$0xD7F0] =	vst @!p1 v37  }
0x483: {  	[tilespmem:s7+$0xDB80] =	vst @!p1 v37  }
0x484: {  	[tilespmem:s7+$0xDB90] =	vst @!p1 v37  }
0x485: {  	[tilespmem:s7+$0xDBA0] =	vst @!p1 v37  }
0x486: {  	[tilespmem:s7+$0xDBB0] =	vst @!p1 v37  }
0x487: {  	[tilespmem:s7+$0xDBC0] =	vst @!p1 v37  }
0x488: {  	[tilespmem:s7+$0xDBD0] =	vst @!p1 v37  }
0x489: {  	[tilespmem:s7+$0xDBE0] =	vst @!p1 v37  }
0x48a: {  	[tilespmem:s7+$0xDBF0] =	vst @!p1 v37  }
0x48b: {  	[tilespmem:s7+$0xDF80] =	vst @!p1 v37  }
0x48c: {  	[tilespmem:s7+$0xDF90] =	vst @!p1 v37  }
0x48d: {  	[tilespmem:s7+$0xDFA0] =	vst @!p1 v37  }
.Ltmp7:
0x48e: {  	[tilespmem:s7+$0xDFB0] =	vst @!p1 v37;
	(pc) =	sbr.rel @p0 .LBB2_16-.Ltmp7, $4  }
0x48f: {  	[tilespmem:s7+$0xDFC0] =	vst @!p1 v37  }
0x490: {  	[tilespmem:s7+$0xDFD0] =	vst @!p1 v37  }
0x491: {  	[tilespmem:s7+$0xDFE0] =	vst @!p1 v37  }
0x492: {  	s6 =	sadd.s32 $0x1, s6;
	[tilespmem:s7+$0xDFF0] =	vst @!p1 v37  }
0x493: {  	s12 =	simm.s32 $0x0;
	s2 =	rddreg [dreg:$0xb]  }
0x494: {  	[hbm4b:s2+s12] =	stream.linear.scatter [tilespmem:s9], [sflag:$0x7], $0x6000, $0x38;
	[tilespmem:$0x18B80] =	vst v63  }
0x495: {  	_ =	swait.ge [sflag:s26], $0x6000  }
0x496: {  	[sflag:s26] =	ssyncset.done $0x0  }
0x497: {  	s6 =	simm.s32 $0x8E0;
	[sflag:s26] =	ssyncadd.s32 $0xFFFFA000  }
0x498: {  	s7 =	simm.s32 $0x1;
	s15 =	simm.s32 $0x0;
	s2 =	simm.s32 $0x0;
	v37 =	vld [tilespmem:s6+$0x0]  }
.LBB2_18:
0x499: {  	_ =	sdelay $0x1  }
0x49a: {  	s12 =	sadd.s32 $0x80, s12  }
0x49b: {  	s6 =	sadd.s32 $0x1, s6;
	s8 =	smov.u32 s7;
	s7 =	sadd.s32 $0x1, s7  }
0x49c: {  	p0 =	sne.s32 s7, $0x20;
	(v2sf) =	vpush v37, $0x0;
	_ =	sdelay $0xe  }
0x49d: {  	s17 =	spop (v2sf)  }
0x49e: {  	p1 =	sne.f32 s17, $0.0e+00;
	_ =	sdelay $0x1  }
0x49f: {  	s17 =	sshrl.u32 @!p1 s2, $0x3;
	s2 =	smov.u32 s8  }
0x4a0: {  	s8 =	smul.u32 @!p1 $0x6000, s17;
	_ =	sdelay $0x1  }
0x4a1: {  	s17 =	sand.u32 @!p1 $0x380, s15;
	s15 =	smov.u32 s12;
	s8 =	sshra.s32 @!p1 s8, $0x2  }
0x4a2: {  	v37 =	vimm.f32 @!p1 $0.0e+00;
	s17 =	sor.u32 @!p1 s17, s8  }
0x4a3: {  	s8 =	sadd.s32 @!p1 $0x12B80, s17;
	[tilespmem:s17+$0x12B80] =	vst @!p1 v37  }
0x4a4: {  	[tilespmem:s8+$0x470] =	vst @!p1 v37  }
0x4a5: {  	[tilespmem:s8+$0x460] =	vst @!p1 v37  }
0x4a6: {  	[tilespmem:s8+$0x450] =	vst @!p1 v37  }
0x4a7: {  	[tilespmem:s8+$0x440] =	vst @!p1 v37  }
0x4a8: {  	[tilespmem:s8+$0x430] =	vst @!p1 v37  }
0x4a9: {  	[tilespmem:s8+$0x420] =	vst @!p1 v37  }
0x4aa: {  	[tilespmem:s8+$0x410] =	vst @!p1 v37  }
0x4ab: {  	[tilespmem:s8+$0x400] =	vst @!p1 v37  }
0x4ac: {  	[tilespmem:s8+$0x70] =	vst @!p1 v37  }
0x4ad: {  	[tilespmem:s8+$0x60] =	vst @!p1 v37  }
0x4ae: {  	[tilespmem:s8+$0x50] =	vst @!p1 v37  }
0x4af: {  	[tilespmem:s8+$0x40] =	vst @!p1 v37  }
0x4b0: {  	[tilespmem:s8+$0x30] =	vst @!p1 v37  }
0x4b1: {  	[tilespmem:s8+$0x10] =	vst @!p1 v37  }
0x4b2: {  	[tilespmem:s8+$0x20] =	vst @!p1 v37  }
0x4b3: {  	s8 =	sadd.s32 @!p1 $0x13380, s17;
	[tilespmem:s17+$0x13380] =	vst @!p1 v37  }
0x4b4: {  	[tilespmem:s8+$0x10] =	vst @!p1 v37  }
0x4b5: {  	[tilespmem:s8+$0x20] =	vst @!p1 v37  }
0x4b6: {  	[tilespmem:s8+$0x40] =	vst @!p1 v37  }
0x4b7: {  	[tilespmem:s8+$0x50] =	vst @!p1 v37  }
0x4b8: {  	[tilespmem:s8+$0x60] =	vst @!p1 v37  }
0x4b9: {  	[tilespmem:s8+$0x70] =	vst @!p1 v37  }
0x4ba: {  	[tilespmem:s8+$0x30] =	vst @!p1 v37;
	s8 =	sadd.s32 @!p1 $0x13780, s17  }
0x4bb: {  	[tilespmem:s8+$0x70] =	vst @!p1 v37  }
0x4bc: {  	[tilespmem:s17+$0x13780] =	vst @!p1 v37  }
0x4bd: {  	[tilespmem:s8+$0x20] =	vst @!p1 v37  }
0x4be: {  	[tilespmem:s8+$0x40] =	vst @!p1 v37  }
0x4bf: {  	[tilespmem:s8+$0x50] =	vst @!p1 v37  }
0x4c0: {  	[tilespmem:s8+$0x10] =	vst @!p1 v37  }
0x4c1: {  	[tilespmem:s8+$0x60] =	vst @!p1 v37  }
0x4c2: {  	[tilespmem:s8+$0x30] =	vst @!p1 v37  }
0x4c3: {  	s8 =	sadd.s32 @!p1 $0x13B80, s17;
	[tilespmem:s17+$0x13B80] =	vst @!p1 v37  }
0x4c4: {  	[tilespmem:s8+$0x10] =	vst @!p1 v37  }
0x4c5: {  	[tilespmem:s8+$0x20] =	vst @!p1 v37  }
0x4c6: {  	[tilespmem:s8+$0x40] =	vst @!p1 v37  }
0x4c7: {  	[tilespmem:s8+$0x50] =	vst @!p1 v37  }
0x4c8: {  	[tilespmem:s8+$0x60] =	vst @!p1 v37  }
0x4c9: {  	[tilespmem:s8+$0x70] =	vst @!p1 v37;
	_ =	sdelay $0x1  }
0x4ca: {  	[tilespmem:s8+$0x30] =	vst @!p1 v37;
	s8 =	sadd.s32 @!p1 $0x13F80, s17  }
0x4cb: {  	[tilespmem:s8+$0x70] =	vst @!p1 v37  }
0x4cc: {  	[tilespmem:s8+$0x60] =	vst @!p1 v37  }
0x4cd: {  	[tilespmem:s8+$0x40] =	vst @!p1 v37  }
0x4ce: {  	[tilespmem:s17+$0x13F80] =	vst @!p1 v37  }
.Ltmp8:
0x4cf: {  	[tilespmem:s8+$0x50] =	vst @!p1 v37;
	(pc) =	sbr.rel @p0 .LBB2_18-.Ltmp8, $4  }
0x4d0: {  	[tilespmem:s8+$0x10] =	vst @!p1 v37  }
0x4d1: {  	[tilespmem:s8+$0x20] =	vst @!p1 v37  }
0x4d2: {  	[tilespmem:s8+$0x30] =	vst @!p1 v37  }
0x4d3: {  	v37 =	vld [tilespmem:s6+$0x0]  }
0x4d4: {  	_ =	sdelay $0x3  }
0x4d5: {  	(v2sf) =	vpush v37, $0x0;
	_ =	sdelay $0xe  }
0x4d6: {  	s6 =	spop (v2sf)  }
0x4d7: {  	p0 =	sne.f32 s6, $0.0e+00;
	_ =	sdelay $0x1  }
0x4d8: {  	s2 =	sshrl.u32 @!p0 s2, $0x3  }
0x4d9: {  	s2 =	smul.u32 @!p0 $0x6000, s2;
	_ =	sdelay $0x1  }
0x4da: {  	s6 =	sand.u32 @!p0 $0x380, s15;
	s2 =	sshra.s32 @!p0 s2, $0x2  }
0x4db: {  	v37 =	vimm.f32 @!p0 $0.0e+00;
	s2 =	sor.u32 @!p0 s6, s2  }
0x4dc: {  	s6 =	sadd.s32 @!p0 $0x12B80, s2;
	[tilespmem:s2+$0x12B80] =	vst @!p0 v37  }
0x4dd: {  	[tilespmem:s6+$0x470] =	vst @!p0 v37  }
0x4de: {  	[tilespmem:s6+$0x460] =	vst @!p0 v37  }
0x4df: {  	[tilespmem:s6+$0x450] =	vst @!p0 v37  }
0x4e0: {  	[tilespmem:s6+$0x440] =	vst @!p0 v37  }
0x4e1: {  	[tilespmem:s6+$0x430] =	vst @!p0 v37  }
0x4e2: {  	[tilespmem:s6+$0x420] =	vst @!p0 v37  }
0x4e3: {  	[tilespmem:s6+$0x410] =	vst @!p0 v37  }
0x4e4: {  	[tilespmem:s6+$0x400] =	vst @!p0 v37  }
0x4e5: {  	[tilespmem:s6+$0x70] =	vst @!p0 v37  }
0x4e6: {  	[tilespmem:s6+$0x60] =	vst @!p0 v37  }
0x4e7: {  	[tilespmem:s6+$0x50] =	vst @!p0 v37  }
0x4e8: {  	[tilespmem:s6+$0x40] =	vst @!p0 v37  }
0x4e9: {  	[tilespmem:s6+$0x30] =	vst @!p0 v37  }
0x4ea: {  	[tilespmem:s6+$0x10] =	vst @!p0 v37  }
0x4eb: {  	[tilespmem:s6+$0x20] =	vst @!p0 v37  }
0x4ec: {  	s6 =	sadd.s32 @!p0 $0x13380, s2;
	[tilespmem:s2+$0x13380] =	vst @!p0 v37  }
0x4ed: {  	[tilespmem:s6+$0x40] =	vst @!p0 v37  }
0x4ee: {  	[tilespmem:s6+$0x50] =	vst @!p0 v37  }
0x4ef: {  	[tilespmem:s6+$0x60] =	vst @!p0 v37  }
0x4f0: {  	[tilespmem:s6+$0x70] =	vst @!p0 v37  }
0x4f1: {  	[tilespmem:s6+$0x10] =	vst @!p0 v37  }
0x4f2: {  	[tilespmem:s6+$0x20] =	vst @!p0 v37  }
0x4f3: {  	[tilespmem:s6+$0x30] =	vst @!p0 v37;
	s6 =	sadd.s32 @!p0 $0x13780, s2  }
0x4f4: {  	[tilespmem:s6+$0x70] =	vst @!p0 v37  }
0x4f5: {  	[tilespmem:s2+$0x13780] =	vst @!p0 v37  }
0x4f6: {  	[tilespmem:s6+$0x40] =	vst @!p0 v37  }
0x4f7: {  	[tilespmem:s6+$0x50] =	vst @!p0 v37  }
0x4f8: {  	[tilespmem:s6+$0x60] =	vst @!p0 v37  }
0x4f9: {  	[tilespmem:s6+$0x20] =	vst @!p0 v37  }
0x4fa: {  	[tilespmem:s6+$0x10] =	vst @!p0 v37  }
0x4fb: {  	[tilespmem:s6+$0x30] =	vst @!p0 v37  }
0x4fc: {  	s6 =	sadd.s32 @!p0 $0x13B80, s2;
	[tilespmem:s2+$0x13B80] =	vst @!p0 v37  }
0x4fd: {  	[tilespmem:s6+$0x40] =	vst @!p0 v37  }
0x4fe: {  	[tilespmem:s6+$0x50] =	vst @!p0 v37  }
0x4ff: {  	[tilespmem:s6+$0x60] =	vst @!p0 v37  }
0x500: {  	[tilespmem:s6+$0x70] =	vst @!p0 v37  }
0x501: {  	[tilespmem:s6+$0x10] =	vst @!p0 v37  }
0x502: {  	[tilespmem:s6+$0x20] =	vst @!p0 v37  }
0x503: {  	[tilespmem:s6+$0x30] =	vst @!p0 v37;
	s6 =	sadd.s32 @!p0 $0x13F80, s2  }
0x504: {  	[tilespmem:s6+$0x70] =	vst @!p0 v37  }
0x505: {  	[tilespmem:s6+$0x60] =	vst @!p0 v37  }
0x506: {  	[tilespmem:s6+$0x40] =	vst @!p0 v37  }
0x507: {  	[tilespmem:s2+$0x13F80] =	vst @!p0 v37  }
0x508: {  	[tilespmem:s6+$0x50] =	vst @!p0 v37  }
0x509: {  	[tilespmem:s6+$0x10] =	vst @!p0 v37  }
0x50a: {  	[tilespmem:s6+$0x20] =	vst @!p0 v37  }
0x50b: {  	s15 =	rddreg [dreg:$0xc];
	[tilespmem:s6+$0x30] =	vst @!p0 v37  }
0x50c: {  	[hbm4b:s15+s3] =	stream.linear.scatter [tilespmem:s0], [sflag:$0x8], $0x6000, $0x38;
	[tilespmem:$0x18B80] =	vst v63  }
0x50d: {  	_ =	swait.ge [sflag:s10], $0x6000  }
0x50e: {  	[sflag:s10] =	ssyncset.done $0x0  }
0x50f: {  	[sflag:s10] =	ssyncadd.s32 $0xFFFFA000  }
0x510: {  	_ =	swait.ge [sflag:s25], $0x6000  }
0x511: {  	[sflag:s25] =	ssyncset.done $0x0  }
0x512: {  	[sflag:s25] =	ssyncadd.s32 $0xFFFFA000  }
0x513: {  	_ =	swait.ge [sflag:s11], $0x6000  }
0x514: {  	[sflag:s11] =	ssyncset.done $0x0  }
0x515: {  	[sflag:s11] =	ssyncadd.s32 $0xFFFFA000  }
0x516: {  	_ =	swait.ge [sflag:s28], $0x6000  }
0x517: {  	s30 =	sadd.s32 $0x1, s30;
	s17 =	rddreg [dreg:$0xd]  }
0x518: {  	p0 =	sne.s32 s30, s17  }
.Ltmp9:
0x519: {  	_ = 	snop;
	(pc) =	sbr.rel @p0 .LBB2_1-.Ltmp9, $3  }
0x51a: {  	_ =	sdelay $0x1  }
0x51b: {  	[sflag:s28] =	ssyncset.done $0x0  }
0x51c: {  	s8 =	simm.s32 $0x1380;
	[sflag:s28] =	ssyncadd.s32 $0xFFFFA000;
	s17 =	simm.s32 $0x1B80  }
0x51d: {  	_ =	sfence.sel $0x180000  }
0x51e: {  	[bflag:$0x0] =	sbarrier.arrive $0xFFFF  }
0x51f: {  	_ =	strace $0x90000047  }
0x520: {  	s0 =	stileid.u32;
	[bflag:$0x2] =	sbarrier.arrive $0xFFFF  }
0x521: {  	p0 =	sne.s32 s0, $0x0;
	s0 =	rddreg [dreg:$0x3]  }
0x522: {  	s0 =	sadd.s32 @!p0 $0x100000, s0  }
0x523: {  	[sflag:s0] =	ssyncadd.tile.s32 @!p0 $0x1;
	_ =	shalt  }
.Lfunc_end2:
_tile_overlayer_lowered:
.L_overlay_start_2:
0x524: {  	(tag) =	ssettag $0x2  }
0x525: {  	s0 =	rddreg [dreg:$0x0];
	s2 =	stileid.u32  }
0x526: {  	s1 =	rddreg [dreg:$0x1];
	p0 =	sne.s32 s2, $0x0  }
0x527: {  	s3 =	rddreg [dreg:$0x2];
	[bflag:$0x3] =	sbarrier.arrive $0xFFFF;
	s2 =	simm.s32 @!p0 $0x1C09  }
0x528: {  	[timem:s3], [sflag:s2] =	dma.local @!p0 [hbm:s0], s1  }
0x529: {  	s0 =	simm.s32 @!p0 $0x9  }
0x52a: {  	_ =	swait.ge @!p0 [sflag:s0], s1  }
0x52b: {  	s1 =	ssub.s32 @!p0 $0x0, s1;
	[sflag:s0] =	ssyncset.done @!p0 $0x0  }
0x52c: {  	[sflag:s0] =	ssyncadd.s32 @!p0 s1  }
0x52d: {  	[bflag:$0x3] =	sbarrier.arrive $0xFFFF  }
0x52e: {  	_ =	shalt  }

</sc_bundles>
